<compile_context>
chip_gen: v7x
topology: tpu7x:2x2x1
jax: 0.10.2.dev20260603
libtpu: 0.0.44.dev20260713+nightly
codegen_flags: <defaults>
</compile_context>

<pallas_src>
import functools
import math

import jax
import jax.numpy as jnp
from jax import lax
from jax.experimental import pallas as pl
from jax.experimental.pallas import tpu as pltpu
from jax.experimental.pallas import tpu_sc as plsc

N = 10000
D = 128
DH = D // 2
E = 320000

NC = 2
NS = 16
NW = NC * NS
LANES = 128
ROWS_TOTAL = E // LANES
ROWS_PER_W = ROWS_TOTAL // NW
REM_ROW0 = NW * ROWS_PER_W
K = 3
CHUNKS = ROWS_PER_W // K
NPAIR = CHUNKS // 2
N_PAD = 10240
STRIPE = N_PAD // NS


def _sc_segment_sum(src2d, dst2d, x2d):
    mesh = plsc.VectorSubcoreMesh(core_axis_name="c", subcore_axis_name="s")

    @functools.partial(
        pl.kernel,
        out_type=[
            jax.ShapeDtypeStruct((NC, N_PAD, DH), jnp.float32),
            jax.ShapeDtypeStruct((NC, N_PAD, DH), jnp.float32),
            jax.ShapeDtypeStruct((NC, N_PAD, 16), jnp.float32),
        ],
        mesh=mesh,
        scratch_types=[
            pltpu.VMEM((K * LANES,), jnp.int32),
            pltpu.VMEM((K, LANES), jnp.int32),
            pltpu.VMEM((K * LANES,), jnp.int32),
            pltpu.VMEM((K, LANES), jnp.int32),
            pltpu.VMEM((K * LANES, DH), jnp.float32),
            pltpu.VMEM((K * LANES, DH), jnp.float32),
            pltpu.VMEM((LANES, 16), jnp.float32),
            pltpu.VMEM((STRIPE // 4, 16), jnp.float32),
            pltpu.VMEM((STRIPE // 4, DH), jnp.float32),
            pltpu.VMEM_SHARED((N_PAD, DH), jnp.float32),
            pltpu.VMEM_SHARED((N_PAD, 16), jnp.float32),
            pltpu.SemaphoreType.DMA,
            pltpu.SemaphoreType.DMA,
        ],
        compiler_params=pltpu.CompilerParams(use_tc_tiling_on_sc=False),
    )
    def body(src_hbm, dst_hbm, x_hbm, agg0_out, agg1_out, cnt_out,
             gixA, dstA, gixB, dstB, rowsA, rowsB,
             ones_v, zc_v, za_v, agg_sh, cnt_sh, sem_g, sem_s):
        cid = lax.axis_index("c")
        sid = lax.axis_index("s")
        wid = sid * NC + cid

        zero16 = jnp.zeros((16,), jnp.float32)
        one16 = jnp.ones((16,), jnp.float32)

        def init_zc(i, _):
            zc_v[i, pl.ds(0, 16)] = zero16
            for c in range(DH // 16):
                za_v[i, pl.ds(c * 16, 16)] = zero16
            return 0

        def init_ones(i, _):
            ones_v[i, pl.ds(0, 16)] = one16
            return 0

        lax.fori_loop(0, LANES, init_ones, 0)

        def load_idx(row0, gix_v, dst_v, p):
            pltpu.sync_copy(src_hbm.at[pl.ds(row0 * LANES, K * LANES)], gix_v)
            pltpu.sync_copy(dst_hbm.at[pl.ds(row0, K)], dst_v)
            for c in range(K * LANES // 16):
                s16 = gix_v[pl.ds(c * 16, 16)]
                gix_v[pl.ds(c * 16, 16)] = s16 * 2 + p

        def fire_gather(gix_v, rows_v):
            return pltpu.async_copy(x_hbm.at[gix_v], rows_v, sem_g)

        def fire_scatters(rows_v, dst_v, p):
            out = []
            for b in range(K):
                out.append(
                    pltpu.async_copy(rows_v.at[pl.ds(b * LANES, LANES)],
                                     agg_sh.at[dst_v.at[b]], sem_s, add=True))
                if p == 0:
                    out.append(
                        pltpu.async_copy(ones_v, cnt_sh.at[dst_v.at[b]],
                                         sem_s, add=True))
            return out

        def wait_all(descs):
            for d_ in descs:
                d_.wait()

        for p, agg_out in enumerate((agg0_out, agg1_out)):
            base = wid * ROWS_PER_W

            load_idx(base, gixA, dstA, p)
            g0 = fire_gather(gixA, rowsA)

            if p == 0:
                lax.fori_loop(0, STRIPE // 4, init_zc, 0)
                lax.fori_loop(0, LANES, init_ones, 0)

            for z in range(4):
                zoff = sid * STRIPE + z * (STRIPE // 4)
                pltpu.sync_copy(za_v, agg_sh.at[pl.ds(zoff, STRIPE // 4)])
                if p == 0:
                    pltpu.sync_copy(zc_v, cnt_sh.at[pl.ds(zoff, STRIPE // 4)])
            plsc.subcore_barrier()
            g0.wait()

            def pair(q, _):
                rowA = base + (2 * q) * K
                rowB = rowA + K
                sA = fire_scatters(rowsA, dstA, p)
                load_idx(rowB, gixB, dstB, p)
                gB = fire_gather(gixB, rowsB)
                wait_all(sA)
                gB.wait()
                sB = fire_scatters(rowsB, dstB, p)

                @pl.when(q + 1 < NPAIR)
                def _():
                    load_idx(rowB + K, gixA, dstA, p)
                    fire_gather(gixA, rowsA).wait()

                wait_all(sB)
                return 0

            lax.fori_loop(0, NPAIR, pair, 0)

            @pl.when(wid < 4)
            def _():
                row0 = REM_ROW0 + wid
                pltpu.sync_copy(src_hbm.at[pl.ds(row0 * LANES, LANES)],
                                gixB.at[pl.ds(0, LANES)])
                pltpu.sync_copy(dst_hbm.at[pl.ds(row0, 1)],
                                dstB.at[pl.ds(0, 1)])
                for c in range(LANES // 16):
                    s16 = gixB[pl.ds(c * 16, 16)]
                    gixB[pl.ds(c * 16, 16)] = s16 * 2 + p
                g = pltpu.async_copy(x_hbm.at[gixB.at[pl.ds(0, LANES)]],
                                     rowsB.at[pl.ds(0, LANES)], sem_g)
                g.wait()
                s = [pltpu.async_copy(rowsB.at[pl.ds(0, LANES)],
                                      agg_sh.at[dstB.at[0]], sem_s, add=True)]
                if p == 0:
                    s.append(pltpu.async_copy(ones_v, cnt_sh.at[dstB.at[0]],
                                              sem_s, add=True))
                wait_all(s)

            plsc.subcore_barrier()
            wb = [pltpu.async_copy(agg_sh.at[pl.ds(sid * STRIPE, STRIPE)],
                                   agg_out.at[cid, pl.ds(sid * STRIPE, STRIPE)],
                                   sem_g)]
            if p == 0:
                wb.append(
                    pltpu.async_copy(cnt_sh.at[pl.ds(sid * STRIPE, STRIPE)],
                                     cnt_out.at[cid, pl.ds(sid * STRIPE, STRIPE)],
                                     sem_g))
            wait_all(wb)

    return body(src2d, dst2d, x2d)


BLK = 2000
GRID = N // BLK


def _tc_dense(x, agg0, agg1, cnt2, W_l, b_l, W_r, ln_gamma, ln_beta):
    inv_sqrt2 = 1.0 / math.sqrt(2.0)

    def body(x_ref, a0_ref, a1_ref, c_ref, wl_ref, bl_ref, wr_ref, g_ref,
             be_ref, o_ref):
        inv = 1.0 / jnp.maximum(c_ref[0, :, :1] + c_ref[1, :, :1], 1.0)
        m_lo = (a0_ref[0] + a0_ref[1]) * inv
        m_hi = (a1_ref[0] + a1_ref[1]) * inv
        x_b = x_ref[...]
        h = (jnp.dot(m_lo, wl_ref[:DH, :], preferred_element_type=jnp.float32)
             + jnp.dot(m_hi, wl_ref[DH:, :], preferred_element_type=jnp.float32)
             + jnp.dot(x_b, wr_ref[...], preferred_element_type=jnp.float32)
             + bl_ref[...])
        mu = jnp.mean(h, axis=-1, keepdims=True)
        d = h - mu
        var = jnp.mean(d * d, axis=-1, keepdims=True)
        hn = d * lax.rsqrt(var + 1e-5) * g_ref[...] + be_ref[...]
        act = hn * 0.5 * (1.0 + lax.erf(hn * inv_sqrt2))
        o_ref[...] = act + x_b

    return pl.pallas_call(
        body,
        grid=(GRID,),
        in_specs=[
            pl.BlockSpec((BLK, D), lambda i: (i, 0)),
            pl.BlockSpec((NC, BLK, DH), lambda i: (0, i, 0)),
            pl.BlockSpec((NC, BLK, DH), lambda i: (0, i, 0)),
            pl.BlockSpec((NC, BLK, 16), lambda i: (0, i, 0)),
            pl.BlockSpec((D, D), lambda i: (0, 0)),
            pl.BlockSpec((1, D), lambda i: (0, 0)),
            pl.BlockSpec((D, D), lambda i: (0, 0)),
            pl.BlockSpec((1, D), lambda i: (0, 0)),
            pl.BlockSpec((1, D), lambda i: (0, 0)),
        ],
        out_specs=pl.BlockSpec((BLK, D), lambda i: (i, 0)),
        out_shape=jax.ShapeDtypeStruct((N, D), jnp.float32),
    )(x, agg0, agg1, cnt2, W_l, b_l.reshape(1, D), W_r,
      ln_gamma.reshape(1, D), ln_beta.reshape(1, D))


def kernel(x, edge_index, W_l, b_l, W_r, ln_gamma, ln_beta):
    src2d = edge_index[0]
    dst2d = edge_index[1].reshape(ROWS_TOTAL, LANES)
    x2d = x.reshape(2 * N, DH)
    agg0, agg1, cnt2 = _sc_segment_sum(src2d, dst2d, x2d)
    return _tc_dense(x, agg0, agg1, cnt2, W_l, b_l, W_r, ln_gamma, ln_beta)

# --- scband reference (transcript-rebuilt; emitter-appended) ---
"""Pipeline reference for scband-residual-sageblock-2697239461992 (READ-ONLY COPY).

The authoritative reference and input builder live on the scoring server;
editing this copy changes nothing except your own understanding.
"""

import jax, jax.numpy as jnp
import numpy as np

N = 10000
E = 320000
D = 128


def setup_inputs(seed: int = 0) -> dict:
    key = jax.random.key(seed)
    k1, k2, k3, k4 = jax.random.split(key, 4)
    x = jax.random.normal(k1, (N, D), dtype=jnp.float32)
    edge_index = jax.random.randint(k2, (2, E), 0, N, dtype=jnp.int32)
    # SAGEConv params: lin_l (applied to aggregated neighbors, with bias), lin_r (applied to self, no bias)
    W_l = jax.random.normal(k3, (D, D), dtype=jnp.float32) * 0.05
    b_l = jnp.zeros((D,), dtype=jnp.float32)
    W_r = jax.random.normal(k4, (D, D), dtype=jnp.float32) * 0.05
    ln_gamma = jnp.ones((D,), dtype=jnp.float32)
    ln_beta = jnp.zeros((D,), dtype=jnp.float32)
    return {"x": x, "edge_index": edge_index, "W_l": W_l, "b_l": b_l, "W_r": W_r, "ln_gamma": ln_gamma, "ln_beta": ln_beta}


def reference(x, edge_index, W_l, b_l, W_r, ln_gamma, ln_beta):
    src = edge_index[0]
    dst = edge_index[1]
    # SAGEConv with mean aggregation: gather messages from src, scatter-mean to dst
    msgs = x[src]  # gather [E, D]
    agg = jax.ops.segment_sum(msgs, dst, num_segments=N)
    cnt = jax.ops.segment_sum(jnp.ones((E,), dtype=jnp.float32), dst, num_segments=N)
    mean_agg = agg / jnp.clip(cnt, 1.0)[:, None]
    h = mean_agg @ W_l + b_l + x @ W_r
    # LayerNorm (eps=1e-5, torch default)
    mu = jnp.mean(h, axis=-1, keepdims=True)
    var = jnp.var(h, axis=-1, keepdims=True)
    h = (h - mu) / jnp.sqrt(var + 1e-5) * ln_gamma + ln_beta
    # GELU (exact erf, torch default)
    h = jax.nn.gelu(h, approximate=False)
    # dropout p=0.0 / eval mode: identity; proj is Identity since in_dim == out_dim
    return h + x

if __name__ == "__main__":
    import jax
    _d = setup_inputs()
    print(jax.jit(kernel)(*tuple(_d.values())))

</pallas_src>

<mosaic_0001>
#map = affine_map<(d0, d1) -> (0)>
#map1 = affine_map<(d0, d1) -> (0, 0)>
#map2 = affine_map<(d0, d1) -> (0, 0, 0)>
module attributes {stable_mosaic.version = 14 : i64} {
  func.func @body(%arg0: i32, %arg1: i32, %arg2: memref<320000xi32, #tpu.memory_space<hbm>>, %arg3: memref<2500x128xi32, #tpu.memory_space<hbm>>, %arg4: memref<20000x64xf32, #tpu.memory_space<hbm>>, %arg5: memref<2x10240x64xf32, #tpu.memory_space<hbm>>, %arg6: memref<2x10240x64xf32, #tpu.memory_space<hbm>>, %arg7: memref<2x10240x16xf32, #tpu.memory_space<hbm>>, %arg8: memref<384xi32, #tpu.memory_space<vmem>>, %arg9: memref<3x128xi32, #tpu.memory_space<vmem>>, %arg10: memref<384xi32, #tpu.memory_space<vmem>>, %arg11: memref<3x128xi32, #tpu.memory_space<vmem>>, %arg12: memref<384x64xf32, #tpu.memory_space<vmem>>, %arg13: memref<384x64xf32, #tpu.memory_space<vmem>>, %arg14: memref<128x16xf32, #tpu.memory_space<vmem>>, %arg15: memref<160x16xf32, #tpu.memory_space<vmem>>, %arg16: memref<160x64xf32, #tpu.memory_space<vmem>>, %arg17: memref<10240x64xf32, #tpu.memory_space<vmem_shared>>, %arg18: memref<10240x16xf32, #tpu.memory_space<vmem_shared>>, %arg19: memref<!tpu.dma_semaphore, #tpu.memory_space<semaphore_mem>>, %arg20: memref<!tpu.dma_semaphore, #tpu.memory_space<semaphore_mem>>) attributes {dimension_semantics = [#tpu.dimension_semantics<core_parallel>, #tpu.dimension_semantics<subcore_parallel>], iteration_bounds = array<i64: 2, 16>, scalar_prefetch = 0 : i64, scratch_operands = 13 : i64, tpu.core_type = #tpu.core_type<sc_vector_subcore>, window_params = [{transform_indices = #map}, {transform_indices = #map1}, {transform_indices = #map1}, {transform_indices = #map2}, {transform_indices = #map2}, {transform_indices = #map2}]} {
    %mul3A = arith.constant 2 : i32
    %mul3A_0 = arith.muli %arg1, %mul3A : i32
    %add3A = arith.addi %mul3A_0, %arg0 : i32
    %broadcast_in_dim3A = arith.constant 0.000000e+00 : f32
    %broadcast_in_dim3A_1 = vector.broadcast %broadcast_in_dim3A : f32 to vector<16xf32>
    %broadcast_in_dim3A_2 = arith.constant 1.000000e+00 : f32
    %broadcast_in_dim3A_3 = vector.broadcast %broadcast_in_dim3A_2 : f32 to vector<16xf32>
    %scan3A = arith.constant 0 : i32
    %scan3A_4 = arith.constant 0 : i32
    %scan3A_5 = arith.constant 128 : i32
    %scan3A_6 = arith.addi %scan3A_4, %scan3A_5 : i32
    %scan3A_7 = arith.constant 1 : i32
    %scan3A_8 = scf.for %scan3A_762 = %scan3A_4 to %scan3A_6 step %scan3A_7 iter_args(%scan3A_763 = %scan3A) -> (i32)  : i32 {
      %swap3A_764 = arith.index_cast %scan3A_762 : i32 to index
      %swap3A_765 = arith.constant 0 : index
      %swap3A_766 = tpu.vector_load %arg14[%swap3A_764, %swap3A_765] {strides = array<i32>} : memref<128x16xf32, #tpu.memory_space<vmem>>, vector<1x16xf32>,
      %swap3A_767 = vector.shape_cast %swap3A_766 : vector<1x16xf32> to vector<16xf32>
      %swap3A_768 = vector.shape_cast %broadcast_in_dim3A_3 : vector<16xf32> to vector<1x16xf32>
      tpu.vector_store %arg14[%swap3A_764, %swap3A_765], %swap3A_768 {strides = array<i32>} : memref<128x16xf32, #tpu.memory_space<vmem>>, vector<1x16xf32>,
      %scan3A_769 = arith.constant 0 : i32
      scf.yield %scan3A_769 : i32
    }
    %scan3A_9 = arith.constant 128 : i32
    %mul3A_10 = arith.constant 78 : i32
    %mul3A_11 = arith.muli %add3A, %mul3A_10 : i32
    %mul3A_12 = arith.constant 128 : i32
    %mul3A_13 = arith.muli %mul3A_11, %mul3A_12 : i32
    "tpu.region"() ({
      %run_scoped3A = tpu.sem_alloc : memref<!tpu.dma_semaphore, #tpu.memory_space<semaphore_mem>>
      %dma_start3A_762 = tpu.memref_slice %arg2[%mul3A_13] : memref<320000xi32, #tpu.memory_space<hbm>> -> memref<384xi32, #tpu.memory_space<hbm>>
      %dma_start3A_763 = tpu.memref_slice %arg2[%mul3A_13] : memref<320000xi32, #tpu.memory_space<hbm>> -> memref<384xi32, #tpu.memory_space<hbm>>
      tpu.enqueue_dma source(%dma_start3A_763 : memref<384xi32, #tpu.memory_space<hbm>>) target(%arg8 : memref<384xi32, #tpu.memory_space<vmem>>) target_semaphore(%run_scoped3A : memref<!tpu.dma_semaphore, #tpu.memory_space<semaphore_mem>>)
      %dma_wait3A_764 = tpu.memref_slice %arg2[%mul3A_13] : memref<320000xi32, #tpu.memory_space<hbm>> -> memref<384xi32, #tpu.memory_space<hbm>>
      %dma_wait3A_765 = tpu.memref_slice %arg2[%mul3A_13] : memref<320000xi32, #tpu.memory_space<hbm>> -> memref<384xi32, #tpu.memory_space<hbm>>
      tpu.wait_dma2 semaphore(%run_scoped3A : memref<!tpu.dma_semaphore, #tpu.memory_space<semaphore_mem>>) src(%dma_wait3A_765 : memref<384xi32, #tpu.memory_space<hbm>>) dst(%arg8 : memref<384xi32, #tpu.memory_space<vmem>>)
      tpu.yield
    }) : () -> ()
    "tpu.region"() ({
      %run_scoped3A = tpu.sem_alloc : memref<!tpu.dma_semaphore, #tpu.memory_space<semaphore_mem>>
      %dma_start3A_762 = arith.constant 0 : i32
      %dma_start3A_763 = tpu.memref_slice %arg3[%mul3A_11, %dma_start3A_762] : memref<2500x128xi32, #tpu.memory_space<hbm>> -> memref<3x128xi32, #tpu.memory_space<hbm>>
      %dma_start3A_764 = arith.constant 0 : i32
      %dma_start3A_765 = tpu.memref_slice %arg3[%mul3A_11, %dma_start3A_764] : memref<2500x128xi32, #tpu.memory_space<hbm>> -> memref<3x128xi32, #tpu.memory_space<hbm>>
      tpu.enqueue_dma source(%dma_start3A_765 : memref<3x128xi32, #tpu.memory_space<hbm>>) target(%arg9 : memref<3x128xi32, #tpu.memory_space<vmem>>) target_semaphore(%run_scoped3A : memref<!tpu.dma_semaphore, #tpu.memory_space<semaphore_mem>>)
      %dma_wait3A_766 = arith.constant 0 : i32
      %dma_wait3A_767 = tpu.memref_slice %arg3[%mul3A_11, %dma_wait3A_766] : memref<2500x128xi32, #tpu.memory_space<hbm>> -> memref<3x128xi32, #tpu.memory_space<hbm>>
      %dma_wait3A_768 = arith.constant 0 : i32
      %dma_wait3A_769 = tpu.memref_slice %arg3[%mul3A_11, %dma_wait3A_768] : memref<2500x128xi32, #tpu.memory_space<hbm>> -> memref<3x128xi32, #tpu.memory_space<hbm>>
      tpu.wait_dma2 semaphore(%run_scoped3A : memref<!tpu.dma_semaphore, #tpu.memory_space<semaphore_mem>>) src(%dma_wait3A_769 : memref<3x128xi32, #tpu.memory_space<hbm>>) dst(%arg9 : memref<3x128xi32, #tpu.memory_space<vmem>>)
      tpu.yield
    }) : () -> ()
    %get3A = arith.constant 0 : index
    %get3A_14 = tpu.vector_load %arg8[%get3A] {strides = array<i32>} : memref<384xi32, #tpu.memory_space<vmem>>, vector<16xi32>,
    %get3A_15 = vector.shape_cast %get3A_14 : vector<16xi32> to vector<16xi32>
    %mul3A_16 = arith.constant 2 : i32
    %mul3A_17 = vector.broadcast %mul3A_16 : i32 to vector<16xi32>
    %mul3A_18 = arith.muli %get3A_15, %mul3A_17 : vector<16xi32>
    %add3A_19 = arith.constant 0 : i32
    %add3A_20 = vector.broadcast %add3A_19 : i32 to vector<16xi32>
    %add3A_21 = arith.addi %mul3A_18, %add3A_20 : vector<16xi32>
    %swap3A = arith.constant 0 : index
    %swap3A_22 = tpu.vector_load %arg8[%swap3A] {strides = array<i32>} : memref<384xi32, #tpu.memory_space<vmem>>, vector<16xi32>,
    %swap3A_23 = vector.shape_cast %swap3A_22 : vector<16xi32> to vector<16xi32>
    %swap3A_24 = vector.shape_cast %add3A_21 : vector<16xi32> to vector<16xi32>
    tpu.vector_store %arg8[%swap3A], %swap3A_24 {strides = array<i32>} : memref<384xi32, #tpu.memory_space<vmem>>, vector<16xi32>,
    %get3A_25 = arith.constant 16 : index
    %get3A_26 = tpu.vector_load %arg8[%get3A_25] {strides = array<i32>} : memref<384xi32, #tpu.memory_space<vmem>>, vector<16xi32>,
    %get3A_27 = vector.shape_cast %get3A_26 : vector<16xi32> to vector<16xi32>
    %mul3A_28 = arith.constant 2 : i32
    %mul3A_29 = vector.broadcast %mul3A_28 : i32 to vector<16xi32>
    %mul3A_30 = arith.muli %get3A_27, %mul3A_29 : vector<16xi32>
    %add3A_31 = arith.constant 0 : i32
    %add3A_32 = vector.broadcast %add3A_31 : i32 to vector<16xi32>
    %add3A_33 = arith.addi %mul3A_30, %add3A_32 : vector<16xi32>
    %swap3A_34 = arith.constant 16 : index
    %swap3A_35 = tpu.vector_load %arg8[%swap3A_34] {strides = array<i32>} : memref<384xi32, #tpu.memory_space<vmem>>, vector<16xi32>,
    %swap3A_36 = vector.shape_cast %swap3A_35 : vector<16xi32> to vector<16xi32>
    %swap3A_37 = vector.shape_cast %add3A_33 : vector<16xi32> to vector<16xi32>
    tpu.vector_store %arg8[%swap3A_34], %swap3A_37 {strides = array<i32>} : memref<384xi32, #tpu.memory_space<vmem>>, vector<16xi32>,
    %get3A_38 = arith.constant 32 : index
    %get3A_39 = tpu.vector_load %arg8[%get3A_38] {strides = array<i32>} : memref<384xi32, #tpu.memory_space<vmem>>, vector<16xi32>,
    %get3A_40 = vector.shape_cast %get3A_39 : vector<16xi32> to vector<16xi32>
    %mul3A_41 = arith.constant 2 : i32
    %mul3A_42 = vector.broadcast %mul3A_41 : i32 to vector<16xi32>
    %mul3A_43 = arith.muli %get3A_40, %mul3A_42 : vector<16xi32>
    %add3A_44 = arith.constant 0 : i32
    %add3A_45 = vector.broadcast %add3A_44 : i32 to vector<16xi32>
    %add3A_46 = arith.addi %mul3A_43, %add3A_45 : vector<16xi32>
    %swap3A_47 = arith.constant 32 : index
    %swap3A_48 = tpu.vector_load %arg8[%swap3A_47] {strides = array<i32>} : memref<384xi32, #tpu.memory_space<vmem>>, vector<16xi32>,
    %swap3A_49 = vector.shape_cast %swap3A_48 : vector<16xi32> to vector<16xi32>
    %swap3A_50 = vector.shape_cast %add3A_46 : vector<16xi32> to vector<16xi32>
    tpu.vector_store %arg8[%swap3A_47], %swap3A_50 {strides = array<i32>} : memref<384xi32, #tpu.memory_space<vmem>>, vector<16xi32>,
    %get3A_51 = arith.constant 48 : index
    %get3A_52 = tpu.vector_load %arg8[%get3A_51] {strides = array<i32>} : memref<384xi32, #tpu.memory_space<vmem>>, vector<16xi32>,
    %get3A_53 = vector.shape_cast %get3A_52 : vector<16xi32> to vector<16xi32>
    %mul3A_54 = arith.constant 2 : i32
    %mul3A_55 = vector.broadcast %mul3A_54 : i32 to vector<16xi32>
    %mul3A_56 = arith.muli %get3A_53, %mul3A_55 : vector<16xi32>
    %add3A_57 = arith.constant 0 : i32
    %add3A_58 = vector.broadcast %add3A_57 : i32 to vector<16xi32>
    %add3A_59 = arith.addi %mul3A_56, %add3A_58 : vector<16xi32>
    %swap3A_60 = arith.constant 48 : index
    %swap3A_61 = tpu.vector_load %arg8[%swap3A_60] {strides = array<i32>} : memref<384xi32, #tpu.memory_space<vmem>>, vector<16xi32>,
    %swap3A_62 = vector.shape_cast %swap3A_61 : vector<16xi32> to vector<16xi32>
    %swap3A_63 = vector.shape_cast %add3A_59 : vector<16xi32> to vector<16xi32>
    tpu.vector_store %arg8[%swap3A_60], %swap3A_63 {strides = array<i32>} : memref<384xi32, #tpu.memory_space<vmem>>, vector<16xi32>,
    %get3A_64 = arith.constant 64 : index
    %get3A_65 = tpu.vector_load %arg8[%get3A_64] {strides = array<i32>} : memref<384xi32, #tpu.memory_space<vmem>>, vector<16xi32>,
    %get3A_66 = vector.shape_cast %get3A_65 : vector<16xi32> to vector<16xi32>
    %mul3A_67 = arith.constant 2 : i32
    %mul3A_68 = vector.broadcast %mul3A_67 : i32 to vector<16xi32>
    %mul3A_69 = arith.muli %get3A_66, %mul3A_68 : vector<16xi32>
    %add3A_70 = arith.constant 0 : i32
    %add3A_71 = vector.broadcast %add3A_70 : i32 to vector<16xi32>
    %add3A_72 = arith.addi %mul3A_69, %add3A_71 : vector<16xi32>
    %swap3A_73 = arith.constant 64 : index
    %swap3A_74 = tpu.vector_load %arg8[%swap3A_73] {strides = array<i32>} : memref<384xi32, #tpu.memory_space<vmem>>, vector<16xi32>,
    %swap3A_75 = vector.shape_cast %swap3A_74 : vector<16xi32> to vector<16xi32>
    %swap3A_76 = vector.shape_cast %add3A_72 : vector<16xi32> to vector<16xi32>
    tpu.vector_store %arg8[%swap3A_73], %swap3A_76 {strides = array<i32>} : memref<384xi32, #tpu.memory_space<vmem>>, vector<16xi32>,
    %get3A_77 = arith.constant 80 : index
    %get3A_78 = tpu.vector_load %arg8[%get3A_77] {strides = array<i32>} : memref<384xi32, #tpu.memory_space<vmem>>, vector<16xi32>,
    %get3A_79 = vector.shape_cast %get3A_78 : vector<16xi32> to vector<16xi32>
    %mul3A_80 = arith.constant 2 : i32
    %mul3A_81 = vector.broadcast %mul3A_80 : i32 to vector<16xi32>
    %mul3A_82 = arith.muli %get3A_79, %mul3A_81 : vector<16xi32>
    %add3A_83 = arith.constant 0 : i32
    %add3A_84 = vector.broadcast %add3A_83 : i32 to vector<16xi32>
    %add3A_85 = arith.addi %mul3A_82, %add3A_84 : vector<16xi32>
    %swap3A_86 = arith.constant 80 : index
    %swap3A_87 = tpu.vector_load %arg8[%swap3A_86] {strides = array<i32>} : memref<384xi32, #tpu.memory_space<vmem>>, vector<16xi32>,
    %swap3A_88 = vector.shape_cast %swap3A_87 : vector<16xi32> to vector<16xi32>
    %swap3A_89 = vector.shape_cast %add3A_85 : vector<16xi32> to vector<16xi32>
    tpu.vector_store %arg8[%swap3A_86], %swap3A_89 {strides = array<i32>} : memref<384xi32, #tpu.memory_space<vmem>>, vector<16xi32>,
    %get3A_90 = arith.constant 96 : index
    %get3A_91 = tpu.vector_load %arg8[%get3A_90] {strides = array<i32>} : memref<384xi32, #tpu.memory_space<vmem>>, vector<16xi32>,
    %get3A_92 = vector.shape_cast %get3A_91 : vector<16xi32> to vector<16xi32>
    %mul3A_93 = arith.constant 2 : i32
    %mul3A_94 = vector.broadcast %mul3A_93 : i32 to vector<16xi32>
    %mul3A_95 = arith.muli %get3A_92, %mul3A_94 : vector<16xi32>
    %add3A_96 = arith.constant 0 : i32
    %add3A_97 = vector.broadcast %add3A_96 : i32 to vector<16xi32>
    %add3A_98 = arith.addi %mul3A_95, %add3A_97 : vector<16xi32>
    %swap3A_99 = arith.constant 96 : index
    %swap3A_100 = tpu.vector_load %arg8[%swap3A_99] {strides = array<i32>} : memref<384xi32, #tpu.memory_space<vmem>>, vector<16xi32>,
    %swap3A_101 = vector.shape_cast %swap3A_100 : vector<16xi32> to vector<16xi32>
    %swap3A_102 = vector.shape_cast %add3A_98 : vector<16xi32> to vector<16xi32>
    tpu.vector_store %arg8[%swap3A_99], %swap3A_102 {strides = array<i32>} : memref<384xi32, #tpu.memory_space<vmem>>, vector<16xi32>,
    %get3A_103 = arith.constant 112 : index
    %get3A_104 = tpu.vector_load %arg8[%get3A_103] {strides = array<i32>} : memref<384xi32, #tpu.memory_space<vmem>>, vector<16xi32>,
    %get3A_105 = vector.shape_cast %get3A_104 : vector<16xi32> to vector<16xi32>
    %mul3A_106 = arith.constant 2 : i32
    %mul3A_107 = vector.broadcast %mul3A_106 : i32 to vector<16xi32>
    %mul3A_108 = arith.muli %get3A_105, %mul3A_107 : vector<16xi32>
    %add3A_109 = arith.constant 0 : i32
    %add3A_110 = vector.broadcast %add3A_109 : i32 to vector<16xi32>
    %add3A_111 = arith.addi %mul3A_108, %add3A_110 : vector<16xi32>
    %swap3A_112 = arith.constant 112 : index
    %swap3A_113 = tpu.vector_load %arg8[%swap3A_112] {strides = array<i32>} : memref<384xi32, #tpu.memory_space<vmem>>, vector<16xi32>,
    %swap3A_114 = vector.shape_cast %swap3A_113 : vector<16xi32> to vector<16xi32>
    %swap3A_115 = vector.shape_cast %add3A_111 : vector<16xi32> to vector<16xi32>
    tpu.vector_store %arg8[%swap3A_112], %swap3A_115 {strides = array<i32>} : memref<384xi32, #tpu.memory_space<vmem>>, vector<16xi32>,
    %get3A_116 = arith.constant 128 : index
    %get3A_117 = tpu.vector_load %arg8[%get3A_116] {strides = array<i32>} : memref<384xi32, #tpu.memory_space<vmem>>, vector<16xi32>,
    %get3A_118 = vector.shape_cast %get3A_117 : vector<16xi32> to vector<16xi32>
    %mul3A_119 = arith.constant 2 : i32
    %mul3A_120 = vector.broadcast %mul3A_119 : i32 to vector<16xi32>
    %mul3A_121 = arith.muli %get3A_118, %mul3A_120 : vector<16xi32>
    %add3A_122 = arith.constant 0 : i32
    %add3A_123 = vector.broadcast %add3A_122 : i32 to vector<16xi32>
    %add3A_124 = arith.addi %mul3A_121, %add3A_123 : vector<16xi32>
    %swap3A_125 = arith.constant 128 : index
    %swap3A_126 = tpu.vector_load %arg8[%swap3A_125] {strides = array<i32>} : memref<384xi32, #tpu.memory_space<vmem>>, vector<16xi32>,
    %swap3A_127 = vector.shape_cast %swap3A_126 : vector<16xi32> to vector<16xi32>
    %swap3A_128 = vector.shape_cast %add3A_124 : vector<16xi32> to vector<16xi32>
    tpu.vector_store %arg8[%swap3A_125], %swap3A_128 {strides = array<i32>} : memref<384xi32, #tpu.memory_space<vmem>>, vector<16xi32>,
    %get3A_129 = arith.constant 144 : index
    %get3A_130 = tpu.vector_load %arg8[%get3A_129] {strides = array<i32>} : memref<384xi32, #tpu.memory_space<vmem>>, vector<16xi32>,
    %get3A_131 = vector.shape_cast %get3A_130 : vector<16xi32> to vector<16xi32>
    %mul3A_132 = arith.constant 2 : i32
    %mul3A_133 = vector.broadcast %mul3A_132 : i32 to vector<16xi32>
    %mul3A_134 = arith.muli %get3A_131, %mul3A_133 : vector<16xi32>
    %add3A_135 = arith.constant 0 : i32
    %add3A_136 = vector.broadcast %add3A_135 : i32 to vector<16xi32>
    %add3A_137 = arith.addi %mul3A_134, %add3A_136 : vector<16xi32>
    %swap3A_138 = arith.constant 144 : index
    %swap3A_139 = tpu.vector_load %arg8[%swap3A_138] {strides = array<i32>} : memref<384xi32, #tpu.memory_space<vmem>>, vector<16xi32>,
    %swap3A_140 = vector.shape_cast %swap3A_139 : vector<16xi32> to vector<16xi32>
    %swap3A_141 = vector.shape_cast %add3A_137 : vector<16xi32> to vector<16xi32>
    tpu.vector_store %arg8[%swap3A_138], %swap3A_141 {strides = array<i32>} : memref<384xi32, #tpu.memory_space<vmem>>, vector<16xi32>,
    %get3A_142 = arith.constant 160 : index
    %get3A_143 = tpu.vector_load %arg8[%get3A_142] {strides = array<i32>} : memref<384xi32, #tpu.memory_space<vmem>>, vector<16xi32>,
    %get3A_144 = vector.shape_cast %get3A_143 : vector<16xi32> to vector<16xi32>
    %mul3A_145 = arith.constant 2 : i32
    %mul3A_146 = vector.broadcast %mul3A_145 : i32 to vector<16xi32>
    %mul3A_147 = arith.muli %get3A_144, %mul3A_146 : vector<16xi32>
    %add3A_148 = arith.constant 0 : i32
    %add3A_149 = vector.broadcast %add3A_148 : i32 to vector<16xi32>
    %add3A_150 = arith.addi %mul3A_147, %add3A_149 : vector<16xi32>
    %swap3A_151 = arith.constant 160 : index
    %swap3A_152 = tpu.vector_load %arg8[%swap3A_151] {strides = array<i32>} : memref<384xi32, #tpu.memory_space<vmem>>, vector<16xi32>,
    %swap3A_153 = vector.shape_cast %swap3A_152 : vector<16xi32> to vector<16xi32>
    %swap3A_154 = vector.shape_cast %add3A_150 : vector<16xi32> to vector<16xi32>
    tpu.vector_store %arg8[%swap3A_151], %swap3A_154 {strides = array<i32>} : memref<384xi32, #tpu.memory_space<vmem>>, vector<16xi32>,
    %get3A_155 = arith.constant 176 : index
    %get3A_156 = tpu.vector_load %arg8[%get3A_155] {strides = array<i32>} : memref<384xi32, #tpu.memory_space<vmem>>, vector<16xi32>,
    %get3A_157 = vector.shape_cast %get3A_156 : vector<16xi32> to vector<16xi32>
    %mul3A_158 = arith.constant 2 : i32
    %mul3A_159 = vector.broadcast %mul3A_158 : i32 to vector<16xi32>
    %mul3A_160 = arith.muli %get3A_157, %mul3A_159 : vector<16xi32>
    %add3A_161 = arith.constant 0 : i32
    %add3A_162 = vector.broadcast %add3A_161 : i32 to vector<16xi32>
    %add3A_163 = arith.addi %mul3A_160, %add3A_162 : vector<16xi32>
    %swap3A_164 = arith.constant 176 : index
    %swap3A_165 = tpu.vector_load %arg8[%swap3A_164] {strides = array<i32>} : memref<384xi32, #tpu.memory_space<vmem>>, vector<16xi32>,
    %swap3A_166 = vector.shape_cast %swap3A_165 : vector<16xi32> to vector<16xi32>
    %swap3A_167 = vector.shape_cast %add3A_163 : vector<16xi32> to vector<16xi32>
    tpu.vector_store %arg8[%swap3A_164], %swap3A_167 {strides = array<i32>} : memref<384xi32, #tpu.memory_space<vmem>>, vector<16xi32>,
    %get3A_168 = arith.constant 192 : index
    %get3A_169 = tpu.vector_load %arg8[%get3A_168] {strides = array<i32>} : memref<384xi32, #tpu.memory_space<vmem>>, vector<16xi32>,
    %get3A_170 = vector.shape_cast %get3A_169 : vector<16xi32> to vector<16xi32>
    %mul3A_171 = arith.constant 2 : i32
    %mul3A_172 = vector.broadcast %mul3A_171 : i32 to vector<16xi32>
    %mul3A_173 = arith.muli %get3A_170, %mul3A_172 : vector<16xi32>
    %add3A_174 = arith.constant 0 : i32
    %add3A_175 = vector.broadcast %add3A_174 : i32 to vector<16xi32>
    %add3A_176 = arith.addi %mul3A_173, %add3A_175 : vector<16xi32>
    %swap3A_177 = arith.constant 192 : index
    %swap3A_178 = tpu.vector_load %arg8[%swap3A_177] {strides = array<i32>} : memref<384xi32, #tpu.memory_space<vmem>>, vector<16xi32>,
    %swap3A_179 = vector.shape_cast %swap3A_178 : vector<16xi32> to vector<16xi32>
    %swap3A_180 = vector.shape_cast %add3A_176 : vector<16xi32> to vector<16xi32>
    tpu.vector_store %arg8[%swap3A_177], %swap3A_180 {strides = array<i32>} : memref<384xi32, #tpu.memory_space<vmem>>, vector<16xi32>,
    %get3A_181 = arith.constant 208 : index
    %get3A_182 = tpu.vector_load %arg8[%get3A_181] {strides = array<i32>} : memref<384xi32, #tpu.memory_space<vmem>>, vector<16xi32>,
    %get3A_183 = vector.shape_cast %get3A_182 : vector<16xi32> to vector<16xi32>
    %mul3A_184 = arith.constant 2 : i32
    %mul3A_185 = vector.broadcast %mul3A_184 : i32 to vector<16xi32>
    %mul3A_186 = arith.muli %get3A_183, %mul3A_185 : vector<16xi32>
    %add3A_187 = arith.constant 0 : i32
    %add3A_188 = vector.broadcast %add3A_187 : i32 to vector<16xi32>
    %add3A_189 = arith.addi %mul3A_186, %add3A_188 : vector<16xi32>
    %swap3A_190 = arith.constant 208 : index
    %swap3A_191 = tpu.vector_load %arg8[%swap3A_190] {strides = array<i32>} : memref<384xi32, #tpu.memory_space<vmem>>, vector<16xi32>,
    %swap3A_192 = vector.shape_cast %swap3A_191 : vector<16xi32> to vector<16xi32>
    %swap3A_193 = vector.shape_cast %add3A_189 : vector<16xi32> to vector<16xi32>
    tpu.vector_store %arg8[%swap3A_190], %swap3A_193 {strides = array<i32>} : memref<384xi32, #tpu.memory_space<vmem>>, vector<16xi32>,
    %get3A_194 = arith.constant 224 : index
    %get3A_195 = tpu.vector_load %arg8[%get3A_194] {strides = array<i32>} : memref<384xi32, #tpu.memory_space<vmem>>, vector<16xi32>,
    %get3A_196 = vector.shape_cast %get3A_195 : vector<16xi32> to vector<16xi32>
    %mul3A_197 = arith.constant 2 : i32
    %mul3A_198 = vector.broadcast %mul3A_197 : i32 to vector<16xi32>
    %mul3A_199 = arith.muli %get3A_196, %mul3A_198 : vector<16xi32>
    %add3A_200 = arith.constant 0 : i32
    %add3A_201 = vector.broadcast %add3A_200 : i32 to vector<16xi32>
    %add3A_202 = arith.addi %mul3A_199, %add3A_201 : vector<16xi32>
    %swap3A_203 = arith.constant 224 : index
    %swap3A_204 = tpu.vector_load %arg8[%swap3A_203] {strides = array<i32>} : memref<384xi32, #tpu.memory_space<vmem>>, vector<16xi32>,
    %swap3A_205 = vector.shape_cast %swap3A_204 : vector<16xi32> to vector<16xi32>
    %swap3A_206 = vector.shape_cast %add3A_202 : vector<16xi32> to vector<16xi32>
    tpu.vector_store %arg8[%swap3A_203], %swap3A_206 {strides = array<i32>} : memref<384xi32, #tpu.memory_space<vmem>>, vector<16xi32>,
    %get3A_207 = arith.constant 240 : index
    %get3A_208 = tpu.vector_load %arg8[%get3A_207] {strides = array<i32>} : memref<384xi32, #tpu.memory_space<vmem>>, vector<16xi32>,
    %get3A_209 = vector.shape_cast %get3A_208 : vector<16xi32> to vector<16xi32>
    %mul3A_210 = arith.constant 2 : i32
    %mul3A_211 = vector.broadcast %mul3A_210 : i32 to vector<16xi32>
    %mul3A_212 = arith.muli %get3A_209, %mul3A_211 : vector<16xi32>
    %add3A_213 = arith.constant 0 : i32
    %add3A_214 = vector.broadcast %add3A_213 : i32 to vector<16xi32>
    %add3A_215 = arith.addi %mul3A_212, %add3A_214 : vector<16xi32>
    %swap3A_216 = arith.constant 240 : index
    %swap3A_217 = tpu.vector_load %arg8[%swap3A_216] {strides = array<i32>} : memref<384xi32, #tpu.memory_space<vmem>>, vector<16xi32>,
    %swap3A_218 = vector.shape_cast %swap3A_217 : vector<16xi32> to vector<16xi32>
    %swap3A_219 = vector.shape_cast %add3A_215 : vector<16xi32> to vector<16xi32>
    tpu.vector_store %arg8[%swap3A_216], %swap3A_219 {strides = array<i32>} : memref<384xi32, #tpu.memory_space<vmem>>, vector<16xi32>,
    %get3A_220 = arith.constant 256 : index
    %get3A_221 = tpu.vector_load %arg8[%get3A_220] {strides = array<i32>} : memref<384xi32, #tpu.memory_space<vmem>>, vector<16xi32>,
    %get3A_222 = vector.shape_cast %get3A_221 : vector<16xi32> to vector<16xi32>
    %mul3A_223 = arith.constant 2 : i32
    %mul3A_224 = vector.broadcast %mul3A_223 : i32 to vector<16xi32>
    %mul3A_225 = arith.muli %get3A_222, %mul3A_224 : vector<16xi32>
    %add3A_226 = arith.constant 0 : i32
    %add3A_227 = vector.broadcast %add3A_226 : i32 to vector<16xi32>
    %add3A_228 = arith.addi %mul3A_225, %add3A_227 : vector<16xi32>
    %swap3A_229 = arith.constant 256 : index
    %swap3A_230 = tpu.vector_load %arg8[%swap3A_229] {strides = array<i32>} : memref<384xi32, #tpu.memory_space<vmem>>, vector<16xi32>,
    %swap3A_231 = vector.shape_cast %swap3A_230 : vector<16xi32> to vector<16xi32>
    %swap3A_232 = vector.shape_cast %add3A_228 : vector<16xi32> to vector<16xi32>
    tpu.vector_store %arg8[%swap3A_229], %swap3A_232 {strides = array<i32>} : memref<384xi32, #tpu.memory_space<vmem>>, vector<16xi32>,
    %get3A_233 = arith.constant 272 : index
    %get3A_234 = tpu.vector_load %arg8[%get3A_233] {strides = array<i32>} : memref<384xi32, #tpu.memory_space<vmem>>, vector<16xi32>,
    %get3A_235 = vector.shape_cast %get3A_234 : vector<16xi32> to vector<16xi32>
    %mul3A_236 = arith.constant 2 : i32
    %mul3A_237 = vector.broadcast %mul3A_236 : i32 to vector<16xi32>
    %mul3A_238 = arith.muli %get3A_235, %mul3A_237 : vector<16xi32>
    %add3A_239 = arith.constant 0 : i32
    %add3A_240 = vector.broadcast %add3A_239 : i32 to vector<16xi32>
    %add3A_241 = arith.addi %mul3A_238, %add3A_240 : vector<16xi32>
    %swap3A_242 = arith.constant 272 : index
    %swap3A_243 = tpu.vector_load %arg8[%swap3A_242] {strides = array<i32>} : memref<384xi32, #tpu.memory_space<vmem>>, vector<16xi32>,
    %swap3A_244 = vector.shape_cast %swap3A_243 : vector<16xi32> to vector<16xi32>
    %swap3A_245 = vector.shape_cast %add3A_241 : vector<16xi32> to vector<16xi32>
    tpu.vector_store %arg8[%swap3A_242], %swap3A_245 {strides = array<i32>} : memref<384xi32, #tpu.memory_space<vmem>>, vector<16xi32>,
    %get3A_246 = arith.constant 288 : index
    %get3A_247 = tpu.vector_load %arg8[%get3A_246] {strides = array<i32>} : memref<384xi32, #tpu.memory_space<vmem>>, vector<16xi32>,
    %get3A_248 = vector.shape_cast %get3A_247 : vector<16xi32> to vector<16xi32>
    %mul3A_249 = arith.constant 2 : i32
    %mul3A_250 = vector.broadcast %mul3A_249 : i32 to vector<16xi32>
    %mul3A_251 = arith.muli %get3A_248, %mul3A_250 : vector<16xi32>
    %add3A_252 = arith.constant 0 : i32
    %add3A_253 = vector.broadcast %add3A_252 : i32 to vector<16xi32>
    %add3A_254 = arith.addi %mul3A_251, %add3A_253 : vector<16xi32>
    %swap3A_255 = arith.constant 288 : index
    %swap3A_256 = tpu.vector_load %arg8[%swap3A_255] {strides = array<i32>} : memref<384xi32, #tpu.memory_space<vmem>>, vector<16xi32>,
    %swap3A_257 = vector.shape_cast %swap3A_256 : vector<16xi32> to vector<16xi32>
    %swap3A_258 = vector.shape_cast %add3A_254 : vector<16xi32> to vector<16xi32>
    tpu.vector_store %arg8[%swap3A_255], %swap3A_258 {strides = array<i32>} : memref<384xi32, #tpu.memory_space<vmem>>, vector<16xi32>,
    %get3A_259 = arith.constant 304 : index
    %get3A_260 = tpu.vector_load %arg8[%get3A_259] {strides = array<i32>} : memref<384xi32, #tpu.memory_space<vmem>>, vector<16xi32>,
    %get3A_261 = vector.shape_cast %get3A_260 : vector<16xi32> to vector<16xi32>
    %mul3A_262 = arith.constant 2 : i32
    %mul3A_263 = vector.broadcast %mul3A_262 : i32 to vector<16xi32>
    %mul3A_264 = arith.muli %get3A_261, %mul3A_263 : vector<16xi32>
    %add3A_265 = arith.constant 0 : i32
    %add3A_266 = vector.broadcast %add3A_265 : i32 to vector<16xi32>
    %add3A_267 = arith.addi %mul3A_264, %add3A_266 : vector<16xi32>
    %swap3A_268 = arith.constant 304 : index
    %swap3A_269 = tpu.vector_load %arg8[%swap3A_268] {strides = array<i32>} : memref<384xi32, #tpu.memory_space<vmem>>, vector<16xi32>,
    %swap3A_270 = vector.shape_cast %swap3A_269 : vector<16xi32> to vector<16xi32>
    %swap3A_271 = vector.shape_cast %add3A_267 : vector<16xi32> to vector<16xi32>
    tpu.vector_store %arg8[%swap3A_268], %swap3A_271 {strides = array<i32>} : memref<384xi32, #tpu.memory_space<vmem>>, vector<16xi32>,
    %get3A_272 = arith.constant 320 : index
    %get3A_273 = tpu.vector_load %arg8[%get3A_272] {strides = array<i32>} : memref<384xi32, #tpu.memory_space<vmem>>, vector<16xi32>,
    %get3A_274 = vector.shape_cast %get3A_273 : vector<16xi32> to vector<16xi32>
    %mul3A_275 = arith.constant 2 : i32
    %mul3A_276 = vector.broadcast %mul3A_275 : i32 to vector<16xi32>
    %mul3A_277 = arith.muli %get3A_274, %mul3A_276 : vector<16xi32>
    %add3A_278 = arith.constant 0 : i32
    %add3A_279 = vector.broadcast %add3A_278 : i32 to vector<16xi32>
    %add3A_280 = arith.addi %mul3A_277, %add3A_279 : vector<16xi32>
    %swap3A_281 = arith.constant 320 : index
    %swap3A_282 = tpu.vector_load %arg8[%swap3A_281] {strides = array<i32>} : memref<384xi32, #tpu.memory_space<vmem>>, vector<16xi32>,
    %swap3A_283 = vector.shape_cast %swap3A_282 : vector<16xi32> to vector<16xi32>
    %swap3A_284 = vector.shape_cast %add3A_280 : vector<16xi32> to vector<16xi32>
    tpu.vector_store %arg8[%swap3A_281], %swap3A_284 {strides = array<i32>} : memref<384xi32, #tpu.memory_space<vmem>>, vector<16xi32>,
    %get3A_285 = arith.constant 336 : index
    %get3A_286 = tpu.vector_load %arg8[%get3A_285] {strides = array<i32>} : memref<384xi32, #tpu.memory_space<vmem>>, vector<16xi32>,
    %get3A_287 = vector.shape_cast %get3A_286 : vector<16xi32> to vector<16xi32>
    %mul3A_288 = arith.constant 2 : i32
    %mul3A_289 = vector.broadcast %mul3A_288 : i32 to vector<16xi32>
    %mul3A_290 = arith.muli %get3A_287, %mul3A_289 : vector<16xi32>
    %add3A_291 = arith.constant 0 : i32
    %add3A_292 = vector.broadcast %add3A_291 : i32 to vector<16xi32>
    %add3A_293 = arith.addi %mul3A_290, %add3A_292 : vector<16xi32>
    %swap3A_294 = arith.constant 336 : index
    %swap3A_295 = tpu.vector_load %arg8[%swap3A_294] {strides = array<i32>} : memref<384xi32, #tpu.memory_space<vmem>>, vector<16xi32>,
    %swap3A_296 = vector.shape_cast %swap3A_295 : vector<16xi32> to vector<16xi32>
    %swap3A_297 = vector.shape_cast %add3A_293 : vector<16xi32> to vector<16xi32>
    tpu.vector_store %arg8[%swap3A_294], %swap3A_297 {strides = array<i32>} : memref<384xi32, #tpu.memory_space<vmem>>, vector<16xi32>,
    %get3A_298 = arith.constant 352 : index
    %get3A_299 = tpu.vector_load %arg8[%get3A_298] {strides = array<i32>} : memref<384xi32, #tpu.memory_space<vmem>>, vector<16xi32>,
    %get3A_300 = vector.shape_cast %get3A_299 : vector<16xi32> to vector<16xi32>
    %mul3A_301 = arith.constant 2 : i32
    %mul3A_302 = vector.broadcast %mul3A_301 : i32 to vector<16xi32>
    %mul3A_303 = arith.muli %get3A_300, %mul3A_302 : vector<16xi32>
    %add3A_304 = arith.constant 0 : i32
    %add3A_305 = vector.broadcast %add3A_304 : i32 to vector<16xi32>
    %add3A_306 = arith.addi %mul3A_303, %add3A_305 : vector<16xi32>
    %swap3A_307 = arith.constant 352 : index
    %swap3A_308 = tpu.vector_load %arg8[%swap3A_307] {strides = array<i32>} : memref<384xi32, #tpu.memory_space<vmem>>, vector<16xi32>,
    %swap3A_309 = vector.shape_cast %swap3A_308 : vector<16xi32> to vector<16xi32>
    %swap3A_310 = vector.shape_cast %add3A_306 : vector<16xi32> to vector<16xi32>
    tpu.vector_store %arg8[%swap3A_307], %swap3A_310 {strides = array<i32>} : memref<384xi32, #tpu.memory_space<vmem>>, vector<16xi32>,
    %get3A_311 = arith.constant 368 : index
    %get3A_312 = tpu.vector_load %arg8[%get3A_311] {strides = array<i32>} : memref<384xi32, #tpu.memory_space<vmem>>, vector<16xi32>,
    %get3A_313 = vector.shape_cast %get3A_312 : vector<16xi32> to vector<16xi32>
    %mul3A_314 = arith.constant 2 : i32
    %mul3A_315 = vector.broadcast %mul3A_314 : i32 to vector<16xi32>
    %mul3A_316 = arith.muli %get3A_313, %mul3A_315 : vector<16xi32>
    %add3A_317 = arith.constant 0 : i32
    %add3A_318 = vector.broadcast %add3A_317 : i32 to vector<16xi32>
    %add3A_319 = arith.addi %mul3A_316, %add3A_318 : vector<16xi32>
    %swap3A_320 = arith.constant 368 : index
    %swap3A_321 = tpu.vector_load %arg8[%swap3A_320] {strides = array<i32>} : memref<384xi32, #tpu.memory_space<vmem>>, vector<16xi32>,
    %swap3A_322 = vector.shape_cast %swap3A_321 : vector<16xi32> to vector<16xi32>
    %swap3A_323 = vector.shape_cast %add3A_319 : vector<16xi32> to vector<16xi32>
    tpu.vector_store %arg8[%swap3A_320], %swap3A_323 {strides = array<i32>} : memref<384xi32, #tpu.memory_space<vmem>>, vector<16xi32>,
    %dma_start3A = arith.constant 0 : i32
    %dma_start3A_324 = arith.constant 0 : i32
    %dma_start3A_325 = tpu.memref_slice %arg4[%dma_start3A, %dma_start3A_324] : memref<20000x64xf32, #tpu.memory_space<hbm>> -> memref<20000x64xf32, #tpu.memory_space<hbm>>
    tpu.enqueue_indirect_dma source(%dma_start3A_325 : memref<20000x64xf32, #tpu.memory_space<hbm>>) target(%arg12 : memref<384x64xf32, #tpu.memory_space<vmem>>) offsets(%arg8 : memref<384xi32, #tpu.memory_space<vmem>>) semaphore(%arg19 : memref<!tpu.dma_semaphore, #tpu.memory_space<semaphore_mem>>)
    %scan3A_326 = arith.constant 0 : i32
    %scan3A_327 = arith.constant 0 : i32
    %scan3A_328 = arith.constant 160 : i32
    %scan3A_329 = arith.addi %scan3A_327, %scan3A_328 : i32
    %scan3A_330 = arith.constant 1 : i32
    %scan3A_331 = scf.for %scan3A_762 = %scan3A_327 to %scan3A_329 step %scan3A_330 iter_args(%scan3A_763 = %scan3A_326) -> (i32)  : i32 {
      %swap3A_764 = arith.index_cast %scan3A_762 : i32 to index
      %swap3A_765 = arith.constant 0 : index
      %swap3A_766 = tpu.vector_load %arg15[%swap3A_764, %swap3A_765] {strides = array<i32>} : memref<160x16xf32, #tpu.memory_space<vmem>>, vector<1x16xf32>,
      %swap3A_767 = vector.shape_cast %swap3A_766 : vector<1x16xf32> to vector<16xf32>
      %swap3A_768 = vector.shape_cast %broadcast_in_dim3A_1 : vector<16xf32> to vector<1x16xf32>
      tpu.vector_store %arg15[%swap3A_764, %swap3A_765], %swap3A_768 {strides = array<i32>} : memref<160x16xf32, #tpu.memory_space<vmem>>, vector<1x16xf32>,
      %swap3A_769 = arith.index_cast %scan3A_762 : i32 to index
      %swap3A_770 = arith.constant 0 : index
      %swap3A_771 = tpu.vector_load %arg16[%swap3A_769, %swap3A_770] {strides = array<i32>} : memref<160x64xf32, #tpu.memory_space<vmem>>, vector<1x16xf32>,
      %swap3A_772 = vector.shape_cast %swap3A_771 : vector<1x16xf32> to vector<16xf32>
      %swap3A_773 = vector.shape_cast %broadcast_in_dim3A_1 : vector<16xf32> to vector<1x16xf32>
      tpu.vector_store %arg16[%swap3A_769, %swap3A_770], %swap3A_773 {strides = array<i32>} : memref<160x64xf32, #tpu.memory_space<vmem>>, vector<1x16xf32>,
      %swap3A_774 = arith.index_cast %scan3A_762 : i32 to index
      %swap3A_775 = arith.constant 16 : index
      %swap3A_776 = tpu.vector_load %arg16[%swap3A_774, %swap3A_775] {strides = array<i32>} : memref<160x64xf32, #tpu.memory_space<vmem>>, vector<1x16xf32>,
      %swap3A_777 = vector.shape_cast %swap3A_776 : vector<1x16xf32> to vector<16xf32>
      %swap3A_778 = vector.shape_cast %broadcast_in_dim3A_1 : vector<16xf32> to vector<1x16xf32>
      tpu.vector_store %arg16[%swap3A_774, %swap3A_775], %swap3A_778 {strides = array<i32>} : memref<160x64xf32, #tpu.memory_space<vmem>>, vector<1x16xf32>,
      %swap3A_779 = arith.index_cast %scan3A_762 : i32 to index
      %swap3A_780 = arith.constant 32 : index
      %swap3A_781 = tpu.vector_load %arg16[%swap3A_779, %swap3A_780] {strides = array<i32>} : memref<160x64xf32, #tpu.memory_space<vmem>>, vector<1x16xf32>,
      %swap3A_782 = vector.shape_cast %swap3A_781 : vector<1x16xf32> to vector<16xf32>
      %swap3A_783 = vector.shape_cast %broadcast_in_dim3A_1 : vector<16xf32> to vector<1x16xf32>
      tpu.vector_store %arg16[%swap3A_779, %swap3A_780], %swap3A_783 {strides = array<i32>} : memref<160x64xf32, #tpu.memory_space<vmem>>, vector<1x16xf32>,
      %swap3A_784 = arith.index_cast %scan3A_762 : i32 to index
      %swap3A_785 = arith.constant 48 : index
      %swap3A_786 = tpu.vector_load %arg16[%swap3A_784, %swap3A_785] {strides = array<i32>} : memref<160x64xf32, #tpu.memory_space<vmem>>, vector<1x16xf32>,
      %swap3A_787 = vector.shape_cast %swap3A_786 : vector<1x16xf32> to vector<16xf32>
      %swap3A_788 = vector.shape_cast %broadcast_in_dim3A_1 : vector<16xf32> to vector<1x16xf32>
      tpu.vector_store %arg16[%swap3A_784, %swap3A_785], %swap3A_788 {strides = array<i32>} : memref<160x64xf32, #tpu.memory_space<vmem>>, vector<1x16xf32>,
      %scan3A_789 = arith.constant 0 : i32
      scf.yield %scan3A_789 : i32
    }
    %scan3A_332 = arith.constant 160 : i32
    %scan3A_333 = arith.constant 0 : i32
    %scan3A_334 = arith.constant 0 : i32
    %scan3A_335 = arith.constant 128 : i32
    %scan3A_336 = arith.addi %scan3A_334, %scan3A_335 : i32
    %scan3A_337 = arith.constant 1 : i32
    %scan3A_338 = scf.for %scan3A_762 = %scan3A_334 to %scan3A_336 step %scan3A_337 iter_args(%scan3A_763 = %scan3A_333) -> (i32)  : i32 {
      %swap3A_764 = arith.index_cast %scan3A_762 : i32 to index
      %swap3A_765 = arith.constant 0 : index
      %swap3A_766 = tpu.vector_load %arg14[%swap3A_764, %swap3A_765] {strides = array<i32>} : memref<128x16xf32, #tpu.memory_space<vmem>>, vector<1x16xf32>,
      %swap3A_767 = vector.shape_cast %swap3A_766 : vector<1x16xf32> to vector<16xf32>
      %swap3A_768 = vector.shape_cast %broadcast_in_dim3A_3 : vector<16xf32> to vector<1x16xf32>
      tpu.vector_store %arg14[%swap3A_764, %swap3A_765], %swap3A_768 {strides = array<i32>} : memref<128x16xf32, #tpu.memory_space<vmem>>, vector<1x16xf32>,
      %scan3A_769 = arith.constant 0 : i32
      scf.yield %scan3A_769 : i32
    }
    %scan3A_339 = arith.constant 128 : i32
    %mul3A_340 = arith.constant 640 : i32
    %mul3A_341 = arith.muli %arg1, %mul3A_340 : i32
    %add3A_342 = arith.constant 0 : i32
    %add3A_343 = arith.addi %mul3A_341, %add3A_342 : i32
    "tpu.region"() ({
      %run_scoped3A = tpu.sem_alloc : memref<!tpu.dma_semaphore, #tpu.memory_space<semaphore_mem>>
      %dma_start3A_762 = arith.constant 0 : i32
      %dma_start3A_763 = tpu.memref_slice %arg17[%add3A_343, %dma_start3A_762] : memref<10240x64xf32, #tpu.memory_space<vmem_shared>> -> memref<160x64xf32, #tpu.memory_space<vmem_shared>>
      %dma_start3A_764 = arith.constant 0 : i32
      %dma_start3A_765 = tpu.memref_slice %arg17[%add3A_343, %dma_start3A_764] : memref<10240x64xf32, #tpu.memory_space<vmem_shared>> -> memref<160x64xf32, #tpu.memory_space<vmem_shared>>
      tpu.enqueue_dma source(%arg16 : memref<160x64xf32, #tpu.memory_space<vmem>>) target(%dma_start3A_765 : memref<160x64xf32, #tpu.memory_space<vmem_shared>>) target_semaphore(%run_scoped3A : memref<!tpu.dma_semaphore, #tpu.memory_space<semaphore_mem>>)
      %dma_wait3A_766 = arith.constant 0 : i32
      %dma_wait3A_767 = tpu.memref_slice %arg17[%add3A_343, %dma_wait3A_766] : memref<10240x64xf32, #tpu.memory_space<vmem_shared>> -> memref<160x64xf32, #tpu.memory_space<vmem_shared>>
      %dma_wait3A_768 = arith.constant 0 : i32
      %dma_wait3A_769 = tpu.memref_slice %arg17[%add3A_343, %dma_wait3A_768] : memref<10240x64xf32, #tpu.memory_space<vmem_shared>> -> memref<160x64xf32, #tpu.memory_space<vmem_shared>>
      tpu.wait_dma2 semaphore(%run_scoped3A : memref<!tpu.dma_semaphore, #tpu.memory_space<semaphore_mem>>) src(%arg16 : memref<160x64xf32, #tpu.memory_space<vmem>>) dst(%dma_wait3A_769 : memref<160x64xf32, #tpu.memory_space<vmem_shared>>)
      tpu.yield
    }) : () -> ()
    "tpu.region"() ({
      %run_scoped3A = tpu.sem_alloc : memref<!tpu.dma_semaphore, #tpu.memory_space<semaphore_mem>>
      %dma_start3A_762 = arith.constant 0 : i32
      %dma_start3A_763 = tpu.memref_slice %arg18[%add3A_343, %dma_start3A_762] : memref<10240x16xf32, #tpu.memory_space<vmem_shared>> -> memref<160x16xf32, #tpu.memory_space<vmem_shared>>
      %dma_start3A_764 = arith.constant 0 : i32
      %dma_start3A_765 = tpu.memref_slice %arg18[%add3A_343, %dma_start3A_764] : memref<10240x16xf32, #tpu.memory_space<vmem_shared>> -> memref<160x16xf32, #tpu.memory_space<vmem_shared>>
      tpu.enqueue_dma source(%arg15 : memref<160x16xf32, #tpu.memory_space<vmem>>) target(%dma_start3A_765 : memref<160x16xf32, #tpu.memory_space<vmem_shared>>) target_semaphore(%run_scoped3A : memref<!tpu.dma_semaphore, #tpu.memory_space<semaphore_mem>>)
      %dma_wait3A_766 = arith.constant 0 : i32
      %dma_wait3A_767 = tpu.memref_slice %arg18[%add3A_343, %dma_wait3A_766] : memref<10240x16xf32, #tpu.memory_space<vmem_shared>> -> memref<160x16xf32, #tpu.memory_space<vmem_shared>>
      %dma_wait3A_768 = arith.constant 0 : i32
      %dma_wait3A_769 = tpu.memref_slice %arg18[%add3A_343, %dma_wait3A_768] : memref<10240x16xf32, #tpu.memory_space<vmem_shared>> -> memref<160x16xf32, #tpu.memory_space<vmem_shared>>
      tpu.wait_dma2 semaphore(%run_scoped3A : memref<!tpu.dma_semaphore, #tpu.memory_space<semaphore_mem>>) src(%arg15 : memref<160x16xf32, #tpu.memory_space<vmem>>) dst(%dma_wait3A_769 : memref<160x16xf32, #tpu.memory_space<vmem_shared>>)
      tpu.yield
    }) : () -> ()
    %mul3A_344 = arith.constant 640 : i32
    %mul3A_345 = arith.muli %arg1, %mul3A_344 : i32
    %add3A_346 = arith.constant 160 : i32
    %add3A_347 = arith.addi %mul3A_345, %add3A_346 : i32
    "tpu.region"() ({
      %run_scoped3A = tpu.sem_alloc : memref<!tpu.dma_semaphore, #tpu.memory_space<semaphore_mem>>
      %dma_start3A_762 = arith.constant 0 : i32
      %dma_start3A_763 = tpu.memref_slice %arg17[%add3A_347, %dma_start3A_762] : memref<10240x64xf32, #tpu.memory_space<vmem_shared>> -> memref<160x64xf32, #tpu.memory_space<vmem_shared>>
      %dma_start3A_764 = arith.constant 0 : i32
      %dma_start3A_765 = tpu.memref_slice %arg17[%add3A_347, %dma_start3A_764] : memref<10240x64xf32, #tpu.memory_space<vmem_shared>> -> memref<160x64xf32, #tpu.memory_space<vmem_shared>>
      tpu.enqueue_dma source(%arg16 : memref<160x64xf32, #tpu.memory_space<vmem>>) target(%dma_start3A_765 : memref<160x64xf32, #tpu.memory_space<vmem_shared>>) target_semaphore(%run_scoped3A : memref<!tpu.dma_semaphore, #tpu.memory_space<semaphore_mem>>)
      %dma_wait3A_766 = arith.constant 0 : i32
      %dma_wait3A_767 = tpu.memref_slice %arg17[%add3A_347, %dma_wait3A_766] : memref<10240x64xf32, #tpu.memory_space<vmem_shared>> -> memref<160x64xf32, #tpu.memory_space<vmem_shared>>
      %dma_wait3A_768 = arith.constant 0 : i32
      %dma_wait3A_769 = tpu.memref_slice %arg17[%add3A_347, %dma_wait3A_768] : memref<10240x64xf32, #tpu.memory_space<vmem_shared>> -> memref<160x64xf32, #tpu.memory_space<vmem_shared>>
      tpu.wait_dma2 semaphore(%run_scoped3A : memref<!tpu.dma_semaphore, #tpu.memory_space<semaphore_mem>>) src(%arg16 : memref<160x64xf32, #tpu.memory_space<vmem>>) dst(%dma_wait3A_769 : memref<160x64xf32, #tpu.memory_space<vmem_shared>>)
      tpu.yield
    }) : () -> ()
    "tpu.region"() ({
      %run_scoped3A = tpu.sem_alloc : memref<!tpu.dma_semaphore, #tpu.memory_space<semaphore_mem>>
      %dma_start3A_762 = arith.constant 0 : i32
      %dma_start3A_763 = tpu.memref_slice %arg18[%add3A_347, %dma_start3A_762] : memref<10240x16xf32, #tpu.memory_space<vmem_shared>> -> memref<160x16xf32, #tpu.memory_space<vmem_shared>>
      %dma_start3A_764 = arith.constant 0 : i32
      %dma_start3A_765 = tpu.memref_slice %arg18[%add3A_347, %dma_start3A_764] : memref<10240x16xf32, #tpu.memory_space<vmem_shared>> -> memref<160x16xf32, #tpu.memory_space<vmem_shared>>
      tpu.enqueue_dma source(%arg15 : memref<160x16xf32, #tpu.memory_space<vmem>>) target(%dma_start3A_765 : memref<160x16xf32, #tpu.memory_space<vmem_shared>>) target_semaphore(%run_scoped3A : memref<!tpu.dma_semaphore, #tpu.memory_space<semaphore_mem>>)
      %dma_wait3A_766 = arith.constant 0 : i32
      %dma_wait3A_767 = tpu.memref_slice %arg18[%add3A_347, %dma_wait3A_766] : memref<10240x16xf32, #tpu.memory_space<vmem_shared>> -> memref<160x16xf32, #tpu.memory_space<vmem_shared>>
      %dma_wait3A_768 = arith.constant 0 : i32
      %dma_wait3A_769 = tpu.memref_slice %arg18[%add3A_347, %dma_wait3A_768] : memref<10240x16xf32, #tpu.memory_space<vmem_shared>> -> memref<160x16xf32, #tpu.memory_space<vmem_shared>>
      tpu.wait_dma2 semaphore(%run_scoped3A : memref<!tpu.dma_semaphore, #tpu.memory_space<semaphore_mem>>) src(%arg15 : memref<160x16xf32, #tpu.memory_space<vmem>>) dst(%dma_wait3A_769 : memref<160x16xf32, #tpu.memory_space<vmem_shared>>)
      tpu.yield
    }) : () -> ()
    %mul3A_348 = arith.constant 640 : i32
    %mul3A_349 = arith.muli %arg1, %mul3A_348 : i32
    %add3A_350 = arith.constant 320 : i32
    %add3A_351 = arith.addi %mul3A_349, %add3A_350 : i32
    "tpu.region"() ({
      %run_scoped3A = tpu.sem_alloc : memref<!tpu.dma_semaphore, #tpu.memory_space<semaphore_mem>>
      %dma_start3A_762 = arith.constant 0 : i32
      %dma_start3A_763 = tpu.memref_slice %arg17[%add3A_351, %dma_start3A_762] : memref<10240x64xf32, #tpu.memory_space<vmem_shared>> -> memref<160x64xf32, #tpu.memory_space<vmem_shared>>
      %dma_start3A_764 = arith.constant 0 : i32
      %dma_start3A_765 = tpu.memref_slice %arg17[%add3A_351, %dma_start3A_764] : memref<10240x64xf32, #tpu.memory_space<vmem_shared>> -> memref<160x64xf32, #tpu.memory_space<vmem_shared>>
      tpu.enqueue_dma source(%arg16 : memref<160x64xf32, #tpu.memory_space<vmem>>) target(%dma_start3A_765 : memref<160x64xf32, #tpu.memory_space<vmem_shared>>) target_semaphore(%run_scoped3A : memref<!tpu.dma_semaphore, #tpu.memory_space<semaphore_mem>>)
      %dma_wait3A_766 = arith.constant 0 : i32
      %dma_wait3A_767 = tpu.memref_slice %arg17[%add3A_351, %dma_wait3A_766] : memref<10240x64xf32, #tpu.memory_space<vmem_shared>> -> memref<160x64xf32, #tpu.memory_space<vmem_shared>>
      %dma_wait3A_768 = arith.constant 0 : i32
      %dma_wait3A_769 = tpu.memref_slice %arg17[%add3A_351, %dma_wait3A_768] : memref<10240x64xf32, #tpu.memory_space<vmem_shared>> -> memref<160x64xf32, #tpu.memory_space<vmem_shared>>
      tpu.wait_dma2 semaphore(%run_scoped3A : memref<!tpu.dma_semaphore, #tpu.memory_space<semaphore_mem>>) src(%arg16 : memref<160x64xf32, #tpu.memory_space<vmem>>) dst(%dma_wait3A_769 : memref<160x64xf32, #tpu.memory_space<vmem_shared>>)
      tpu.yield
    }) : () -> ()
    "tpu.region"() ({
      %run_scoped3A = tpu.sem_alloc : memref<!tpu.dma_semaphore, #tpu.memory_space<semaphore_mem>>
      %dma_start3A_762 = arith.constant 0 : i32
      %dma_start3A_763 = tpu.memref_slice %arg18[%add3A_351, %dma_start3A_762] : memref<10240x16xf32, #tpu.memory_space<vmem_shared>> -> memref<160x16xf32, #tpu.memory_space<vmem_shared>>
      %dma_start3A_764 = arith.constant 0 : i32
      %dma_start3A_765 = tpu.memref_slice %arg18[%add3A_351, %dma_start3A_764] : memref<10240x16xf32, #tpu.memory_space<vmem_shared>> -> memref<160x16xf32, #tpu.memory_space<vmem_shared>>
      tpu.enqueue_dma source(%arg15 : memref<160x16xf32, #tpu.memory_space<vmem>>) target(%dma_start3A_765 : memref<160x16xf32, #tpu.memory_space<vmem_shared>>) target_semaphore(%run_scoped3A : memref<!tpu.dma_semaphore, #tpu.memory_space<semaphore_mem>>)
      %dma_wait3A_766 = arith.constant 0 : i32
      %dma_wait3A_767 = tpu.memref_slice %arg18[%add3A_351, %dma_wait3A_766] : memref<10240x16xf32, #tpu.memory_space<vmem_shared>> -> memref<160x16xf32, #tpu.memory_space<vmem_shared>>
      %dma_wait3A_768 = arith.constant 0 : i32
      %dma_wait3A_769 = tpu.memref_slice %arg18[%add3A_351, %dma_wait3A_768] : memref<10240x16xf32, #tpu.memory_space<vmem_shared>> -> memref<160x16xf32, #tpu.memory_space<vmem_shared>>
      tpu.wait_dma2 semaphore(%run_scoped3A : memref<!tpu.dma_semaphore, #tpu.memory_space<semaphore_mem>>) src(%arg15 : memref<160x16xf32, #tpu.memory_space<vmem>>) dst(%dma_wait3A_769 : memref<160x16xf32, #tpu.memory_space<vmem_shared>>)
      tpu.yield
    }) : () -> ()
    %mul3A_352 = arith.constant 640 : i32
    %mul3A_353 = arith.muli %arg1, %mul3A_352 : i32
    %add3A_354 = arith.constant 480 : i32
    %add3A_355 = arith.addi %mul3A_353, %add3A_354 : i32
    "tpu.region"() ({
      %run_scoped3A = tpu.sem_alloc : memref<!tpu.dma_semaphore, #tpu.memory_space<semaphore_mem>>
      %dma_start3A_762 = arith.constant 0 : i32
      %dma_start3A_763 = tpu.memref_slice %arg17[%add3A_355, %dma_start3A_762] : memref<10240x64xf32, #tpu.memory_space<vmem_shared>> -> memref<160x64xf32, #tpu.memory_space<vmem_shared>>
      %dma_start3A_764 = arith.constant 0 : i32
      %dma_start3A_765 = tpu.memref_slice %arg17[%add3A_355, %dma_start3A_764] : memref<10240x64xf32, #tpu.memory_space<vmem_shared>> -> memref<160x64xf32, #tpu.memory_space<vmem_shared>>
      tpu.enqueue_dma source(%arg16 : memref<160x64xf32, #tpu.memory_space<vmem>>) target(%dma_start3A_765 : memref<160x64xf32, #tpu.memory_space<vmem_shared>>) target_semaphore(%run_scoped3A : memref<!tpu.dma_semaphore, #tpu.memory_space<semaphore_mem>>)
      %dma_wait3A_766 = arith.constant 0 : i32
      %dma_wait3A_767 = tpu.memref_slice %arg17[%add3A_355, %dma_wait3A_766] : memref<10240x64xf32, #tpu.memory_space<vmem_shared>> -> memref<160x64xf32, #tpu.memory_space<vmem_shared>>
      %dma_wait3A_768 = arith.constant 0 : i32
      %dma_wait3A_769 = tpu.memref_slice %arg17[%add3A_355, %dma_wait3A_768] : memref<10240x64xf32, #tpu.memory_space<vmem_shared>> -> memref<160x64xf32, #tpu.memory_space<vmem_shared>>
      tpu.wait_dma2 semaphore(%run_scoped3A : memref<!tpu.dma_semaphore, #tpu.memory_space<semaphore_mem>>) src(%arg16 : memref<160x64xf32, #tpu.memory_space<vmem>>) dst(%dma_wait3A_769 : memref<160x64xf32, #tpu.memory_space<vmem_shared>>)
      tpu.yield
    }) : () -> ()
    "tpu.region"() ({
      %run_scoped3A = tpu.sem_alloc : memref<!tpu.dma_semaphore, #tpu.memory_space<semaphore_mem>>
      %dma_start3A_762 = arith.constant 0 : i32
      %dma_start3A_763 = tpu.memref_slice %arg18[%add3A_355, %dma_start3A_762] : memref<10240x16xf32, #tpu.memory_space<vmem_shared>> -> memref<160x16xf32, #tpu.memory_space<vmem_shared>>
      %dma_start3A_764 = arith.constant 0 : i32
      %dma_start3A_765 = tpu.memref_slice %arg18[%add3A_355, %dma_start3A_764] : memref<10240x16xf32, #tpu.memory_space<vmem_shared>> -> memref<160x16xf32, #tpu.memory_space<vmem_shared>>
      tpu.enqueue_dma source(%arg15 : memref<160x16xf32, #tpu.memory_space<vmem>>) target(%dma_start3A_765 : memref<160x16xf32, #tpu.memory_space<vmem_shared>>) target_semaphore(%run_scoped3A : memref<!tpu.dma_semaphore, #tpu.memory_space<semaphore_mem>>)
      %dma_wait3A_766 = arith.constant 0 : i32
      %dma_wait3A_767 = tpu.memref_slice %arg18[%add3A_355, %dma_wait3A_766] : memref<10240x16xf32, #tpu.memory_space<vmem_shared>> -> memref<160x16xf32, #tpu.memory_space<vmem_shared>>
      %dma_wait3A_768 = arith.constant 0 : i32
      %dma_wait3A_769 = tpu.memref_slice %arg18[%add3A_355, %dma_wait3A_768] : memref<10240x16xf32, #tpu.memory_space<vmem_shared>> -> memref<160x16xf32, #tpu.memory_space<vmem_shared>>
      tpu.wait_dma2 semaphore(%run_scoped3A : memref<!tpu.dma_semaphore, #tpu.memory_space<semaphore_mem>>) src(%arg15 : memref<160x16xf32, #tpu.memory_space<vmem>>) dst(%dma_wait3A_769 : memref<160x16xf32, #tpu.memory_space<vmem_shared>>)
      tpu.yield
    }) : () -> ()
    %barrier3A = arith.constant 0 : index
    tpu.barrier barrier_id(%barrier3A)
    %dma_wait3A = arith.constant 0 : i32
    %dma_wait3A_356 = arith.constant 0 : i32
    %dma_wait3A_357 = tpu.memref_slice %arg4[%dma_wait3A, %dma_wait3A_356] : memref<20000x64xf32, #tpu.memory_space<hbm>> -> memref<20000x64xf32, #tpu.memory_space<hbm>>
    tpu.wait_indirect_dma semaphore(%arg19 : memref<!tpu.dma_semaphore, #tpu.memory_space<semaphore_mem>>) src(%dma_wait3A_357 : memref<20000x64xf32, #tpu.memory_space<hbm>>) dst(%arg12 : memref<384x64xf32, #tpu.memory_space<vmem>>)
    %scan3A_358 = arith.constant 0 : i32
    %scan3A_359 = arith.constant 0 : i32
    %scan3A_360 = arith.constant 13 : i32
    %scan3A_361 = arith.addi %scan3A_359, %scan3A_360 : i32
    %scan3A_362 = arith.constant 1 : i32
    %scan3A_363 = scf.for %scan3A_762 = %scan3A_359 to %scan3A_361 step %scan3A_362 iter_args(%scan3A_763 = %scan3A_358) -> (i32)  : i32 {
      %mul3A_764 = arith.constant 2 : i32
      %mul3A_765 = arith.muli %mul3A_764, %scan3A_762 : i32
      %mul3A_766 = arith.constant 3 : i32
      %mul3A_767 = arith.muli %mul3A_765, %mul3A_766 : i32
      %add3A_768 = arith.addi %mul3A_11, %mul3A_767 : i32
      %add3A_769 = arith.constant 3 : i32
      %add3A_770 = arith.addi %add3A_768, %add3A_769 : i32
      %dma_start3A_771 = arith.constant 0 : i32
      %dma_start3A_772 = arith.constant 0 : i32
      %dma_start3A_773 = arith.constant 0 : i32
      %dma_start3A_774 = tpu.memref_slice %arg12[%dma_start3A_772, %dma_start3A_773] : memref<384x64xf32, #tpu.memory_space<vmem>> -> memref<128x64xf32, #tpu.memory_space<vmem>>
      %dma_start3A_775 = arith.constant 0 : i32
      %dma_start3A_776 = tpu.memref_slice %arg9[%dma_start3A_771, %dma_start3A_775] : memref<3x128xi32, #tpu.memory_space<vmem>> -> memref<1x128xi32, #tpu.memory_space<vmem>>
      %dma_start3A_777 = tpu.memref_squeeze %dma_start3A_776 : memref<1x128xi32, #tpu.memory_space<vmem>> -> memref<128xi32, #tpu.memory_space<vmem>>
      %dma_start3A_778 = arith.constant 0 : i32
      %dma_start3A_779 = arith.constant 0 : i32
      %dma_start3A_780 = tpu.memref_slice %arg17[%dma_start3A_778, %dma_start3A_779] : memref<10240x64xf32, #tpu.memory_space<vmem_shared>> -> memref<10240x64xf32, #tpu.memory_space<vmem_shared>>
      tpu.enqueue_indirect_dma source(%dma_start3A_774 : memref<128x64xf32, #tpu.memory_space<vmem>>) target(%dma_start3A_780 : memref<10240x64xf32, #tpu.memory_space<vmem_shared>>) offsets(%dma_start3A_777 : memref<128xi32, #tpu.memory_space<vmem>>) semaphore(%arg20 : memref<!tpu.dma_semaphore, #tpu.memory_space<semaphore_mem>>) {add = true}
      %dma_start3A_781 = arith.constant 0 : i32
      %dma_start3A_782 = arith.constant 0 : i32
      %dma_start3A_783 = tpu.memref_slice %arg9[%dma_start3A_781, %dma_start3A_782] : memref<3x128xi32, #tpu.memory_space<vmem>> -> memref<1x128xi32, #tpu.memory_space<vmem>>
      %dma_start3A_784 = tpu.memref_squeeze %dma_start3A_783 : memref<1x128xi32, #tpu.memory_space<vmem>> -> memref<128xi32, #tpu.memory_space<vmem>>
      %dma_start3A_785 = arith.constant 0 : i32
      %dma_start3A_786 = arith.constant 0 : i32
      %dma_start3A_787 = tpu.memref_slice %arg18[%dma_start3A_785, %dma_start3A_786] : memref<10240x16xf32, #tpu.memory_space<vmem_shared>> -> memref<10240x16xf32, #tpu.memory_space<vmem_shared>>
      tpu.enqueue_indirect_dma source(%arg14 : memref<128x16xf32, #tpu.memory_space<vmem>>) target(%dma_start3A_787 : memref<10240x16xf32, #tpu.memory_space<vmem_shared>>) offsets(%dma_start3A_784 : memref<128xi32, #tpu.memory_space<vmem>>) semaphore(%arg20 : memref<!tpu.dma_semaphore, #tpu.memory_space<semaphore_mem>>) {add = true}
      %dma_start3A_788 = arith.constant 1 : i32
      %dma_start3A_789 = arith.constant 128 : i32
      %dma_start3A_790 = arith.constant 0 : i32
      %dma_start3A_791 = tpu.memref_slice %arg12[%dma_start3A_789, %dma_start3A_790] : memref<384x64xf32, #tpu.memory_space<vmem>> -> memref<128x64xf32, #tpu.memory_space<vmem>>
      %dma_start3A_792 = arith.constant 0 : i32
      %dma_start3A_793 = tpu.memref_slice %arg9[%dma_start3A_788, %dma_start3A_792] : memref<3x128xi32, #tpu.memory_space<vmem>> -> memref<1x128xi32, #tpu.memory_space<vmem>>
      %dma_start3A_794 = tpu.memref_squeeze %dma_start3A_793 : memref<1x128xi32, #tpu.memory_space<vmem>> -> memref<128xi32, #tpu.memory_space<vmem>>
      %dma_start3A_795 = arith.constant 0 : i32
      %dma_start3A_796 = arith.constant 0 : i32
      %dma_start3A_797 = tpu.memref_slice %arg17[%dma_start3A_795, %dma_start3A_796] : memref<10240x64xf32, #tpu.memory_space<vmem_shared>> -> memref<10240x64xf32, #tpu.memory_space<vmem_shared>>
      tpu.enqueue_indirect_dma source(%dma_start3A_791 : memref<128x64xf32, #tpu.memory_space<vmem>>) target(%dma_start3A_797 : memref<10240x64xf32, #tpu.memory_space<vmem_shared>>) offsets(%dma_start3A_794 : memref<128xi32, #tpu.memory_space<vmem>>) semaphore(%arg20 : memref<!tpu.dma_semaphore, #tpu.memory_space<semaphore_mem>>) {add = true}
      %dma_start3A_798 = arith.constant 1 : i32
      %dma_start3A_799 = arith.constant 0 : i32
      %dma_start3A_800 = tpu.memref_slice %arg9[%dma_start3A_798, %dma_start3A_799] : memref<3x128xi32, #tpu.memory_space<vmem>> -> memref<1x128xi32, #tpu.memory_space<vmem>>
      %dma_start3A_801 = tpu.memref_squeeze %dma_start3A_800 : memref<1x128xi32, #tpu.memory_space<vmem>> -> memref<128xi32, #tpu.memory_space<vmem>>
      %dma_start3A_802 = arith.constant 0 : i32
      %dma_start3A_803 = arith.constant 0 : i32
      %dma_start3A_804 = tpu.memref_slice %arg18[%dma_start3A_802, %dma_start3A_803] : memref<10240x16xf32, #tpu.memory_space<vmem_shared>> -> memref<10240x16xf32, #tpu.memory_space<vmem_shared>>
      tpu.enqueue_indirect_dma source(%arg14 : memref<128x16xf32, #tpu.memory_space<vmem>>) target(%dma_start3A_804 : memref<10240x16xf32, #tpu.memory_space<vmem_shared>>) offsets(%dma_start3A_801 : memref<128xi32, #tpu.memory_space<vmem>>) semaphore(%arg20 : memref<!tpu.dma_semaphore, #tpu.memory_space<semaphore_mem>>) {add = true}
      %dma_start3A_805 = arith.constant 2 : i32
      %dma_start3A_806 = arith.constant 256 : i32
      %dma_start3A_807 = arith.constant 0 : i32
      %dma_start3A_808 = tpu.memref_slice %arg12[%dma_start3A_806, %dma_start3A_807] : memref<384x64xf32, #tpu.memory_space<vmem>> -> memref<128x64xf32, #tpu.memory_space<vmem>>
      %dma_start3A_809 = arith.constant 0 : i32
      %dma_start3A_810 = tpu.memref_slice %arg9[%dma_start3A_805, %dma_start3A_809] : memref<3x128xi32, #tpu.memory_space<vmem>> -> memref<1x128xi32, #tpu.memory_space<vmem>>
      %dma_start3A_811 = tpu.memref_squeeze %dma_start3A_810 : memref<1x128xi32, #tpu.memory_space<vmem>> -> memref<128xi32, #tpu.memory_space<vmem>>
      %dma_start3A_812 = arith.constant 0 : i32
      %dma_start3A_813 = arith.constant 0 : i32
      %dma_start3A_814 = tpu.memref_slice %arg17[%dma_start3A_812, %dma_start3A_813] : memref<10240x64xf32, #tpu.memory_space<vmem_shared>> -> memref<10240x64xf32, #tpu.memory_space<vmem_shared>>
      tpu.enqueue_indirect_dma source(%dma_start3A_808 : memref<128x64xf32, #tpu.memory_space<vmem>>) target(%dma_start3A_814 : memref<10240x64xf32, #tpu.memory_space<vmem_shared>>) offsets(%dma_start3A_811 : memref<128xi32, #tpu.memory_space<vmem>>) semaphore(%arg20 : memref<!tpu.dma_semaphore, #tpu.memory_space<semaphore_mem>>) {add = true}
      %dma_start3A_815 = arith.constant 2 : i32
      %dma_start3A_816 = arith.constant 0 : i32
      %dma_start3A_817 = tpu.memref_slice %arg9[%dma_start3A_815, %dma_start3A_816] : memref<3x128xi32, #tpu.memory_space<vmem>> -> memref<1x128xi32, #tpu.memory_space<vmem>>
      %dma_start3A_818 = tpu.memref_squeeze %dma_start3A_817 : memref<1x128xi32, #tpu.memory_space<vmem>> -> memref<128xi32, #tpu.memory_space<vmem>>
      %dma_start3A_819 = arith.constant 0 : i32
      %dma_start3A_820 = arith.constant 0 : i32
      %dma_start3A_821 = tpu.memref_slice %arg18[%dma_start3A_819, %dma_start3A_820] : memref<10240x16xf32, #tpu.memory_space<vmem_shared>> -> memref<10240x16xf32, #tpu.memory_space<vmem_shared>>
      tpu.enqueue_indirect_dma source(%arg14 : memref<128x16xf32, #tpu.memory_space<vmem>>) target(%dma_start3A_821 : memref<10240x16xf32, #tpu.memory_space<vmem_shared>>) offsets(%dma_start3A_818 : memref<128xi32, #tpu.memory_space<vmem>>) semaphore(%arg20 : memref<!tpu.dma_semaphore, #tpu.memory_space<semaphore_mem>>) {add = true}
      %mul3A_822 = arith.constant 128 : i32
      %mul3A_823 = arith.muli %add3A_770, %mul3A_822 : i32
      "tpu.region"() ({
        %run_scoped3A = tpu.sem_alloc : memref<!tpu.dma_semaphore, #tpu.memory_space<semaphore_mem>>
        %dma_start3A_1303 = tpu.memref_slice %arg2[%mul3A_823] : memref<320000xi32, #tpu.memory_space<hbm>> -> memref<384xi32, #tpu.memory_space<hbm>>
        %dma_start3A_1304 = tpu.memref_slice %arg2[%mul3A_823] : memref<320000xi32, #tpu.memory_space<hbm>> -> memref<384xi32, #tpu.memory_space<hbm>>
        tpu.enqueue_dma source(%dma_start3A_1304 : memref<384xi32, #tpu.memory_space<hbm>>) target(%arg10 : memref<384xi32, #tpu.memory_space<vmem>>) target_semaphore(%run_scoped3A : memref<!tpu.dma_semaphore, #tpu.memory_space<semaphore_mem>>)
        %dma_wait3A_1305 = tpu.memref_slice %arg2[%mul3A_823] : memref<320000xi32, #tpu.memory_space<hbm>> -> memref<384xi32, #tpu.memory_space<hbm>>
        %dma_wait3A_1306 = tpu.memref_slice %arg2[%mul3A_823] : memref<320000xi32, #tpu.memory_space<hbm>> -> memref<384xi32, #tpu.memory_space<hbm>>
        tpu.wait_dma2 semaphore(%run_scoped3A : memref<!tpu.dma_semaphore, #tpu.memory_space<semaphore_mem>>) src(%dma_wait3A_1306 : memref<384xi32, #tpu.memory_space<hbm>>) dst(%arg10 : memref<384xi32, #tpu.memory_space<vmem>>)
        tpu.yield
      }) : () -> ()
      "tpu.region"() ({
        %run_scoped3A = tpu.sem_alloc : memref<!tpu.dma_semaphore, #tpu.memory_space<semaphore_mem>>
        %dma_start3A_1303 = arith.constant 0 : i32
        %dma_start3A_1304 = tpu.memref_slice %arg3[%add3A_770, %dma_start3A_1303] : memref<2500x128xi32, #tpu.memory_space<hbm>> -> memref<3x128xi32, #tpu.memory_space<hbm>>
        %dma_start3A_1305 = arith.constant 0 : i32
        %dma_start3A_1306 = tpu.memref_slice %arg3[%add3A_770, %dma_start3A_1305] : memref<2500x128xi32, #tpu.memory_space<hbm>> -> memref<3x128xi32, #tpu.memory_space<hbm>>
        tpu.enqueue_dma source(%dma_start3A_1306 : memref<3x128xi32, #tpu.memory_space<hbm>>) target(%arg11 : memref<3x128xi32, #tpu.memory_space<vmem>>) target_semaphore(%run_scoped3A : memref<!tpu.dma_semaphore, #tpu.memory_space<semaphore_mem>>)
        %dma_wait3A_1307 = arith.constant 0 : i32
        %dma_wait3A_1308 = tpu.memref_slice %arg3[%add3A_770, %dma_wait3A_1307] : memref<2500x128xi32, #tpu.memory_space<hbm>> -> memref<3x128xi32, #tpu.memory_space<hbm>>
        %dma_wait3A_1309 = arith.constant 0 : i32
        %dma_wait3A_1310 = tpu.memref_slice %arg3[%add3A_770, %dma_wait3A_1309] : memref<2500x128xi32, #tpu.memory_space<hbm>> -> memref<3x128xi32, #tpu.memory_space<hbm>>
        tpu.wait_dma2 semaphore(%run_scoped3A : memref<!tpu.dma_semaphore, #tpu.memory_space<semaphore_mem>>) src(%dma_wait3A_1310 : memref<3x128xi32, #tpu.memory_space<hbm>>) dst(%arg11 : memref<3x128xi32, #tpu.memory_space<vmem>>)
        tpu.yield
      }) : () -> ()
      %get3A_824 = arith.constant 0 : index
      %get3A_825 = tpu.vector_load %arg10[%get3A_824] {strides = array<i32>} : memref<384xi32, #tpu.memory_space<vmem>>, vector<16xi32>,
      %get3A_826 = vector.shape_cast %get3A_825 : vector<16xi32> to vector<16xi32>
      %mul3A_827 = arith.constant 2 : i32
      %mul3A_828 = vector.broadcast %mul3A_827 : i32 to vector<16xi32>
      %mul3A_829 = arith.muli %get3A_826, %mul3A_828 : vector<16xi32>
      %add3A_830 = arith.constant 0 : i32
      %add3A_831 = vector.broadcast %add3A_830 : i32 to vector<16xi32>
      %add3A_832 = arith.addi %mul3A_829, %add3A_831 : vector<16xi32>
      %swap3A_833 = arith.constant 0 : index
      %swap3A_834 = tpu.vector_load %arg10[%swap3A_833] {strides = array<i32>} : memref<384xi32, #tpu.memory_space<vmem>>, vector<16xi32>,
      %swap3A_835 = vector.shape_cast %swap3A_834 : vector<16xi32> to vector<16xi32>
      %swap3A_836 = vector.shape_cast %add3A_832 : vector<16xi32> to vector<16xi32>
      tpu.vector_store %arg10[%swap3A_833], %swap3A_836 {strides = array<i32>} : memref<384xi32, #tpu.memory_space<vmem>>, vector<16xi32>,
      %get3A_837 = arith.constant 16 : index
      %get3A_838 = tpu.vector_load %arg10[%get3A_837] {strides = array<i32>} : memref<384xi32, #tpu.memory_space<vmem>>, vector<16xi32>,
      %get3A_839 = vector.shape_cast %get3A_838 : vector<16xi32> to vector<16xi32>
      %mul3A_840 = arith.constant 2 : i32
      %mul3A_841 = vector.broadcast %mul3A_840 : i32 to vector<16xi32>
      %mul3A_842 = arith.muli %get3A_839, %mul3A_841 : vector<16xi32>
      %add3A_843 = arith.constant 0 : i32
      %add3A_844 = vector.broadcast %add3A_843 : i32 to vector<16xi32>
      %add3A_845 = arith.addi %mul3A_842, %add3A_844 : vector<16xi32>
      %swap3A_846 = arith.constant 16 : index
      %swap3A_847 = tpu.vector_load %arg10[%swap3A_846] {strides = array<i32>} : memref<384xi32, #tpu.memory_space<vmem>>, vector<16xi32>,
      %swap3A_848 = vector.shape_cast %swap3A_847 : vector<16xi32> to vector<16xi32>
      %swap3A_849 = vector.shape_cast %add3A_845 : vector<16xi32> to vector<16xi32>
      tpu.vector_store %arg10[%swap3A_846], %swap3A_849 {strides = array<i32>} : memref<384xi32, #tpu.memory_space<vmem>>, vector<16xi32>,
      %get3A_850 = arith.constant 32 : index
      %get3A_851 = tpu.vector_load %arg10[%get3A_850] {strides = array<i32>} : memref<384xi32, #tpu.memory_space<vmem>>, vector<16xi32>,
      %get3A_852 = vector.shape_cast %get3A_851 : vector<16xi32> to vector<16xi32>
      %mul3A_853 = arith.constant 2 : i32
      %mul3A_854 = vector.broadcast %mul3A_853 : i32 to vector<16xi32>
      %mul3A_855 = arith.muli %get3A_852, %mul3A_854 : vector<16xi32>
      %add3A_856 = arith.constant 0 : i32
      %add3A_857 = vector.broadcast %add3A_856 : i32 to vector<16xi32>
      %add3A_858 = arith.addi %mul3A_855, %add3A_857 : vector<16xi32>
      %swap3A_859 = arith.constant 32 : index
      %swap3A_860 = tpu.vector_load %arg10[%swap3A_859] {strides = array<i32>} : memref<384xi32, #tpu.memory_space<vmem>>, vector<16xi32>,
      %swap3A_861 = vector.shape_cast %swap3A_860 : vector<16xi32> to vector<16xi32>
      %swap3A_862 = vector.shape_cast %add3A_858 : vector<16xi32> to vector<16xi32>
      tpu.vector_store %arg10[%swap3A_859], %swap3A_862 {strides = array<i32>} : memref<384xi32, #tpu.memory_space<vmem>>, vector<16xi32>,
      %get3A_863 = arith.constant 48 : index
      %get3A_864 = tpu.vector_load %arg10[%get3A_863] {strides = array<i32>} : memref<384xi32, #tpu.memory_space<vmem>>, vector<16xi32>,
      %get3A_865 = vector.shape_cast %get3A_864 : vector<16xi32> to vector<16xi32>
      %mul3A_866 = arith.constant 2 : i32
      %mul3A_867 = vector.broadcast %mul3A_866 : i32 to vector<16xi32>
      %mul3A_868 = arith.muli %get3A_865, %mul3A_867 : vector<16xi32>
      %add3A_869 = arith.constant 0 : i32
      %add3A_870 = vector.broadcast %add3A_869 : i32 to vector<16xi32>
      %add3A_871 = arith.addi %mul3A_868, %add3A_870 : vector<16xi32>
      %swap3A_872 = arith.constant 48 : index
      %swap3A_873 = tpu.vector_load %arg10[%swap3A_872] {strides = array<i32>} : memref<384xi32, #tpu.memory_space<vmem>>, vector<16xi32>,
      %swap3A_874 = vector.shape_cast %swap3A_873 : vector<16xi32> to vector<16xi32>
      %swap3A_875 = vector.shape_cast %add3A_871 : vector<16xi32> to vector<16xi32>
      tpu.vector_store %arg10[%swap3A_872], %swap3A_875 {strides = array<i32>} : memref<384xi32, #tpu.memory_space<vmem>>, vector<16xi32>,
      %get3A_876 = arith.constant 64 : index
      %get3A_877 = tpu.vector_load %arg10[%get3A_876] {strides = array<i32>} : memref<384xi32, #tpu.memory_space<vmem>>, vector<16xi32>,
      %get3A_878 = vector.shape_cast %get3A_877 : vector<16xi32> to vector<16xi32>
      %mul3A_879 = arith.constant 2 : i32
      %mul3A_880 = vector.broadcast %mul3A_879 : i32 to vector<16xi32>
      %mul3A_881 = arith.muli %get3A_878, %mul3A_880 : vector<16xi32>
      %add3A_882 = arith.constant 0 : i32
      %add3A_883 = vector.broadcast %add3A_882 : i32 to vector<16xi32>
      %add3A_884 = arith.addi %mul3A_881, %add3A_883 : vector<16xi32>
      %swap3A_885 = arith.constant 64 : index
      %swap3A_886 = tpu.vector_load %arg10[%swap3A_885] {strides = array<i32>} : memref<384xi32, #tpu.memory_space<vmem>>, vector<16xi32>,
      %swap3A_887 = vector.shape_cast %swap3A_886 : vector<16xi32> to vector<16xi32>
      %swap3A_888 = vector.shape_cast %add3A_884 : vector<16xi32> to vector<16xi32>
      tpu.vector_store %arg10[%swap3A_885], %swap3A_888 {strides = array<i32>} : memref<384xi32, #tpu.memory_space<vmem>>, vector<16xi32>,
      %get3A_889 = arith.constant 80 : index
      %get3A_890 = tpu.vector_load %arg10[%get3A_889] {strides = array<i32>} : memref<384xi32, #tpu.memory_space<vmem>>, vector<16xi32>,
      %get3A_891 = vector.shape_cast %get3A_890 : vector<16xi32> to vector<16xi32>
      %mul3A_892 = arith.constant 2 : i32
      %mul3A_893 = vector.broadcast %mul3A_892 : i32 to vector<16xi32>
      %mul3A_894 = arith.muli %get3A_891, %mul3A_893 : vector<16xi32>
      %add3A_895 = arith.constant 0 : i32
      %add3A_896 = vector.broadcast %add3A_895 : i32 to vector<16xi32>
      %add3A_897 = arith.addi %mul3A_894, %add3A_896 : vector<16xi32>
      %swap3A_898 = arith.constant 80 : index
      %swap3A_899 = tpu.vector_load %arg10[%swap3A_898] {strides = array<i32>} : memref<384xi32, #tpu.memory_space<vmem>>, vector<16xi32>,
      %swap3A_900 = vector.shape_cast %swap3A_899 : vector<16xi32> to vector<16xi32>
      %swap3A_901 = vector.shape_cast %add3A_897 : vector<16xi32> to vector<16xi32>
      tpu.vector_store %arg10[%swap3A_898], %swap3A_901 {strides = array<i32>} : memref<384xi32, #tpu.memory_space<vmem>>, vector<16xi32>,
      %get3A_902 = arith.constant 96 : index
      %get3A_903 = tpu.vector_load %arg10[%get3A_902] {strides = array<i32>} : memref<384xi32, #tpu.memory_space<vmem>>, vector<16xi32>,
      %get3A_904 = vector.shape_cast %get3A_903 : vector<16xi32> to vector<16xi32>
      %mul3A_905 = arith.constant 2 : i32
      %mul3A_906 = vector.broadcast %mul3A_905 : i32 to vector<16xi32>
      %mul3A_907 = arith.muli %get3A_904, %mul3A_906 : vector<16xi32>
      %add3A_908 = arith.constant 0 : i32
      %add3A_909 = vector.broadcast %add3A_908 : i32 to vector<16xi32>
      %add3A_910 = arith.addi %mul3A_907, %add3A_909 : vector<16xi32>
      %swap3A_911 = arith.constant 96 : index
      %swap3A_912 = tpu.vector_load %arg10[%swap3A_911] {strides = array<i32>} : memref<384xi32, #tpu.memory_space<vmem>>, vector<16xi32>,
      %swap3A_913 = vector.shape_cast %swap3A_912 : vector<16xi32> to vector<16xi32>
      %swap3A_914 = vector.shape_cast %add3A_910 : vector<16xi32> to vector<16xi32>
      tpu.vector_store %arg10[%swap3A_911], %swap3A_914 {strides = array<i32>} : memref<384xi32, #tpu.memory_space<vmem>>, vector<16xi32>,
      %get3A_915 = arith.constant 112 : index
      %get3A_916 = tpu.vector_load %arg10[%get3A_915] {strides = array<i32>} : memref<384xi32, #tpu.memory_space<vmem>>, vector<16xi32>,
      %get3A_917 = vector.shape_cast %get3A_916 : vector<16xi32> to vector<16xi32>
      %mul3A_918 = arith.constant 2 : i32
      %mul3A_919 = vector.broadcast %mul3A_918 : i32 to vector<16xi32>
      %mul3A_920 = arith.muli %get3A_917, %mul3A_919 : vector<16xi32>
      %add3A_921 = arith.constant 0 : i32
      %add3A_922 = vector.broadcast %add3A_921 : i32 to vector<16xi32>
      %add3A_923 = arith.addi %mul3A_920, %add3A_922 : vector<16xi32>
      %swap3A_924 = arith.constant 112 : index
      %swap3A_925 = tpu.vector_load %arg10[%swap3A_924] {strides = array<i32>} : memref<384xi32, #tpu.memory_space<vmem>>, vector<16xi32>,
      %swap3A_926 = vector.shape_cast %swap3A_925 : vector<16xi32> to vector<16xi32>
      %swap3A_927 = vector.shape_cast %add3A_923 : vector<16xi32> to vector<16xi32>
      tpu.vector_store %arg10[%swap3A_924], %swap3A_927 {strides = array<i32>} : memref<384xi32, #tpu.memory_space<vmem>>, vector<16xi32>,
      %get3A_928 = arith.constant 128 : index
      %get3A_929 = tpu.vector_load %arg10[%get3A_928] {strides = array<i32>} : memref<384xi32, #tpu.memory_space<vmem>>, vector<16xi32>,
      %get3A_930 = vector.shape_cast %get3A_929 : vector<16xi32> to vector<16xi32>
      %mul3A_931 = arith.constant 2 : i32
      %mul3A_932 = vector.broadcast %mul3A_931 : i32 to vector<16xi32>
      %mul3A_933 = arith.muli %get3A_930, %mul3A_932 : vector<16xi32>
      %add3A_934 = arith.constant 0 : i32
      %add3A_935 = vector.broadcast %add3A_934 : i32 to vector<16xi32>
      %add3A_936 = arith.addi %mul3A_933, %add3A_935 : vector<16xi32>
      %swap3A_937 = arith.constant 128 : index
      %swap3A_938 = tpu.vector_load %arg10[%swap3A_937] {strides = array<i32>} : memref<384xi32, #tpu.memory_space<vmem>>, vector<16xi32>,
      %swap3A_939 = vector.shape_cast %swap3A_938 : vector<16xi32> to vector<16xi32>
      %swap3A_940 = vector.shape_cast %add3A_936 : vector<16xi32> to vector<16xi32>
      tpu.vector_store %arg10[%swap3A_937], %swap3A_940 {strides = array<i32>} : memref<384xi32, #tpu.memory_space<vmem>>, vector<16xi32>,
      %get3A_941 = arith.constant 144 : index
      %get3A_942 = tpu.vector_load %arg10[%get3A_941] {strides = array<i32>} : memref<384xi32, #tpu.memory_space<vmem>>, vector<16xi32>,
      %get3A_943 = vector.shape_cast %get3A_942 : vector<16xi32> to vector<16xi32>
      %mul3A_944 = arith.constant 2 : i32
      %mul3A_945 = vector.broadcast %mul3A_944 : i32 to vector<16xi32>
      %mul3A_946 = arith.muli %get3A_943, %mul3A_945 : vector<16xi32>
      %add3A_947 = arith.constant 0 : i32
      %add3A_948 = vector.broadcast %add3A_947 : i32 to vector<16xi32>
      %add3A_949 = arith.addi %mul3A_946, %add3A_948 : vector<16xi32>
      %swap3A_950 = arith.constant 144 : index
      %swap3A_951 = tpu.vector_load %arg10[%swap3A_950] {strides = array<i32>} : memref<384xi32, #tpu.memory_space<vmem>>, vector<16xi32>,
      %swap3A_952 = vector.shape_cast %swap3A_951 : vector<16xi32> to vector<16xi32>
      %swap3A_953 = vector.shape_cast %add3A_949 : vector<16xi32> to vector<16xi32>
      tpu.vector_store %arg10[%swap3A_950], %swap3A_953 {strides = array<i32>} : memref<384xi32, #tpu.memory_space<vmem>>, vector<16xi32>,
      %get3A_954 = arith.constant 160 : index
      %get3A_955 = tpu.vector_load %arg10[%get3A_954] {strides = array<i32>} : memref<384xi32, #tpu.memory_space<vmem>>, vector<16xi32>,
      %get3A_956 = vector.shape_cast %get3A_955 : vector<16xi32> to vector<16xi32>
      %mul3A_957 = arith.constant 2 : i32
      %mul3A_958 = vector.broadcast %mul3A_957 : i32 to vector<16xi32>
      %mul3A_959 = arith.muli %get3A_956, %mul3A_958 : vector<16xi32>
      %add3A_960 = arith.constant 0 : i32
      %add3A_961 = vector.broadcast %add3A_960 : i32 to vector<16xi32>
      %add3A_962 = arith.addi %mul3A_959, %add3A_961 : vector<16xi32>
      %swap3A_963 = arith.constant 160 : index
      %swap3A_964 = tpu.vector_load %arg10[%swap3A_963] {strides = array<i32>} : memref<384xi32, #tpu.memory_space<vmem>>, vector<16xi32>,
      %swap3A_965 = vector.shape_cast %swap3A_964 : vector<16xi32> to vector<16xi32>
      %swap3A_966 = vector.shape_cast %add3A_962 : vector<16xi32> to vector<16xi32>
      tpu.vector_store %arg10[%swap3A_963], %swap3A_966 {strides = array<i32>} : memref<384xi32, #tpu.memory_space<vmem>>, vector<16xi32>,
      %get3A_967 = arith.constant 176 : index
      %get3A_968 = tpu.vector_load %arg10[%get3A_967] {strides = array<i32>} : memref<384xi32, #tpu.memory_space<vmem>>, vector<16xi32>,
      %get3A_969 = vector.shape_cast %get3A_968 : vector<16xi32> to vector<16xi32>
      %mul3A_970 = arith.constant 2 : i32
      %mul3A_971 = vector.broadcast %mul3A_970 : i32 to vector<16xi32>
      %mul3A_972 = arith.muli %get3A_969, %mul3A_971 : vector<16xi32>
      %add3A_973 = arith.constant 0 : i32
      %add3A_974 = vector.broadcast %add3A_973 : i32 to vector<16xi32>
      %add3A_975 = arith.addi %mul3A_972, %add3A_974 : vector<16xi32>
      %swap3A_976 = arith.constant 176 : index
      %swap3A_977 = tpu.vector_load %arg10[%swap3A_976] {strides = array<i32>} : memref<384xi32, #tpu.memory_space<vmem>>, vector<16xi32>,
      %swap3A_978 = vector.shape_cast %swap3A_977 : vector<16xi32> to vector<16xi32>
      %swap3A_979 = vector.shape_cast %add3A_975 : vector<16xi32> to vector<16xi32>
      tpu.vector_store %arg10[%swap3A_976], %swap3A_979 {strides = array<i32>} : memref<384xi32, #tpu.memory_space<vmem>>, vector<16xi32>,
      %get3A_980 = arith.constant 192 : index
      %get3A_981 = tpu.vector_load %arg10[%get3A_980] {strides = array<i32>} : memref<384xi32, #tpu.memory_space<vmem>>, vector<16xi32>,
      %get3A_982 = vector.shape_cast %get3A_981 : vector<16xi32> to vector<16xi32>
      %mul3A_983 = arith.constant 2 : i32
      %mul3A_984 = vector.broadcast %mul3A_983 : i32 to vector<16xi32>
      %mul3A_985 = arith.muli %get3A_982, %mul3A_984 : vector<16xi32>
      %add3A_986 = arith.constant 0 : i32
      %add3A_987 = vector.broadcast %add3A_986 : i32 to vector<16xi32>
      %add3A_988 = arith.addi %mul3A_985, %add3A_987 : vector<16xi32>
      %swap3A_989 = arith.constant 192 : index
      %swap3A_990 = tpu.vector_load %arg10[%swap3A_989] {strides = array<i32>} : memref<384xi32, #tpu.memory_space<vmem>>, vector<16xi32>,
      %swap3A_991 = vector.shape_cast %swap3A_990 : vector<16xi32> to vector<16xi32>
      %swap3A_992 = vector.shape_cast %add3A_988 : vector<16xi32> to vector<16xi32>
      tpu.vector_store %arg10[%swap3A_989], %swap3A_992 {strides = array<i32>} : memref<384xi32, #tpu.memory_space<vmem>>, vector<16xi32>,
      %get3A_993 = arith.constant 208 : index
      %get3A_994 = tpu.vector_load %arg10[%get3A_993] {strides = array<i32>} : memref<384xi32, #tpu.memory_space<vmem>>, vector<16xi32>,
      %get3A_995 = vector.shape_cast %get3A_994 : vector<16xi32> to vector<16xi32>
      %mul3A_996 = arith.constant 2 : i32
      %mul3A_997 = vector.broadcast %mul3A_996 : i32 to vector<16xi32>
      %mul3A_998 = arith.muli %get3A_995, %mul3A_997 : vector<16xi32>
      %add3A_999 = arith.constant 0 : i32
      %add3A_1000 = vector.broadcast %add3A_999 : i32 to vector<16xi32>
      %add3A_1001 = arith.addi %mul3A_998, %add3A_1000 : vector<16xi32>
      %swap3A_1002 = arith.constant 208 : index
      %swap3A_1003 = tpu.vector_load %arg10[%swap3A_1002] {strides = array<i32>} : memref<384xi32, #tpu.memory_space<vmem>>, vector<16xi32>,
      %swap3A_1004 = vector.shape_cast %swap3A_1003 : vector<16xi32> to vector<16xi32>
      %swap3A_1005 = vector.shape_cast %add3A_1001 : vector<16xi32> to vector<16xi32>
      tpu.vector_store %arg10[%swap3A_1002], %swap3A_1005 {strides = array<i32>} : memref<384xi32, #tpu.memory_space<vmem>>, vector<16xi32>,
      %get3A_1006 = arith.constant 224 : index
      %get3A_1007 = tpu.vector_load %arg10[%get3A_1006] {strides = array<i32>} : memref<384xi32, #tpu.memory_space<vmem>>, vector<16xi32>,
      %get3A_1008 = vector.shape_cast %get3A_1007 : vector<16xi32> to vector<16xi32>
      %mul3A_1009 = arith.constant 2 : i32
      %mul3A_1010 = vector.broadcast %mul3A_1009 : i32 to vector<16xi32>
      %mul3A_1011 = arith.muli %get3A_1008, %mul3A_1010 : vector<16xi32>
      %add3A_1012 = arith.constant 0 : i32
      %add3A_1013 = vector.broadcast %add3A_1012 : i32 to vector<16xi32>
      %add3A_1014 = arith.addi %mul3A_1011, %add3A_1013 : vector<16xi32>
      %swap3A_1015 = arith.constant 224 : index
      %swap3A_1016 = tpu.vector_load %arg10[%swap3A_1015] {strides = array<i32>} : memref<384xi32, #tpu.memory_space<vmem>>, vector<16xi32>,
      %swap3A_1017 = vector.shape_cast %swap3A_1016 : vector<16xi32> to vector<16xi32>
      %swap3A_1018 = vector.shape_cast %add3A_1014 : vector<16xi32> to vector<16xi32>
      tpu.vector_store %arg10[%swap3A_1015], %swap3A_1018 {strides = array<i32>} : memref<384xi32, #tpu.memory_space<vmem>>, vector<16xi32>,
      %get3A_1019 = arith.constant 240 : index
      %get3A_1020 = tpu.vector_load %arg10[%get3A_1019] {strides = array<i32>} : memref<384xi32, #tpu.memory_space<vmem>>, vector<16xi32>,
      %get3A_1021 = vector.shape_cast %get3A_1020 : vector<16xi32> to vector<16xi32>
      %mul3A_1022 = arith.constant 2 : i32
      %mul3A_1023 = vector.broadcast %mul3A_1022 : i32 to vector<16xi32>
      %mul3A_1024 = arith.muli %get3A_1021, %mul3A_1023 : vector<16xi32>
      %add3A_1025 = arith.constant 0 : i32
      %add3A_1026 = vector.broadcast %add3A_1025 : i32 to vector<16xi32>
      %add3A_1027 = arith.addi %mul3A_1024, %add3A_1026 : vector<16xi32>
      %swap3A_1028 = arith.constant 240 : index
      %swap3A_1029 = tpu.vector_load %arg10[%swap3A_1028] {strides = array<i32>} : memref<384xi32, #tpu.memory_space<vmem>>, vector<16xi32>,
      %swap3A_1030 = vector.shape_cast %swap3A_1029 : vector<16xi32> to vector<16xi32>
      %swap3A_1031 = vector.shape_cast %add3A_1027 : vector<16xi32> to vector<16xi32>
      tpu.vector_store %arg10[%swap3A_1028], %swap3A_1031 {strides = array<i32>} : memref<384xi32, #tpu.memory_space<vmem>>, vector<16xi32>,
      %get3A_1032 = arith.constant 256 : index
      %get3A_1033 = tpu.vector_load %arg10[%get3A_1032] {strides = array<i32>} : memref<384xi32, #tpu.memory_space<vmem>>, vector<16xi32>,
      %get3A_1034 = vector.shape_cast %get3A_1033 : vector<16xi32> to vector<16xi32>
      %mul3A_1035 = arith.constant 2 : i32
      %mul3A_1036 = vector.broadcast %mul3A_1035 : i32 to vector<16xi32>
      %mul3A_1037 = arith.muli %get3A_1034, %mul3A_1036 : vector<16xi32>
      %add3A_1038 = arith.constant 0 : i32
      %add3A_1039 = vector.broadcast %add3A_1038 : i32 to vector<16xi32>
      %add3A_1040 = arith.addi %mul3A_1037, %add3A_1039 : vector<16xi32>
      %swap3A_1041 = arith.constant 256 : index
      %swap3A_1042 = tpu.vector_load %arg10[%swap3A_1041] {strides = array<i32>} : memref<384xi32, #tpu.memory_space<vmem>>, vector<16xi32>,
      %swap3A_1043 = vector.shape_cast %swap3A_1042 : vector<16xi32> to vector<16xi32>
      %swap3A_1044 = vector.shape_cast %add3A_1040 : vector<16xi32> to vector<16xi32>
      tpu.vector_store %arg10[%swap3A_1041], %swap3A_1044 {strides = array<i32>} : memref<384xi32, #tpu.memory_space<vmem>>, vector<16xi32>,
      %get3A_1045 = arith.constant 272 : index
      %get3A_1046 = tpu.vector_load %arg10[%get3A_1045] {strides = array<i32>} : memref<384xi32, #tpu.memory_space<vmem>>, vector<16xi32>,
      %get3A_1047 = vector.shape_cast %get3A_1046 : vector<16xi32> to vector<16xi32>
      %mul3A_1048 = arith.constant 2 : i32
      %mul3A_1049 = vector.broadcast %mul3A_1048 : i32 to vector<16xi32>
      %mul3A_1050 = arith.muli %get3A_1047, %mul3A_1049 : vector<16xi32>
      %add3A_1051 = arith.constant 0 : i32
      %add3A_1052 = vector.broadcast %add3A_1051 : i32 to vector<16xi32>
      %add3A_1053 = arith.addi %mul3A_1050, %add3A_1052 : vector<16xi32>
      %swap3A_1054 = arith.constant 272 : index
      %swap3A_1055 = tpu.vector_load %arg10[%swap3A_1054] {strides = array<i32>} : memref<384xi32, #tpu.memory_space<vmem>>, vector<16xi32>,
      %swap3A_1056 = vector.shape_cast %swap3A_1055 : vector<16xi32> to vector<16xi32>
      %swap3A_1057 = vector.shape_cast %add3A_1053 : vector<16xi32> to vector<16xi32>
      tpu.vector_store %arg10[%swap3A_1054], %swap3A_1057 {strides = array<i32>} : memref<384xi32, #tpu.memory_space<vmem>>, vector<16xi32>,
      %get3A_1058 = arith.constant 288 : index
      %get3A_1059 = tpu.vector_load %arg10[%get3A_1058] {strides = array<i32>} : memref<384xi32, #tpu.memory_space<vmem>>, vector<16xi32>,
      %get3A_1060 = vector.shape_cast %get3A_1059 : vector<16xi32> to vector<16xi32>
      %mul3A_1061 = arith.constant 2 : i32
      %mul3A_1062 = vector.broadcast %mul3A_1061 : i32 to vector<16xi32>
      %mul3A_1063 = arith.muli %get3A_1060, %mul3A_1062 : vector<16xi32>
      %add3A_1064 = arith.constant 0 : i32
      %add3A_1065 = vector.broadcast %add3A_1064 : i32 to vector<16xi32>
      %add3A_1066 = arith.addi %mul3A_1063, %add3A_1065 : vector<16xi32>
      %swap3A_1067 = arith.constant 288 : index
      %swap3A_1068 = tpu.vector_load %arg10[%swap3A_1067] {strides = array<i32>} : memref<384xi32, #tpu.memory_space<vmem>>, vector<16xi32>,
      %swap3A_1069 = vector.shape_cast %swap3A_1068 : vector<16xi32> to vector<16xi32>
      %swap3A_1070 = vector.shape_cast %add3A_1066 : vector<16xi32> to vector<16xi32>
      tpu.vector_store %arg10[%swap3A_1067], %swap3A_1070 {strides = array<i32>} : memref<384xi32, #tpu.memory_space<vmem>>, vector<16xi32>,
      %get3A_1071 = arith.constant 304 : index
      %get3A_1072 = tpu.vector_load %arg10[%get3A_1071] {strides = array<i32>} : memref<384xi32, #tpu.memory_space<vmem>>, vector<16xi32>,
      %get3A_1073 = vector.shape_cast %get3A_1072 : vector<16xi32> to vector<16xi32>
      %mul3A_1074 = arith.constant 2 : i32
      %mul3A_1075 = vector.broadcast %mul3A_1074 : i32 to vector<16xi32>
      %mul3A_1076 = arith.muli %get3A_1073, %mul3A_1075 : vector<16xi32>
      %add3A_1077 = arith.constant 0 : i32
      %add3A_1078 = vector.broadcast %add3A_1077 : i32 to vector<16xi32>
      %add3A_1079 = arith.addi %mul3A_1076, %add3A_1078 : vector<16xi32>
      %swap3A_1080 = arith.constant 304 : index
      %swap3A_1081 = tpu.vector_load %arg10[%swap3A_1080] {strides = array<i32>} : memref<384xi32, #tpu.memory_space<vmem>>, vector<16xi32>,
      %swap3A_1082 = vector.shape_cast %swap3A_1081 : vector<16xi32> to vector<16xi32>
      %swap3A_1083 = vector.shape_cast %add3A_1079 : vector<16xi32> to vector<16xi32>
      tpu.vector_store %arg10[%swap3A_1080], %swap3A_1083 {strides = array<i32>} : memref<384xi32, #tpu.memory_space<vmem>>, vector<16xi32>,
      %get3A_1084 = arith.constant 320 : index
      %get3A_1085 = tpu.vector_load %arg10[%get3A_1084] {strides = array<i32>} : memref<384xi32, #tpu.memory_space<vmem>>, vector<16xi32>,
      %get3A_1086 = vector.shape_cast %get3A_1085 : vector<16xi32> to vector<16xi32>
      %mul3A_1087 = arith.constant 2 : i32
      %mul3A_1088 = vector.broadcast %mul3A_1087 : i32 to vector<16xi32>
      %mul3A_1089 = arith.muli %get3A_1086, %mul3A_1088 : vector<16xi32>
      %add3A_1090 = arith.constant 0 : i32
      %add3A_1091 = vector.broadcast %add3A_1090 : i32 to vector<16xi32>
      %add3A_1092 = arith.addi %mul3A_1089, %add3A_1091 : vector<16xi32>
      %swap3A_1093 = arith.constant 320 : index
      %swap3A_1094 = tpu.vector_load %arg10[%swap3A_1093] {strides = array<i32>} : memref<384xi32, #tpu.memory_space<vmem>>, vector<16xi32>,
      %swap3A_1095 = vector.shape_cast %swap3A_1094 : vector<16xi32> to vector<16xi32>
      %swap3A_1096 = vector.shape_cast %add3A_1092 : vector<16xi32> to vector<16xi32>
      tpu.vector_store %arg10[%swap3A_1093], %swap3A_1096 {strides = array<i32>} : memref<384xi32, #tpu.memory_space<vmem>>, vector<16xi32>,
      %get3A_1097 = arith.constant 336 : index
      %get3A_1098 = tpu.vector_load %arg10[%get3A_1097] {strides = array<i32>} : memref<384xi32, #tpu.memory_space<vmem>>, vector<16xi32>,
      %get3A_1099 = vector.shape_cast %get3A_1098 : vector<16xi32> to vector<16xi32>
      %mul3A_1100 = arith.constant 2 : i32
      %mul3A_1101 = vector.broadcast %mul3A_1100 : i32 to vector<16xi32>
      %mul3A_1102 = arith.muli %get3A_1099, %mul3A_1101 : vector<16xi32>
      %add3A_1103 = arith.constant 0 : i32
      %add3A_1104 = vector.broadcast %add3A_1103 : i32 to vector<16xi32>
      %add3A_1105 = arith.addi %mul3A_1102, %add3A_1104 : vector<16xi32>
      %swap3A_1106 = arith.constant 336 : index
      %swap3A_1107 = tpu.vector_load %arg10[%swap3A_1106] {strides = array<i32>} : memref<384xi32, #tpu.memory_space<vmem>>, vector<16xi32>,
      %swap3A_1108 = vector.shape_cast %swap3A_1107 : vector<16xi32> to vector<16xi32>
      %swap3A_1109 = vector.shape_cast %add3A_1105 : vector<16xi32> to vector<16xi32>
      tpu.vector_store %arg10[%swap3A_1106], %swap3A_1109 {strides = array<i32>} : memref<384xi32, #tpu.memory_space<vmem>>, vector<16xi32>,
      %get3A_1110 = arith.constant 352 : index
      %get3A_1111 = tpu.vector_load %arg10[%get3A_1110] {strides = array<i32>} : memref<384xi32, #tpu.memory_space<vmem>>, vector<16xi32>,
      %get3A_1112 = vector.shape_cast %get3A_1111 : vector<16xi32> to vector<16xi32>
      %mul3A_1113 = arith.constant 2 : i32
      %mul3A_1114 = vector.broadcast %mul3A_1113 : i32 to vector<16xi32>
      %mul3A_1115 = arith.muli %get3A_1112, %mul3A_1114 : vector<16xi32>
      %add3A_1116 = arith.constant 0 : i32
      %add3A_1117 = vector.broadcast %add3A_1116 : i32 to vector<16xi32>
      %add3A_1118 = arith.addi %mul3A_1115, %add3A_1117 : vector<16xi32>
      %swap3A_1119 = arith.constant 352 : index
      %swap3A_1120 = tpu.vector_load %arg10[%swap3A_1119] {strides = array<i32>} : memref<384xi32, #tpu.memory_space<vmem>>, vector<16xi32>,
      %swap3A_1121 = vector.shape_cast %swap3A_1120 : vector<16xi32> to vector<16xi32>
      %swap3A_1122 = vector.shape_cast %add3A_1118 : vector<16xi32> to vector<16xi32>
      tpu.vector_store %arg10[%swap3A_1119], %swap3A_1122 {strides = array<i32>} : memref<384xi32, #tpu.memory_space<vmem>>, vector<16xi32>,
      %get3A_1123 = arith.constant 368 : index
      %get3A_1124 = tpu.vector_load %arg10[%get3A_1123] {strides = array<i32>} : memref<384xi32, #tpu.memory_space<vmem>>, vector<16xi32>,
      %get3A_1125 = vector.shape_cast %get3A_1124 : vector<16xi32> to vector<16xi32>
      %mul3A_1126 = arith.constant 2 : i32
      %mul3A_1127 = vector.broadcast %mul3A_1126 : i32 to vector<16xi32>
      %mul3A_1128 = arith.muli %get3A_1125, %mul3A_1127 : vector<16xi32>
      %add3A_1129 = arith.constant 0 : i32
      %add3A_1130 = vector.broadcast %add3A_1129 : i32 to vector<16xi32>
      %add3A_1131 = arith.addi %mul3A_1128, %add3A_1130 : vector<16xi32>
      %swap3A_1132 = arith.constant 368 : index
      %swap3A_1133 = tpu.vector_load %arg10[%swap3A_1132] {strides = array<i32>} : memref<384xi32, #tpu.memory_space<vmem>>, vector<16xi32>,
      %swap3A_1134 = vector.shape_cast %swap3A_1133 : vector<16xi32> to vector<16xi32>
      %swap3A_1135 = vector.shape_cast %add3A_1131 : vector<16xi32> to vector<16xi32>
      tpu.vector_store %arg10[%swap3A_1132], %swap3A_1135 {strides = array<i32>} : memref<384xi32, #tpu.memory_space<vmem>>, vector<16xi32>,
      %dma_start3A_1136 = arith.constant 0 : i32
      %dma_start3A_1137 = arith.constant 0 : i32
      %dma_start3A_1138 = tpu.memref_slice %arg4[%dma_start3A_1136, %dma_start3A_1137] : memref<20000x64xf32, #tpu.memory_space<hbm>> -> memref<20000x64xf32, #tpu.memory_space<hbm>>
      tpu.enqueue_indirect_dma source(%dma_start3A_1138 : memref<20000x64xf32, #tpu.memory_space<hbm>>) target(%arg13 : memref<384x64xf32, #tpu.memory_space<vmem>>) offsets(%arg10 : memref<384xi32, #tpu.memory_space<vmem>>) semaphore(%arg19 : memref<!tpu.dma_semaphore, #tpu.memory_space<semaphore_mem>>)
      %dma_wait3A_1139 = arith.constant 0 : i32
      %dma_wait3A_1140 = arith.constant 0 : i32
      %dma_wait3A_1141 = arith.constant 0 : i32
      %dma_wait3A_1142 = tpu.memref_slice %arg12[%dma_wait3A_1140, %dma_wait3A_1141] : memref<384x64xf32, #tpu.memory_space<vmem>> -> memref<128x64xf32, #tpu.memory_space<vmem>>
      %dma_wait3A_1143 = arith.constant 0 : i32
      %dma_wait3A_1144 = tpu.memref_slice %arg9[%dma_wait3A_1139, %dma_wait3A_1143] : memref<3x128xi32, #tpu.memory_space<vmem>> -> memref<1x128xi32, #tpu.memory_space<vmem>>
      %dma_wait3A_1145 = tpu.memref_squeeze %dma_wait3A_1144 : memref<1x128xi32, #tpu.memory_space<vmem>> -> memref<128xi32, #tpu.memory_space<vmem>>
      %dma_wait3A_1146 = arith.constant 0 : i32
      %dma_wait3A_1147 = arith.constant 0 : i32
      %dma_wait3A_1148 = tpu.memref_slice %arg17[%dma_wait3A_1146, %dma_wait3A_1147] : memref<10240x64xf32, #tpu.memory_space<vmem_shared>> -> memref<10240x64xf32, #tpu.memory_space<vmem_shared>>
      tpu.wait_indirect_dma semaphore(%arg20 : memref<!tpu.dma_semaphore, #tpu.memory_space<semaphore_mem>>) src(%dma_wait3A_1142 : memref<128x64xf32, #tpu.memory_space<vmem>>) dst(%dma_wait3A_1148 : memref<10240x64xf32, #tpu.memory_space<vmem_shared>>)
      %dma_wait3A_1149 = arith.constant 0 : i32
      %dma_wait3A_1150 = arith.constant 0 : i32
      %dma_wait3A_1151 = tpu.memref_slice %arg9[%dma_wait3A_1149, %dma_wait3A_1150] : memref<3x128xi32, #tpu.memory_space<vmem>> -> memref<1x128xi32, #tpu.memory_space<vmem>>
      %dma_wait3A_1152 = tpu.memref_squeeze %dma_wait3A_1151 : memref<1x128xi32, #tpu.memory_space<vmem>> -> memref<128xi32, #tpu.memory_space<vmem>>
      %dma_wait3A_1153 = arith.constant 0 : i32
      %dma_wait3A_1154 = arith.constant 0 : i32
      %dma_wait3A_1155 = tpu.memref_slice %arg18[%dma_wait3A_1153, %dma_wait3A_1154] : memref<10240x16xf32, #tpu.memory_space<vmem_shared>> -> memref<10240x16xf32, #tpu.memory_space<vmem_shared>>
      tpu.wait_indirect_dma semaphore(%arg20 : memref<!tpu.dma_semaphore, #tpu.memory_space<semaphore_mem>>) src(%arg14 : memref<128x16xf32, #tpu.memory_space<vmem>>) dst(%dma_wait3A_1155 : memref<10240x16xf32, #tpu.memory_space<vmem_shared>>)
      %dma_wait3A_1156 = arith.constant 1 : i32
      %dma_wait3A_1157 = arith.constant 128 : i32
      %dma_wait3A_1158 = arith.constant 0 : i32
      %dma_wait3A_1159 = tpu.memref_slice %arg12[%dma_wait3A_1157, %dma_wait3A_1158] : memref<384x64xf32, #tpu.memory_space<vmem>> -> memref<128x64xf32, #tpu.memory_space<vmem>>
      %dma_wait3A_1160 = arith.constant 0 : i32
      %dma_wait3A_1161 = tpu.memref_slice %arg9[%dma_wait3A_1156, %dma_wait3A_1160] : memref<3x128xi32, #tpu.memory_space<vmem>> -> memref<1x128xi32, #tpu.memory_space<vmem>>
      %dma_wait3A_1162 = tpu.memref_squeeze %dma_wait3A_1161 : memref<1x128xi32, #tpu.memory_space<vmem>> -> memref<128xi32, #tpu.memory_space<vmem>>
      %dma_wait3A_1163 = arith.constant 0 : i32
      %dma_wait3A_1164 = arith.constant 0 : i32
      %dma_wait3A_1165 = tpu.memref_slice %arg17[%dma_wait3A_1163, %dma_wait3A_1164] : memref<10240x64xf32, #tpu.memory_space<vmem_shared>> -> memref<10240x64xf32, #tpu.memory_space<vmem_shared>>
      tpu.wait_indirect_dma semaphore(%arg20 : memref<!tpu.dma_semaphore, #tpu.memory_space<semaphore_mem>>) src(%dma_wait3A_1159 : memref<128x64xf32, #tpu.memory_space<vmem>>) dst(%dma_wait3A_1165 : memref<10240x64xf32, #tpu.memory_space<vmem_shared>>)
      %dma_wait3A_1166 = arith.constant 1 : i32
      %dma_wait3A_1167 = arith.constant 0 : i32
      %dma_wait3A_1168 = tpu.memref_slice %arg9[%dma_wait3A_1166, %dma_wait3A_1167] : memref<3x128xi32, #tpu.memory_space<vmem>> -> memref<1x128xi32, #tpu.memory_space<vmem>>
      %dma_wait3A_1169 = tpu.memref_squeeze %dma_wait3A_1168 : memref<1x128xi32, #tpu.memory_space<vmem>> -> memref<128xi32, #tpu.memory_space<vmem>>
      %dma_wait3A_1170 = arith.constant 0 : i32
      %dma_wait3A_1171 = arith.constant 0 : i32
      %dma_wait3A_1172 = tpu.memref_slice %arg18[%dma_wait3A_1170, %dma_wait3A_1171] : memref<10240x16xf32, #tpu.memory_space<vmem_shared>> -> memref<10240x16xf32, #tpu.memory_space<vmem_shared>>
      tpu.wait_indirect_dma semaphore(%arg20 : memref<!tpu.dma_semaphore, #tpu.memory_space<semaphore_mem>>) src(%arg14 : memref<128x16xf32, #tpu.memory_space<vmem>>) dst(%dma_wait3A_1172 : memref<10240x16xf32, #tpu.memory_space<vmem_shared>>)
      %dma_wait3A_1173 = arith.constant 2 : i32
      %dma_wait3A_1174 = arith.constant 256 : i32
      %dma_wait3A_1175 = arith.constant 0 : i32
      %dma_wait3A_1176 = tpu.memref_slice %arg12[%dma_wait3A_1174, %dma_wait3A_1175] : memref<384x64xf32, #tpu.memory_space<vmem>> -> memref<128x64xf32, #tpu.memory_space<vmem>>
      %dma_wait3A_1177 = arith.constant 0 : i32
      %dma_wait3A_1178 = tpu.memref_slice %arg9[%dma_wait3A_1173, %dma_wait3A_1177] : memref<3x128xi32, #tpu.memory_space<vmem>> -> memref<1x128xi32, #tpu.memory_space<vmem>>
      %dma_wait3A_1179 = tpu.memref_squeeze %dma_wait3A_1178 : memref<1x128xi32, #tpu.memory_space<vmem>> -> memref<128xi32, #tpu.memory_space<vmem>>
      %dma_wait3A_1180 = arith.constant 0 : i32
      %dma_wait3A_1181 = arith.constant 0 : i32
      %dma_wait3A_1182 = tpu.memref_slice %arg17[%dma_wait3A_1180, %dma_wait3A_1181] : memref<10240x64xf32, #tpu.memory_space<vmem_shared>> -> memref<10240x64xf32, #tpu.memory_space<vmem_shared>>
      tpu.wait_indirect_dma semaphore(%arg20 : memref<!tpu.dma_semaphore, #tpu.memory_space<semaphore_mem>>) src(%dma_wait3A_1176 : memref<128x64xf32, #tpu.memory_space<vmem>>) dst(%dma_wait3A_1182 : memref<10240x64xf32, #tpu.memory_space<vmem_shared>>)
      %dma_wait3A_1183 = arith.constant 2 : i32
      %dma_wait3A_1184 = arith.constant 0 : i32
      %dma_wait3A_1185 = tpu.memref_slice %arg9[%dma_wait3A_1183, %dma_wait3A_1184] : memref<3x128xi32, #tpu.memory_space<vmem>> -> memref<1x128xi32, #tpu.memory_space<vmem>>
      %dma_wait3A_1186 = tpu.memref_squeeze %dma_wait3A_1185 : memref<1x128xi32, #tpu.memory_space<vmem>> -> memref<128xi32, #tpu.memory_space<vmem>>
      %dma_wait3A_1187 = arith.constant 0 : i32
      %dma_wait3A_1188 = arith.constant 0 : i32
      %dma_wait3A_1189 = tpu.memref_slice %arg18[%dma_wait3A_1187, %dma_wait3A_1188] : memref<10240x16xf32, #tpu.memory_space<vmem_shared>> -> memref<10240x16xf32, #tpu.memory_space<vmem_shared>>
      tpu.wait_indirect_dma semaphore(%arg20 : memref<!tpu.dma_semaphore, #tpu.memory_space<semaphore_mem>>) src(%arg14 : memref<128x16xf32, #tpu.memory_space<vmem>>) dst(%dma_wait3A_1189 : memref<10240x16xf32, #tpu.memory_space<vmem_shared>>)
      %dma_wait3A_1190 = arith.constant 0 : i32
      %dma_wait3A_1191 = arith.constant 0 : i32
      %dma_wait3A_1192 = tpu.memref_slice %arg4[%dma_wait3A_1190, %dma_wait3A_1191] : memref<20000x64xf32, #tpu.memory_space<hbm>> -> memref<20000x64xf32, #tpu.memory_space<hbm>>
      tpu.wait_indirect_dma semaphore(%arg19 : memref<!tpu.dma_semaphore, #tpu.memory_space<semaphore_mem>>) src(%dma_wait3A_1192 : memref<20000x64xf32, #tpu.memory_space<hbm>>) dst(%arg13 : memref<384x64xf32, #tpu.memory_space<vmem>>)
      %dma_start3A_1193 = arith.constant 0 : i32
      %dma_start3A_1194 = arith.constant 0 : i32
      %dma_start3A_1195 = arith.constant 0 : i32
      %dma_start3A_1196 = tpu.memref_slice %arg13[%dma_start3A_1194, %dma_start3A_1195] : memref<384x64xf32, #tpu.memory_space<vmem>> -> memref<128x64xf32, #tpu.memory_space<vmem>>
      %dma_start3A_1197 = arith.constant 0 : i32
      %dma_start3A_1198 = tpu.memref_slice %arg11[%dma_start3A_1193, %dma_start3A_1197] : memref<3x128xi32, #tpu.memory_space<vmem>> -> memref<1x128xi32, #tpu.memory_space<vmem>>
      %dma_start3A_1199 = tpu.memref_squeeze %dma_start3A_1198 : memref<1x128xi32, #tpu.memory_space<vmem>> -> memref<128xi32, #tpu.memory_space<vmem>>
      %dma_start3A_1200 = arith.constant 0 : i32
      %dma_start3A_1201 = arith.constant 0 : i32
      %dma_start3A_1202 = tpu.memref_slice %arg17[%dma_start3A_1200, %dma_start3A_1201] : memref<10240x64xf32, #tpu.memory_space<vmem_shared>> -> memref<10240x64xf32, #tpu.memory_space<vmem_shared>>
      tpu.enqueue_indirect_dma source(%dma_start3A_1196 : memref<128x64xf32, #tpu.memory_space<vmem>>) target(%dma_start3A_1202 : memref<10240x64xf32, #tpu.memory_space<vmem_shared>>) offsets(%dma_start3A_1199 : memref<128xi32, #tpu.memory_space<vmem>>) semaphore(%arg20 : memref<!tpu.dma_semaphore, #tpu.memory_space<semaphore_mem>>) {add = true}
      %dma_start3A_1203 = arith.constant 0 : i32
      %dma_start3A_1204 = arith.constant 0 : i32
      %dma_start3A_1205 = tpu.memref_slice %arg11[%dma_start3A_1203, %dma_start3A_1204] : memref<3x128xi32, #tpu.memory_space<vmem>> -> memref<1x128xi32, #tpu.memory_space<vmem>>
      %dma_start3A_1206 = tpu.memref_squeeze %dma_start3A_1205 : memref<1x128xi32, #tpu.memory_space<vmem>> -> memref<128xi32, #tpu.memory_space<vmem>>
      %dma_start3A_1207 = arith.constant 0 : i32
      %dma_start3A_1208 = arith.constant 0 : i32
      %dma_start3A_1209 = tpu.memref_slice %arg18[%dma_start3A_1207, %dma_start3A_1208] : memref<10240x16xf32, #tpu.memory_space<vmem_shared>> -> memref<10240x16xf32, #tpu.memory_space<vmem_shared>>
      tpu.enqueue_indirect_dma source(%arg14 : memref<128x16xf32, #tpu.memory_space<vmem>>) target(%dma_start3A_1209 : memref<10240x16xf32, #tpu.memory_space<vmem_shared>>) offsets(%dma_start3A_1206 : memref<128xi32, #tpu.memory_space<vmem>>) semaphore(%arg20 : memref<!tpu.dma_semaphore, #tpu.memory_space<semaphore_mem>>) {add = true}
      %dma_start3A_1210 = arith.constant 1 : i32
      %dma_start3A_1211 = arith.constant 128 : i32
      %dma_start3A_1212 = arith.constant 0 : i32
      %dma_start3A_1213 = tpu.memref_slice %arg13[%dma_start3A_1211, %dma_start3A_1212] : memref<384x64xf32, #tpu.memory_space<vmem>> -> memref<128x64xf32, #tpu.memory_space<vmem>>
      %dma_start3A_1214 = arith.constant 0 : i32
      %dma_start3A_1215 = tpu.memref_slice %arg11[%dma_start3A_1210, %dma_start3A_1214] : memref<3x128xi32, #tpu.memory_space<vmem>> -> memref<1x128xi32, #tpu.memory_space<vmem>>
      %dma_start3A_1216 = tpu.memref_squeeze %dma_start3A_1215 : memref<1x128xi32, #tpu.memory_space<vmem>> -> memref<128xi32, #tpu.memory_space<vmem>>
      %dma_start3A_1217 = arith.constant 0 : i32
      %dma_start3A_1218 = arith.constant 0 : i32
      %dma_start3A_1219 = tpu.memref_slice %arg17[%dma_start3A_1217, %dma_start3A_1218] : memref<10240x64xf32, #tpu.memory_space<vmem_shared>> -> memref<10240x64xf32, #tpu.memory_space<vmem_shared>>
      tpu.enqueue_indirect_dma source(%dma_start3A_1213 : memref<128x64xf32, #tpu.memory_space<vmem>>) target(%dma_start3A_1219 : memref<10240x64xf32, #tpu.memory_space<vmem_shared>>) offsets(%dma_start3A_1216 : memref<128xi32, #tpu.memory_space<vmem>>) semaphore(%arg20 : memref<!tpu.dma_semaphore, #tpu.memory_space<semaphore_mem>>) {add = true}
      %dma_start3A_1220 = arith.constant 1 : i32
      %dma_start3A_1221 = arith.constant 0 : i32
      %dma_start3A_1222 = tpu.memref_slice %arg11[%dma_start3A_1220, %dma_start3A_1221] : memref<3x128xi32, #tpu.memory_space<vmem>> -> memref<1x128xi32, #tpu.memory_space<vmem>>
      %dma_start3A_1223 = tpu.memref_squeeze %dma_start3A_1222 : memref<1x128xi32, #tpu.memory_space<vmem>> -> memref<128xi32, #tpu.memory_space<vmem>>
      %dma_start3A_1224 = arith.constant 0 : i32
      %dma_start3A_1225 = arith.constant 0 : i32
      %dma_start3A_1226 = tpu.memref_slice %arg18[%dma_start3A_1224, %dma_start3A_1225] : memref<10240x16xf32, #tpu.memory_space<vmem_shared>> -> memref<10240x16xf32, #tpu.memory_space<vmem_shared>>
      tpu.enqueue_indirect_dma source(%arg14 : memref<128x16xf32, #tpu.memory_space<vmem>>) target(%dma_start3A_1226 : memref<10240x16xf32, #tpu.memory_space<vmem_shared>>) offsets(%dma_start3A_1223 : memref<128xi32, #tpu.memory_space<vmem>>) semaphore(%arg20 : memref<!tpu.dma_semaphore, #tpu.memory_space<semaphore_mem>>) {add = true}
      %dma_start3A_1227 = arith.constant 2 : i32
      %dma_start3A_1228 = arith.constant 256 : i32
      %dma_start3A_1229 = arith.constant 0 : i32
      %dma_start3A_1230 = tpu.memref_slice %arg13[%dma_start3A_1228, %dma_start3A_1229] : memref<384x64xf32, #tpu.memory_space<vmem>> -> memref<128x64xf32, #tpu.memory_space<vmem>>
      %dma_start3A_1231 = arith.constant 0 : i32
      %dma_start3A_1232 = tpu.memref_slice %arg11[%dma_start3A_1227, %dma_start3A_1231] : memref<3x128xi32, #tpu.memory_space<vmem>> -> memref<1x128xi32, #tpu.memory_space<vmem>>
      %dma_start3A_1233 = tpu.memref_squeeze %dma_start3A_1232 : memref<1x128xi32, #tpu.memory_space<vmem>> -> memref<128xi32, #tpu.memory_space<vmem>>
      %dma_start3A_1234 = arith.constant 0 : i32
      %dma_start3A_1235 = arith.constant 0 : i32
      %dma_start3A_1236 = tpu.memref_slice %arg17[%dma_start3A_1234, %dma_start3A_1235] : memref<10240x64xf32, #tpu.memory_space<vmem_shared>> -> memref<10240x64xf32, #tpu.memory_space<vmem_shared>>
      tpu.enqueue_indirect_dma source(%dma_start3A_1230 : memref<128x64xf32, #tpu.memory_space<vmem>>) target(%dma_start3A_1236 : memref<10240x64xf32, #tpu.memory_space<vmem_shared>>) offsets(%dma_start3A_1233 : memref<128xi32, #tpu.memory_space<vmem>>) semaphore(%arg20 : memref<!tpu.dma_semaphore, #tpu.memory_space<semaphore_mem>>) {add = true}
      %dma_start3A_1237 = arith.constant 2 : i32
      %dma_start3A_1238 = arith.constant 0 : i32
      %dma_start3A_1239 = tpu.memref_slice %arg11[%dma_start3A_1237, %dma_start3A_1238] : memref<3x128xi32, #tpu.memory_space<vmem>> -> memref<1x128xi32, #tpu.memory_space<vmem>>
      %dma_start3A_1240 = tpu.memref_squeeze %dma_start3A_1239 : memref<1x128xi32, #tpu.memory_space<vmem>> -> memref<128xi32, #tpu.memory_space<vmem>>
      %dma_start3A_1241 = arith.constant 0 : i32
      %dma_start3A_1242 = arith.constant 0 : i32
      %dma_start3A_1243 = tpu.memref_slice %arg18[%dma_start3A_1241, %dma_start3A_1242] : memref<10240x16xf32, #tpu.memory_space<vmem_shared>> -> memref<10240x16xf32, #tpu.memory_space<vmem_shared>>
      tpu.enqueue_indirect_dma source(%arg14 : memref<128x16xf32, #tpu.memory_space<vmem>>) target(%dma_start3A_1243 : memref<10240x16xf32, #tpu.memory_space<vmem_shared>>) offsets(%dma_start3A_1240 : memref<128xi32, #tpu.memory_space<vmem>>) semaphore(%arg20 : memref<!tpu.dma_semaphore, #tpu.memory_space<semaphore_mem>>) {add = true}
      %add3A_1244 = arith.constant 1 : i32
      %add3A_1245 = arith.addi %scan3A_762, %add3A_1244 : i32
      %lt3A_1246 = arith.constant 13 : i32
      %lt3A_1247 = arith.cmpi slt, %add3A_1245, %lt3A_1246 : i32
      %convert_element_type3A_1248 = arith.extui %lt3A_1247 : i1 to i32
      %cond3A_1249 = arith.constant 0 : i32
      %cond3A_1250 = arith.cmpi ne, %convert_element_type3A_1248, %cond3A_1249 : i32
      scf.if %cond3A_1250 {
        %add3A_1303 = arith.constant 3 : i32
        %add3A_1304 = arith.addi %add3A_770, %add3A_1303 : i32
        %mul3A_1305 = arith.constant 128 : i32
        %mul3A_1306 = arith.muli %add3A_1304, %mul3A_1305 : i32
        "tpu.region"() ({
          %run_scoped3A = tpu.sem_alloc : memref<!tpu.dma_semaphore, #tpu.memory_space<semaphore_mem>>
          %dma_start3A_1625 = tpu.memref_slice %arg2[%mul3A_1306] : memref<320000xi32, #tpu.memory_space<hbm>> -> memref<384xi32, #tpu.memory_space<hbm>>
          %dma_start3A_1626 = tpu.memref_slice %arg2[%mul3A_1306] : memref<320000xi32, #tpu.memory_space<hbm>> -> memref<384xi32, #tpu.memory_space<hbm>>
          tpu.enqueue_dma source(%dma_start3A_1626 : memref<384xi32, #tpu.memory_space<hbm>>) target(%arg8 : memref<384xi32, #tpu.memory_space<vmem>>) target_semaphore(%run_scoped3A : memref<!tpu.dma_semaphore, #tpu.memory_space<semaphore_mem>>)
          %dma_wait3A_1627 = tpu.memref_slice %arg2[%mul3A_1306] : memref<320000xi32, #tpu.memory_space<hbm>> -> memref<384xi32, #tpu.memory_space<hbm>>
          %dma_wait3A_1628 = tpu.memref_slice %arg2[%mul3A_1306] : memref<320000xi32, #tpu.memory_space<hbm>> -> memref<384xi32, #tpu.memory_space<hbm>>
          tpu.wait_dma2 semaphore(%run_scoped3A : memref<!tpu.dma_semaphore, #tpu.memory_space<semaphore_mem>>) src(%dma_wait3A_1628 : memref<384xi32, #tpu.memory_space<hbm>>) dst(%arg8 : memref<384xi32, #tpu.memory_space<vmem>>)
          tpu.yield
        }) : () -> ()
        "tpu.region"() ({
          %run_scoped3A = tpu.sem_alloc : memref<!tpu.dma_semaphore, #tpu.memory_space<semaphore_mem>>
          %dma_start3A_1625 = arith.constant 0 : i32
          %dma_start3A_1626 = tpu.memref_slice %arg3[%add3A_1304, %dma_start3A_1625] : memref<2500x128xi32, #tpu.memory_space<hbm>> -> memref<3x128xi32, #tpu.memory_space<hbm>>
          %dma_start3A_1627 = arith.constant 0 : i32
          %dma_start3A_1628 = tpu.memref_slice %arg3[%add3A_1304, %dma_start3A_1627] : memref<2500x128xi32, #tpu.memory_space<hbm>> -> memref<3x128xi32, #tpu.memory_space<hbm>>
          tpu.enqueue_dma source(%dma_start3A_1628 : memref<3x128xi32, #tpu.memory_space<hbm>>) target(%arg9 : memref<3x128xi32, #tpu.memory_space<vmem>>) target_semaphore(%run_scoped3A : memref<!tpu.dma_semaphore, #tpu.memory_space<semaphore_mem>>)
          %dma_wait3A_1629 = arith.constant 0 : i32
          %dma_wait3A_1630 = tpu.memref_slice %arg3[%add3A_1304, %dma_wait3A_1629] : memref<2500x128xi32, #tpu.memory_space<hbm>> -> memref<3x128xi32, #tpu.memory_space<hbm>>
          %dma_wait3A_1631 = arith.constant 0 : i32
          %dma_wait3A_1632 = tpu.memref_slice %arg3[%add3A_1304, %dma_wait3A_1631] : memref<2500x128xi32, #tpu.memory_space<hbm>> -> memref<3x128xi32, #tpu.memory_space<hbm>>
          tpu.wait_dma2 semaphore(%run_scoped3A : memref<!tpu.dma_semaphore, #tpu.memory_space<semaphore_mem>>) src(%dma_wait3A_1632 : memref<3x128xi32, #tpu.memory_space<hbm>>) dst(%arg9 : memref<3x128xi32, #tpu.memory_space<vmem>>)
          tpu.yield
        }) : () -> ()
        %get3A_1307 = arith.constant 0 : index
        %get3A_1308 = tpu.vector_load %arg8[%get3A_1307] {strides = array<i32>} : memref<384xi32, #tpu.memory_space<vmem>>, vector<16xi32>,
        %get3A_1309 = vector.shape_cast %get3A_1308 : vector<16xi32> to vector<16xi32>
        %mul3A_1310 = arith.constant 2 : i32
        %mul3A_1311 = vector.broadcast %mul3A_1310 : i32 to vector<16xi32>
        %mul3A_1312 = arith.muli %get3A_1309, %mul3A_1311 : vector<16xi32>
        %add3A_1313 = arith.constant 0 : i32
        %add3A_1314 = vector.broadcast %add3A_1313 : i32 to vector<16xi32>
        %add3A_1315 = arith.addi %mul3A_1312, %add3A_1314 : vector<16xi32>
        %swap3A_1316 = arith.constant 0 : index
        %swap3A_1317 = tpu.vector_load %arg8[%swap3A_1316] {strides = array<i32>} : memref<384xi32, #tpu.memory_space<vmem>>, vector<16xi32>,
        %swap3A_1318 = vector.shape_cast %swap3A_1317 : vector<16xi32> to vector<16xi32>
        %swap3A_1319 = vector.shape_cast %add3A_1315 : vector<16xi32> to vector<16xi32>
        tpu.vector_store %arg8[%swap3A_1316], %swap3A_1319 {strides = array<i32>} : memref<384xi32, #tpu.memory_space<vmem>>, vector<16xi32>,
        %get3A_1320 = arith.constant 16 : index
        %get3A_1321 = tpu.vector_load %arg8[%get3A_1320] {strides = array<i32>} : memref<384xi32, #tpu.memory_space<vmem>>, vector<16xi32>,
        %get3A_1322 = vector.shape_cast %get3A_1321 : vector<16xi32> to vector<16xi32>
        %mul3A_1323 = arith.constant 2 : i32
        %mul3A_1324 = vector.broadcast %mul3A_1323 : i32 to vector<16xi32>
        %mul3A_1325 = arith.muli %get3A_1322, %mul3A_1324 : vector<16xi32>
        %add3A_1326 = arith.constant 0 : i32
        %add3A_1327 = vector.broadcast %add3A_1326 : i32 to vector<16xi32>
        %add3A_1328 = arith.addi %mul3A_1325, %add3A_1327 : vector<16xi32>
        %swap3A_1329 = arith.constant 16 : index
        %swap3A_1330 = tpu.vector_load %arg8[%swap3A_1329] {strides = array<i32>} : memref<384xi32, #tpu.memory_space<vmem>>, vector<16xi32>,
        %swap3A_1331 = vector.shape_cast %swap3A_1330 : vector<16xi32> to vector<16xi32>
        %swap3A_1332 = vector.shape_cast %add3A_1328 : vector<16xi32> to vector<16xi32>
        tpu.vector_store %arg8[%swap3A_1329], %swap3A_1332 {strides = array<i32>} : memref<384xi32, #tpu.memory_space<vmem>>, vector<16xi32>,
        %get3A_1333 = arith.constant 32 : index
        %get3A_1334 = tpu.vector_load %arg8[%get3A_1333] {strides = array<i32>} : memref<384xi32, #tpu.memory_space<vmem>>, vector<16xi32>,
        %get3A_1335 = vector.shape_cast %get3A_1334 : vector<16xi32> to vector<16xi32>
        %mul3A_1336 = arith.constant 2 : i32
        %mul3A_1337 = vector.broadcast %mul3A_1336 : i32 to vector<16xi32>
        %mul3A_1338 = arith.muli %get3A_1335, %mul3A_1337 : vector<16xi32>
        %add3A_1339 = arith.constant 0 : i32
        %add3A_1340 = vector.broadcast %add3A_1339 : i32 to vector<16xi32>
        %add3A_1341 = arith.addi %mul3A_1338, %add3A_1340 : vector<16xi32>
        %swap3A_1342 = arith.constant 32 : index
        %swap3A_1343 = tpu.vector_load %arg8[%swap3A_1342] {strides = array<i32>} : memref<384xi32, #tpu.memory_space<vmem>>, vector<16xi32>,
        %swap3A_1344 = vector.shape_cast %swap3A_1343 : vector<16xi32> to vector<16xi32>
        %swap3A_1345 = vector.shape_cast %add3A_1341 : vector<16xi32> to vector<16xi32>
        tpu.vector_store %arg8[%swap3A_1342], %swap3A_1345 {strides = array<i32>} : memref<384xi32, #tpu.memory_space<vmem>>, vector<16xi32>,
        %get3A_1346 = arith.constant 48 : index
        %get3A_1347 = tpu.vector_load %arg8[%get3A_1346] {strides = array<i32>} : memref<384xi32, #tpu.memory_space<vmem>>, vector<16xi32>,
        %get3A_1348 = vector.shape_cast %get3A_1347 : vector<16xi32> to vector<16xi32>
        %mul3A_1349 = arith.constant 2 : i32
        %mul3A_1350 = vector.broadcast %mul3A_1349 : i32 to vector<16xi32>
        %mul3A_1351 = arith.muli %get3A_1348, %mul3A_1350 : vector<16xi32>
        %add3A_1352 = arith.constant 0 : i32
        %add3A_1353 = vector.broadcast %add3A_1352 : i32 to vector<16xi32>
        %add3A_1354 = arith.addi %mul3A_1351, %add3A_1353 : vector<16xi32>
        %swap3A_1355 = arith.constant 48 : index
        %swap3A_1356 = tpu.vector_load %arg8[%swap3A_1355] {strides = array<i32>} : memref<384xi32, #tpu.memory_space<vmem>>, vector<16xi32>,
        %swap3A_1357 = vector.shape_cast %swap3A_1356 : vector<16xi32> to vector<16xi32>
        %swap3A_1358 = vector.shape_cast %add3A_1354 : vector<16xi32> to vector<16xi32>
        tpu.vector_store %arg8[%swap3A_1355], %swap3A_1358 {strides = array<i32>} : memref<384xi32, #tpu.memory_space<vmem>>, vector<16xi32>,
        %get3A_1359 = arith.constant 64 : index
        %get3A_1360 = tpu.vector_load %arg8[%get3A_1359] {strides = array<i32>} : memref<384xi32, #tpu.memory_space<vmem>>, vector<16xi32>,
        %get3A_1361 = vector.shape_cast %get3A_1360 : vector<16xi32> to vector<16xi32>
        %mul3A_1362 = arith.constant 2 : i32
        %mul3A_1363 = vector.broadcast %mul3A_1362 : i32 to vector<16xi32>
        %mul3A_1364 = arith.muli %get3A_1361, %mul3A_1363 : vector<16xi32>
        %add3A_1365 = arith.constant 0 : i32
        %add3A_1366 = vector.broadcast %add3A_1365 : i32 to vector<16xi32>
        %add3A_1367 = arith.addi %mul3A_1364, %add3A_1366 : vector<16xi32>
        %swap3A_1368 = arith.constant 64 : index
        %swap3A_1369 = tpu.vector_load %arg8[%swap3A_1368] {strides = array<i32>} : memref<384xi32, #tpu.memory_space<vmem>>, vector<16xi32>,
        %swap3A_1370 = vector.shape_cast %swap3A_1369 : vector<16xi32> to vector<16xi32>
        %swap3A_1371 = vector.shape_cast %add3A_1367 : vector<16xi32> to vector<16xi32>
        tpu.vector_store %arg8[%swap3A_1368], %swap3A_1371 {strides = array<i32>} : memref<384xi32, #tpu.memory_space<vmem>>, vector<16xi32>,
        %get3A_1372 = arith.constant 80 : index
        %get3A_1373 = tpu.vector_load %arg8[%get3A_1372] {strides = array<i32>} : memref<384xi32, #tpu.memory_space<vmem>>, vector<16xi32>,
        %get3A_1374 = vector.shape_cast %get3A_1373 : vector<16xi32> to vector<16xi32>
        %mul3A_1375 = arith.constant 2 : i32
        %mul3A_1376 = vector.broadcast %mul3A_1375 : i32 to vector<16xi32>
        %mul3A_1377 = arith.muli %get3A_1374, %mul3A_1376 : vector<16xi32>
        %add3A_1378 = arith.constant 0 : i32
        %add3A_1379 = vector.broadcast %add3A_1378 : i32 to vector<16xi32>
        %add3A_1380 = arith.addi %mul3A_1377, %add3A_1379 : vector<16xi32>
        %swap3A_1381 = arith.constant 80 : index
        %swap3A_1382 = tpu.vector_load %arg8[%swap3A_1381] {strides = array<i32>} : memref<384xi32, #tpu.memory_space<vmem>>, vector<16xi32>,
        %swap3A_1383 = vector.shape_cast %swap3A_1382 : vector<16xi32> to vector<16xi32>
        %swap3A_1384 = vector.shape_cast %add3A_1380 : vector<16xi32> to vector<16xi32>
        tpu.vector_store %arg8[%swap3A_1381], %swap3A_1384 {strides = array<i32>} : memref<384xi32, #tpu.memory_space<vmem>>, vector<16xi32>,
        %get3A_1385 = arith.constant 96 : index
        %get3A_1386 = tpu.vector_load %arg8[%get3A_1385] {strides = array<i32>} : memref<384xi32, #tpu.memory_space<vmem>>, vector<16xi32>,
        %get3A_1387 = vector.shape_cast %get3A_1386 : vector<16xi32> to vector<16xi32>
        %mul3A_1388 = arith.constant 2 : i32
        %mul3A_1389 = vector.broadcast %mul3A_1388 : i32 to vector<16xi32>
        %mul3A_1390 = arith.muli %get3A_1387, %mul3A_1389 : vector<16xi32>
        %add3A_1391 = arith.constant 0 : i32
        %add3A_1392 = vector.broadcast %add3A_1391 : i32 to vector<16xi32>
        %add3A_1393 = arith.addi %mul3A_1390, %add3A_1392 : vector<16xi32>
        %swap3A_1394 = arith.constant 96 : index
        %swap3A_1395 = tpu.vector_load %arg8[%swap3A_1394] {strides = array<i32>} : memref<384xi32, #tpu.memory_space<vmem>>, vector<16xi32>,
        %swap3A_1396 = vector.shape_cast %swap3A_1395 : vector<16xi32> to vector<16xi32>
        %swap3A_1397 = vector.shape_cast %add3A_1393 : vector<16xi32> to vector<16xi32>
        tpu.vector_store %arg8[%swap3A_1394], %swap3A_1397 {strides = array<i32>} : memref<384xi32, #tpu.memory_space<vmem>>, vector<16xi32>,
        %get3A_1398 = arith.constant 112 : index
        %get3A_1399 = tpu.vector_load %arg8[%get3A_1398] {strides = array<i32>} : memref<384xi32, #tpu.memory_space<vmem>>, vector<16xi32>,
        %get3A_1400 = vector.shape_cast %get3A_1399 : vector<16xi32> to vector<16xi32>
        %mul3A_1401 = arith.constant 2 : i32
        %mul3A_1402 = vector.broadcast %mul3A_1401 : i32 to vector<16xi32>
        %mul3A_1403 = arith.muli %get3A_1400, %mul3A_1402 : vector<16xi32>
        %add3A_1404 = arith.constant 0 : i32
        %add3A_1405 = vector.broadcast %add3A_1404 : i32 to vector<16xi32>
        %add3A_1406 = arith.addi %mul3A_1403, %add3A_1405 : vector<16xi32>
        %swap3A_1407 = arith.constant 112 : index
        %swap3A_1408 = tpu.vector_load %arg8[%swap3A_1407] {strides = array<i32>} : memref<384xi32, #tpu.memory_space<vmem>>, vector<16xi32>,
        %swap3A_1409 = vector.shape_cast %swap3A_1408 : vector<16xi32> to vector<16xi32>
        %swap3A_1410 = vector.shape_cast %add3A_1406 : vector<16xi32> to vector<16xi32>
        tpu.vector_store %arg8[%swap3A_1407], %swap3A_1410 {strides = array<i32>} : memref<384xi32, #tpu.memory_space<vmem>>, vector<16xi32>,
        %get3A_1411 = arith.constant 128 : index
        %get3A_1412 = tpu.vector_load %arg8[%get3A_1411] {strides = array<i32>} : memref<384xi32, #tpu.memory_space<vmem>>, vector<16xi32>,
        %get3A_1413 = vector.shape_cast %get3A_1412 : vector<16xi32> to vector<16xi32>
        %mul3A_1414 = arith.constant 2 : i32
        %mul3A_1415 = vector.broadcast %mul3A_1414 : i32 to vector<16xi32>
        %mul3A_1416 = arith.muli %get3A_1413, %mul3A_1415 : vector<16xi32>
        %add3A_1417 = arith.constant 0 : i32
        %add3A_1418 = vector.broadcast %add3A_1417 : i32 to vector<16xi32>
        %add3A_1419 = arith.addi %mul3A_1416, %add3A_1418 : vector<16xi32>
        %swap3A_1420 = arith.constant 128 : index
        %swap3A_1421 = tpu.vector_load %arg8[%swap3A_1420] {strides = array<i32>} : memref<384xi32, #tpu.memory_space<vmem>>, vector<16xi32>,
        %swap3A_1422 = vector.shape_cast %swap3A_1421 : vector<16xi32> to vector<16xi32>
        %swap3A_1423 = vector.shape_cast %add3A_1419 : vector<16xi32> to vector<16xi32>
        tpu.vector_store %arg8[%swap3A_1420], %swap3A_1423 {strides = array<i32>} : memref<384xi32, #tpu.memory_space<vmem>>, vector<16xi32>,
        %get3A_1424 = arith.constant 144 : index
        %get3A_1425 = tpu.vector_load %arg8[%get3A_1424] {strides = array<i32>} : memref<384xi32, #tpu.memory_space<vmem>>, vector<16xi32>,
        %get3A_1426 = vector.shape_cast %get3A_1425 : vector<16xi32> to vector<16xi32>
        %mul3A_1427 = arith.constant 2 : i32
        %mul3A_1428 = vector.broadcast %mul3A_1427 : i32 to vector<16xi32>
        %mul3A_1429 = arith.muli %get3A_1426, %mul3A_1428 : vector<16xi32>
        %add3A_1430 = arith.constant 0 : i32
        %add3A_1431 = vector.broadcast %add3A_1430 : i32 to vector<16xi32>
        %add3A_1432 = arith.addi %mul3A_1429, %add3A_1431 : vector<16xi32>
        %swap3A_1433 = arith.constant 144 : index
        %swap3A_1434 = tpu.vector_load %arg8[%swap3A_1433] {strides = array<i32>} : memref<384xi32, #tpu.memory_space<vmem>>, vector<16xi32>,
        %swap3A_1435 = vector.shape_cast %swap3A_1434 : vector<16xi32> to vector<16xi32>
        %swap3A_1436 = vector.shape_cast %add3A_1432 : vector<16xi32> to vector<16xi32>
        tpu.vector_store %arg8[%swap3A_1433], %swap3A_1436 {strides = array<i32>} : memref<384xi32, #tpu.memory_space<vmem>>, vector<16xi32>,
        %get3A_1437 = arith.constant 160 : index
        %get3A_1438 = tpu.vector_load %arg8[%get3A_1437] {strides = array<i32>} : memref<384xi32, #tpu.memory_space<vmem>>, vector<16xi32>,
        %get3A_1439 = vector.shape_cast %get3A_1438 : vector<16xi32> to vector<16xi32>
        %mul3A_1440 = arith.constant 2 : i32
        %mul3A_1441 = vector.broadcast %mul3A_1440 : i32 to vector<16xi32>
        %mul3A_1442 = arith.muli %get3A_1439, %mul3A_1441 : vector<16xi32>
        %add3A_1443 = arith.constant 0 : i32
        %add3A_1444 = vector.broadcast %add3A_1443 : i32 to vector<16xi32>
        %add3A_1445 = arith.addi %mul3A_1442, %add3A_1444 : vector<16xi32>
        %swap3A_1446 = arith.constant 160 : index
        %swap3A_1447 = tpu.vector_load %arg8[%swap3A_1446] {strides = array<i32>} : memref<384xi32, #tpu.memory_space<vmem>>, vector<16xi32>,
        %swap3A_1448 = vector.shape_cast %swap3A_1447 : vector<16xi32> to vector<16xi32>
        %swap3A_1449 = vector.shape_cast %add3A_1445 : vector<16xi32> to vector<16xi32>
        tpu.vector_store %arg8[%swap3A_1446], %swap3A_1449 {strides = array<i32>} : memref<384xi32, #tpu.memory_space<vmem>>, vector<16xi32>,
        %get3A_1450 = arith.constant 176 : index
        %get3A_1451 = tpu.vector_load %arg8[%get3A_1450] {strides = array<i32>} : memref<384xi32, #tpu.memory_space<vmem>>, vector<16xi32>,
        %get3A_1452 = vector.shape_cast %get3A_1451 : vector<16xi32> to vector<16xi32>
        %mul3A_1453 = arith.constant 2 : i32
        %mul3A_1454 = vector.broadcast %mul3A_1453 : i32 to vector<16xi32>
        %mul3A_1455 = arith.muli %get3A_1452, %mul3A_1454 : vector<16xi32>
        %add3A_1456 = arith.constant 0 : i32
        %add3A_1457 = vector.broadcast %add3A_1456 : i32 to vector<16xi32>
        %add3A_1458 = arith.addi %mul3A_1455, %add3A_1457 : vector<16xi32>
        %swap3A_1459 = arith.constant 176 : index
        %swap3A_1460 = tpu.vector_load %arg8[%swap3A_1459] {strides = array<i32>} : memref<384xi32, #tpu.memory_space<vmem>>, vector<16xi32>,
        %swap3A_1461 = vector.shape_cast %swap3A_1460 : vector<16xi32> to vector<16xi32>
        %swap3A_1462 = vector.shape_cast %add3A_1458 : vector<16xi32> to vector<16xi32>
        tpu.vector_store %arg8[%swap3A_1459], %swap3A_1462 {strides = array<i32>} : memref<384xi32, #tpu.memory_space<vmem>>, vector<16xi32>,
        %get3A_1463 = arith.constant 192 : index
        %get3A_1464 = tpu.vector_load %arg8[%get3A_1463] {strides = array<i32>} : memref<384xi32, #tpu.memory_space<vmem>>, vector<16xi32>,
        %get3A_1465 = vector.shape_cast %get3A_1464 : vector<16xi32> to vector<16xi32>
        %mul3A_1466 = arith.constant 2 : i32
        %mul3A_1467 = vector.broadcast %mul3A_1466 : i32 to vector<16xi32>
        %mul3A_1468 = arith.muli %get3A_1465, %mul3A_1467 : vector<16xi32>
        %add3A_1469 = arith.constant 0 : i32
        %add3A_1470 = vector.broadcast %add3A_1469 : i32 to vector<16xi32>
        %add3A_1471 = arith.addi %mul3A_1468, %add3A_1470 : vector<16xi32>
        %swap3A_1472 = arith.constant 192 : index
        %swap3A_1473 = tpu.vector_load %arg8[%swap3A_1472] {strides = array<i32>} : memref<384xi32, #tpu.memory_space<vmem>>, vector<16xi32>,
        %swap3A_1474 = vector.shape_cast %swap3A_1473 : vector<16xi32> to vector<16xi32>
        %swap3A_1475 = vector.shape_cast %add3A_1471 : vector<16xi32> to vector<16xi32>
        tpu.vector_store %arg8[%swap3A_1472], %swap3A_1475 {strides = array<i32>} : memref<384xi32, #tpu.memory_space<vmem>>, vector<16xi32>,
        %get3A_1476 = arith.constant 208 : index
        %get3A_1477 = tpu.vector_load %arg8[%get3A_1476] {strides = array<i32>} : memref<384xi32, #tpu.memory_space<vmem>>, vector<16xi32>,
        %get3A_1478 = vector.shape_cast %get3A_1477 : vector<16xi32> to vector<16xi32>
        %mul3A_1479 = arith.constant 2 : i32
        %mul3A_1480 = vector.broadcast %mul3A_1479 : i32 to vector<16xi32>
        %mul3A_1481 = arith.muli %get3A_1478, %mul3A_1480 : vector<16xi32>
        %add3A_1482 = arith.constant 0 : i32
        %add3A_1483 = vector.broadcast %add3A_1482 : i32 to vector<16xi32>
        %add3A_1484 = arith.addi %mul3A_1481, %add3A_1483 : vector<16xi32>
        %swap3A_1485 = arith.constant 208 : index
        %swap3A_1486 = tpu.vector_load %arg8[%swap3A_1485] {strides = array<i32>} : memref<384xi32, #tpu.memory_space<vmem>>, vector<16xi32>,
        %swap3A_1487 = vector.shape_cast %swap3A_1486 : vector<16xi32> to vector<16xi32>
        %swap3A_1488 = vector.shape_cast %add3A_1484 : vector<16xi32> to vector<16xi32>
        tpu.vector_store %arg8[%swap3A_1485], %swap3A_1488 {strides = array<i32>} : memref<384xi32, #tpu.memory_space<vmem>>, vector<16xi32>,
        %get3A_1489 = arith.constant 224 : index
        %get3A_1490 = tpu.vector_load %arg8[%get3A_1489] {strides = array<i32>} : memref<384xi32, #tpu.memory_space<vmem>>, vector<16xi32>,
        %get3A_1491 = vector.shape_cast %get3A_1490 : vector<16xi32> to vector<16xi32>
        %mul3A_1492 = arith.constant 2 : i32
        %mul3A_1493 = vector.broadcast %mul3A_1492 : i32 to vector<16xi32>
        %mul3A_1494 = arith.muli %get3A_1491, %mul3A_1493 : vector<16xi32>
        %add3A_1495 = arith.constant 0 : i32
        %add3A_1496 = vector.broadcast %add3A_1495 : i32 to vector<16xi32>
        %add3A_1497 = arith.addi %mul3A_1494, %add3A_1496 : vector<16xi32>
        %swap3A_1498 = arith.constant 224 : index
        %swap3A_1499 = tpu.vector_load %arg8[%swap3A_1498] {strides = array<i32>} : memref<384xi32, #tpu.memory_space<vmem>>, vector<16xi32>,
        %swap3A_1500 = vector.shape_cast %swap3A_1499 : vector<16xi32> to vector<16xi32>
        %swap3A_1501 = vector.shape_cast %add3A_1497 : vector<16xi32> to vector<16xi32>
        tpu.vector_store %arg8[%swap3A_1498], %swap3A_1501 {strides = array<i32>} : memref<384xi32, #tpu.memory_space<vmem>>, vector<16xi32>,
        %get3A_1502 = arith.constant 240 : index
        %get3A_1503 = tpu.vector_load %arg8[%get3A_1502] {strides = array<i32>} : memref<384xi32, #tpu.memory_space<vmem>>, vector<16xi32>,
        %get3A_1504 = vector.shape_cast %get3A_1503 : vector<16xi32> to vector<16xi32>
        %mul3A_1505 = arith.constant 2 : i32
        %mul3A_1506 = vector.broadcast %mul3A_1505 : i32 to vector<16xi32>
        %mul3A_1507 = arith.muli %get3A_1504, %mul3A_1506 : vector<16xi32>
        %add3A_1508 = arith.constant 0 : i32
        %add3A_1509 = vector.broadcast %add3A_1508 : i32 to vector<16xi32>
        %add3A_1510 = arith.addi %mul3A_1507, %add3A_1509 : vector<16xi32>
        %swap3A_1511 = arith.constant 240 : index
        %swap3A_1512 = tpu.vector_load %arg8[%swap3A_1511] {strides = array<i32>} : memref<384xi32, #tpu.memory_space<vmem>>, vector<16xi32>,
        %swap3A_1513 = vector.shape_cast %swap3A_1512 : vector<16xi32> to vector<16xi32>
        %swap3A_1514 = vector.shape_cast %add3A_1510 : vector<16xi32> to vector<16xi32>
        tpu.vector_store %arg8[%swap3A_1511], %swap3A_1514 {strides = array<i32>} : memref<384xi32, #tpu.memory_space<vmem>>, vector<16xi32>,
        %get3A_1515 = arith.constant 256 : index
        %get3A_1516 = tpu.vector_load %arg8[%get3A_1515] {strides = array<i32>} : memref<384xi32, #tpu.memory_space<vmem>>, vector<16xi32>,
        %get3A_1517 = vector.shape_cast %get3A_1516 : vector<16xi32> to vector<16xi32>
        %mul3A_1518 = arith.constant 2 : i32
        %mul3A_1519 = vector.broadcast %mul3A_1518 : i32 to vector<16xi32>
        %mul3A_1520 = arith.muli %get3A_1517, %mul3A_1519 : vector<16xi32>
        %add3A_1521 = arith.constant 0 : i32
        %add3A_1522 = vector.broadcast %add3A_1521 : i32 to vector<16xi32>
        %add3A_1523 = arith.addi %mul3A_1520, %add3A_1522 : vector<16xi32>
        %swap3A_1524 = arith.constant 256 : index
        %swap3A_1525 = tpu.vector_load %arg8[%swap3A_1524] {strides = array<i32>} : memref<384xi32, #tpu.memory_space<vmem>>, vector<16xi32>,
        %swap3A_1526 = vector.shape_cast %swap3A_1525 : vector<16xi32> to vector<16xi32>
        %swap3A_1527 = vector.shape_cast %add3A_1523 : vector<16xi32> to vector<16xi32>
        tpu.vector_store %arg8[%swap3A_1524], %swap3A_1527 {strides = array<i32>} : memref<384xi32, #tpu.memory_space<vmem>>, vector<16xi32>,
        %get3A_1528 = arith.constant 272 : index
        %get3A_1529 = tpu.vector_load %arg8[%get3A_1528] {strides = array<i32>} : memref<384xi32, #tpu.memory_space<vmem>>, vector<16xi32>,
        %get3A_1530 = vector.shape_cast %get3A_1529 : vector<16xi32> to vector<16xi32>
        %mul3A_1531 = arith.constant 2 : i32
        %mul3A_1532 = vector.broadcast %mul3A_1531 : i32 to vector<16xi32>
        %mul3A_1533 = arith.muli %get3A_1530, %mul3A_1532 : vector<16xi32>
        %add3A_1534 = arith.constant 0 : i32
        %add3A_1535 = vector.broadcast %add3A_1534 : i32 to vector<16xi32>
        %add3A_1536 = arith.addi %mul3A_1533, %add3A_1535 : vector<16xi32>
        %swap3A_1537 = arith.constant 272 : index
        %swap3A_1538 = tpu.vector_load %arg8[%swap3A_1537] {strides = array<i32>} : memref<384xi32, #tpu.memory_space<vmem>>, vector<16xi32>,
        %swap3A_1539 = vector.shape_cast %swap3A_1538 : vector<16xi32> to vector<16xi32>
        %swap3A_1540 = vector.shape_cast %add3A_1536 : vector<16xi32> to vector<16xi32>
        tpu.vector_store %arg8[%swap3A_1537], %swap3A_1540 {strides = array<i32>} : memref<384xi32, #tpu.memory_space<vmem>>, vector<16xi32>,
        %get3A_1541 = arith.constant 288 : index
        %get3A_1542 = tpu.vector_load %arg8[%get3A_1541] {strides = array<i32>} : memref<384xi32, #tpu.memory_space<vmem>>, vector<16xi32>,
        %get3A_1543 = vector.shape_cast %get3A_1542 : vector<16xi32> to vector<16xi32>
        %mul3A_1544 = arith.constant 2 : i32
        %mul3A_1545 = vector.broadcast %mul3A_1544 : i32 to vector<16xi32>
        %mul3A_1546 = arith.muli %get3A_1543, %mul3A_1545 : vector<16xi32>
        %add3A_1547 = arith.constant 0 : i32
        %add3A_1548 = vector.broadcast %add3A_1547 : i32 to vector<16xi32>
        %add3A_1549 = arith.addi %mul3A_1546, %add3A_1548 : vector<16xi32>
        %swap3A_1550 = arith.constant 288 : index
        %swap3A_1551 = tpu.vector_load %arg8[%swap3A_1550] {strides = array<i32>} : memref<384xi32, #tpu.memory_space<vmem>>, vector<16xi32>,
        %swap3A_1552 = vector.shape_cast %swap3A_1551 : vector<16xi32> to vector<16xi32>
        %swap3A_1553 = vector.shape_cast %add3A_1549 : vector<16xi32> to vector<16xi32>
        tpu.vector_store %arg8[%swap3A_1550], %swap3A_1553 {strides = array<i32>} : memref<384xi32, #tpu.memory_space<vmem>>, vector<16xi32>,
        %get3A_1554 = arith.constant 304 : index
        %get3A_1555 = tpu.vector_load %arg8[%get3A_1554] {strides = array<i32>} : memref<384xi32, #tpu.memory_space<vmem>>, vector<16xi32>,
        %get3A_1556 = vector.shape_cast %get3A_1555 : vector<16xi32> to vector<16xi32>
        %mul3A_1557 = arith.constant 2 : i32
        %mul3A_1558 = vector.broadcast %mul3A_1557 : i32 to vector<16xi32>
        %mul3A_1559 = arith.muli %get3A_1556, %mul3A_1558 : vector<16xi32>
        %add3A_1560 = arith.constant 0 : i32
        %add3A_1561 = vector.broadcast %add3A_1560 : i32 to vector<16xi32>
        %add3A_1562 = arith.addi %mul3A_1559, %add3A_1561 : vector<16xi32>
        %swap3A_1563 = arith.constant 304 : index
        %swap3A_1564 = tpu.vector_load %arg8[%swap3A_1563] {strides = array<i32>} : memref<384xi32, #tpu.memory_space<vmem>>, vector<16xi32>,
        %swap3A_1565 = vector.shape_cast %swap3A_1564 : vector<16xi32> to vector<16xi32>
        %swap3A_1566 = vector.shape_cast %add3A_1562 : vector<16xi32> to vector<16xi32>
        tpu.vector_store %arg8[%swap3A_1563], %swap3A_1566 {strides = array<i32>} : memref<384xi32, #tpu.memory_space<vmem>>, vector<16xi32>,
        %get3A_1567 = arith.constant 320 : index
        %get3A_1568 = tpu.vector_load %arg8[%get3A_1567] {strides = array<i32>} : memref<384xi32, #tpu.memory_space<vmem>>, vector<16xi32>,
        %get3A_1569 = vector.shape_cast %get3A_1568 : vector<16xi32> to vector<16xi32>
        %mul3A_1570 = arith.constant 2 : i32
        %mul3A_1571 = vector.broadcast %mul3A_1570 : i32 to vector<16xi32>
        %mul3A_1572 = arith.muli %get3A_1569, %mul3A_1571 : vector<16xi32>
        %add3A_1573 = arith.constant 0 : i32
        %add3A_1574 = vector.broadcast %add3A_1573 : i32 to vector<16xi32>
        %add3A_1575 = arith.addi %mul3A_1572, %add3A_1574 : vector<16xi32>
        %swap3A_1576 = arith.constant 320 : index
        %swap3A_1577 = tpu.vector_load %arg8[%swap3A_1576] {strides = array<i32>} : memref<384xi32, #tpu.memory_space<vmem>>, vector<16xi32>,
        %swap3A_1578 = vector.shape_cast %swap3A_1577 : vector<16xi32> to vector<16xi32>
        %swap3A_1579 = vector.shape_cast %add3A_1575 : vector<16xi32> to vector<16xi32>
        tpu.vector_store %arg8[%swap3A_1576], %swap3A_1579 {strides = array<i32>} : memref<384xi32, #tpu.memory_space<vmem>>, vector<16xi32>,
        %get3A_1580 = arith.constant 336 : index
        %get3A_1581 = tpu.vector_load %arg8[%get3A_1580] {strides = array<i32>} : memref<384xi32, #tpu.memory_space<vmem>>, vector<16xi32>,
        %get3A_1582 = vector.shape_cast %get3A_1581 : vector<16xi32> to vector<16xi32>
        %mul3A_1583 = arith.constant 2 : i32
        %mul3A_1584 = vector.broadcast %mul3A_1583 : i32 to vector<16xi32>
        %mul3A_1585 = arith.muli %get3A_1582, %mul3A_1584 : vector<16xi32>
        %add3A_1586 = arith.constant 0 : i32
        %add3A_1587 = vector.broadcast %add3A_1586 : i32 to vector<16xi32>
        %add3A_1588 = arith.addi %mul3A_1585, %add3A_1587 : vector<16xi32>
        %swap3A_1589 = arith.constant 336 : index
        %swap3A_1590 = tpu.vector_load %arg8[%swap3A_1589] {strides = array<i32>} : memref<384xi32, #tpu.memory_space<vmem>>, vector<16xi32>,
        %swap3A_1591 = vector.shape_cast %swap3A_1590 : vector<16xi32> to vector<16xi32>
        %swap3A_1592 = vector.shape_cast %add3A_1588 : vector<16xi32> to vector<16xi32>
        tpu.vector_store %arg8[%swap3A_1589], %swap3A_1592 {strides = array<i32>} : memref<384xi32, #tpu.memory_space<vmem>>, vector<16xi32>,
        %get3A_1593 = arith.constant 352 : index
        %get3A_1594 = tpu.vector_load %arg8[%get3A_1593] {strides = array<i32>} : memref<384xi32, #tpu.memory_space<vmem>>, vector<16xi32>,
        %get3A_1595 = vector.shape_cast %get3A_1594 : vector<16xi32> to vector<16xi32>
        %mul3A_1596 = arith.constant 2 : i32
        %mul3A_1597 = vector.broadcast %mul3A_1596 : i32 to vector<16xi32>
        %mul3A_1598 = arith.muli %get3A_1595, %mul3A_1597 : vector<16xi32>
        %add3A_1599 = arith.constant 0 : i32
        %add3A_1600 = vector.broadcast %add3A_1599 : i32 to vector<16xi32>
        %add3A_1601 = arith.addi %mul3A_1598, %add3A_1600 : vector<16xi32>
        %swap3A_1602 = arith.constant 352 : index
        %swap3A_1603 = tpu.vector_load %arg8[%swap3A_1602] {strides = array<i32>} : memref<384xi32, #tpu.memory_space<vmem>>, vector<16xi32>,
        %swap3A_1604 = vector.shape_cast %swap3A_1603 : vector<16xi32> to vector<16xi32>
        %swap3A_1605 = vector.shape_cast %add3A_1601 : vector<16xi32> to vector<16xi32>
        tpu.vector_store %arg8[%swap3A_1602], %swap3A_1605 {strides = array<i32>} : memref<384xi32, #tpu.memory_space<vmem>>, vector<16xi32>,
        %get3A_1606 = arith.constant 368 : index
        %get3A_1607 = tpu.vector_load %arg8[%get3A_1606] {strides = array<i32>} : memref<384xi32, #tpu.memory_space<vmem>>, vector<16xi32>,
        %get3A_1608 = vector.shape_cast %get3A_1607 : vector<16xi32> to vector<16xi32>
        %mul3A_1609 = arith.constant 2 : i32
        %mul3A_1610 = vector.broadcast %mul3A_1609 : i32 to vector<16xi32>
        %mul3A_1611 = arith.muli %get3A_1608, %mul3A_1610 : vector<16xi32>
        %add3A_1612 = arith.constant 0 : i32
        %add3A_1613 = vector.broadcast %add3A_1612 : i32 to vector<16xi32>
        %add3A_1614 = arith.addi %mul3A_1611, %add3A_1613 : vector<16xi32>
        %swap3A_1615 = arith.constant 368 : index
        %swap3A_1616 = tpu.vector_load %arg8[%swap3A_1615] {strides = array<i32>} : memref<384xi32, #tpu.memory_space<vmem>>, vector<16xi32>,
        %swap3A_1617 = vector.shape_cast %swap3A_1616 : vector<16xi32> to vector<16xi32>
        %swap3A_1618 = vector.shape_cast %add3A_1614 : vector<16xi32> to vector<16xi32>
        tpu.vector_store %arg8[%swap3A_1615], %swap3A_1618 {strides = array<i32>} : memref<384xi32, #tpu.memory_space<vmem>>, vector<16xi32>,
        %dma_start3A_1619 = arith.constant 0 : i32
        %dma_start3A_1620 = arith.constant 0 : i32
        %dma_start3A_1621 = tpu.memref_slice %arg4[%dma_start3A_1619, %dma_start3A_1620] : memref<20000x64xf32, #tpu.memory_space<hbm>> -> memref<20000x64xf32, #tpu.memory_space<hbm>>
        tpu.enqueue_indirect_dma source(%dma_start3A_1621 : memref<20000x64xf32, #tpu.memory_space<hbm>>) target(%arg12 : memref<384x64xf32, #tpu.memory_space<vmem>>) offsets(%arg8 : memref<384xi32, #tpu.memory_space<vmem>>) semaphore(%arg19 : memref<!tpu.dma_semaphore, #tpu.memory_space<semaphore_mem>>)
        %dma_wait3A_1622 = arith.constant 0 : i32
        %dma_wait3A_1623 = arith.constant 0 : i32
        %dma_wait3A_1624 = tpu.memref_slice %arg4[%dma_wait3A_1622, %dma_wait3A_1623] : memref<20000x64xf32, #tpu.memory_space<hbm>> -> memref<20000x64xf32, #tpu.memory_space<hbm>>
        tpu.wait_indirect_dma semaphore(%arg19 : memref<!tpu.dma_semaphore, #tpu.memory_space<semaphore_mem>>) src(%dma_wait3A_1624 : memref<20000x64xf32, #tpu.memory_space<hbm>>) dst(%arg12 : memref<384x64xf32, #tpu.memory_space<vmem>>)
      } else {
      }
      %dma_wait3A_1251 = arith.constant 0 : i32
      %dma_wait3A_1252 = arith.constant 0 : i32
      %dma_wait3A_1253 = arith.constant 0 : i32
      %dma_wait3A_1254 = tpu.memref_slice %arg13[%dma_wait3A_1252, %dma_wait3A_1253] : memref<384x64xf32, #tpu.memory_space<vmem>> -> memref<128x64xf32, #tpu.memory_space<vmem>>
      %dma_wait3A_1255 = arith.constant 0 : i32
      %dma_wait3A_1256 = tpu.memref_slice %arg11[%dma_wait3A_1251, %dma_wait3A_1255] : memref<3x128xi32, #tpu.memory_space<vmem>> -> memref<1x128xi32, #tpu.memory_space<vmem>>
      %dma_wait3A_1257 = tpu.memref_squeeze %dma_wait3A_1256 : memref<1x128xi32, #tpu.memory_space<vmem>> -> memref<128xi32, #tpu.memory_space<vmem>>
      %dma_wait3A_1258 = arith.constant 0 : i32
      %dma_wait3A_1259 = arith.constant 0 : i32
      %dma_wait3A_1260 = tpu.memref_slice %arg17[%dma_wait3A_1258, %dma_wait3A_1259] : memref<10240x64xf32, #tpu.memory_space<vmem_shared>> -> memref<10240x64xf32, #tpu.memory_space<vmem_shared>>
      tpu.wait_indirect_dma semaphore(%arg20 : memref<!tpu.dma_semaphore, #tpu.memory_space<semaphore_mem>>) src(%dma_wait3A_1254 : memref<128x64xf32, #tpu.memory_space<vmem>>) dst(%dma_wait3A_1260 : memref<10240x64xf32, #tpu.memory_space<vmem_shared>>)
      %dma_wait3A_1261 = arith.constant 0 : i32
      %dma_wait3A_1262 = arith.constant 0 : i32
      %dma_wait3A_1263 = tpu.memref_slice %arg11[%dma_wait3A_1261, %dma_wait3A_1262] : memref<3x128xi32, #tpu.memory_space<vmem>> -> memref<1x128xi32, #tpu.memory_space<vmem>>
      %dma_wait3A_1264 = tpu.memref_squeeze %dma_wait3A_1263 : memref<1x128xi32, #tpu.memory_space<vmem>> -> memref<128xi32, #tpu.memory_space<vmem>>
      %dma_wait3A_1265 = arith.constant 0 : i32
      %dma_wait3A_1266 = arith.constant 0 : i32
      %dma_wait3A_1267 = tpu.memref_slice %arg18[%dma_wait3A_1265, %dma_wait3A_1266] : memref<10240x16xf32, #tpu.memory_space<vmem_shared>> -> memref<10240x16xf32, #tpu.memory_space<vmem_shared>>
      tpu.wait_indirect_dma semaphore(%arg20 : memref<!tpu.dma_semaphore, #tpu.memory_space<semaphore_mem>>) src(%arg14 : memref<128x16xf32, #tpu.memory_space<vmem>>) dst(%dma_wait3A_1267 : memref<10240x16xf32, #tpu.memory_space<vmem_shared>>)
      %dma_wait3A_1268 = arith.constant 1 : i32
      %dma_wait3A_1269 = arith.constant 128 : i32
      %dma_wait3A_1270 = arith.constant 0 : i32
      %dma_wait3A_1271 = tpu.memref_slice %arg13[%dma_wait3A_1269, %dma_wait3A_1270] : memref<384x64xf32, #tpu.memory_space<vmem>> -> memref<128x64xf32, #tpu.memory_space<vmem>>
      %dma_wait3A_1272 = arith.constant 0 : i32
      %dma_wait3A_1273 = tpu.memref_slice %arg11[%dma_wait3A_1268, %dma_wait3A_1272] : memref<3x128xi32, #tpu.memory_space<vmem>> -> memref<1x128xi32, #tpu.memory_space<vmem>>
      %dma_wait3A_1274 = tpu.memref_squeeze %dma_wait3A_1273 : memref<1x128xi32, #tpu.memory_space<vmem>> -> memref<128xi32, #tpu.memory_space<vmem>>
      %dma_wait3A_1275 = arith.constant 0 : i32
      %dma_wait3A_1276 = arith.constant 0 : i32
      %dma_wait3A_1277 = tpu.memref_slice %arg17[%dma_wait3A_1275, %dma_wait3A_1276] : memref<10240x64xf32, #tpu.memory_space<vmem_shared>> -> memref<10240x64xf32, #tpu.memory_space<vmem_shared>>
      tpu.wait_indirect_dma semaphore(%arg20 : memref<!tpu.dma_semaphore, #tpu.memory_space<semaphore_mem>>) src(%dma_wait3A_1271 : memref<128x64xf32, #tpu.memory_space<vmem>>) dst(%dma_wait3A_1277 : memref<10240x64xf32, #tpu.memory_space<vmem_shared>>)
      %dma_wait3A_1278 = arith.constant 1 : i32
      %dma_wait3A_1279 = arith.constant 0 : i32
      %dma_wait3A_1280 = tpu.memref_slice %arg11[%dma_wait3A_1278, %dma_wait3A_1279] : memref<3x128xi32, #tpu.memory_space<vmem>> -> memref<1x128xi32, #tpu.memory_space<vmem>>
      %dma_wait3A_1281 = tpu.memref_squeeze %dma_wait3A_1280 : memref<1x128xi32, #tpu.memory_space<vmem>> -> memref<128xi32, #tpu.memory_space<vmem>>
      %dma_wait3A_1282 = arith.constant 0 : i32
      %dma_wait3A_1283 = arith.constant 0 : i32
      %dma_wait3A_1284 = tpu.memref_slice %arg18[%dma_wait3A_1282, %dma_wait3A_1283] : memref<10240x16xf32, #tpu.memory_space<vmem_shared>> -> memref<10240x16xf32, #tpu.memory_space<vmem_shared>>
      tpu.wait_indirect_dma semaphore(%arg20 : memref<!tpu.dma_semaphore, #tpu.memory_space<semaphore_mem>>) src(%arg14 : memref<128x16xf32, #tpu.memory_space<vmem>>) dst(%dma_wait3A_1284 : memref<10240x16xf32, #tpu.memory_space<vmem_shared>>)
      %dma_wait3A_1285 = arith.constant 2 : i32
      %dma_wait3A_1286 = arith.constant 256 : i32
      %dma_wait3A_1287 = arith.constant 0 : i32
      %dma_wait3A_1288 = tpu.memref_slice %arg13[%dma_wait3A_1286, %dma_wait3A_1287] : memref<384x64xf32, #tpu.memory_space<vmem>> -> memref<128x64xf32, #tpu.memory_space<vmem>>
      %dma_wait3A_1289 = arith.constant 0 : i32
      %dma_wait3A_1290 = tpu.memref_slice %arg11[%dma_wait3A_1285, %dma_wait3A_1289] : memref<3x128xi32, #tpu.memory_space<vmem>> -> memref<1x128xi32, #tpu.memory_space<vmem>>
      %dma_wait3A_1291 = tpu.memref_squeeze %dma_wait3A_1290 : memref<1x128xi32, #tpu.memory_space<vmem>> -> memref<128xi32, #tpu.memory_space<vmem>>
      %dma_wait3A_1292 = arith.constant 0 : i32
      %dma_wait3A_1293 = arith.constant 0 : i32
      %dma_wait3A_1294 = tpu.memref_slice %arg17[%dma_wait3A_1292, %dma_wait3A_1293] : memref<10240x64xf32, #tpu.memory_space<vmem_shared>> -> memref<10240x64xf32, #tpu.memory_space<vmem_shared>>
      tpu.wait_indirect_dma semaphore(%arg20 : memref<!tpu.dma_semaphore, #tpu.memory_space<semaphore_mem>>) src(%dma_wait3A_1288 : memref<128x64xf32, #tpu.memory_space<vmem>>) dst(%dma_wait3A_1294 : memref<10240x64xf32, #tpu.memory_space<vmem_shared>>)
      %dma_wait3A_1295 = arith.constant 2 : i32
      %dma_wait3A_1296 = arith.constant 0 : i32
      %dma_wait3A_1297 = tpu.memref_slice %arg11[%dma_wait3A_1295, %dma_wait3A_1296] : memref<3x128xi32, #tpu.memory_space<vmem>> -> memref<1x128xi32, #tpu.memory_space<vmem>>
      %dma_wait3A_1298 = tpu.memref_squeeze %dma_wait3A_1297 : memref<1x128xi32, #tpu.memory_space<vmem>> -> memref<128xi32, #tpu.memory_space<vmem>>
      %dma_wait3A_1299 = arith.constant 0 : i32
      %dma_wait3A_1300 = arith.constant 0 : i32
      %dma_wait3A_1301 = tpu.memref_slice %arg18[%dma_wait3A_1299, %dma_wait3A_1300] : memref<10240x16xf32, #tpu.memory_space<vmem_shared>> -> memref<10240x16xf32, #tpu.memory_space<vmem_shared>>
      tpu.wait_indirect_dma semaphore(%arg20 : memref<!tpu.dma_semaphore, #tpu.memory_space<semaphore_mem>>) src(%arg14 : memref<128x16xf32, #tpu.memory_space<vmem>>) dst(%dma_wait3A_1301 : memref<10240x16xf32, #tpu.memory_space<vmem_shared>>)
      %scan3A_1302 = arith.constant 0 : i32
      scf.yield %scan3A_1302 : i32
    }
    %scan3A_364 = arith.constant 13 : i32
    %lt3A = arith.constant 4 : i32
    %lt3A_365 = arith.cmpi slt, %add3A, %lt3A : i32
    %convert_element_type3A = arith.extui %lt3A_365 : i1 to i32
    %cond3A = arith.constant 0 : i32
    %cond3A_366 = arith.cmpi ne, %convert_element_type3A, %cond3A : i32
    scf.if %cond3A_366 {
      %add3A_762 = arith.constant 2496 : i32
      %add3A_763 = arith.addi %add3A_762, %add3A : i32
      %mul3A_764 = arith.constant 128 : i32
      %mul3A_765 = arith.muli %add3A_763, %mul3A_764 : i32
      "tpu.region"() ({
        %run_scoped3A = tpu.sem_alloc : memref<!tpu.dma_semaphore, #tpu.memory_space<semaphore_mem>>
        %dma_start3A_920 = arith.constant 0 : i32
        %dma_start3A_921 = tpu.memref_slice %arg10[%dma_start3A_920] : memref<384xi32, #tpu.memory_space<vmem>> -> memref<128xi32, #tpu.memory_space<vmem>>
        %dma_start3A_922 = tpu.memref_slice %arg2[%mul3A_765] : memref<320000xi32, #tpu.memory_space<hbm>> -> memref<128xi32, #tpu.memory_space<hbm>>
        %dma_start3A_923 = arith.constant 0 : i32
        %dma_start3A_924 = tpu.memref_slice %arg10[%dma_start3A_923] : memref<384xi32, #tpu.memory_space<vmem>> -> memref<128xi32, #tpu.memory_space<vmem>>
        %dma_start3A_925 = tpu.memref_slice %arg2[%mul3A_765] : memref<320000xi32, #tpu.memory_space<hbm>> -> memref<128xi32, #tpu.memory_space<hbm>>
        tpu.enqueue_dma source(%dma_start3A_925 : memref<128xi32, #tpu.memory_space<hbm>>) target(%dma_start3A_924 : memref<128xi32, #tpu.memory_space<vmem>>) target_semaphore(%run_scoped3A : memref<!tpu.dma_semaphore, #tpu.memory_space<semaphore_mem>>)
        %dma_wait3A_926 = arith.constant 0 : i32
        %dma_wait3A_927 = tpu.memref_slice %arg10[%dma_wait3A_926] : memref<384xi32, #tpu.memory_space<vmem>> -> memref<128xi32, #tpu.memory_space<vmem>>
        %dma_wait3A_928 = tpu.memref_slice %arg2[%mul3A_765] : memref<320000xi32, #tpu.memory_space<hbm>> -> memref<128xi32, #tpu.memory_space<hbm>>
        %dma_wait3A_929 = arith.constant 0 : i32
        %dma_wait3A_930 = tpu.memref_slice %arg10[%dma_wait3A_929] : memref<384xi32, #tpu.memory_space<vmem>> -> memref<128xi32, #tpu.memory_space<vmem>>
        %dma_wait3A_931 = tpu.memref_slice %arg2[%mul3A_765] : memref<320000xi32, #tpu.memory_space<hbm>> -> memref<128xi32, #tpu.memory_space<hbm>>
        tpu.wait_dma2 semaphore(%run_scoped3A : memref<!tpu.dma_semaphore, #tpu.memory_space<semaphore_mem>>) src(%dma_wait3A_931 : memref<128xi32, #tpu.memory_space<hbm>>) dst(%dma_wait3A_930 : memref<128xi32, #tpu.memory_space<vmem>>)
        tpu.yield
      }) : () -> ()
      "tpu.region"() ({
        %run_scoped3A = tpu.sem_alloc : memref<!tpu.dma_semaphore, #tpu.memory_space<semaphore_mem>>
        %dma_start3A_920 = arith.constant 0 : i32
        %dma_start3A_921 = arith.constant 0 : i32
        %dma_start3A_922 = tpu.memref_slice %arg11[%dma_start3A_920, %dma_start3A_921] : memref<3x128xi32, #tpu.memory_space<vmem>> -> memref<1x128xi32, #tpu.memory_space<vmem>>
        %dma_start3A_923 = arith.constant 0 : i32
        %dma_start3A_924 = tpu.memref_slice %arg3[%add3A_763, %dma_start3A_923] : memref<2500x128xi32, #tpu.memory_space<hbm>> -> memref<1x128xi32, #tpu.memory_space<hbm>>
        %dma_start3A_925 = arith.constant 0 : i32
        %dma_start3A_926 = arith.constant 0 : i32
        %dma_start3A_927 = tpu.memref_slice %arg11[%dma_start3A_925, %dma_start3A_926] : memref<3x128xi32, #tpu.memory_space<vmem>> -> memref<1x128xi32, #tpu.memory_space<vmem>>
        %dma_start3A_928 = arith.constant 0 : i32
        %dma_start3A_929 = tpu.memref_slice %arg3[%add3A_763, %dma_start3A_928] : memref<2500x128xi32, #tpu.memory_space<hbm>> -> memref<1x128xi32, #tpu.memory_space<hbm>>
        tpu.enqueue_dma source(%dma_start3A_929 : memref<1x128xi32, #tpu.memory_space<hbm>>) target(%dma_start3A_927 : memref<1x128xi32, #tpu.memory_space<vmem>>) target_semaphore(%run_scoped3A : memref<!tpu.dma_semaphore, #tpu.memory_space<semaphore_mem>>)
        %dma_wait3A_930 = arith.constant 0 : i32
        %dma_wait3A_931 = arith.constant 0 : i32
        %dma_wait3A_932 = tpu.memref_slice %arg11[%dma_wait3A_930, %dma_wait3A_931] : memref<3x128xi32, #tpu.memory_space<vmem>> -> memref<1x128xi32, #tpu.memory_space<vmem>>
        %dma_wait3A_933 = arith.constant 0 : i32
        %dma_wait3A_934 = tpu.memref_slice %arg3[%add3A_763, %dma_wait3A_933] : memref<2500x128xi32, #tpu.memory_space<hbm>> -> memref<1x128xi32, #tpu.memory_space<hbm>>
        %dma_wait3A_935 = arith.constant 0 : i32
        %dma_wait3A_936 = arith.constant 0 : i32
        %dma_wait3A_937 = tpu.memref_slice %arg11[%dma_wait3A_935, %dma_wait3A_936] : memref<3x128xi32, #tpu.memory_space<vmem>> -> memref<1x128xi32, #tpu.memory_space<vmem>>
        %dma_wait3A_938 = arith.constant 0 : i32
        %dma_wait3A_939 = tpu.memref_slice %arg3[%add3A_763, %dma_wait3A_938] : memref<2500x128xi32, #tpu.memory_space<hbm>> -> memref<1x128xi32, #tpu.memory_space<hbm>>
        tpu.wait_dma2 semaphore(%run_scoped3A : memref<!tpu.dma_semaphore, #tpu.memory_space<semaphore_mem>>) src(%dma_wait3A_939 : memref<1x128xi32, #tpu.memory_space<hbm>>) dst(%dma_wait3A_937 : memref<1x128xi32, #tpu.memory_space<vmem>>)
        tpu.yield
      }) : () -> ()
      %get3A_766 = arith.constant 0 : index
      %get3A_767 = tpu.vector_load %arg10[%get3A_766] {strides = array<i32>} : memref<384xi32, #tpu.memory_space<vmem>>, vector<16xi32>,
      %get3A_768 = vector.shape_cast %get3A_767 : vector<16xi32> to vector<16xi32>
      %mul3A_769 = arith.constant 2 : i32
      %mul3A_770 = vector.broadcast %mul3A_769 : i32 to vector<16xi32>
      %mul3A_771 = arith.muli %get3A_768, %mul3A_770 : vector<16xi32>
      %add3A_772 = arith.constant 0 : i32
      %add3A_773 = vector.broadcast %add3A_772 : i32 to vector<16xi32>
      %add3A_774 = arith.addi %mul3A_771, %add3A_773 : vector<16xi32>
      %swap3A_775 = arith.constant 0 : index
      %swap3A_776 = tpu.vector_load %arg10[%swap3A_775] {strides = array<i32>} : memref<384xi32, #tpu.memory_space<vmem>>, vector<16xi32>,
      %swap3A_777 = vector.shape_cast %swap3A_776 : vector<16xi32> to vector<16xi32>
      %swap3A_778 = vector.shape_cast %add3A_774 : vector<16xi32> to vector<16xi32>
      tpu.vector_store %arg10[%swap3A_775], %swap3A_778 {strides = array<i32>} : memref<384xi32, #tpu.memory_space<vmem>>, vector<16xi32>,
      %get3A_779 = arith.constant 16 : index
      %get3A_780 = tpu.vector_load %arg10[%get3A_779] {strides = array<i32>} : memref<384xi32, #tpu.memory_space<vmem>>, vector<16xi32>,
      %get3A_781 = vector.shape_cast %get3A_780 : vector<16xi32> to vector<16xi32>
      %mul3A_782 = arith.constant 2 : i32
      %mul3A_783 = vector.broadcast %mul3A_782 : i32 to vector<16xi32>
      %mul3A_784 = arith.muli %get3A_781, %mul3A_783 : vector<16xi32>
      %add3A_785 = arith.constant 0 : i32
      %add3A_786 = vector.broadcast %add3A_785 : i32 to vector<16xi32>
      %add3A_787 = arith.addi %mul3A_784, %add3A_786 : vector<16xi32>
      %swap3A_788 = arith.constant 16 : index
      %swap3A_789 = tpu.vector_load %arg10[%swap3A_788] {strides = array<i32>} : memref<384xi32, #tpu.memory_space<vmem>>, vector<16xi32>,
      %swap3A_790 = vector.shape_cast %swap3A_789 : vector<16xi32> to vector<16xi32>
      %swap3A_791 = vector.shape_cast %add3A_787 : vector<16xi32> to vector<16xi32>
      tpu.vector_store %arg10[%swap3A_788], %swap3A_791 {strides = array<i32>} : memref<384xi32, #tpu.memory_space<vmem>>, vector<16xi32>,
      %get3A_792 = arith.constant 32 : index
      %get3A_793 = tpu.vector_load %arg10[%get3A_792] {strides = array<i32>} : memref<384xi32, #tpu.memory_space<vmem>>, vector<16xi32>,
      %get3A_794 = vector.shape_cast %get3A_793 : vector<16xi32> to vector<16xi32>
      %mul3A_795 = arith.constant 2 : i32
      %mul3A_796 = vector.broadcast %mul3A_795 : i32 to vector<16xi32>
      %mul3A_797 = arith.muli %get3A_794, %mul3A_796 : vector<16xi32>
      %add3A_798 = arith.constant 0 : i32
      %add3A_799 = vector.broadcast %add3A_798 : i32 to vector<16xi32>
      %add3A_800 = arith.addi %mul3A_797, %add3A_799 : vector<16xi32>
      %swap3A_801 = arith.constant 32 : index
      %swap3A_802 = tpu.vector_load %arg10[%swap3A_801] {strides = array<i32>} : memref<384xi32, #tpu.memory_space<vmem>>, vector<16xi32>,
      %swap3A_803 = vector.shape_cast %swap3A_802 : vector<16xi32> to vector<16xi32>
      %swap3A_804 = vector.shape_cast %add3A_800 : vector<16xi32> to vector<16xi32>
      tpu.vector_store %arg10[%swap3A_801], %swap3A_804 {strides = array<i32>} : memref<384xi32, #tpu.memory_space<vmem>>, vector<16xi32>,
      %get3A_805 = arith.constant 48 : index
      %get3A_806 = tpu.vector_load %arg10[%get3A_805] {strides = array<i32>} : memref<384xi32, #tpu.memory_space<vmem>>, vector<16xi32>,
      %get3A_807 = vector.shape_cast %get3A_806 : vector<16xi32> to vector<16xi32>
      %mul3A_808 = arith.constant 2 : i32
      %mul3A_809 = vector.broadcast %mul3A_808 : i32 to vector<16xi32>
      %mul3A_810 = arith.muli %get3A_807, %mul3A_809 : vector<16xi32>
      %add3A_811 = arith.constant 0 : i32
      %add3A_812 = vector.broadcast %add3A_811 : i32 to vector<16xi32>
      %add3A_813 = arith.addi %mul3A_810, %add3A_812 : vector<16xi32>
      %swap3A_814 = arith.constant 48 : index
      %swap3A_815 = tpu.vector_load %arg10[%swap3A_814] {strides = array<i32>} : memref<384xi32, #tpu.memory_space<vmem>>, vector<16xi32>,
      %swap3A_816 = vector.shape_cast %swap3A_815 : vector<16xi32> to vector<16xi32>
      %swap3A_817 = vector.shape_cast %add3A_813 : vector<16xi32> to vector<16xi32>
      tpu.vector_store %arg10[%swap3A_814], %swap3A_817 {strides = array<i32>} : memref<384xi32, #tpu.memory_space<vmem>>, vector<16xi32>,
      %get3A_818 = arith.constant 64 : index
      %get3A_819 = tpu.vector_load %arg10[%get3A_818] {strides = array<i32>} : memref<384xi32, #tpu.memory_space<vmem>>, vector<16xi32>,
      %get3A_820 = vector.shape_cast %get3A_819 : vector<16xi32> to vector<16xi32>
      %mul3A_821 = arith.constant 2 : i32
      %mul3A_822 = vector.broadcast %mul3A_821 : i32 to vector<16xi32>
      %mul3A_823 = arith.muli %get3A_820, %mul3A_822 : vector<16xi32>
      %add3A_824 = arith.constant 0 : i32
      %add3A_825 = vector.broadcast %add3A_824 : i32 to vector<16xi32>
      %add3A_826 = arith.addi %mul3A_823, %add3A_825 : vector<16xi32>
      %swap3A_827 = arith.constant 64 : index
      %swap3A_828 = tpu.vector_load %arg10[%swap3A_827] {strides = array<i32>} : memref<384xi32, #tpu.memory_space<vmem>>, vector<16xi32>,
      %swap3A_829 = vector.shape_cast %swap3A_828 : vector<16xi32> to vector<16xi32>
      %swap3A_830 = vector.shape_cast %add3A_826 : vector<16xi32> to vector<16xi32>
      tpu.vector_store %arg10[%swap3A_827], %swap3A_830 {strides = array<i32>} : memref<384xi32, #tpu.memory_space<vmem>>, vector<16xi32>,
      %get3A_831 = arith.constant 80 : index
      %get3A_832 = tpu.vector_load %arg10[%get3A_831] {strides = array<i32>} : memref<384xi32, #tpu.memory_space<vmem>>, vector<16xi32>,
      %get3A_833 = vector.shape_cast %get3A_832 : vector<16xi32> to vector<16xi32>
      %mul3A_834 = arith.constant 2 : i32
      %mul3A_835 = vector.broadcast %mul3A_834 : i32 to vector<16xi32>
      %mul3A_836 = arith.muli %get3A_833, %mul3A_835 : vector<16xi32>
      %add3A_837 = arith.constant 0 : i32
      %add3A_838 = vector.broadcast %add3A_837 : i32 to vector<16xi32>
      %add3A_839 = arith.addi %mul3A_836, %add3A_838 : vector<16xi32>
      %swap3A_840 = arith.constant 80 : index
      %swap3A_841 = tpu.vector_load %arg10[%swap3A_840] {strides = array<i32>} : memref<384xi32, #tpu.memory_space<vmem>>, vector<16xi32>,
      %swap3A_842 = vector.shape_cast %swap3A_841 : vector<16xi32> to vector<16xi32>
      %swap3A_843 = vector.shape_cast %add3A_839 : vector<16xi32> to vector<16xi32>
      tpu.vector_store %arg10[%swap3A_840], %swap3A_843 {strides = array<i32>} : memref<384xi32, #tpu.memory_space<vmem>>, vector<16xi32>,
      %get3A_844 = arith.constant 96 : index
      %get3A_845 = tpu.vector_load %arg10[%get3A_844] {strides = array<i32>} : memref<384xi32, #tpu.memory_space<vmem>>, vector<16xi32>,
      %get3A_846 = vector.shape_cast %get3A_845 : vector<16xi32> to vector<16xi32>
      %mul3A_847 = arith.constant 2 : i32
      %mul3A_848 = vector.broadcast %mul3A_847 : i32 to vector<16xi32>
      %mul3A_849 = arith.muli %get3A_846, %mul3A_848 : vector<16xi32>
      %add3A_850 = arith.constant 0 : i32
      %add3A_851 = vector.broadcast %add3A_850 : i32 to vector<16xi32>
      %add3A_852 = arith.addi %mul3A_849, %add3A_851 : vector<16xi32>
      %swap3A_853 = arith.constant 96 : index
      %swap3A_854 = tpu.vector_load %arg10[%swap3A_853] {strides = array<i32>} : memref<384xi32, #tpu.memory_space<vmem>>, vector<16xi32>,
      %swap3A_855 = vector.shape_cast %swap3A_854 : vector<16xi32> to vector<16xi32>
      %swap3A_856 = vector.shape_cast %add3A_852 : vector<16xi32> to vector<16xi32>
      tpu.vector_store %arg10[%swap3A_853], %swap3A_856 {strides = array<i32>} : memref<384xi32, #tpu.memory_space<vmem>>, vector<16xi32>,
      %get3A_857 = arith.constant 112 : index
      %get3A_858 = tpu.vector_load %arg10[%get3A_857] {strides = array<i32>} : memref<384xi32, #tpu.memory_space<vmem>>, vector<16xi32>,
      %get3A_859 = vector.shape_cast %get3A_858 : vector<16xi32> to vector<16xi32>
      %mul3A_860 = arith.constant 2 : i32
      %mul3A_861 = vector.broadcast %mul3A_860 : i32 to vector<16xi32>
      %mul3A_862 = arith.muli %get3A_859, %mul3A_861 : vector<16xi32>
      %add3A_863 = arith.constant 0 : i32
      %add3A_864 = vector.broadcast %add3A_863 : i32 to vector<16xi32>
      %add3A_865 = arith.addi %mul3A_862, %add3A_864 : vector<16xi32>
      %swap3A_866 = arith.constant 112 : index
      %swap3A_867 = tpu.vector_load %arg10[%swap3A_866] {strides = array<i32>} : memref<384xi32, #tpu.memory_space<vmem>>, vector<16xi32>,
      %swap3A_868 = vector.shape_cast %swap3A_867 : vector<16xi32> to vector<16xi32>
      %swap3A_869 = vector.shape_cast %add3A_865 : vector<16xi32> to vector<16xi32>
      tpu.vector_store %arg10[%swap3A_866], %swap3A_869 {strides = array<i32>} : memref<384xi32, #tpu.memory_space<vmem>>, vector<16xi32>,
      %dma_start3A_870 = arith.constant 0 : i32
      %dma_start3A_871 = arith.constant 0 : i32
      %dma_start3A_872 = tpu.memref_slice %arg13[%dma_start3A_870, %dma_start3A_871] : memref<384x64xf32, #tpu.memory_space<vmem>> -> memref<128x64xf32, #tpu.memory_space<vmem>>
      %dma_start3A_873 = arith.constant 0 : i32
      %dma_start3A_874 = tpu.memref_slice %arg10[%dma_start3A_873] : memref<384xi32, #tpu.memory_space<vmem>> -> memref<128xi32, #tpu.memory_space<vmem>>
      %dma_start3A_875 = arith.constant 0 : i32
      %dma_start3A_876 = arith.constant 0 : i32
      %dma_start3A_877 = tpu.memref_slice %arg4[%dma_start3A_875, %dma_start3A_876] : memref<20000x64xf32, #tpu.memory_space<hbm>> -> memref<20000x64xf32, #tpu.memory_space<hbm>>
      tpu.enqueue_indirect_dma source(%dma_start3A_877 : memref<20000x64xf32, #tpu.memory_space<hbm>>) target(%dma_start3A_872 : memref<128x64xf32, #tpu.memory_space<vmem>>) offsets(%dma_start3A_874 : memref<128xi32, #tpu.memory_space<vmem>>) semaphore(%arg19 : memref<!tpu.dma_semaphore, #tpu.memory_space<semaphore_mem>>)
      %dma_wait3A_878 = arith.constant 0 : i32
      %dma_wait3A_879 = arith.constant 0 : i32
      %dma_wait3A_880 = tpu.memref_slice %arg13[%dma_wait3A_878, %dma_wait3A_879] : memref<384x64xf32, #tpu.memory_space<vmem>> -> memref<128x64xf32, #tpu.memory_space<vmem>>
      %dma_wait3A_881 = arith.constant 0 : i32
      %dma_wait3A_882 = tpu.memref_slice %arg10[%dma_wait3A_881] : memref<384xi32, #tpu.memory_space<vmem>> -> memref<128xi32, #tpu.memory_space<vmem>>
      %dma_wait3A_883 = arith.constant 0 : i32
      %dma_wait3A_884 = arith.constant 0 : i32
      %dma_wait3A_885 = tpu.memref_slice %arg4[%dma_wait3A_883, %dma_wait3A_884] : memref<20000x64xf32, #tpu.memory_space<hbm>> -> memref<20000x64xf32, #tpu.memory_space<hbm>>
      tpu.wait_indirect_dma semaphore(%arg19 : memref<!tpu.dma_semaphore, #tpu.memory_space<semaphore_mem>>) src(%dma_wait3A_885 : memref<20000x64xf32, #tpu.memory_space<hbm>>) dst(%dma_wait3A_880 : memref<128x64xf32, #tpu.memory_space<vmem>>)
      %dma_start3A_886 = arith.constant 0 : i32
      %dma_start3A_887 = arith.constant 0 : i32
      %dma_start3A_888 = arith.constant 0 : i32
      %dma_start3A_889 = tpu.memref_slice %arg13[%dma_start3A_887, %dma_start3A_888] : memref<384x64xf32, #tpu.memory_space<vmem>> -> memref<128x64xf32, #tpu.memory_space<vmem>>
      %dma_start3A_890 = arith.constant 0 : i32
      %dma_start3A_891 = tpu.memref_slice %arg11[%dma_start3A_886, %dma_start3A_890] : memref<3x128xi32, #tpu.memory_space<vmem>> -> memref<1x128xi32, #tpu.memory_space<vmem>>
      %dma_start3A_892 = tpu.memref_squeeze %dma_start3A_891 : memref<1x128xi32, #tpu.memory_space<vmem>> -> memref<128xi32, #tpu.memory_space<vmem>>
      %dma_start3A_893 = arith.constant 0 : i32
      %dma_start3A_894 = arith.constant 0 : i32
      %dma_start3A_895 = tpu.memref_slice %arg17[%dma_start3A_893, %dma_start3A_894] : memref<10240x64xf32, #tpu.memory_space<vmem_shared>> -> memref<10240x64xf32, #tpu.memory_space<vmem_shared>>
      tpu.enqueue_indirect_dma source(%dma_start3A_889 : memref<128x64xf32, #tpu.memory_space<vmem>>) target(%dma_start3A_895 : memref<10240x64xf32, #tpu.memory_space<vmem_shared>>) offsets(%dma_start3A_892 : memref<128xi32, #tpu.memory_space<vmem>>) semaphore(%arg20 : memref<!tpu.dma_semaphore, #tpu.memory_space<semaphore_mem>>) {add = true}
      %dma_start3A_896 = arith.constant 0 : i32
      %dma_start3A_897 = arith.constant 0 : i32
      %dma_start3A_898 = tpu.memref_slice %arg11[%dma_start3A_896, %dma_start3A_897] : memref<3x128xi32, #tpu.memory_space<vmem>> -> memref<1x128xi32, #tpu.memory_space<vmem>>
      %dma_start3A_899 = tpu.memref_squeeze %dma_start3A_898 : memref<1x128xi32, #tpu.memory_space<vmem>> -> memref<128xi32, #tpu.memory_space<vmem>>
      %dma_start3A_900 = arith.constant 0 : i32
      %dma_start3A_901 = arith.constant 0 : i32
      %dma_start3A_902 = tpu.memref_slice %arg18[%dma_start3A_900, %dma_start3A_901] : memref<10240x16xf32, #tpu.memory_space<vmem_shared>> -> memref<10240x16xf32, #tpu.memory_space<vmem_shared>>
      tpu.enqueue_indirect_dma source(%arg14 : memref<128x16xf32, #tpu.memory_space<vmem>>) target(%dma_start3A_902 : memref<10240x16xf32, #tpu.memory_space<vmem_shared>>) offsets(%dma_start3A_899 : memref<128xi32, #tpu.memory_space<vmem>>) semaphore(%arg20 : memref<!tpu.dma_semaphore, #tpu.memory_space<semaphore_mem>>) {add = true}
      %dma_wait3A_903 = arith.constant 0 : i32
      %dma_wait3A_904 = arith.constant 0 : i32
      %dma_wait3A_905 = arith.constant 0 : i32
      %dma_wait3A_906 = tpu.memref_slice %arg13[%dma_wait3A_904, %dma_wait3A_905] : memref<384x64xf32, #tpu.memory_space<vmem>> -> memref<128x64xf32, #tpu.memory_space<vmem>>
      %dma_wait3A_907 = arith.constant 0 : i32
      %dma_wait3A_908 = tpu.memref_slice %arg11[%dma_wait3A_903, %dma_wait3A_907] : memref<3x128xi32, #tpu.memory_space<vmem>> -> memref<1x128xi32, #tpu.memory_space<vmem>>
      %dma_wait3A_909 = tpu.memref_squeeze %dma_wait3A_908 : memref<1x128xi32, #tpu.memory_space<vmem>> -> memref<128xi32, #tpu.memory_space<vmem>>
      %dma_wait3A_910 = arith.constant 0 : i32
      %dma_wait3A_911 = arith.constant 0 : i32
      %dma_wait3A_912 = tpu.memref_slice %arg17[%dma_wait3A_910, %dma_wait3A_911] : memref<10240x64xf32, #tpu.memory_space<vmem_shared>> -> memref<10240x64xf32, #tpu.memory_space<vmem_shared>>
      tpu.wait_indirect_dma semaphore(%arg20 : memref<!tpu.dma_semaphore, #tpu.memory_space<semaphore_mem>>) src(%dma_wait3A_906 : memref<128x64xf32, #tpu.memory_space<vmem>>) dst(%dma_wait3A_912 : memref<10240x64xf32, #tpu.memory_space<vmem_shared>>)
      %dma_wait3A_913 = arith.constant 0 : i32
      %dma_wait3A_914 = arith.constant 0 : i32
      %dma_wait3A_915 = tpu.memref_slice %arg11[%dma_wait3A_913, %dma_wait3A_914] : memref<3x128xi32, #tpu.memory_space<vmem>> -> memref<1x128xi32, #tpu.memory_space<vmem>>
      %dma_wait3A_916 = tpu.memref_squeeze %dma_wait3A_915 : memref<1x128xi32, #tpu.memory_space<vmem>> -> memref<128xi32, #tpu.memory_space<vmem>>
      %dma_wait3A_917 = arith.constant 0 : i32
      %dma_wait3A_918 = arith.constant 0 : i32
      %dma_wait3A_919 = tpu.memref_slice %arg18[%dma_wait3A_917, %dma_wait3A_918] : memref<10240x16xf32, #tpu.memory_space<vmem_shared>> -> memref<10240x16xf32, #tpu.memory_space<vmem_shared>>
      tpu.wait_indirect_dma semaphore(%arg20 : memref<!tpu.dma_semaphore, #tpu.memory_space<semaphore_mem>>) src(%arg14 : memref<128x16xf32, #tpu.memory_space<vmem>>) dst(%dma_wait3A_919 : memref<10240x16xf32, #tpu.memory_space<vmem_shared>>)
    } else {
    }
    %barrier3A_367 = arith.constant 0 : index
    tpu.barrier barrier_id(%barrier3A_367)
    %mul3A_368 = arith.constant 640 : i32
    %mul3A_369 = arith.muli %arg1, %mul3A_368 : i32
    %mul3A_370 = arith.constant 640 : i32
    %mul3A_371 = arith.muli %arg1, %mul3A_370 : i32
    %dma_start3A_372 = arith.constant 0 : i32
    %dma_start3A_373 = tpu.memref_slice %arg5[%arg0, %mul3A_371, %dma_start3A_372] : memref<2x10240x64xf32, #tpu.memory_space<hbm>> -> memref<1x640x64xf32, #tpu.memory_space<hbm>>
    %dma_start3A_374 = tpu.memref_squeeze %dma_start3A_373 : memref<1x640x64xf32, #tpu.memory_space<hbm>> -> memref<640x64xf32, #tpu.memory_space<hbm>>
    %dma_start3A_375 = arith.constant 0 : i32
    %dma_start3A_376 = tpu.memref_slice %arg17[%mul3A_369, %dma_start3A_375] : memref<10240x64xf32, #tpu.memory_space<vmem_shared>> -> memref<640x64xf32, #tpu.memory_space<vmem_shared>>
    tpu.enqueue_dma source(%dma_start3A_376 : memref<640x64xf32, #tpu.memory_space<vmem_shared>>) target(%dma_start3A_374 : memref<640x64xf32, #tpu.memory_space<hbm>>) target_semaphore(%arg19 : memref<!tpu.dma_semaphore, #tpu.memory_space<semaphore_mem>>)
    %mul3A_377 = arith.constant 640 : i32
    %mul3A_378 = arith.muli %arg1, %mul3A_377 : i32
    %mul3A_379 = arith.constant 640 : i32
    %mul3A_380 = arith.muli %arg1, %mul3A_379 : i32
    %dma_start3A_381 = arith.constant 0 : i32
    %dma_start3A_382 = tpu.memref_slice %arg7[%arg0, %mul3A_380, %dma_start3A_381] : memref<2x10240x16xf32, #tpu.memory_space<hbm>> -> memref<1x640x16xf32, #tpu.memory_space<hbm>>
    %dma_start3A_383 = tpu.memref_squeeze %dma_start3A_382 : memref<1x640x16xf32, #tpu.memory_space<hbm>> -> memref<640x16xf32, #tpu.memory_space<hbm>>
    %dma_start3A_384 = arith.constant 0 : i32
    %dma_start3A_385 = tpu.memref_slice %arg18[%mul3A_378, %dma_start3A_384] : memref<10240x16xf32, #tpu.memory_space<vmem_shared>> -> memref<640x16xf32, #tpu.memory_space<vmem_shared>>
    tpu.enqueue_dma source(%dma_start3A_385 : memref<640x16xf32, #tpu.memory_space<vmem_shared>>) target(%dma_start3A_383 : memref<640x16xf32, #tpu.memory_space<hbm>>) target_semaphore(%arg19 : memref<!tpu.dma_semaphore, #tpu.memory_space<semaphore_mem>>)
    %dma_wait3A_386 = arith.constant 0 : i32
    %dma_wait3A_387 = tpu.memref_slice %arg5[%arg0, %mul3A_371, %dma_wait3A_386] : memref<2x10240x64xf32, #tpu.memory_space<hbm>> -> memref<1x640x64xf32, #tpu.memory_space<hbm>>
    %dma_wait3A_388 = tpu.memref_squeeze %dma_wait3A_387 : memref<1x640x64xf32, #tpu.memory_space<hbm>> -> memref<640x64xf32, #tpu.memory_space<hbm>>
    %dma_wait3A_389 = arith.constant 0 : i32
    %dma_wait3A_390 = tpu.memref_slice %arg17[%mul3A_369, %dma_wait3A_389] : memref<10240x64xf32, #tpu.memory_space<vmem_shared>> -> memref<640x64xf32, #tpu.memory_space<vmem_shared>>
    tpu.wait_dma2 semaphore(%arg19 : memref<!tpu.dma_semaphore, #tpu.memory_space<semaphore_mem>>) src(%dma_wait3A_390 : memref<640x64xf32, #tpu.memory_space<vmem_shared>>) dst(%dma_wait3A_388 : memref<640x64xf32, #tpu.memory_space<hbm>>)
    %dma_wait3A_391 = arith.constant 0 : i32
    %dma_wait3A_392 = tpu.memref_slice %arg7[%arg0, %mul3A_380, %dma_wait3A_391] : memref<2x10240x16xf32, #tpu.memory_space<hbm>> -> memref<1x640x16xf32, #tpu.memory_space<hbm>>
    %dma_wait3A_393 = tpu.memref_squeeze %dma_wait3A_392 : memref<1x640x16xf32, #tpu.memory_space<hbm>> -> memref<640x16xf32, #tpu.memory_space<hbm>>
    %dma_wait3A_394 = arith.constant 0 : i32
    %dma_wait3A_395 = tpu.memref_slice %arg18[%mul3A_378, %dma_wait3A_394] : memref<10240x16xf32, #tpu.memory_space<vmem_shared>> -> memref<640x16xf32, #tpu.memory_space<vmem_shared>>
    tpu.wait_dma2 semaphore(%arg19 : memref<!tpu.dma_semaphore, #tpu.memory_space<semaphore_mem>>) src(%dma_wait3A_395 : memref<640x16xf32, #tpu.memory_space<vmem_shared>>) dst(%dma_wait3A_393 : memref<640x16xf32, #tpu.memory_space<hbm>>)
    %mul3A_396 = arith.constant 78 : i32
    %mul3A_397 = arith.muli %add3A, %mul3A_396 : i32
    %mul3A_398 = arith.constant 128 : i32
    %mul3A_399 = arith.muli %mul3A_397, %mul3A_398 : i32
    "tpu.region"() ({
      %run_scoped3A = tpu.sem_alloc : memref<!tpu.dma_semaphore, #tpu.memory_space<semaphore_mem>>
      %dma_start3A_762 = tpu.memref_slice %arg2[%mul3A_399] : memref<320000xi32, #tpu.memory_space<hbm>> -> memref<384xi32, #tpu.memory_space<hbm>>
      %dma_start3A_763 = tpu.memref_slice %arg2[%mul3A_399] : memref<320000xi32, #tpu.memory_space<hbm>> -> memref<384xi32, #tpu.memory_space<hbm>>
      tpu.enqueue_dma source(%dma_start3A_763 : memref<384xi32, #tpu.memory_space<hbm>>) target(%arg8 : memref<384xi32, #tpu.memory_space<vmem>>) target_semaphore(%run_scoped3A : memref<!tpu.dma_semaphore, #tpu.memory_space<semaphore_mem>>)
      %dma_wait3A_764 = tpu.memref_slice %arg2[%mul3A_399] : memref<320000xi32, #tpu.memory_space<hbm>> -> memref<384xi32, #tpu.memory_space<hbm>>
      %dma_wait3A_765 = tpu.memref_slice %arg2[%mul3A_399] : memref<320000xi32, #tpu.memory_space<hbm>> -> memref<384xi32, #tpu.memory_space<hbm>>
      tpu.wait_dma2 semaphore(%run_scoped3A : memref<!tpu.dma_semaphore, #tpu.memory_space<semaphore_mem>>) src(%dma_wait3A_765 : memref<384xi32, #tpu.memory_space<hbm>>) dst(%arg8 : memref<384xi32, #tpu.memory_space<vmem>>)
      tpu.yield
    }) : () -> ()
    "tpu.region"() ({
      %run_scoped3A = tpu.sem_alloc : memref<!tpu.dma_semaphore, #tpu.memory_space<semaphore_mem>>
      %dma_start3A_762 = arith.constant 0 : i32
      %dma_start3A_763 = tpu.memref_slice %arg3[%mul3A_397, %dma_start3A_762] : memref<2500x128xi32, #tpu.memory_space<hbm>> -> memref<3x128xi32, #tpu.memory_space<hbm>>
      %dma_start3A_764 = arith.constant 0 : i32
      %dma_start3A_765 = tpu.memref_slice %arg3[%mul3A_397, %dma_start3A_764] : memref<2500x128xi32, #tpu.memory_space<hbm>> -> memref<3x128xi32, #tpu.memory_space<hbm>>
      tpu.enqueue_dma source(%dma_start3A_765 : memref<3x128xi32, #tpu.memory_space<hbm>>) target(%arg9 : memref<3x128xi32, #tpu.memory_space<vmem>>) target_semaphore(%run_scoped3A : memref<!tpu.dma_semaphore, #tpu.memory_space<semaphore_mem>>)
      %dma_wait3A_766 = arith.constant 0 : i32
      %dma_wait3A_767 = tpu.memref_slice %arg3[%mul3A_397, %dma_wait3A_766] : memref<2500x128xi32, #tpu.memory_space<hbm>> -> memref<3x128xi32, #tpu.memory_space<hbm>>
      %dma_wait3A_768 = arith.constant 0 : i32
      %dma_wait3A_769 = tpu.memref_slice %arg3[%mul3A_397, %dma_wait3A_768] : memref<2500x128xi32, #tpu.memory_space<hbm>> -> memref<3x128xi32, #tpu.memory_space<hbm>>
      tpu.wait_dma2 semaphore(%run_scoped3A : memref<!tpu.dma_semaphore, #tpu.memory_space<semaphore_mem>>) src(%dma_wait3A_769 : memref<3x128xi32, #tpu.memory_space<hbm>>) dst(%arg9 : memref<3x128xi32, #tpu.memory_space<vmem>>)
      tpu.yield
    }) : () -> ()
    %get3A_400 = arith.constant 0 : index
    %get3A_401 = tpu.vector_load %arg8[%get3A_400] {strides = array<i32>} : memref<384xi32, #tpu.memory_space<vmem>>, vector<16xi32>,
    %get3A_402 = vector.shape_cast %get3A_401 : vector<16xi32> to vector<16xi32>
    %mul3A_403 = arith.constant 2 : i32
    %mul3A_404 = vector.broadcast %mul3A_403 : i32 to vector<16xi32>
    %mul3A_405 = arith.muli %get3A_402, %mul3A_404 : vector<16xi32>
    %add3A_406 = arith.constant 1 : i32
    %add3A_407 = vector.broadcast %add3A_406 : i32 to vector<16xi32>
    %add3A_408 = arith.addi %mul3A_405, %add3A_407 : vector<16xi32>
    %swap3A_409 = arith.constant 0 : index
    %swap3A_410 = tpu.vector_load %arg8[%swap3A_409] {strides = array<i32>} : memref<384xi32, #tpu.memory_space<vmem>>, vector<16xi32>,
    %swap3A_411 = vector.shape_cast %swap3A_410 : vector<16xi32> to vector<16xi32>
    %swap3A_412 = vector.shape_cast %add3A_408 : vector<16xi32> to vector<16xi32>
    tpu.vector_store %arg8[%swap3A_409], %swap3A_412 {strides = array<i32>} : memref<384xi32, #tpu.memory_space<vmem>>, vector<16xi32>,
    %get3A_413 = arith.constant 16 : index
    %get3A_414 = tpu.vector_load %arg8[%get3A_413] {strides = array<i32>} : memref<384xi32, #tpu.memory_space<vmem>>, vector<16xi32>,
    %get3A_415 = vector.shape_cast %get3A_414 : vector<16xi32> to vector<16xi32>
    %mul3A_416 = arith.constant 2 : i32
    %mul3A_417 = vector.broadcast %mul3A_416 : i32 to vector<16xi32>
    %mul3A_418 = arith.muli %get3A_415, %mul3A_417 : vector<16xi32>
    %add3A_419 = arith.constant 1 : i32
    %add3A_420 = vector.broadcast %add3A_419 : i32 to vector<16xi32>
    %add3A_421 = arith.addi %mul3A_418, %add3A_420 : vector<16xi32>
    %swap3A_422 = arith.constant 16 : index
    %swap3A_423 = tpu.vector_load %arg8[%swap3A_422] {strides = array<i32>} : memref<384xi32, #tpu.memory_space<vmem>>, vector<16xi32>,
    %swap3A_424 = vector.shape_cast %swap3A_423 : vector<16xi32> to vector<16xi32>
    %swap3A_425 = vector.shape_cast %add3A_421 : vector<16xi32> to vector<16xi32>
    tpu.vector_store %arg8[%swap3A_422], %swap3A_425 {strides = array<i32>} : memref<384xi32, #tpu.memory_space<vmem>>, vector<16xi32>,
    %get3A_426 = arith.constant 32 : index
    %get3A_427 = tpu.vector_load %arg8[%get3A_426] {strides = array<i32>} : memref<384xi32, #tpu.memory_space<vmem>>, vector<16xi32>,
    %get3A_428 = vector.shape_cast %get3A_427 : vector<16xi32> to vector<16xi32>
    %mul3A_429 = arith.constant 2 : i32
    %mul3A_430 = vector.broadcast %mul3A_429 : i32 to vector<16xi32>
    %mul3A_431 = arith.muli %get3A_428, %mul3A_430 : vector<16xi32>
    %add3A_432 = arith.constant 1 : i32
    %add3A_433 = vector.broadcast %add3A_432 : i32 to vector<16xi32>
    %add3A_434 = arith.addi %mul3A_431, %add3A_433 : vector<16xi32>
    %swap3A_435 = arith.constant 32 : index
    %swap3A_436 = tpu.vector_load %arg8[%swap3A_435] {strides = array<i32>} : memref<384xi32, #tpu.memory_space<vmem>>, vector<16xi32>,
    %swap3A_437 = vector.shape_cast %swap3A_436 : vector<16xi32> to vector<16xi32>
    %swap3A_438 = vector.shape_cast %add3A_434 : vector<16xi32> to vector<16xi32>
    tpu.vector_store %arg8[%swap3A_435], %swap3A_438 {strides = array<i32>} : memref<384xi32, #tpu.memory_space<vmem>>, vector<16xi32>,
    %get3A_439 = arith.constant 48 : index
    %get3A_440 = tpu.vector_load %arg8[%get3A_439] {strides = array<i32>} : memref<384xi32, #tpu.memory_space<vmem>>, vector<16xi32>,
    %get3A_441 = vector.shape_cast %get3A_440 : vector<16xi32> to vector<16xi32>
    %mul3A_442 = arith.constant 2 : i32
    %mul3A_443 = vector.broadcast %mul3A_442 : i32 to vector<16xi32>
    %mul3A_444 = arith.muli %get3A_441, %mul3A_443 : vector<16xi32>
    %add3A_445 = arith.constant 1 : i32
    %add3A_446 = vector.broadcast %add3A_445 : i32 to vector<16xi32>
    %add3A_447 = arith.addi %mul3A_444, %add3A_446 : vector<16xi32>
    %swap3A_448 = arith.constant 48 : index
    %swap3A_449 = tpu.vector_load %arg8[%swap3A_448] {strides = array<i32>} : memref<384xi32, #tpu.memory_space<vmem>>, vector<16xi32>,
    %swap3A_450 = vector.shape_cast %swap3A_449 : vector<16xi32> to vector<16xi32>
    %swap3A_451 = vector.shape_cast %add3A_447 : vector<16xi32> to vector<16xi32>
    tpu.vector_store %arg8[%swap3A_448], %swap3A_451 {strides = array<i32>} : memref<384xi32, #tpu.memory_space<vmem>>, vector<16xi32>,
    %get3A_452 = arith.constant 64 : index
    %get3A_453 = tpu.vector_load %arg8[%get3A_452] {strides = array<i32>} : memref<384xi32, #tpu.memory_space<vmem>>, vector<16xi32>,
    %get3A_454 = vector.shape_cast %get3A_453 : vector<16xi32> to vector<16xi32>
    %mul3A_455 = arith.constant 2 : i32
    %mul3A_456 = vector.broadcast %mul3A_455 : i32 to vector<16xi32>
    %mul3A_457 = arith.muli %get3A_454, %mul3A_456 : vector<16xi32>
    %add3A_458 = arith.constant 1 : i32
    %add3A_459 = vector.broadcast %add3A_458 : i32 to vector<16xi32>
    %add3A_460 = arith.addi %mul3A_457, %add3A_459 : vector<16xi32>
    %swap3A_461 = arith.constant 64 : index
    %swap3A_462 = tpu.vector_load %arg8[%swap3A_461] {strides = array<i32>} : memref<384xi32, #tpu.memory_space<vmem>>, vector<16xi32>,
    %swap3A_463 = vector.shape_cast %swap3A_462 : vector<16xi32> to vector<16xi32>
    %swap3A_464 = vector.shape_cast %add3A_460 : vector<16xi32> to vector<16xi32>
    tpu.vector_store %arg8[%swap3A_461], %swap3A_464 {strides = array<i32>} : memref<384xi32, #tpu.memory_space<vmem>>, vector<16xi32>,
    %get3A_465 = arith.constant 80 : index
    %get3A_466 = tpu.vector_load %arg8[%get3A_465] {strides = array<i32>} : memref<384xi32, #tpu.memory_space<vmem>>, vector<16xi32>,
    %get3A_467 = vector.shape_cast %get3A_466 : vector<16xi32> to vector<16xi32>
    %mul3A_468 = arith.constant 2 : i32
    %mul3A_469 = vector.broadcast %mul3A_468 : i32 to vector<16xi32>
    %mul3A_470 = arith.muli %get3A_467, %mul3A_469 : vector<16xi32>
    %add3A_471 = arith.constant 1 : i32
    %add3A_472 = vector.broadcast %add3A_471 : i32 to vector<16xi32>
    %add3A_473 = arith.addi %mul3A_470, %add3A_472 : vector<16xi32>
    %swap3A_474 = arith.constant 80 : index
    %swap3A_475 = tpu.vector_load %arg8[%swap3A_474] {strides = array<i32>} : memref<384xi32, #tpu.memory_space<vmem>>, vector<16xi32>,
    %swap3A_476 = vector.shape_cast %swap3A_475 : vector<16xi32> to vector<16xi32>
    %swap3A_477 = vector.shape_cast %add3A_473 : vector<16xi32> to vector<16xi32>
    tpu.vector_store %arg8[%swap3A_474], %swap3A_477 {strides = array<i32>} : memref<384xi32, #tpu.memory_space<vmem>>, vector<16xi32>,
    %get3A_478 = arith.constant 96 : index
    %get3A_479 = tpu.vector_load %arg8[%get3A_478] {strides = array<i32>} : memref<384xi32, #tpu.memory_space<vmem>>, vector<16xi32>,
    %get3A_480 = vector.shape_cast %get3A_479 : vector<16xi32> to vector<16xi32>
    %mul3A_481 = arith.constant 2 : i32
    %mul3A_482 = vector.broadcast %mul3A_481 : i32 to vector<16xi32>
    %mul3A_483 = arith.muli %get3A_480, %mul3A_482 : vector<16xi32>
    %add3A_484 = arith.constant 1 : i32
    %add3A_485 = vector.broadcast %add3A_484 : i32 to vector<16xi32>
    %add3A_486 = arith.addi %mul3A_483, %add3A_485 : vector<16xi32>
    %swap3A_487 = arith.constant 96 : index
    %swap3A_488 = tpu.vector_load %arg8[%swap3A_487] {strides = array<i32>} : memref<384xi32, #tpu.memory_space<vmem>>, vector<16xi32>,
    %swap3A_489 = vector.shape_cast %swap3A_488 : vector<16xi32> to vector<16xi32>
    %swap3A_490 = vector.shape_cast %add3A_486 : vector<16xi32> to vector<16xi32>
    tpu.vector_store %arg8[%swap3A_487], %swap3A_490 {strides = array<i32>} : memref<384xi32, #tpu.memory_space<vmem>>, vector<16xi32>,
    %get3A_491 = arith.constant 112 : index
    %get3A_492 = tpu.vector_load %arg8[%get3A_491] {strides = array<i32>} : memref<384xi32, #tpu.memory_space<vmem>>, vector<16xi32>,
    %get3A_493 = vector.shape_cast %get3A_492 : vector<16xi32> to vector<16xi32>
    %mul3A_494 = arith.constant 2 : i32
    %mul3A_495 = vector.broadcast %mul3A_494 : i32 to vector<16xi32>
    %mul3A_496 = arith.muli %get3A_493, %mul3A_495 : vector<16xi32>
    %add3A_497 = arith.constant 1 : i32
    %add3A_498 = vector.broadcast %add3A_497 : i32 to vector<16xi32>
    %add3A_499 = arith.addi %mul3A_496, %add3A_498 : vector<16xi32>
    %swap3A_500 = arith.constant 112 : index
    %swap3A_501 = tpu.vector_load %arg8[%swap3A_500] {strides = array<i32>} : memref<384xi32, #tpu.memory_space<vmem>>, vector<16xi32>,
    %swap3A_502 = vector.shape_cast %swap3A_501 : vector<16xi32> to vector<16xi32>
    %swap3A_503 = vector.shape_cast %add3A_499 : vector<16xi32> to vector<16xi32>
    tpu.vector_store %arg8[%swap3A_500], %swap3A_503 {strides = array<i32>} : memref<384xi32, #tpu.memory_space<vmem>>, vector<16xi32>,
    %get3A_504 = arith.constant 128 : index
    %get3A_505 = tpu.vector_load %arg8[%get3A_504] {strides = array<i32>} : memref<384xi32, #tpu.memory_space<vmem>>, vector<16xi32>,
    %get3A_506 = vector.shape_cast %get3A_505 : vector<16xi32> to vector<16xi32>
    %mul3A_507 = arith.constant 2 : i32
    %mul3A_508 = vector.broadcast %mul3A_507 : i32 to vector<16xi32>
    %mul3A_509 = arith.muli %get3A_506, %mul3A_508 : vector<16xi32>
    %add3A_510 = arith.constant 1 : i32
    %add3A_511 = vector.broadcast %add3A_510 : i32 to vector<16xi32>
    %add3A_512 = arith.addi %mul3A_509, %add3A_511 : vector<16xi32>
    %swap3A_513 = arith.constant 128 : index
    %swap3A_514 = tpu.vector_load %arg8[%swap3A_513] {strides = array<i32>} : memref<384xi32, #tpu.memory_space<vmem>>, vector<16xi32>,
    %swap3A_515 = vector.shape_cast %swap3A_514 : vector<16xi32> to vector<16xi32>
    %swap3A_516 = vector.shape_cast %add3A_512 : vector<16xi32> to vector<16xi32>
    tpu.vector_store %arg8[%swap3A_513], %swap3A_516 {strides = array<i32>} : memref<384xi32, #tpu.memory_space<vmem>>, vector<16xi32>,
    %get3A_517 = arith.constant 144 : index
    %get3A_518 = tpu.vector_load %arg8[%get3A_517] {strides = array<i32>} : memref<384xi32, #tpu.memory_space<vmem>>, vector<16xi32>,
    %get3A_519 = vector.shape_cast %get3A_518 : vector<16xi32> to vector<16xi32>
    %mul3A_520 = arith.constant 2 : i32
    %mul3A_521 = vector.broadcast %mul3A_520 : i32 to vector<16xi32>
    %mul3A_522 = arith.muli %get3A_519, %mul3A_521 : vector<16xi32>
    %add3A_523 = arith.constant 1 : i32
    %add3A_524 = vector.broadcast %add3A_523 : i32 to vector<16xi32>
    %add3A_525 = arith.addi %mul3A_522, %add3A_524 : vector<16xi32>
    %swap3A_526 = arith.constant 144 : index
    %swap3A_527 = tpu.vector_load %arg8[%swap3A_526] {strides = array<i32>} : memref<384xi32, #tpu.memory_space<vmem>>, vector<16xi32>,
    %swap3A_528 = vector.shape_cast %swap3A_527 : vector<16xi32> to vector<16xi32>
    %swap3A_529 = vector.shape_cast %add3A_525 : vector<16xi32> to vector<16xi32>
    tpu.vector_store %arg8[%swap3A_526], %swap3A_529 {strides = array<i32>} : memref<384xi32, #tpu.memory_space<vmem>>, vector<16xi32>,
    %get3A_530 = arith.constant 160 : index
    %get3A_531 = tpu.vector_load %arg8[%get3A_530] {strides = array<i32>} : memref<384xi32, #tpu.memory_space<vmem>>, vector<16xi32>,
    %get3A_532 = vector.shape_cast %get3A_531 : vector<16xi32> to vector<16xi32>
    %mul3A_533 = arith.constant 2 : i32
    %mul3A_534 = vector.broadcast %mul3A_533 : i32 to vector<16xi32>
    %mul3A_535 = arith.muli %get3A_532, %mul3A_534 : vector<16xi32>
    %add3A_536 = arith.constant 1 : i32
    %add3A_537 = vector.broadcast %add3A_536 : i32 to vector<16xi32>
    %add3A_538 = arith.addi %mul3A_535, %add3A_537 : vector<16xi32>
    %swap3A_539 = arith.constant 160 : index
    %swap3A_540 = tpu.vector_load %arg8[%swap3A_539] {strides = array<i32>} : memref<384xi32, #tpu.memory_space<vmem>>, vector<16xi32>,
    %swap3A_541 = vector.shape_cast %swap3A_540 : vector<16xi32> to vector<16xi32>
    %swap3A_542 = vector.shape_cast %add3A_538 : vector<16xi32> to vector<16xi32>
    tpu.vector_store %arg8[%swap3A_539], %swap3A_542 {strides = array<i32>} : memref<384xi32, #tpu.memory_space<vmem>>, vector<16xi32>,
    %get3A_543 = arith.constant 176 : index
    %get3A_544 = tpu.vector_load %arg8[%get3A_543] {strides = array<i32>} : memref<384xi32, #tpu.memory_space<vmem>>, vector<16xi32>,
    %get3A_545 = vector.shape_cast %get3A_544 : vector<16xi32> to vector<16xi32>
    %mul3A_546 = arith.constant 2 : i32
    %mul3A_547 = vector.broadcast %mul3A_546 : i32 to vector<16xi32>
    %mul3A_548 = arith.muli %get3A_545, %mul3A_547 : vector<16xi32>
    %add3A_549 = arith.constant 1 : i32
    %add3A_550 = vector.broadcast %add3A_549 : i32 to vector<16xi32>
    %add3A_551 = arith.addi %mul3A_548, %add3A_550 : vector<16xi32>
    %swap3A_552 = arith.constant 176 : index
    %swap3A_553 = tpu.vector_load %arg8[%swap3A_552] {strides = array<i32>} : memref<384xi32, #tpu.memory_space<vmem>>, vector<16xi32>,
    %swap3A_554 = vector.shape_cast %swap3A_553 : vector<16xi32> to vector<16xi32>
    %swap3A_555 = vector.shape_cast %add3A_551 : vector<16xi32> to vector<16xi32>
    tpu.vector_store %arg8[%swap3A_552], %swap3A_555 {strides = array<i32>} : memref<384xi32, #tpu.memory_space<vmem>>, vector<16xi32>,
    %get3A_556 = arith.constant 192 : index
    %get3A_557 = tpu.vector_load %arg8[%get3A_556] {strides = array<i32>} : memref<384xi32, #tpu.memory_space<vmem>>, vector<16xi32>,
    %get3A_558 = vector.shape_cast %get3A_557 : vector<16xi32> to vector<16xi32>
    %mul3A_559 = arith.constant 2 : i32
    %mul3A_560 = vector.broadcast %mul3A_559 : i32 to vector<16xi32>
    %mul3A_561 = arith.muli %get3A_558, %mul3A_560 : vector<16xi32>
    %add3A_562 = arith.constant 1 : i32
    %add3A_563 = vector.broadcast %add3A_562 : i32 to vector<16xi32>
    %add3A_564 = arith.addi %mul3A_561, %add3A_563 : vector<16xi32>
    %swap3A_565 = arith.constant 192 : index
    %swap3A_566 = tpu.vector_load %arg8[%swap3A_565] {strides = array<i32>} : memref<384xi32, #tpu.memory_space<vmem>>, vector<16xi32>,
    %swap3A_567 = vector.shape_cast %swap3A_566 : vector<16xi32> to vector<16xi32>
    %swap3A_568 = vector.shape_cast %add3A_564 : vector<16xi32> to vector<16xi32>
    tpu.vector_store %arg8[%swap3A_565], %swap3A_568 {strides = array<i32>} : memref<384xi32, #tpu.memory_space<vmem>>, vector<16xi32>,
    %get3A_569 = arith.constant 208 : index
    %get3A_570 = tpu.vector_load %arg8[%get3A_569] {strides = array<i32>} : memref<384xi32, #tpu.memory_space<vmem>>, vector<16xi32>,
    %get3A_571 = vector.shape_cast %get3A_570 : vector<16xi32> to vector<16xi32>
    %mul3A_572 = arith.constant 2 : i32
    %mul3A_573 = vector.broadcast %mul3A_572 : i32 to vector<16xi32>
    %mul3A_574 = arith.muli %get3A_571, %mul3A_573 : vector<16xi32>
    %add3A_575 = arith.constant 1 : i32
    %add3A_576 = vector.broadcast %add3A_575 : i32 to vector<16xi32>
    %add3A_577 = arith.addi %mul3A_574, %add3A_576 : vector<16xi32>
    %swap3A_578 = arith.constant 208 : index
    %swap3A_579 = tpu.vector_load %arg8[%swap3A_578] {strides = array<i32>} : memref<384xi32, #tpu.memory_space<vmem>>, vector<16xi32>,
    %swap3A_580 = vector.shape_cast %swap3A_579 : vector<16xi32> to vector<16xi32>
    %swap3A_581 = vector.shape_cast %add3A_577 : vector<16xi32> to vector<16xi32>
    tpu.vector_store %arg8[%swap3A_578], %swap3A_581 {strides = array<i32>} : memref<384xi32, #tpu.memory_space<vmem>>, vector<16xi32>,
    %get3A_582 = arith.constant 224 : index
    %get3A_583 = tpu.vector_load %arg8[%get3A_582] {strides = array<i32>} : memref<384xi32, #tpu.memory_space<vmem>>, vector<16xi32>,
    %get3A_584 = vector.shape_cast %get3A_583 : vector<16xi32> to vector<16xi32>
    %mul3A_585 = arith.constant 2 : i32
    %mul3A_586 = vector.broadcast %mul3A_585 : i32 to vector<16xi32>
    %mul3A_587 = arith.muli %get3A_584, %mul3A_586 : vector<16xi32>
    %add3A_588 = arith.constant 1 : i32
    %add3A_589 = vector.broadcast %add3A_588 : i32 to vector<16xi32>
    %add3A_590 = arith.addi %mul3A_587, %add3A_589 : vector<16xi32>
    %swap3A_591 = arith.constant 224 : index
    %swap3A_592 = tpu.vector_load %arg8[%swap3A_591] {strides = array<i32>} : memref<384xi32, #tpu.memory_space<vmem>>, vector<16xi32>,
    %swap3A_593 = vector.shape_cast %swap3A_592 : vector<16xi32> to vector<16xi32>
    %swap3A_594 = vector.shape_cast %add3A_590 : vector<16xi32> to vector<16xi32>
    tpu.vector_store %arg8[%swap3A_591], %swap3A_594 {strides = array<i32>} : memref<384xi32, #tpu.memory_space<vmem>>, vector<16xi32>,
    %get3A_595 = arith.constant 240 : index
    %get3A_596 = tpu.vector_load %arg8[%get3A_595] {strides = array<i32>} : memref<384xi32, #tpu.memory_space<vmem>>, vector<16xi32>,
    %get3A_597 = vector.shape_cast %get3A_596 : vector<16xi32> to vector<16xi32>
    %mul3A_598 = arith.constant 2 : i32
    %mul3A_599 = vector.broadcast %mul3A_598 : i32 to vector<16xi32>
    %mul3A_600 = arith.muli %get3A_597, %mul3A_599 : vector<16xi32>
    %add3A_601 = arith.constant 1 : i32
    %add3A_602 = vector.broadcast %add3A_601 : i32 to vector<16xi32>
    %add3A_603 = arith.addi %mul3A_600, %add3A_602 : vector<16xi32>
    %swap3A_604 = arith.constant 240 : index
    %swap3A_605 = tpu.vector_load %arg8[%swap3A_604] {strides = array<i32>} : memref<384xi32, #tpu.memory_space<vmem>>, vector<16xi32>,
    %swap3A_606 = vector.shape_cast %swap3A_605 : vector<16xi32> to vector<16xi32>
    %swap3A_607 = vector.shape_cast %add3A_603 : vector<16xi32> to vector<16xi32>
    tpu.vector_store %arg8[%swap3A_604], %swap3A_607 {strides = array<i32>} : memref<384xi32, #tpu.memory_space<vmem>>, vector<16xi32>,
    %get3A_608 = arith.constant 256 : index
    %get3A_609 = tpu.vector_load %arg8[%get3A_608] {strides = array<i32>} : memref<384xi32, #tpu.memory_space<vmem>>, vector<16xi32>,
    %get3A_610 = vector.shape_cast %get3A_609 : vector<16xi32> to vector<16xi32>
    %mul3A_611 = arith.constant 2 : i32
    %mul3A_612 = vector.broadcast %mul3A_611 : i32 to vector<16xi32>
    %mul3A_613 = arith.muli %get3A_610, %mul3A_612 : vector<16xi32>
    %add3A_614 = arith.constant 1 : i32
    %add3A_615 = vector.broadcast %add3A_614 : i32 to vector<16xi32>
    %add3A_616 = arith.addi %mul3A_613, %add3A_615 : vector<16xi32>
    %swap3A_617 = arith.constant 256 : index
    %swap3A_618 = tpu.vector_load %arg8[%swap3A_617] {strides = array<i32>} : memref<384xi32, #tpu.memory_space<vmem>>, vector<16xi32>,
    %swap3A_619 = vector.shape_cast %swap3A_618 : vector<16xi32> to vector<16xi32>
    %swap3A_620 = vector.shape_cast %add3A_616 : vector<16xi32> to vector<16xi32>
    tpu.vector_store %arg8[%swap3A_617], %swap3A_620 {strides = array<i32>} : memref<384xi32, #tpu.memory_space<vmem>>, vector<16xi32>,
    %get3A_621 = arith.constant 272 : index
    %get3A_622 = tpu.vector_load %arg8[%get3A_621] {strides = array<i32>} : memref<384xi32, #tpu.memory_space<vmem>>, vector<16xi32>,
    %get3A_623 = vector.shape_cast %get3A_622 : vector<16xi32> to vector<16xi32>
    %mul3A_624 = arith.constant 2 : i32
    %mul3A_625 = vector.broadcast %mul3A_624 : i32 to vector<16xi32>
    %mul3A_626 = arith.muli %get3A_623, %mul3A_625 : vector<16xi32>
    %add3A_627 = arith.constant 1 : i32
    %add3A_628 = vector.broadcast %add3A_627 : i32 to vector<16xi32>
    %add3A_629 = arith.addi %mul3A_626, %add3A_628 : vector<16xi32>
    %swap3A_630 = arith.constant 272 : index
    %swap3A_631 = tpu.vector_load %arg8[%swap3A_630] {strides = array<i32>} : memref<384xi32, #tpu.memory_space<vmem>>, vector<16xi32>,
    %swap3A_632 = vector.shape_cast %swap3A_631 : vector<16xi32> to vector<16xi32>
    %swap3A_633 = vector.shape_cast %add3A_629 : vector<16xi32> to vector<16xi32>
    tpu.vector_store %arg8[%swap3A_630], %swap3A_633 {strides = array<i32>} : memref<384xi32, #tpu.memory_space<vmem>>, vector<16xi32>,
    %get3A_634 = arith.constant 288 : index
    %get3A_635 = tpu.vector_load %arg8[%get3A_634] {strides = array<i32>} : memref<384xi32, #tpu.memory_space<vmem>>, vector<16xi32>,
    %get3A_636 = vector.shape_cast %get3A_635 : vector<16xi32> to vector<16xi32>
    %mul3A_637 = arith.constant 2 : i32
    %mul3A_638 = vector.broadcast %mul3A_637 : i32 to vector<16xi32>
    %mul3A_639 = arith.muli %get3A_636, %mul3A_638 : vector<16xi32>
    %add3A_640 = arith.constant 1 : i32
    %add3A_641 = vector.broadcast %add3A_640 : i32 to vector<16xi32>
    %add3A_642 = arith.addi %mul3A_639, %add3A_641 : vector<16xi32>
    %swap3A_643 = arith.constant 288 : index
    %swap3A_644 = tpu.vector_load %arg8[%swap3A_643] {strides = array<i32>} : memref<384xi32, #tpu.memory_space<vmem>>, vector<16xi32>,
    %swap3A_645 = vector.shape_cast %swap3A_644 : vector<16xi32> to vector<16xi32>
    %swap3A_646 = vector.shape_cast %add3A_642 : vector<16xi32> to vector<16xi32>
    tpu.vector_store %arg8[%swap3A_643], %swap3A_646 {strides = array<i32>} : memref<384xi32, #tpu.memory_space<vmem>>, vector<16xi32>,
    %get3A_647 = arith.constant 304 : index
    %get3A_648 = tpu.vector_load %arg8[%get3A_647] {strides = array<i32>} : memref<384xi32, #tpu.memory_space<vmem>>, vector<16xi32>,
    %get3A_649 = vector.shape_cast %get3A_648 : vector<16xi32> to vector<16xi32>
    %mul3A_650 = arith.constant 2 : i32
    %mul3A_651 = vector.broadcast %mul3A_650 : i32 to vector<16xi32>
    %mul3A_652 = arith.muli %get3A_649, %mul3A_651 : vector<16xi32>
    %add3A_653 = arith.constant 1 : i32
    %add3A_654 = vector.broadcast %add3A_653 : i32 to vector<16xi32>
    %add3A_655 = arith.addi %mul3A_652, %add3A_654 : vector<16xi32>
    %swap3A_656 = arith.constant 304 : index
    %swap3A_657 = tpu.vector_load %arg8[%swap3A_656] {strides = array<i32>} : memref<384xi32, #tpu.memory_space<vmem>>, vector<16xi32>,
    %swap3A_658 = vector.shape_cast %swap3A_657 : vector<16xi32> to vector<16xi32>
    %swap3A_659 = vector.shape_cast %add3A_655 : vector<16xi32> to vector<16xi32>
    tpu.vector_store %arg8[%swap3A_656], %swap3A_659 {strides = array<i32>} : memref<384xi32, #tpu.memory_space<vmem>>, vector<16xi32>,
    %get3A_660 = arith.constant 320 : index
    %get3A_661 = tpu.vector_load %arg8[%get3A_660] {strides = array<i32>} : memref<384xi32, #tpu.memory_space<vmem>>, vector<16xi32>,
    %get3A_662 = vector.shape_cast %get3A_661 : vector<16xi32> to vector<16xi32>
    %mul3A_663 = arith.constant 2 : i32
    %mul3A_664 = vector.broadcast %mul3A_663 : i32 to vector<16xi32>
    %mul3A_665 = arith.muli %get3A_662, %mul3A_664 : vector<16xi32>
    %add3A_666 = arith.constant 1 : i32
    %add3A_667 = vector.broadcast %add3A_666 : i32 to vector<16xi32>
    %add3A_668 = arith.addi %mul3A_665, %add3A_667 : vector<16xi32>
    %swap3A_669 = arith.constant 320 : index
    %swap3A_670 = tpu.vector_load %arg8[%swap3A_669] {strides = array<i32>} : memref<384xi32, #tpu.memory_space<vmem>>, vector<16xi32>,
    %swap3A_671 = vector.shape_cast %swap3A_670 : vector<16xi32> to vector<16xi32>
    %swap3A_672 = vector.shape_cast %add3A_668 : vector<16xi32> to vector<16xi32>
    tpu.vector_store %arg8[%swap3A_669], %swap3A_672 {strides = array<i32>} : memref<384xi32, #tpu.memory_space<vmem>>, vector<16xi32>,
    %get3A_673 = arith.constant 336 : index
    %get3A_674 = tpu.vector_load %arg8[%get3A_673] {strides = array<i32>} : memref<384xi32, #tpu.memory_space<vmem>>, vector<16xi32>,
    %get3A_675 = vector.shape_cast %get3A_674 : vector<16xi32> to vector<16xi32>
    %mul3A_676 = arith.constant 2 : i32
    %mul3A_677 = vector.broadcast %mul3A_676 : i32 to vector<16xi32>
    %mul3A_678 = arith.muli %get3A_675, %mul3A_677 : vector<16xi32>
    %add3A_679 = arith.constant 1 : i32
    %add3A_680 = vector.broadcast %add3A_679 : i32 to vector<16xi32>
    %add3A_681 = arith.addi %mul3A_678, %add3A_680 : vector<16xi32>
    %swap3A_682 = arith.constant 336 : index
    %swap3A_683 = tpu.vector_load %arg8[%swap3A_682] {strides = array<i32>} : memref<384xi32, #tpu.memory_space<vmem>>, vector<16xi32>,
    %swap3A_684 = vector.shape_cast %swap3A_683 : vector<16xi32> to vector<16xi32>
    %swap3A_685 = vector.shape_cast %add3A_681 : vector<16xi32> to vector<16xi32>
    tpu.vector_store %arg8[%swap3A_682], %swap3A_685 {strides = array<i32>} : memref<384xi32, #tpu.memory_space<vmem>>, vector<16xi32>,
    %get3A_686 = arith.constant 352 : index
    %get3A_687 = tpu.vector_load %arg8[%get3A_686] {strides = array<i32>} : memref<384xi32, #tpu.memory_space<vmem>>, vector<16xi32>,
    %get3A_688 = vector.shape_cast %get3A_687 : vector<16xi32> to vector<16xi32>
    %mul3A_689 = arith.constant 2 : i32
    %mul3A_690 = vector.broadcast %mul3A_689 : i32 to vector<16xi32>
    %mul3A_691 = arith.muli %get3A_688, %mul3A_690 : vector<16xi32>
    %add3A_692 = arith.constant 1 : i32
    %add3A_693 = vector.broadcast %add3A_692 : i32 to vector<16xi32>
    %add3A_694 = arith.addi %mul3A_691, %add3A_693 : vector<16xi32>
    %swap3A_695 = arith.constant 352 : index
    %swap3A_696 = tpu.vector_load %arg8[%swap3A_695] {strides = array<i32>} : memref<384xi32, #tpu.memory_space<vmem>>, vector<16xi32>,
    %swap3A_697 = vector.shape_cast %swap3A_696 : vector<16xi32> to vector<16xi32>
    %swap3A_698 = vector.shape_cast %add3A_694 : vector<16xi32> to vector<16xi32>
    tpu.vector_store %arg8[%swap3A_695], %swap3A_698 {strides = array<i32>} : memref<384xi32, #tpu.memory_space<vmem>>, vector<16xi32>,
    %get3A_699 = arith.constant 368 : index
    %get3A_700 = tpu.vector_load %arg8[%get3A_699] {strides = array<i32>} : memref<384xi32, #tpu.memory_space<vmem>>, vector<16xi32>,
    %get3A_701 = vector.shape_cast %get3A_700 : vector<16xi32> to vector<16xi32>
    %mul3A_702 = arith.constant 2 : i32
    %mul3A_703 = vector.broadcast %mul3A_702 : i32 to vector<16xi32>
    %mul3A_704 = arith.muli %get3A_701, %mul3A_703 : vector<16xi32>
    %add3A_705 = arith.constant 1 : i32
    %add3A_706 = vector.broadcast %add3A_705 : i32 to vector<16xi32>
    %add3A_707 = arith.addi %mul3A_704, %add3A_706 : vector<16xi32>
    %swap3A_708 = arith.constant 368 : index
    %swap3A_709 = tpu.vector_load %arg8[%swap3A_708] {strides = array<i32>} : memref<384xi32, #tpu.memory_space<vmem>>, vector<16xi32>,
    %swap3A_710 = vector.shape_cast %swap3A_709 : vector<16xi32> to vector<16xi32>
    %swap3A_711 = vector.shape_cast %add3A_707 : vector<16xi32> to vector<16xi32>
    tpu.vector_store %arg8[%swap3A_708], %swap3A_711 {strides = array<i32>} : memref<384xi32, #tpu.memory_space<vmem>>, vector<16xi32>,
    %dma_start3A_712 = arith.constant 0 : i32
    %dma_start3A_713 = arith.constant 0 : i32
    %dma_start3A_714 = tpu.memref_slice %arg4[%dma_start3A_712, %dma_start3A_713] : memref<20000x64xf32, #tpu.memory_space<hbm>> -> memref<20000x64xf32, #tpu.memory_space<hbm>>
    tpu.enqueue_indirect_dma source(%dma_start3A_714 : memref<20000x64xf32, #tpu.memory_space<hbm>>) target(%arg12 : memref<384x64xf32, #tpu.memory_space<vmem>>) offsets(%arg8 : memref<384xi32, #tpu.memory_space<vmem>>) semaphore(%arg19 : memref<!tpu.dma_semaphore, #tpu.memory_space<semaphore_mem>>)
    %mul3A_715 = arith.constant 640 : i32
    %mul3A_716 = arith.muli %arg1, %mul3A_715 : i32
    %add3A_717 = arith.constant 0 : i32
    %add3A_718 = arith.addi %mul3A_716, %add3A_717 : i32
    "tpu.region"() ({
      %run_scoped3A = tpu.sem_alloc : memref<!tpu.dma_semaphore, #tpu.memory_space<semaphore_mem>>
      %dma_start3A_762 = arith.constant 0 : i32
      %dma_start3A_763 = tpu.memref_slice %arg17[%add3A_718, %dma_start3A_762] : memref<10240x64xf32, #tpu.memory_space<vmem_shared>> -> memref<160x64xf32, #tpu.memory_space<vmem_shared>>
      %dma_start3A_764 = arith.constant 0 : i32
      %dma_start3A_765 = tpu.memref_slice %arg17[%add3A_718, %dma_start3A_764] : memref<10240x64xf32, #tpu.memory_space<vmem_shared>> -> memref<160x64xf32, #tpu.memory_space<vmem_shared>>
      tpu.enqueue_dma source(%arg16 : memref<160x64xf32, #tpu.memory_space<vmem>>) target(%dma_start3A_765 : memref<160x64xf32, #tpu.memory_space<vmem_shared>>) target_semaphore(%run_scoped3A : memref<!tpu.dma_semaphore, #tpu.memory_space<semaphore_mem>>)
      %dma_wait3A_766 = arith.constant 0 : i32
      %dma_wait3A_767 = tpu.memref_slice %arg17[%add3A_718, %dma_wait3A_766] : memref<10240x64xf32, #tpu.memory_space<vmem_shared>> -> memref<160x64xf32, #tpu.memory_space<vmem_shared>>
      %dma_wait3A_768 = arith.constant 0 : i32
      %dma_wait3A_769 = tpu.memref_slice %arg17[%add3A_718, %dma_wait3A_768] : memref<10240x64xf32, #tpu.memory_space<vmem_shared>> -> memref<160x64xf32, #tpu.memory_space<vmem_shared>>
      tpu.wait_dma2 semaphore(%run_scoped3A : memref<!tpu.dma_semaphore, #tpu.memory_space<semaphore_mem>>) src(%arg16 : memref<160x64xf32, #tpu.memory_space<vmem>>) dst(%dma_wait3A_769 : memref<160x64xf32, #tpu.memory_space<vmem_shared>>)
      tpu.yield
    }) : () -> ()
    %mul3A_719 = arith.constant 640 : i32
    %mul3A_720 = arith.muli %arg1, %mul3A_719 : i32
    %add3A_721 = arith.constant 160 : i32
    %add3A_722 = arith.addi %mul3A_720, %add3A_721 : i32
    "tpu.region"() ({
      %run_scoped3A = tpu.sem_alloc : memref<!tpu.dma_semaphore, #tpu.memory_space<semaphore_mem>>
      %dma_start3A_762 = arith.constant 0 : i32
      %dma_start3A_763 = tpu.memref_slice %arg17[%add3A_722, %dma_start3A_762] : memref<10240x64xf32, #tpu.memory_space<vmem_shared>> -> memref<160x64xf32, #tpu.memory_space<vmem_shared>>
      %dma_start3A_764 = arith.constant 0 : i32
      %dma_start3A_765 = tpu.memref_slice %arg17[%add3A_722, %dma_start3A_764] : memref<10240x64xf32, #tpu.memory_space<vmem_shared>> -> memref<160x64xf32, #tpu.memory_space<vmem_shared>>
      tpu.enqueue_dma source(%arg16 : memref<160x64xf32, #tpu.memory_space<vmem>>) target(%dma_start3A_765 : memref<160x64xf32, #tpu.memory_space<vmem_shared>>) target_semaphore(%run_scoped3A : memref<!tpu.dma_semaphore, #tpu.memory_space<semaphore_mem>>)
      %dma_wait3A_766 = arith.constant 0 : i32
      %dma_wait3A_767 = tpu.memref_slice %arg17[%add3A_722, %dma_wait3A_766] : memref<10240x64xf32, #tpu.memory_space<vmem_shared>> -> memref<160x64xf32, #tpu.memory_space<vmem_shared>>
      %dma_wait3A_768 = arith.constant 0 : i32
      %dma_wait3A_769 = tpu.memref_slice %arg17[%add3A_722, %dma_wait3A_768] : memref<10240x64xf32, #tpu.memory_space<vmem_shared>> -> memref<160x64xf32, #tpu.memory_space<vmem_shared>>
      tpu.wait_dma2 semaphore(%run_scoped3A : memref<!tpu.dma_semaphore, #tpu.memory_space<semaphore_mem>>) src(%arg16 : memref<160x64xf32, #tpu.memory_space<vmem>>) dst(%dma_wait3A_769 : memref<160x64xf32, #tpu.memory_space<vmem_shared>>)
      tpu.yield
    }) : () -> ()
    %mul3A_723 = arith.constant 640 : i32
    %mul3A_724 = arith.muli %arg1, %mul3A_723 : i32
    %add3A_725 = arith.constant 320 : i32
    %add3A_726 = arith.addi %mul3A_724, %add3A_725 : i32
    "tpu.region"() ({
      %run_scoped3A = tpu.sem_alloc : memref<!tpu.dma_semaphore, #tpu.memory_space<semaphore_mem>>
      %dma_start3A_762 = arith.constant 0 : i32
      %dma_start3A_763 = tpu.memref_slice %arg17[%add3A_726, %dma_start3A_762] : memref<10240x64xf32, #tpu.memory_space<vmem_shared>> -> memref<160x64xf32, #tpu.memory_space<vmem_shared>>
      %dma_start3A_764 = arith.constant 0 : i32
      %dma_start3A_765 = tpu.memref_slice %arg17[%add3A_726, %dma_start3A_764] : memref<10240x64xf32, #tpu.memory_space<vmem_shared>> -> memref<160x64xf32, #tpu.memory_space<vmem_shared>>
      tpu.enqueue_dma source(%arg16 : memref<160x64xf32, #tpu.memory_space<vmem>>) target(%dma_start3A_765 : memref<160x64xf32, #tpu.memory_space<vmem_shared>>) target_semaphore(%run_scoped3A : memref<!tpu.dma_semaphore, #tpu.memory_space<semaphore_mem>>)
      %dma_wait3A_766 = arith.constant 0 : i32
      %dma_wait3A_767 = tpu.memref_slice %arg17[%add3A_726, %dma_wait3A_766] : memref<10240x64xf32, #tpu.memory_space<vmem_shared>> -> memref<160x64xf32, #tpu.memory_space<vmem_shared>>
      %dma_wait3A_768 = arith.constant 0 : i32
      %dma_wait3A_769 = tpu.memref_slice %arg17[%add3A_726, %dma_wait3A_768] : memref<10240x64xf32, #tpu.memory_space<vmem_shared>> -> memref<160x64xf32, #tpu.memory_space<vmem_shared>>
      tpu.wait_dma2 semaphore(%run_scoped3A : memref<!tpu.dma_semaphore, #tpu.memory_space<semaphore_mem>>) src(%arg16 : memref<160x64xf32, #tpu.memory_space<vmem>>) dst(%dma_wait3A_769 : memref<160x64xf32, #tpu.memory_space<vmem_shared>>)
      tpu.yield
    }) : () -> ()
    %mul3A_727 = arith.constant 640 : i32
    %mul3A_728 = arith.muli %arg1, %mul3A_727 : i32
    %add3A_729 = arith.constant 480 : i32
    %add3A_730 = arith.addi %mul3A_728, %add3A_729 : i32
    "tpu.region"() ({
      %run_scoped3A = tpu.sem_alloc : memref<!tpu.dma_semaphore, #tpu.memory_space<semaphore_mem>>
      %dma_start3A_762 = arith.constant 0 : i32
      %dma_start3A_763 = tpu.memref_slice %arg17[%add3A_730, %dma_start3A_762] : memref<10240x64xf32, #tpu.memory_space<vmem_shared>> -> memref<160x64xf32, #tpu.memory_space<vmem_shared>>
      %dma_start3A_764 = arith.constant 0 : i32
      %dma_start3A_765 = tpu.memref_slice %arg17[%add3A_730, %dma_start3A_764] : memref<10240x64xf32, #tpu.memory_space<vmem_shared>> -> memref<160x64xf32, #tpu.memory_space<vmem_shared>>
      tpu.enqueue_dma source(%arg16 : memref<160x64xf32, #tpu.memory_space<vmem>>) target(%dma_start3A_765 : memref<160x64xf32, #tpu.memory_space<vmem_shared>>) target_semaphore(%run_scoped3A : memref<!tpu.dma_semaphore, #tpu.memory_space<semaphore_mem>>)
      %dma_wait3A_766 = arith.constant 0 : i32
      %dma_wait3A_767 = tpu.memref_slice %arg17[%add3A_730, %dma_wait3A_766] : memref<10240x64xf32, #tpu.memory_space<vmem_shared>> -> memref<160x64xf32, #tpu.memory_space<vmem_shared>>
      %dma_wait3A_768 = arith.constant 0 : i32
      %dma_wait3A_769 = tpu.memref_slice %arg17[%add3A_730, %dma_wait3A_768] : memref<10240x64xf32, #tpu.memory_space<vmem_shared>> -> memref<160x64xf32, #tpu.memory_space<vmem_shared>>
      tpu.wait_dma2 semaphore(%run_scoped3A : memref<!tpu.dma_semaphore, #tpu.memory_space<semaphore_mem>>) src(%arg16 : memref<160x64xf32, #tpu.memory_space<vmem>>) dst(%dma_wait3A_769 : memref<160x64xf32, #tpu.memory_space<vmem_shared>>)
      tpu.yield
    }) : () -> ()
    %barrier3A_731 = arith.constant 0 : index
    tpu.barrier barrier_id(%barrier3A_731)
    %dma_wait3A_732 = arith.constant 0 : i32
    %dma_wait3A_733 = arith.constant 0 : i32
    %dma_wait3A_734 = tpu.memref_slice %arg4[%dma_wait3A_732, %dma_wait3A_733] : memref<20000x64xf32, #tpu.memory_space<hbm>> -> memref<20000x64xf32, #tpu.memory_space<hbm>>
    tpu.wait_indirect_dma semaphore(%arg19 : memref<!tpu.dma_semaphore, #tpu.memory_space<semaphore_mem>>) src(%dma_wait3A_734 : memref<20000x64xf32, #tpu.memory_space<hbm>>) dst(%arg12 : memref<384x64xf32, #tpu.memory_space<vmem>>)
    %scan3A_735 = arith.constant 0 : i32
    %scan3A_736 = arith.constant 0 : i32
    %scan3A_737 = arith.constant 13 : i32
    %scan3A_738 = arith.addi %scan3A_736, %scan3A_737 : i32
    %scan3A_739 = arith.constant 1 : i32
    %scan3A_740 = scf.for %scan3A_762 = %scan3A_736 to %scan3A_738 step %scan3A_739 iter_args(%scan3A_763 = %scan3A_735) -> (i32)  : i32 {
      %mul3A_764 = arith.constant 2 : i32
      %mul3A_765 = arith.muli %mul3A_764, %scan3A_762 : i32
      %mul3A_766 = arith.constant 3 : i32
      %mul3A_767 = arith.muli %mul3A_765, %mul3A_766 : i32
      %add3A_768 = arith.addi %mul3A_397, %mul3A_767 : i32
      %add3A_769 = arith.constant 3 : i32
      %add3A_770 = arith.addi %add3A_768, %add3A_769 : i32
      %dma_start3A_771 = arith.constant 0 : i32
      %dma_start3A_772 = arith.constant 0 : i32
      %dma_start3A_773 = arith.constant 0 : i32
      %dma_start3A_774 = tpu.memref_slice %arg12[%dma_start3A_772, %dma_start3A_773] : memref<384x64xf32, #tpu.memory_space<vmem>> -> memref<128x64xf32, #tpu.memory_space<vmem>>
      %dma_start3A_775 = arith.constant 0 : i32
      %dma_start3A_776 = tpu.memref_slice %arg9[%dma_start3A_771, %dma_start3A_775] : memref<3x128xi32, #tpu.memory_space<vmem>> -> memref<1x128xi32, #tpu.memory_space<vmem>>
      %dma_start3A_777 = tpu.memref_squeeze %dma_start3A_776 : memref<1x128xi32, #tpu.memory_space<vmem>> -> memref<128xi32, #tpu.memory_space<vmem>>
      %dma_start3A_778 = arith.constant 0 : i32
      %dma_start3A_779 = arith.constant 0 : i32
      %dma_start3A_780 = tpu.memref_slice %arg17[%dma_start3A_778, %dma_start3A_779] : memref<10240x64xf32, #tpu.memory_space<vmem_shared>> -> memref<10240x64xf32, #tpu.memory_space<vmem_shared>>
      tpu.enqueue_indirect_dma source(%dma_start3A_774 : memref<128x64xf32, #tpu.memory_space<vmem>>) target(%dma_start3A_780 : memref<10240x64xf32, #tpu.memory_space<vmem_shared>>) offsets(%dma_start3A_777 : memref<128xi32, #tpu.memory_space<vmem>>) semaphore(%arg20 : memref<!tpu.dma_semaphore, #tpu.memory_space<semaphore_mem>>) {add = true}
      %dma_start3A_781 = arith.constant 1 : i32
      %dma_start3A_782 = arith.constant 128 : i32
      %dma_start3A_783 = arith.constant 0 : i32
      %dma_start3A_784 = tpu.memref_slice %arg12[%dma_start3A_782, %dma_start3A_783] : memref<384x64xf32, #tpu.memory_space<vmem>> -> memref<128x64xf32, #tpu.memory_space<vmem>>
      %dma_start3A_785 = arith.constant 0 : i32
      %dma_start3A_786 = tpu.memref_slice %arg9[%dma_start3A_781, %dma_start3A_785] : memref<3x128xi32, #tpu.memory_space<vmem>> -> memref<1x128xi32, #tpu.memory_space<vmem>>
      %dma_start3A_787 = tpu.memref_squeeze %dma_start3A_786 : memref<1x128xi32, #tpu.memory_space<vmem>> -> memref<128xi32, #tpu.memory_space<vmem>>
      %dma_start3A_788 = arith.constant 0 : i32
      %dma_start3A_789 = arith.constant 0 : i32
      %dma_start3A_790 = tpu.memref_slice %arg17[%dma_start3A_788, %dma_start3A_789] : memref<10240x64xf32, #tpu.memory_space<vmem_shared>> -> memref<10240x64xf32, #tpu.memory_space<vmem_shared>>
      tpu.enqueue_indirect_dma source(%dma_start3A_784 : memref<128x64xf32, #tpu.memory_space<vmem>>) target(%dma_start3A_790 : memref<10240x64xf32, #tpu.memory_space<vmem_shared>>) offsets(%dma_start3A_787 : memref<128xi32, #tpu.memory_space<vmem>>) semaphore(%arg20 : memref<!tpu.dma_semaphore, #tpu.memory_space<semaphore_mem>>) {add = true}
      %dma_start3A_791 = arith.constant 2 : i32
      %dma_start3A_792 = arith.constant 256 : i32
      %dma_start3A_793 = arith.constant 0 : i32
      %dma_start3A_794 = tpu.memref_slice %arg12[%dma_start3A_792, %dma_start3A_793] : memref<384x64xf32, #tpu.memory_space<vmem>> -> memref<128x64xf32, #tpu.memory_space<vmem>>
      %dma_start3A_795 = arith.constant 0 : i32
      %dma_start3A_796 = tpu.memref_slice %arg9[%dma_start3A_791, %dma_start3A_795] : memref<3x128xi32, #tpu.memory_space<vmem>> -> memref<1x128xi32, #tpu.memory_space<vmem>>
      %dma_start3A_797 = tpu.memref_squeeze %dma_start3A_796 : memref<1x128xi32, #tpu.memory_space<vmem>> -> memref<128xi32, #tpu.memory_space<vmem>>
      %dma_start3A_798 = arith.constant 0 : i32
      %dma_start3A_799 = arith.constant 0 : i32
      %dma_start3A_800 = tpu.memref_slice %arg17[%dma_start3A_798, %dma_start3A_799] : memref<10240x64xf32, #tpu.memory_space<vmem_shared>> -> memref<10240x64xf32, #tpu.memory_space<vmem_shared>>
      tpu.enqueue_indirect_dma source(%dma_start3A_794 : memref<128x64xf32, #tpu.memory_space<vmem>>) target(%dma_start3A_800 : memref<10240x64xf32, #tpu.memory_space<vmem_shared>>) offsets(%dma_start3A_797 : memref<128xi32, #tpu.memory_space<vmem>>) semaphore(%arg20 : memref<!tpu.dma_semaphore, #tpu.memory_space<semaphore_mem>>) {add = true}
      %mul3A_801 = arith.constant 128 : i32
      %mul3A_802 = arith.muli %add3A_770, %mul3A_801 : i32
      "tpu.region"() ({
        %run_scoped3A = tpu.sem_alloc : memref<!tpu.dma_semaphore, #tpu.memory_space<semaphore_mem>>
        %dma_start3A_1219 = tpu.memref_slice %arg2[%mul3A_802] : memref<320000xi32, #tpu.memory_space<hbm>> -> memref<384xi32, #tpu.memory_space<hbm>>
        %dma_start3A_1220 = tpu.memref_slice %arg2[%mul3A_802] : memref<320000xi32, #tpu.memory_space<hbm>> -> memref<384xi32, #tpu.memory_space<hbm>>
        tpu.enqueue_dma source(%dma_start3A_1220 : memref<384xi32, #tpu.memory_space<hbm>>) target(%arg10 : memref<384xi32, #tpu.memory_space<vmem>>) target_semaphore(%run_scoped3A : memref<!tpu.dma_semaphore, #tpu.memory_space<semaphore_mem>>)
        %dma_wait3A_1221 = tpu.memref_slice %arg2[%mul3A_802] : memref<320000xi32, #tpu.memory_space<hbm>> -> memref<384xi32, #tpu.memory_space<hbm>>
        %dma_wait3A_1222 = tpu.memref_slice %arg2[%mul3A_802] : memref<320000xi32, #tpu.memory_space<hbm>> -> memref<384xi32, #tpu.memory_space<hbm>>
        tpu.wait_dma2 semaphore(%run_scoped3A : memref<!tpu.dma_semaphore, #tpu.memory_space<semaphore_mem>>) src(%dma_wait3A_1222 : memref<384xi32, #tpu.memory_space<hbm>>) dst(%arg10 : memref<384xi32, #tpu.memory_space<vmem>>)
        tpu.yield
      }) : () -> ()
      "tpu.region"() ({
        %run_scoped3A = tpu.sem_alloc : memref<!tpu.dma_semaphore, #tpu.memory_space<semaphore_mem>>
        %dma_start3A_1219 = arith.constant 0 : i32
        %dma_start3A_1220 = tpu.memref_slice %arg3[%add3A_770, %dma_start3A_1219] : memref<2500x128xi32, #tpu.memory_space<hbm>> -> memref<3x128xi32, #tpu.memory_space<hbm>>
        %dma_start3A_1221 = arith.constant 0 : i32
        %dma_start3A_1222 = tpu.memref_slice %arg3[%add3A_770, %dma_start3A_1221] : memref<2500x128xi32, #tpu.memory_space<hbm>> -> memref<3x128xi32, #tpu.memory_space<hbm>>
        tpu.enqueue_dma source(%dma_start3A_1222 : memref<3x128xi32, #tpu.memory_space<hbm>>) target(%arg11 : memref<3x128xi32, #tpu.memory_space<vmem>>) target_semaphore(%run_scoped3A : memref<!tpu.dma_semaphore, #tpu.memory_space<semaphore_mem>>)
        %dma_wait3A_1223 = arith.constant 0 : i32
        %dma_wait3A_1224 = tpu.memref_slice %arg3[%add3A_770, %dma_wait3A_1223] : memref<2500x128xi32, #tpu.memory_space<hbm>> -> memref<3x128xi32, #tpu.memory_space<hbm>>
        %dma_wait3A_1225 = arith.constant 0 : i32
        %dma_wait3A_1226 = tpu.memref_slice %arg3[%add3A_770, %dma_wait3A_1225] : memref<2500x128xi32, #tpu.memory_space<hbm>> -> memref<3x128xi32, #tpu.memory_space<hbm>>
        tpu.wait_dma2 semaphore(%run_scoped3A : memref<!tpu.dma_semaphore, #tpu.memory_space<semaphore_mem>>) src(%dma_wait3A_1226 : memref<3x128xi32, #tpu.memory_space<hbm>>) dst(%arg11 : memref<3x128xi32, #tpu.memory_space<vmem>>)
        tpu.yield
      }) : () -> ()
      %get3A_803 = arith.constant 0 : index
      %get3A_804 = tpu.vector_load %arg10[%get3A_803] {strides = array<i32>} : memref<384xi32, #tpu.memory_space<vmem>>, vector<16xi32>,
      %get3A_805 = vector.shape_cast %get3A_804 : vector<16xi32> to vector<16xi32>
      %mul3A_806 = arith.constant 2 : i32
      %mul3A_807 = vector.broadcast %mul3A_806 : i32 to vector<16xi32>
      %mul3A_808 = arith.muli %get3A_805, %mul3A_807 : vector<16xi32>
      %add3A_809 = arith.constant 1 : i32
      %add3A_810 = vector.broadcast %add3A_809 : i32 to vector<16xi32>
      %add3A_811 = arith.addi %mul3A_808, %add3A_810 : vector<16xi32>
      %swap3A_812 = arith.constant 0 : index
      %swap3A_813 = tpu.vector_load %arg10[%swap3A_812] {strides = array<i32>} : memref<384xi32, #tpu.memory_space<vmem>>, vector<16xi32>,
      %swap3A_814 = vector.shape_cast %swap3A_813 : vector<16xi32> to vector<16xi32>
      %swap3A_815 = vector.shape_cast %add3A_811 : vector<16xi32> to vector<16xi32>
      tpu.vector_store %arg10[%swap3A_812], %swap3A_815 {strides = array<i32>} : memref<384xi32, #tpu.memory_space<vmem>>, vector<16xi32>,
      %get3A_816 = arith.constant 16 : index
      %get3A_817 = tpu.vector_load %arg10[%get3A_816] {strides = array<i32>} : memref<384xi32, #tpu.memory_space<vmem>>, vector<16xi32>,
      %get3A_818 = vector.shape_cast %get3A_817 : vector<16xi32> to vector<16xi32>
      %mul3A_819 = arith.constant 2 : i32
      %mul3A_820 = vector.broadcast %mul3A_819 : i32 to vector<16xi32>
      %mul3A_821 = arith.muli %get3A_818, %mul3A_820 : vector<16xi32>
      %add3A_822 = arith.constant 1 : i32
      %add3A_823 = vector.broadcast %add3A_822 : i32 to vector<16xi32>
      %add3A_824 = arith.addi %mul3A_821, %add3A_823 : vector<16xi32>
      %swap3A_825 = arith.constant 16 : index
      %swap3A_826 = tpu.vector_load %arg10[%swap3A_825] {strides = array<i32>} : memref<384xi32, #tpu.memory_space<vmem>>, vector<16xi32>,
      %swap3A_827 = vector.shape_cast %swap3A_826 : vector<16xi32> to vector<16xi32>
      %swap3A_828 = vector.shape_cast %add3A_824 : vector<16xi32> to vector<16xi32>
      tpu.vector_store %arg10[%swap3A_825], %swap3A_828 {strides = array<i32>} : memref<384xi32, #tpu.memory_space<vmem>>, vector<16xi32>,
      %get3A_829 = arith.constant 32 : index
      %get3A_830 = tpu.vector_load %arg10[%get3A_829] {strides = array<i32>} : memref<384xi32, #tpu.memory_space<vmem>>, vector<16xi32>,
      %get3A_831 = vector.shape_cast %get3A_830 : vector<16xi32> to vector<16xi32>
      %mul3A_832 = arith.constant 2 : i32
      %mul3A_833 = vector.broadcast %mul3A_832 : i32 to vector<16xi32>
      %mul3A_834 = arith.muli %get3A_831, %mul3A_833 : vector<16xi32>
      %add3A_835 = arith.constant 1 : i32
      %add3A_836 = vector.broadcast %add3A_835 : i32 to vector<16xi32>
      %add3A_837 = arith.addi %mul3A_834, %add3A_836 : vector<16xi32>
      %swap3A_838 = arith.constant 32 : index
      %swap3A_839 = tpu.vector_load %arg10[%swap3A_838] {strides = array<i32>} : memref<384xi32, #tpu.memory_space<vmem>>, vector<16xi32>,
      %swap3A_840 = vector.shape_cast %swap3A_839 : vector<16xi32> to vector<16xi32>
      %swap3A_841 = vector.shape_cast %add3A_837 : vector<16xi32> to vector<16xi32>
      tpu.vector_store %arg10[%swap3A_838], %swap3A_841 {strides = array<i32>} : memref<384xi32, #tpu.memory_space<vmem>>, vector<16xi32>,
      %get3A_842 = arith.constant 48 : index
      %get3A_843 = tpu.vector_load %arg10[%get3A_842] {strides = array<i32>} : memref<384xi32, #tpu.memory_space<vmem>>, vector<16xi32>,
      %get3A_844 = vector.shape_cast %get3A_843 : vector<16xi32> to vector<16xi32>
      %mul3A_845 = arith.constant 2 : i32
      %mul3A_846 = vector.broadcast %mul3A_845 : i32 to vector<16xi32>
      %mul3A_847 = arith.muli %get3A_844, %mul3A_846 : vector<16xi32>
      %add3A_848 = arith.constant 1 : i32
      %add3A_849 = vector.broadcast %add3A_848 : i32 to vector<16xi32>
      %add3A_850 = arith.addi %mul3A_847, %add3A_849 : vector<16xi32>
      %swap3A_851 = arith.constant 48 : index
      %swap3A_852 = tpu.vector_load %arg10[%swap3A_851] {strides = array<i32>} : memref<384xi32, #tpu.memory_space<vmem>>, vector<16xi32>,
      %swap3A_853 = vector.shape_cast %swap3A_852 : vector<16xi32> to vector<16xi32>
      %swap3A_854 = vector.shape_cast %add3A_850 : vector<16xi32> to vector<16xi32>
      tpu.vector_store %arg10[%swap3A_851], %swap3A_854 {strides = array<i32>} : memref<384xi32, #tpu.memory_space<vmem>>, vector<16xi32>,
      %get3A_855 = arith.constant 64 : index
      %get3A_856 = tpu.vector_load %arg10[%get3A_855] {strides = array<i32>} : memref<384xi32, #tpu.memory_space<vmem>>, vector<16xi32>,
      %get3A_857 = vector.shape_cast %get3A_856 : vector<16xi32> to vector<16xi32>
      %mul3A_858 = arith.constant 2 : i32
      %mul3A_859 = vector.broadcast %mul3A_858 : i32 to vector<16xi32>
      %mul3A_860 = arith.muli %get3A_857, %mul3A_859 : vector<16xi32>
      %add3A_861 = arith.constant 1 : i32
      %add3A_862 = vector.broadcast %add3A_861 : i32 to vector<16xi32>
      %add3A_863 = arith.addi %mul3A_860, %add3A_862 : vector<16xi32>
      %swap3A_864 = arith.constant 64 : index
      %swap3A_865 = tpu.vector_load %arg10[%swap3A_864] {strides = array<i32>} : memref<384xi32, #tpu.memory_space<vmem>>, vector<16xi32>,
      %swap3A_866 = vector.shape_cast %swap3A_865 : vector<16xi32> to vector<16xi32>
      %swap3A_867 = vector.shape_cast %add3A_863 : vector<16xi32> to vector<16xi32>
      tpu.vector_store %arg10[%swap3A_864], %swap3A_867 {strides = array<i32>} : memref<384xi32, #tpu.memory_space<vmem>>, vector<16xi32>,
      %get3A_868 = arith.constant 80 : index
      %get3A_869 = tpu.vector_load %arg10[%get3A_868] {strides = array<i32>} : memref<384xi32, #tpu.memory_space<vmem>>, vector<16xi32>,
      %get3A_870 = vector.shape_cast %get3A_869 : vector<16xi32> to vector<16xi32>
      %mul3A_871 = arith.constant 2 : i32
      %mul3A_872 = vector.broadcast %mul3A_871 : i32 to vector<16xi32>
      %mul3A_873 = arith.muli %get3A_870, %mul3A_872 : vector<16xi32>
      %add3A_874 = arith.constant 1 : i32
      %add3A_875 = vector.broadcast %add3A_874 : i32 to vector<16xi32>
      %add3A_876 = arith.addi %mul3A_873, %add3A_875 : vector<16xi32>
      %swap3A_877 = arith.constant 80 : index
      %swap3A_878 = tpu.vector_load %arg10[%swap3A_877] {strides = array<i32>} : memref<384xi32, #tpu.memory_space<vmem>>, vector<16xi32>,
      %swap3A_879 = vector.shape_cast %swap3A_878 : vector<16xi32> to vector<16xi32>
      %swap3A_880 = vector.shape_cast %add3A_876 : vector<16xi32> to vector<16xi32>
      tpu.vector_store %arg10[%swap3A_877], %swap3A_880 {strides = array<i32>} : memref<384xi32, #tpu.memory_space<vmem>>, vector<16xi32>,
      %get3A_881 = arith.constant 96 : index
      %get3A_882 = tpu.vector_load %arg10[%get3A_881] {strides = array<i32>} : memref<384xi32, #tpu.memory_space<vmem>>, vector<16xi32>,
      %get3A_883 = vector.shape_cast %get3A_882 : vector<16xi32> to vector<16xi32>
      %mul3A_884 = arith.constant 2 : i32
      %mul3A_885 = vector.broadcast %mul3A_884 : i32 to vector<16xi32>
      %mul3A_886 = arith.muli %get3A_883, %mul3A_885 : vector<16xi32>
      %add3A_887 = arith.constant 1 : i32
      %add3A_888 = vector.broadcast %add3A_887 : i32 to vector<16xi32>
      %add3A_889 = arith.addi %mul3A_886, %add3A_888 : vector<16xi32>
      %swap3A_890 = arith.constant 96 : index
      %swap3A_891 = tpu.vector_load %arg10[%swap3A_890] {strides = array<i32>} : memref<384xi32, #tpu.memory_space<vmem>>, vector<16xi32>,
      %swap3A_892 = vector.shape_cast %swap3A_891 : vector<16xi32> to vector<16xi32>
      %swap3A_893 = vector.shape_cast %add3A_889 : vector<16xi32> to vector<16xi32>
      tpu.vector_store %arg10[%swap3A_890], %swap3A_893 {strides = array<i32>} : memref<384xi32, #tpu.memory_space<vmem>>, vector<16xi32>,
      %get3A_894 = arith.constant 112 : index
      %get3A_895 = tpu.vector_load %arg10[%get3A_894] {strides = array<i32>} : memref<384xi32, #tpu.memory_space<vmem>>, vector<16xi32>,
      %get3A_896 = vector.shape_cast %get3A_895 : vector<16xi32> to vector<16xi32>
      %mul3A_897 = arith.constant 2 : i32
      %mul3A_898 = vector.broadcast %mul3A_897 : i32 to vector<16xi32>
      %mul3A_899 = arith.muli %get3A_896, %mul3A_898 : vector<16xi32>
      %add3A_900 = arith.constant 1 : i32
      %add3A_901 = vector.broadcast %add3A_900 : i32 to vector<16xi32>
      %add3A_902 = arith.addi %mul3A_899, %add3A_901 : vector<16xi32>
      %swap3A_903 = arith.constant 112 : index
      %swap3A_904 = tpu.vector_load %arg10[%swap3A_903] {strides = array<i32>} : memref<384xi32, #tpu.memory_space<vmem>>, vector<16xi32>,
      %swap3A_905 = vector.shape_cast %swap3A_904 : vector<16xi32> to vector<16xi32>
      %swap3A_906 = vector.shape_cast %add3A_902 : vector<16xi32> to vector<16xi32>
      tpu.vector_store %arg10[%swap3A_903], %swap3A_906 {strides = array<i32>} : memref<384xi32, #tpu.memory_space<vmem>>, vector<16xi32>,
      %get3A_907 = arith.constant 128 : index
      %get3A_908 = tpu.vector_load %arg10[%get3A_907] {strides = array<i32>} : memref<384xi32, #tpu.memory_space<vmem>>, vector<16xi32>,
      %get3A_909 = vector.shape_cast %get3A_908 : vector<16xi32> to vector<16xi32>
      %mul3A_910 = arith.constant 2 : i32
      %mul3A_911 = vector.broadcast %mul3A_910 : i32 to vector<16xi32>
      %mul3A_912 = arith.muli %get3A_909, %mul3A_911 : vector<16xi32>
      %add3A_913 = arith.constant 1 : i32
      %add3A_914 = vector.broadcast %add3A_913 : i32 to vector<16xi32>
      %add3A_915 = arith.addi %mul3A_912, %add3A_914 : vector<16xi32>
      %swap3A_916 = arith.constant 128 : index
      %swap3A_917 = tpu.vector_load %arg10[%swap3A_916] {strides = array<i32>} : memref<384xi32, #tpu.memory_space<vmem>>, vector<16xi32>,
      %swap3A_918 = vector.shape_cast %swap3A_917 : vector<16xi32> to vector<16xi32>
      %swap3A_919 = vector.shape_cast %add3A_915 : vector<16xi32> to vector<16xi32>
      tpu.vector_store %arg10[%swap3A_916], %swap3A_919 {strides = array<i32>} : memref<384xi32, #tpu.memory_space<vmem>>, vector<16xi32>,
      %get3A_920 = arith.constant 144 : index
      %get3A_921 = tpu.vector_load %arg10[%get3A_920] {strides = array<i32>} : memref<384xi32, #tpu.memory_space<vmem>>, vector<16xi32>,
      %get3A_922 = vector.shape_cast %get3A_921 : vector<16xi32> to vector<16xi32>
      %mul3A_923 = arith.constant 2 : i32
      %mul3A_924 = vector.broadcast %mul3A_923 : i32 to vector<16xi32>
      %mul3A_925 = arith.muli %get3A_922, %mul3A_924 : vector<16xi32>
      %add3A_926 = arith.constant 1 : i32
      %add3A_927 = vector.broadcast %add3A_926 : i32 to vector<16xi32>
      %add3A_928 = arith.addi %mul3A_925, %add3A_927 : vector<16xi32>
      %swap3A_929 = arith.constant 144 : index
      %swap3A_930 = tpu.vector_load %arg10[%swap3A_929] {strides = array<i32>} : memref<384xi32, #tpu.memory_space<vmem>>, vector<16xi32>,
      %swap3A_931 = vector.shape_cast %swap3A_930 : vector<16xi32> to vector<16xi32>
      %swap3A_932 = vector.shape_cast %add3A_928 : vector<16xi32> to vector<16xi32>
      tpu.vector_store %arg10[%swap3A_929], %swap3A_932 {strides = array<i32>} : memref<384xi32, #tpu.memory_space<vmem>>, vector<16xi32>,
      %get3A_933 = arith.constant 160 : index
      %get3A_934 = tpu.vector_load %arg10[%get3A_933] {strides = array<i32>} : memref<384xi32, #tpu.memory_space<vmem>>, vector<16xi32>,
      %get3A_935 = vector.shape_cast %get3A_934 : vector<16xi32> to vector<16xi32>
      %mul3A_936 = arith.constant 2 : i32
      %mul3A_937 = vector.broadcast %mul3A_936 : i32 to vector<16xi32>
      %mul3A_938 = arith.muli %get3A_935, %mul3A_937 : vector<16xi32>
      %add3A_939 = arith.constant 1 : i32
      %add3A_940 = vector.broadcast %add3A_939 : i32 to vector<16xi32>
      %add3A_941 = arith.addi %mul3A_938, %add3A_940 : vector<16xi32>
      %swap3A_942 = arith.constant 160 : index
      %swap3A_943 = tpu.vector_load %arg10[%swap3A_942] {strides = array<i32>} : memref<384xi32, #tpu.memory_space<vmem>>, vector<16xi32>,
      %swap3A_944 = vector.shape_cast %swap3A_943 : vector<16xi32> to vector<16xi32>
      %swap3A_945 = vector.shape_cast %add3A_941 : vector<16xi32> to vector<16xi32>
      tpu.vector_store %arg10[%swap3A_942], %swap3A_945 {strides = array<i32>} : memref<384xi32, #tpu.memory_space<vmem>>, vector<16xi32>,
      %get3A_946 = arith.constant 176 : index
      %get3A_947 = tpu.vector_load %arg10[%get3A_946] {strides = array<i32>} : memref<384xi32, #tpu.memory_space<vmem>>, vector<16xi32>,
      %get3A_948 = vector.shape_cast %get3A_947 : vector<16xi32> to vector<16xi32>
      %mul3A_949 = arith.constant 2 : i32
      %mul3A_950 = vector.broadcast %mul3A_949 : i32 to vector<16xi32>
      %mul3A_951 = arith.muli %get3A_948, %mul3A_950 : vector<16xi32>
      %add3A_952 = arith.constant 1 : i32
      %add3A_953 = vector.broadcast %add3A_952 : i32 to vector<16xi32>
      %add3A_954 = arith.addi %mul3A_951, %add3A_953 : vector<16xi32>
      %swap3A_955 = arith.constant 176 : index
      %swap3A_956 = tpu.vector_load %arg10[%swap3A_955] {strides = array<i32>} : memref<384xi32, #tpu.memory_space<vmem>>, vector<16xi32>,
      %swap3A_957 = vector.shape_cast %swap3A_956 : vector<16xi32> to vector<16xi32>
      %swap3A_958 = vector.shape_cast %add3A_954 : vector<16xi32> to vector<16xi32>
      tpu.vector_store %arg10[%swap3A_955], %swap3A_958 {strides = array<i32>} : memref<384xi32, #tpu.memory_space<vmem>>, vector<16xi32>,
      %get3A_959 = arith.constant 192 : index
      %get3A_960 = tpu.vector_load %arg10[%get3A_959] {strides = array<i32>} : memref<384xi32, #tpu.memory_space<vmem>>, vector<16xi32>,
      %get3A_961 = vector.shape_cast %get3A_960 : vector<16xi32> to vector<16xi32>
      %mul3A_962 = arith.constant 2 : i32
      %mul3A_963 = vector.broadcast %mul3A_962 : i32 to vector<16xi32>
      %mul3A_964 = arith.muli %get3A_961, %mul3A_963 : vector<16xi32>
      %add3A_965 = arith.constant 1 : i32
      %add3A_966 = vector.broadcast %add3A_965 : i32 to vector<16xi32>
      %add3A_967 = arith.addi %mul3A_964, %add3A_966 : vector<16xi32>
      %swap3A_968 = arith.constant 192 : index
      %swap3A_969 = tpu.vector_load %arg10[%swap3A_968] {strides = array<i32>} : memref<384xi32, #tpu.memory_space<vmem>>, vector<16xi32>,
      %swap3A_970 = vector.shape_cast %swap3A_969 : vector<16xi32> to vector<16xi32>
      %swap3A_971 = vector.shape_cast %add3A_967 : vector<16xi32> to vector<16xi32>
      tpu.vector_store %arg10[%swap3A_968], %swap3A_971 {strides = array<i32>} : memref<384xi32, #tpu.memory_space<vmem>>, vector<16xi32>,
      %get3A_972 = arith.constant 208 : index
      %get3A_973 = tpu.vector_load %arg10[%get3A_972] {strides = array<i32>} : memref<384xi32, #tpu.memory_space<vmem>>, vector<16xi32>,
      %get3A_974 = vector.shape_cast %get3A_973 : vector<16xi32> to vector<16xi32>
      %mul3A_975 = arith.constant 2 : i32
      %mul3A_976 = vector.broadcast %mul3A_975 : i32 to vector<16xi32>
      %mul3A_977 = arith.muli %get3A_974, %mul3A_976 : vector<16xi32>
      %add3A_978 = arith.constant 1 : i32
      %add3A_979 = vector.broadcast %add3A_978 : i32 to vector<16xi32>
      %add3A_980 = arith.addi %mul3A_977, %add3A_979 : vector<16xi32>
      %swap3A_981 = arith.constant 208 : index
      %swap3A_982 = tpu.vector_load %arg10[%swap3A_981] {strides = array<i32>} : memref<384xi32, #tpu.memory_space<vmem>>, vector<16xi32>,
      %swap3A_983 = vector.shape_cast %swap3A_982 : vector<16xi32> to vector<16xi32>
      %swap3A_984 = vector.shape_cast %add3A_980 : vector<16xi32> to vector<16xi32>
      tpu.vector_store %arg10[%swap3A_981], %swap3A_984 {strides = array<i32>} : memref<384xi32, #tpu.memory_space<vmem>>, vector<16xi32>,
      %get3A_985 = arith.constant 224 : index
      %get3A_986 = tpu.vector_load %arg10[%get3A_985] {strides = array<i32>} : memref<384xi32, #tpu.memory_space<vmem>>, vector<16xi32>,
      %get3A_987 = vector.shape_cast %get3A_986 : vector<16xi32> to vector<16xi32>
      %mul3A_988 = arith.constant 2 : i32
      %mul3A_989 = vector.broadcast %mul3A_988 : i32 to vector<16xi32>
      %mul3A_990 = arith.muli %get3A_987, %mul3A_989 : vector<16xi32>
      %add3A_991 = arith.constant 1 : i32
      %add3A_992 = vector.broadcast %add3A_991 : i32 to vector<16xi32>
      %add3A_993 = arith.addi %mul3A_990, %add3A_992 : vector<16xi32>
      %swap3A_994 = arith.constant 224 : index
      %swap3A_995 = tpu.vector_load %arg10[%swap3A_994] {strides = array<i32>} : memref<384xi32, #tpu.memory_space<vmem>>, vector<16xi32>,
      %swap3A_996 = vector.shape_cast %swap3A_995 : vector<16xi32> to vector<16xi32>
      %swap3A_997 = vector.shape_cast %add3A_993 : vector<16xi32> to vector<16xi32>
      tpu.vector_store %arg10[%swap3A_994], %swap3A_997 {strides = array<i32>} : memref<384xi32, #tpu.memory_space<vmem>>, vector<16xi32>,
      %get3A_998 = arith.constant 240 : index
      %get3A_999 = tpu.vector_load %arg10[%get3A_998] {strides = array<i32>} : memref<384xi32, #tpu.memory_space<vmem>>, vector<16xi32>,
      %get3A_1000 = vector.shape_cast %get3A_999 : vector<16xi32> to vector<16xi32>
      %mul3A_1001 = arith.constant 2 : i32
      %mul3A_1002 = vector.broadcast %mul3A_1001 : i32 to vector<16xi32>
      %mul3A_1003 = arith.muli %get3A_1000, %mul3A_1002 : vector<16xi32>
      %add3A_1004 = arith.constant 1 : i32
      %add3A_1005 = vector.broadcast %add3A_1004 : i32 to vector<16xi32>
      %add3A_1006 = arith.addi %mul3A_1003, %add3A_1005 : vector<16xi32>
      %swap3A_1007 = arith.constant 240 : index
      %swap3A_1008 = tpu.vector_load %arg10[%swap3A_1007] {strides = array<i32>} : memref<384xi32, #tpu.memory_space<vmem>>, vector<16xi32>,
      %swap3A_1009 = vector.shape_cast %swap3A_1008 : vector<16xi32> to vector<16xi32>
      %swap3A_1010 = vector.shape_cast %add3A_1006 : vector<16xi32> to vector<16xi32>
      tpu.vector_store %arg10[%swap3A_1007], %swap3A_1010 {strides = array<i32>} : memref<384xi32, #tpu.memory_space<vmem>>, vector<16xi32>,
      %get3A_1011 = arith.constant 256 : index
      %get3A_1012 = tpu.vector_load %arg10[%get3A_1011] {strides = array<i32>} : memref<384xi32, #tpu.memory_space<vmem>>, vector<16xi32>,
      %get3A_1013 = vector.shape_cast %get3A_1012 : vector<16xi32> to vector<16xi32>
      %mul3A_1014 = arith.constant 2 : i32
      %mul3A_1015 = vector.broadcast %mul3A_1014 : i32 to vector<16xi32>
      %mul3A_1016 = arith.muli %get3A_1013, %mul3A_1015 : vector<16xi32>
      %add3A_1017 = arith.constant 1 : i32
      %add3A_1018 = vector.broadcast %add3A_1017 : i32 to vector<16xi32>
      %add3A_1019 = arith.addi %mul3A_1016, %add3A_1018 : vector<16xi32>
      %swap3A_1020 = arith.constant 256 : index
      %swap3A_1021 = tpu.vector_load %arg10[%swap3A_1020] {strides = array<i32>} : memref<384xi32, #tpu.memory_space<vmem>>, vector<16xi32>,
      %swap3A_1022 = vector.shape_cast %swap3A_1021 : vector<16xi32> to vector<16xi32>
      %swap3A_1023 = vector.shape_cast %add3A_1019 : vector<16xi32> to vector<16xi32>
      tpu.vector_store %arg10[%swap3A_1020], %swap3A_1023 {strides = array<i32>} : memref<384xi32, #tpu.memory_space<vmem>>, vector<16xi32>,
      %get3A_1024 = arith.constant 272 : index
      %get3A_1025 = tpu.vector_load %arg10[%get3A_1024] {strides = array<i32>} : memref<384xi32, #tpu.memory_space<vmem>>, vector<16xi32>,
      %get3A_1026 = vector.shape_cast %get3A_1025 : vector<16xi32> to vector<16xi32>
      %mul3A_1027 = arith.constant 2 : i32
      %mul3A_1028 = vector.broadcast %mul3A_1027 : i32 to vector<16xi32>
      %mul3A_1029 = arith.muli %get3A_1026, %mul3A_1028 : vector<16xi32>
      %add3A_1030 = arith.constant 1 : i32
      %add3A_1031 = vector.broadcast %add3A_1030 : i32 to vector<16xi32>
      %add3A_1032 = arith.addi %mul3A_1029, %add3A_1031 : vector<16xi32>
      %swap3A_1033 = arith.constant 272 : index
      %swap3A_1034 = tpu.vector_load %arg10[%swap3A_1033] {strides = array<i32>} : memref<384xi32, #tpu.memory_space<vmem>>, vector<16xi32>,
      %swap3A_1035 = vector.shape_cast %swap3A_1034 : vector<16xi32> to vector<16xi32>
      %swap3A_1036 = vector.shape_cast %add3A_1032 : vector<16xi32> to vector<16xi32>
      tpu.vector_store %arg10[%swap3A_1033], %swap3A_1036 {strides = array<i32>} : memref<384xi32, #tpu.memory_space<vmem>>, vector<16xi32>,
      %get3A_1037 = arith.constant 288 : index
      %get3A_1038 = tpu.vector_load %arg10[%get3A_1037] {strides = array<i32>} : memref<384xi32, #tpu.memory_space<vmem>>, vector<16xi32>,
      %get3A_1039 = vector.shape_cast %get3A_1038 : vector<16xi32> to vector<16xi32>
      %mul3A_1040 = arith.constant 2 : i32
      %mul3A_1041 = vector.broadcast %mul3A_1040 : i32 to vector<16xi32>
      %mul3A_1042 = arith.muli %get3A_1039, %mul3A_1041 : vector<16xi32>
      %add3A_1043 = arith.constant 1 : i32
      %add3A_1044 = vector.broadcast %add3A_1043 : i32 to vector<16xi32>
      %add3A_1045 = arith.addi %mul3A_1042, %add3A_1044 : vector<16xi32>
      %swap3A_1046 = arith.constant 288 : index
      %swap3A_1047 = tpu.vector_load %arg10[%swap3A_1046] {strides = array<i32>} : memref<384xi32, #tpu.memory_space<vmem>>, vector<16xi32>,
      %swap3A_1048 = vector.shape_cast %swap3A_1047 : vector<16xi32> to vector<16xi32>
      %swap3A_1049 = vector.shape_cast %add3A_1045 : vector<16xi32> to vector<16xi32>
      tpu.vector_store %arg10[%swap3A_1046], %swap3A_1049 {strides = array<i32>} : memref<384xi32, #tpu.memory_space<vmem>>, vector<16xi32>,
      %get3A_1050 = arith.constant 304 : index
      %get3A_1051 = tpu.vector_load %arg10[%get3A_1050] {strides = array<i32>} : memref<384xi32, #tpu.memory_space<vmem>>, vector<16xi32>,
      %get3A_1052 = vector.shape_cast %get3A_1051 : vector<16xi32> to vector<16xi32>
      %mul3A_1053 = arith.constant 2 : i32
      %mul3A_1054 = vector.broadcast %mul3A_1053 : i32 to vector<16xi32>
      %mul3A_1055 = arith.muli %get3A_1052, %mul3A_1054 : vector<16xi32>
      %add3A_1056 = arith.constant 1 : i32
      %add3A_1057 = vector.broadcast %add3A_1056 : i32 to vector<16xi32>
      %add3A_1058 = arith.addi %mul3A_1055, %add3A_1057 : vector<16xi32>
      %swap3A_1059 = arith.constant 304 : index
      %swap3A_1060 = tpu.vector_load %arg10[%swap3A_1059] {strides = array<i32>} : memref<384xi32, #tpu.memory_space<vmem>>, vector<16xi32>,
      %swap3A_1061 = vector.shape_cast %swap3A_1060 : vector<16xi32> to vector<16xi32>
      %swap3A_1062 = vector.shape_cast %add3A_1058 : vector<16xi32> to vector<16xi32>
      tpu.vector_store %arg10[%swap3A_1059], %swap3A_1062 {strides = array<i32>} : memref<384xi32, #tpu.memory_space<vmem>>, vector<16xi32>,
      %get3A_1063 = arith.constant 320 : index
      %get3A_1064 = tpu.vector_load %arg10[%get3A_1063] {strides = array<i32>} : memref<384xi32, #tpu.memory_space<vmem>>, vector<16xi32>,
      %get3A_1065 = vector.shape_cast %get3A_1064 : vector<16xi32> to vector<16xi32>
      %mul3A_1066 = arith.constant 2 : i32
      %mul3A_1067 = vector.broadcast %mul3A_1066 : i32 to vector<16xi32>
      %mul3A_1068 = arith.muli %get3A_1065, %mul3A_1067 : vector<16xi32>
      %add3A_1069 = arith.constant 1 : i32
      %add3A_1070 = vector.broadcast %add3A_1069 : i32 to vector<16xi32>
      %add3A_1071 = arith.addi %mul3A_1068, %add3A_1070 : vector<16xi32>
      %swap3A_1072 = arith.constant 320 : index
      %swap3A_1073 = tpu.vector_load %arg10[%swap3A_1072] {strides = array<i32>} : memref<384xi32, #tpu.memory_space<vmem>>, vector<16xi32>,
      %swap3A_1074 = vector.shape_cast %swap3A_1073 : vector<16xi32> to vector<16xi32>
      %swap3A_1075 = vector.shape_cast %add3A_1071 : vector<16xi32> to vector<16xi32>
      tpu.vector_store %arg10[%swap3A_1072], %swap3A_1075 {strides = array<i32>} : memref<384xi32, #tpu.memory_space<vmem>>, vector<16xi32>,
      %get3A_1076 = arith.constant 336 : index
      %get3A_1077 = tpu.vector_load %arg10[%get3A_1076] {strides = array<i32>} : memref<384xi32, #tpu.memory_space<vmem>>, vector<16xi32>,
      %get3A_1078 = vector.shape_cast %get3A_1077 : vector<16xi32> to vector<16xi32>
      %mul3A_1079 = arith.constant 2 : i32
      %mul3A_1080 = vector.broadcast %mul3A_1079 : i32 to vector<16xi32>
      %mul3A_1081 = arith.muli %get3A_1078, %mul3A_1080 : vector<16xi32>
      %add3A_1082 = arith.constant 1 : i32
      %add3A_1083 = vector.broadcast %add3A_1082 : i32 to vector<16xi32>
      %add3A_1084 = arith.addi %mul3A_1081, %add3A_1083 : vector<16xi32>
      %swap3A_1085 = arith.constant 336 : index
      %swap3A_1086 = tpu.vector_load %arg10[%swap3A_1085] {strides = array<i32>} : memref<384xi32, #tpu.memory_space<vmem>>, vector<16xi32>,
      %swap3A_1087 = vector.shape_cast %swap3A_1086 : vector<16xi32> to vector<16xi32>
      %swap3A_1088 = vector.shape_cast %add3A_1084 : vector<16xi32> to vector<16xi32>
      tpu.vector_store %arg10[%swap3A_1085], %swap3A_1088 {strides = array<i32>} : memref<384xi32, #tpu.memory_space<vmem>>, vector<16xi32>,
      %get3A_1089 = arith.constant 352 : index
      %get3A_1090 = tpu.vector_load %arg10[%get3A_1089] {strides = array<i32>} : memref<384xi32, #tpu.memory_space<vmem>>, vector<16xi32>,
      %get3A_1091 = vector.shape_cast %get3A_1090 : vector<16xi32> to vector<16xi32>
      %mul3A_1092 = arith.constant 2 : i32
      %mul3A_1093 = vector.broadcast %mul3A_1092 : i32 to vector<16xi32>
      %mul3A_1094 = arith.muli %get3A_1091, %mul3A_1093 : vector<16xi32>
      %add3A_1095 = arith.constant 1 : i32
      %add3A_1096 = vector.broadcast %add3A_1095 : i32 to vector<16xi32>
      %add3A_1097 = arith.addi %mul3A_1094, %add3A_1096 : vector<16xi32>
      %swap3A_1098 = arith.constant 352 : index
      %swap3A_1099 = tpu.vector_load %arg10[%swap3A_1098] {strides = array<i32>} : memref<384xi32, #tpu.memory_space<vmem>>, vector<16xi32>,
      %swap3A_1100 = vector.shape_cast %swap3A_1099 : vector<16xi32> to vector<16xi32>
      %swap3A_1101 = vector.shape_cast %add3A_1097 : vector<16xi32> to vector<16xi32>
      tpu.vector_store %arg10[%swap3A_1098], %swap3A_1101 {strides = array<i32>} : memref<384xi32, #tpu.memory_space<vmem>>, vector<16xi32>,
      %get3A_1102 = arith.constant 368 : index
      %get3A_1103 = tpu.vector_load %arg10[%get3A_1102] {strides = array<i32>} : memref<384xi32, #tpu.memory_space<vmem>>, vector<16xi32>,
      %get3A_1104 = vector.shape_cast %get3A_1103 : vector<16xi32> to vector<16xi32>
      %mul3A_1105 = arith.constant 2 : i32
      %mul3A_1106 = vector.broadcast %mul3A_1105 : i32 to vector<16xi32>
      %mul3A_1107 = arith.muli %get3A_1104, %mul3A_1106 : vector<16xi32>
      %add3A_1108 = arith.constant 1 : i32
      %add3A_1109 = vector.broadcast %add3A_1108 : i32 to vector<16xi32>
      %add3A_1110 = arith.addi %mul3A_1107, %add3A_1109 : vector<16xi32>
      %swap3A_1111 = arith.constant 368 : index
      %swap3A_1112 = tpu.vector_load %arg10[%swap3A_1111] {strides = array<i32>} : memref<384xi32, #tpu.memory_space<vmem>>, vector<16xi32>,
      %swap3A_1113 = vector.shape_cast %swap3A_1112 : vector<16xi32> to vector<16xi32>
      %swap3A_1114 = vector.shape_cast %add3A_1110 : vector<16xi32> to vector<16xi32>
      tpu.vector_store %arg10[%swap3A_1111], %swap3A_1114 {strides = array<i32>} : memref<384xi32, #tpu.memory_space<vmem>>, vector<16xi32>,
      %dma_start3A_1115 = arith.constant 0 : i32
      %dma_start3A_1116 = arith.constant 0 : i32
      %dma_start3A_1117 = tpu.memref_slice %arg4[%dma_start3A_1115, %dma_start3A_1116] : memref<20000x64xf32, #tpu.memory_space<hbm>> -> memref<20000x64xf32, #tpu.memory_space<hbm>>
      tpu.enqueue_indirect_dma source(%dma_start3A_1117 : memref<20000x64xf32, #tpu.memory_space<hbm>>) target(%arg13 : memref<384x64xf32, #tpu.memory_space<vmem>>) offsets(%arg10 : memref<384xi32, #tpu.memory_space<vmem>>) semaphore(%arg19 : memref<!tpu.dma_semaphore, #tpu.memory_space<semaphore_mem>>)
      %dma_wait3A_1118 = arith.constant 0 : i32
      %dma_wait3A_1119 = arith.constant 0 : i32
      %dma_wait3A_1120 = arith.constant 0 : i32
      %dma_wait3A_1121 = tpu.memref_slice %arg12[%dma_wait3A_1119, %dma_wait3A_1120] : memref<384x64xf32, #tpu.memory_space<vmem>> -> memref<128x64xf32, #tpu.memory_space<vmem>>
      %dma_wait3A_1122 = arith.constant 0 : i32
      %dma_wait3A_1123 = tpu.memref_slice %arg9[%dma_wait3A_1118, %dma_wait3A_1122] : memref<3x128xi32, #tpu.memory_space<vmem>> -> memref<1x128xi32, #tpu.memory_space<vmem>>
      %dma_wait3A_1124 = tpu.memref_squeeze %dma_wait3A_1123 : memref<1x128xi32, #tpu.memory_space<vmem>> -> memref<128xi32, #tpu.memory_space<vmem>>
      %dma_wait3A_1125 = arith.constant 0 : i32
      %dma_wait3A_1126 = arith.constant 0 : i32
      %dma_wait3A_1127 = tpu.memref_slice %arg17[%dma_wait3A_1125, %dma_wait3A_1126] : memref<10240x64xf32, #tpu.memory_space<vmem_shared>> -> memref<10240x64xf32, #tpu.memory_space<vmem_shared>>
      tpu.wait_indirect_dma semaphore(%arg20 : memref<!tpu.dma_semaphore, #tpu.memory_space<semaphore_mem>>) src(%dma_wait3A_1121 : memref<128x64xf32, #tpu.memory_space<vmem>>) dst(%dma_wait3A_1127 : memref<10240x64xf32, #tpu.memory_space<vmem_shared>>)
      %dma_wait3A_1128 = arith.constant 1 : i32
      %dma_wait3A_1129 = arith.constant 128 : i32
      %dma_wait3A_1130 = arith.constant 0 : i32
      %dma_wait3A_1131 = tpu.memref_slice %arg12[%dma_wait3A_1129, %dma_wait3A_1130] : memref<384x64xf32, #tpu.memory_space<vmem>> -> memref<128x64xf32, #tpu.memory_space<vmem>>
      %dma_wait3A_1132 = arith.constant 0 : i32
      %dma_wait3A_1133 = tpu.memref_slice %arg9[%dma_wait3A_1128, %dma_wait3A_1132] : memref<3x128xi32, #tpu.memory_space<vmem>> -> memref<1x128xi32, #tpu.memory_space<vmem>>
      %dma_wait3A_1134 = tpu.memref_squeeze %dma_wait3A_1133 : memref<1x128xi32, #tpu.memory_space<vmem>> -> memref<128xi32, #tpu.memory_space<vmem>>
      %dma_wait3A_1135 = arith.constant 0 : i32
      %dma_wait3A_1136 = arith.constant 0 : i32
      %dma_wait3A_1137 = tpu.memref_slice %arg17[%dma_wait3A_1135, %dma_wait3A_1136] : memref<10240x64xf32, #tpu.memory_space<vmem_shared>> -> memref<10240x64xf32, #tpu.memory_space<vmem_shared>>
      tpu.wait_indirect_dma semaphore(%arg20 : memref<!tpu.dma_semaphore, #tpu.memory_space<semaphore_mem>>) src(%dma_wait3A_1131 : memref<128x64xf32, #tpu.memory_space<vmem>>) dst(%dma_wait3A_1137 : memref<10240x64xf32, #tpu.memory_space<vmem_shared>>)
      %dma_wait3A_1138 = arith.constant 2 : i32
      %dma_wait3A_1139 = arith.constant 256 : i32
      %dma_wait3A_1140 = arith.constant 0 : i32
      %dma_wait3A_1141 = tpu.memref_slice %arg12[%dma_wait3A_1139, %dma_wait3A_1140] : memref<384x64xf32, #tpu.memory_space<vmem>> -> memref<128x64xf32, #tpu.memory_space<vmem>>
      %dma_wait3A_1142 = arith.constant 0 : i32
      %dma_wait3A_1143 = tpu.memref_slice %arg9[%dma_wait3A_1138, %dma_wait3A_1142] : memref<3x128xi32, #tpu.memory_space<vmem>> -> memref<1x128xi32, #tpu.memory_space<vmem>>
      %dma_wait3A_1144 = tpu.memref_squeeze %dma_wait3A_1143 : memref<1x128xi32, #tpu.memory_space<vmem>> -> memref<128xi32, #tpu.memory_space<vmem>>
      %dma_wait3A_1145 = arith.constant 0 : i32
      %dma_wait3A_1146 = arith.constant 0 : i32
      %dma_wait3A_1147 = tpu.memref_slice %arg17[%dma_wait3A_1145, %dma_wait3A_1146] : memref<10240x64xf32, #tpu.memory_space<vmem_shared>> -> memref<10240x64xf32, #tpu.memory_space<vmem_shared>>
      tpu.wait_indirect_dma semaphore(%arg20 : memref<!tpu.dma_semaphore, #tpu.memory_space<semaphore_mem>>) src(%dma_wait3A_1141 : memref<128x64xf32, #tpu.memory_space<vmem>>) dst(%dma_wait3A_1147 : memref<10240x64xf32, #tpu.memory_space<vmem_shared>>)
      %dma_wait3A_1148 = arith.constant 0 : i32
      %dma_wait3A_1149 = arith.constant 0 : i32
      %dma_wait3A_1150 = tpu.memref_slice %arg4[%dma_wait3A_1148, %dma_wait3A_1149] : memref<20000x64xf32, #tpu.memory_space<hbm>> -> memref<20000x64xf32, #tpu.memory_space<hbm>>
      tpu.wait_indirect_dma semaphore(%arg19 : memref<!tpu.dma_semaphore, #tpu.memory_space<semaphore_mem>>) src(%dma_wait3A_1150 : memref<20000x64xf32, #tpu.memory_space<hbm>>) dst(%arg13 : memref<384x64xf32, #tpu.memory_space<vmem>>)
      %dma_start3A_1151 = arith.constant 0 : i32
      %dma_start3A_1152 = arith.constant 0 : i32
      %dma_start3A_1153 = arith.constant 0 : i32
      %dma_start3A_1154 = tpu.memref_slice %arg13[%dma_start3A_1152, %dma_start3A_1153] : memref<384x64xf32, #tpu.memory_space<vmem>> -> memref<128x64xf32, #tpu.memory_space<vmem>>
      %dma_start3A_1155 = arith.constant 0 : i32
      %dma_start3A_1156 = tpu.memref_slice %arg11[%dma_start3A_1151, %dma_start3A_1155] : memref<3x128xi32, #tpu.memory_space<vmem>> -> memref<1x128xi32, #tpu.memory_space<vmem>>
      %dma_start3A_1157 = tpu.memref_squeeze %dma_start3A_1156 : memref<1x128xi32, #tpu.memory_space<vmem>> -> memref<128xi32, #tpu.memory_space<vmem>>
      %dma_start3A_1158 = arith.constant 0 : i32
      %dma_start3A_1159 = arith.constant 0 : i32
      %dma_start3A_1160 = tpu.memref_slice %arg17[%dma_start3A_1158, %dma_start3A_1159] : memref<10240x64xf32, #tpu.memory_space<vmem_shared>> -> memref<10240x64xf32, #tpu.memory_space<vmem_shared>>
      tpu.enqueue_indirect_dma source(%dma_start3A_1154 : memref<128x64xf32, #tpu.memory_space<vmem>>) target(%dma_start3A_1160 : memref<10240x64xf32, #tpu.memory_space<vmem_shared>>) offsets(%dma_start3A_1157 : memref<128xi32, #tpu.memory_space<vmem>>) semaphore(%arg20 : memref<!tpu.dma_semaphore, #tpu.memory_space<semaphore_mem>>) {add = true}
      %dma_start3A_1161 = arith.constant 1 : i32
      %dma_start3A_1162 = arith.constant 128 : i32
      %dma_start3A_1163 = arith.constant 0 : i32
      %dma_start3A_1164 = tpu.memref_slice %arg13[%dma_start3A_1162, %dma_start3A_1163] : memref<384x64xf32, #tpu.memory_space<vmem>> -> memref<128x64xf32, #tpu.memory_space<vmem>>
      %dma_start3A_1165 = arith.constant 0 : i32
      %dma_start3A_1166 = tpu.memref_slice %arg11[%dma_start3A_1161, %dma_start3A_1165] : memref<3x128xi32, #tpu.memory_space<vmem>> -> memref<1x128xi32, #tpu.memory_space<vmem>>
      %dma_start3A_1167 = tpu.memref_squeeze %dma_start3A_1166 : memref<1x128xi32, #tpu.memory_space<vmem>> -> memref<128xi32, #tpu.memory_space<vmem>>
      %dma_start3A_1168 = arith.constant 0 : i32
      %dma_start3A_1169 = arith.constant 0 : i32
      %dma_start3A_1170 = tpu.memref_slice %arg17[%dma_start3A_1168, %dma_start3A_1169] : memref<10240x64xf32, #tpu.memory_space<vmem_shared>> -> memref<10240x64xf32, #tpu.memory_space<vmem_shared>>
      tpu.enqueue_indirect_dma source(%dma_start3A_1164 : memref<128x64xf32, #tpu.memory_space<vmem>>) target(%dma_start3A_1170 : memref<10240x64xf32, #tpu.memory_space<vmem_shared>>) offsets(%dma_start3A_1167 : memref<128xi32, #tpu.memory_space<vmem>>) semaphore(%arg20 : memref<!tpu.dma_semaphore, #tpu.memory_space<semaphore_mem>>) {add = true}
      %dma_start3A_1171 = arith.constant 2 : i32
      %dma_start3A_1172 = arith.constant 256 : i32
      %dma_start3A_1173 = arith.constant 0 : i32
      %dma_start3A_1174 = tpu.memref_slice %arg13[%dma_start3A_1172, %dma_start3A_1173] : memref<384x64xf32, #tpu.memory_space<vmem>> -> memref<128x64xf32, #tpu.memory_space<vmem>>
      %dma_start3A_1175 = arith.constant 0 : i32
      %dma_start3A_1176 = tpu.memref_slice %arg11[%dma_start3A_1171, %dma_start3A_1175] : memref<3x128xi32, #tpu.memory_space<vmem>> -> memref<1x128xi32, #tpu.memory_space<vmem>>
      %dma_start3A_1177 = tpu.memref_squeeze %dma_start3A_1176 : memref<1x128xi32, #tpu.memory_space<vmem>> -> memref<128xi32, #tpu.memory_space<vmem>>
      %dma_start3A_1178 = arith.constant 0 : i32
      %dma_start3A_1179 = arith.constant 0 : i32
      %dma_start3A_1180 = tpu.memref_slice %arg17[%dma_start3A_1178, %dma_start3A_1179] : memref<10240x64xf32, #tpu.memory_space<vmem_shared>> -> memref<10240x64xf32, #tpu.memory_space<vmem_shared>>
      tpu.enqueue_indirect_dma source(%dma_start3A_1174 : memref<128x64xf32, #tpu.memory_space<vmem>>) target(%dma_start3A_1180 : memref<10240x64xf32, #tpu.memory_space<vmem_shared>>) offsets(%dma_start3A_1177 : memref<128xi32, #tpu.memory_space<vmem>>) semaphore(%arg20 : memref<!tpu.dma_semaphore, #tpu.memory_space<semaphore_mem>>) {add = true}
      %add3A_1181 = arith.constant 1 : i32
      %add3A_1182 = arith.addi %scan3A_762, %add3A_1181 : i32
      %lt3A_1183 = arith.constant 13 : i32
      %lt3A_1184 = arith.cmpi slt, %add3A_1182, %lt3A_1183 : i32
      %convert_element_type3A_1185 = arith.extui %lt3A_1184 : i1 to i32
      %cond3A_1186 = arith.constant 0 : i32
      %cond3A_1187 = arith.cmpi ne, %convert_element_type3A_1185, %cond3A_1186 : i32
      scf.if %cond3A_1187 {
        %add3A_1219 = arith.constant 3 : i32
        %add3A_1220 = arith.addi %add3A_770, %add3A_1219 : i32
        %mul3A_1221 = arith.constant 128 : i32
        %mul3A_1222 = arith.muli %add3A_1220, %mul3A_1221 : i32
        "tpu.region"() ({
          %run_scoped3A = tpu.sem_alloc : memref<!tpu.dma_semaphore, #tpu.memory_space<semaphore_mem>>
          %dma_start3A_1541 = tpu.memref_slice %arg2[%mul3A_1222] : memref<320000xi32, #tpu.memory_space<hbm>> -> memref<384xi32, #tpu.memory_space<hbm>>
          %dma_start3A_1542 = tpu.memref_slice %arg2[%mul3A_1222] : memref<320000xi32, #tpu.memory_space<hbm>> -> memref<384xi32, #tpu.memory_space<hbm>>
          tpu.enqueue_dma source(%dma_start3A_1542 : memref<384xi32, #tpu.memory_space<hbm>>) target(%arg8 : memref<384xi32, #tpu.memory_space<vmem>>) target_semaphore(%run_scoped3A : memref<!tpu.dma_semaphore, #tpu.memory_space<semaphore_mem>>)
          %dma_wait3A_1543 = tpu.memref_slice %arg2[%mul3A_1222] : memref<320000xi32, #tpu.memory_space<hbm>> -> memref<384xi32, #tpu.memory_space<hbm>>
          %dma_wait3A_1544 = tpu.memref_slice %arg2[%mul3A_1222] : memref<320000xi32, #tpu.memory_space<hbm>> -> memref<384xi32, #tpu.memory_space<hbm>>
          tpu.wait_dma2 semaphore(%run_scoped3A : memref<!tpu.dma_semaphore, #tpu.memory_space<semaphore_mem>>) src(%dma_wait3A_1544 : memref<384xi32, #tpu.memory_space<hbm>>) dst(%arg8 : memref<384xi32, #tpu.memory_space<vmem>>)
          tpu.yield
        }) : () -> ()
        "tpu.region"() ({
          %run_scoped3A = tpu.sem_alloc : memref<!tpu.dma_semaphore, #tpu.memory_space<semaphore_mem>>
          %dma_start3A_1541 = arith.constant 0 : i32
          %dma_start3A_1542 = tpu.memref_slice %arg3[%add3A_1220, %dma_start3A_1541] : memref<2500x128xi32, #tpu.memory_space<hbm>> -> memref<3x128xi32, #tpu.memory_space<hbm>>
          %dma_start3A_1543 = arith.constant 0 : i32
          %dma_start3A_1544 = tpu.memref_slice %arg3[%add3A_1220, %dma_start3A_1543] : memref<2500x128xi32, #tpu.memory_space<hbm>> -> memref<3x128xi32, #tpu.memory_space<hbm>>
          tpu.enqueue_dma source(%dma_start3A_1544 : memref<3x128xi32, #tpu.memory_space<hbm>>) target(%arg9 : memref<3x128xi32, #tpu.memory_space<vmem>>) target_semaphore(%run_scoped3A : memref<!tpu.dma_semaphore, #tpu.memory_space<semaphore_mem>>)
          %dma_wait3A_1545 = arith.constant 0 : i32
          %dma_wait3A_1546 = tpu.memref_slice %arg3[%add3A_1220, %dma_wait3A_1545] : memref<2500x128xi32, #tpu.memory_space<hbm>> -> memref<3x128xi32, #tpu.memory_space<hbm>>
          %dma_wait3A_1547 = arith.constant 0 : i32
          %dma_wait3A_1548 = tpu.memref_slice %arg3[%add3A_1220, %dma_wait3A_1547] : memref<2500x128xi32, #tpu.memory_space<hbm>> -> memref<3x128xi32, #tpu.memory_space<hbm>>
          tpu.wait_dma2 semaphore(%run_scoped3A : memref<!tpu.dma_semaphore, #tpu.memory_space<semaphore_mem>>) src(%dma_wait3A_1548 : memref<3x128xi32, #tpu.memory_space<hbm>>) dst(%arg9 : memref<3x128xi32, #tpu.memory_space<vmem>>)
          tpu.yield
        }) : () -> ()
        %get3A_1223 = arith.constant 0 : index
        %get3A_1224 = tpu.vector_load %arg8[%get3A_1223] {strides = array<i32>} : memref<384xi32, #tpu.memory_space<vmem>>, vector<16xi32>,
        %get3A_1225 = vector.shape_cast %get3A_1224 : vector<16xi32> to vector<16xi32>
        %mul3A_1226 = arith.constant 2 : i32
        %mul3A_1227 = vector.broadcast %mul3A_1226 : i32 to vector<16xi32>
        %mul3A_1228 = arith.muli %get3A_1225, %mul3A_1227 : vector<16xi32>
        %add3A_1229 = arith.constant 1 : i32
        %add3A_1230 = vector.broadcast %add3A_1229 : i32 to vector<16xi32>
        %add3A_1231 = arith.addi %mul3A_1228, %add3A_1230 : vector<16xi32>
        %swap3A_1232 = arith.constant 0 : index
        %swap3A_1233 = tpu.vector_load %arg8[%swap3A_1232] {strides = array<i32>} : memref<384xi32, #tpu.memory_space<vmem>>, vector<16xi32>,
        %swap3A_1234 = vector.shape_cast %swap3A_1233 : vector<16xi32> to vector<16xi32>
        %swap3A_1235 = vector.shape_cast %add3A_1231 : vector<16xi32> to vector<16xi32>
        tpu.vector_store %arg8[%swap3A_1232], %swap3A_1235 {strides = array<i32>} : memref<384xi32, #tpu.memory_space<vmem>>, vector<16xi32>,
        %get3A_1236 = arith.constant 16 : index
        %get3A_1237 = tpu.vector_load %arg8[%get3A_1236] {strides = array<i32>} : memref<384xi32, #tpu.memory_space<vmem>>, vector<16xi32>,
        %get3A_1238 = vector.shape_cast %get3A_1237 : vector<16xi32> to vector<16xi32>
        %mul3A_1239 = arith.constant 2 : i32
        %mul3A_1240 = vector.broadcast %mul3A_1239 : i32 to vector<16xi32>
        %mul3A_1241 = arith.muli %get3A_1238, %mul3A_1240 : vector<16xi32>
        %add3A_1242 = arith.constant 1 : i32
        %add3A_1243 = vector.broadcast %add3A_1242 : i32 to vector<16xi32>
        %add3A_1244 = arith.addi %mul3A_1241, %add3A_1243 : vector<16xi32>
        %swap3A_1245 = arith.constant 16 : index
        %swap3A_1246 = tpu.vector_load %arg8[%swap3A_1245] {strides = array<i32>} : memref<384xi32, #tpu.memory_space<vmem>>, vector<16xi32>,
        %swap3A_1247 = vector.shape_cast %swap3A_1246 : vector<16xi32> to vector<16xi32>
        %swap3A_1248 = vector.shape_cast %add3A_1244 : vector<16xi32> to vector<16xi32>
        tpu.vector_store %arg8[%swap3A_1245], %swap3A_1248 {strides = array<i32>} : memref<384xi32, #tpu.memory_space<vmem>>, vector<16xi32>,
        %get3A_1249 = arith.constant 32 : index
        %get3A_1250 = tpu.vector_load %arg8[%get3A_1249] {strides = array<i32>} : memref<384xi32, #tpu.memory_space<vmem>>, vector<16xi32>,
        %get3A_1251 = vector.shape_cast %get3A_1250 : vector<16xi32> to vector<16xi32>
        %mul3A_1252 = arith.constant 2 : i32
        %mul3A_1253 = vector.broadcast %mul3A_1252 : i32 to vector<16xi32>
        %mul3A_1254 = arith.muli %get3A_1251, %mul3A_1253 : vector<16xi32>
        %add3A_1255 = arith.constant 1 : i32
        %add3A_1256 = vector.broadcast %add3A_1255 : i32 to vector<16xi32>
        %add3A_1257 = arith.addi %mul3A_1254, %add3A_1256 : vector<16xi32>
        %swap3A_1258 = arith.constant 32 : index
        %swap3A_1259 = tpu.vector_load %arg8[%swap3A_1258] {strides = array<i32>} : memref<384xi32, #tpu.memory_space<vmem>>, vector<16xi32>,
        %swap3A_1260 = vector.shape_cast %swap3A_1259 : vector<16xi32> to vector<16xi32>
        %swap3A_1261 = vector.shape_cast %add3A_1257 : vector<16xi32> to vector<16xi32>
        tpu.vector_store %arg8[%swap3A_1258], %swap3A_1261 {strides = array<i32>} : memref<384xi32, #tpu.memory_space<vmem>>, vector<16xi32>,
        %get3A_1262 = arith.constant 48 : index
        %get3A_1263 = tpu.vector_load %arg8[%get3A_1262] {strides = array<i32>} : memref<384xi32, #tpu.memory_space<vmem>>, vector<16xi32>,
        %get3A_1264 = vector.shape_cast %get3A_1263 : vector<16xi32> to vector<16xi32>
        %mul3A_1265 = arith.constant 2 : i32
        %mul3A_1266 = vector.broadcast %mul3A_1265 : i32 to vector<16xi32>
        %mul3A_1267 = arith.muli %get3A_1264, %mul3A_1266 : vector<16xi32>
        %add3A_1268 = arith.constant 1 : i32
        %add3A_1269 = vector.broadcast %add3A_1268 : i32 to vector<16xi32>
        %add3A_1270 = arith.addi %mul3A_1267, %add3A_1269 : vector<16xi32>
        %swap3A_1271 = arith.constant 48 : index
        %swap3A_1272 = tpu.vector_load %arg8[%swap3A_1271] {strides = array<i32>} : memref<384xi32, #tpu.memory_space<vmem>>, vector<16xi32>,
        %swap3A_1273 = vector.shape_cast %swap3A_1272 : vector<16xi32> to vector<16xi32>
        %swap3A_1274 = vector.shape_cast %add3A_1270 : vector<16xi32> to vector<16xi32>
        tpu.vector_store %arg8[%swap3A_1271], %swap3A_1274 {strides = array<i32>} : memref<384xi32, #tpu.memory_space<vmem>>, vector<16xi32>,
        %get3A_1275 = arith.constant 64 : index
        %get3A_1276 = tpu.vector_load %arg8[%get3A_1275] {strides = array<i32>} : memref<384xi32, #tpu.memory_space<vmem>>, vector<16xi32>,
        %get3A_1277 = vector.shape_cast %get3A_1276 : vector<16xi32> to vector<16xi32>
        %mul3A_1278 = arith.constant 2 : i32
        %mul3A_1279 = vector.broadcast %mul3A_1278 : i32 to vector<16xi32>
        %mul3A_1280 = arith.muli %get3A_1277, %mul3A_1279 : vector<16xi32>
        %add3A_1281 = arith.constant 1 : i32
        %add3A_1282 = vector.broadcast %add3A_1281 : i32 to vector<16xi32>
        %add3A_1283 = arith.addi %mul3A_1280, %add3A_1282 : vector<16xi32>
        %swap3A_1284 = arith.constant 64 : index
        %swap3A_1285 = tpu.vector_load %arg8[%swap3A_1284] {strides = array<i32>} : memref<384xi32, #tpu.memory_space<vmem>>, vector<16xi32>,
        %swap3A_1286 = vector.shape_cast %swap3A_1285 : vector<16xi32> to vector<16xi32>
        %swap3A_1287 = vector.shape_cast %add3A_1283 : vector<16xi32> to vector<16xi32>
        tpu.vector_store %arg8[%swap3A_1284], %swap3A_1287 {strides = array<i32>} : memref<384xi32, #tpu.memory_space<vmem>>, vector<16xi32>,
        %get3A_1288 = arith.constant 80 : index
        %get3A_1289 = tpu.vector_load %arg8[%get3A_1288] {strides = array<i32>} : memref<384xi32, #tpu.memory_space<vmem>>, vector<16xi32>,
        %get3A_1290 = vector.shape_cast %get3A_1289 : vector<16xi32> to vector<16xi32>
        %mul3A_1291 = arith.constant 2 : i32
        %mul3A_1292 = vector.broadcast %mul3A_1291 : i32 to vector<16xi32>
        %mul3A_1293 = arith.muli %get3A_1290, %mul3A_1292 : vector<16xi32>
        %add3A_1294 = arith.constant 1 : i32
        %add3A_1295 = vector.broadcast %add3A_1294 : i32 to vector<16xi32>
        %add3A_1296 = arith.addi %mul3A_1293, %add3A_1295 : vector<16xi32>
        %swap3A_1297 = arith.constant 80 : index
        %swap3A_1298 = tpu.vector_load %arg8[%swap3A_1297] {strides = array<i32>} : memref<384xi32, #tpu.memory_space<vmem>>, vector<16xi32>,
        %swap3A_1299 = vector.shape_cast %swap3A_1298 : vector<16xi32> to vector<16xi32>
        %swap3A_1300 = vector.shape_cast %add3A_1296 : vector<16xi32> to vector<16xi32>
        tpu.vector_store %arg8[%swap3A_1297], %swap3A_1300 {strides = array<i32>} : memref<384xi32, #tpu.memory_space<vmem>>, vector<16xi32>,
        %get3A_1301 = arith.constant 96 : index
        %get3A_1302 = tpu.vector_load %arg8[%get3A_1301] {strides = array<i32>} : memref<384xi32, #tpu.memory_space<vmem>>, vector<16xi32>,
        %get3A_1303 = vector.shape_cast %get3A_1302 : vector<16xi32> to vector<16xi32>
        %mul3A_1304 = arith.constant 2 : i32
        %mul3A_1305 = vector.broadcast %mul3A_1304 : i32 to vector<16xi32>
        %mul3A_1306 = arith.muli %get3A_1303, %mul3A_1305 : vector<16xi32>
        %add3A_1307 = arith.constant 1 : i32
        %add3A_1308 = vector.broadcast %add3A_1307 : i32 to vector<16xi32>
        %add3A_1309 = arith.addi %mul3A_1306, %add3A_1308 : vector<16xi32>
        %swap3A_1310 = arith.constant 96 : index
        %swap3A_1311 = tpu.vector_load %arg8[%swap3A_1310] {strides = array<i32>} : memref<384xi32, #tpu.memory_space<vmem>>, vector<16xi32>,
        %swap3A_1312 = vector.shape_cast %swap3A_1311 : vector<16xi32> to vector<16xi32>
        %swap3A_1313 = vector.shape_cast %add3A_1309 : vector<16xi32> to vector<16xi32>
        tpu.vector_store %arg8[%swap3A_1310], %swap3A_1313 {strides = array<i32>} : memref<384xi32, #tpu.memory_space<vmem>>, vector<16xi32>,
        %get3A_1314 = arith.constant 112 : index
        %get3A_1315 = tpu.vector_load %arg8[%get3A_1314] {strides = array<i32>} : memref<384xi32, #tpu.memory_space<vmem>>, vector<16xi32>,
        %get3A_1316 = vector.shape_cast %get3A_1315 : vector<16xi32> to vector<16xi32>
        %mul3A_1317 = arith.constant 2 : i32
        %mul3A_1318 = vector.broadcast %mul3A_1317 : i32 to vector<16xi32>
        %mul3A_1319 = arith.muli %get3A_1316, %mul3A_1318 : vector<16xi32>
        %add3A_1320 = arith.constant 1 : i32
        %add3A_1321 = vector.broadcast %add3A_1320 : i32 to vector<16xi32>
        %add3A_1322 = arith.addi %mul3A_1319, %add3A_1321 : vector<16xi32>
        %swap3A_1323 = arith.constant 112 : index
        %swap3A_1324 = tpu.vector_load %arg8[%swap3A_1323] {strides = array<i32>} : memref<384xi32, #tpu.memory_space<vmem>>, vector<16xi32>,
        %swap3A_1325 = vector.shape_cast %swap3A_1324 : vector<16xi32> to vector<16xi32>
        %swap3A_1326 = vector.shape_cast %add3A_1322 : vector<16xi32> to vector<16xi32>
        tpu.vector_store %arg8[%swap3A_1323], %swap3A_1326 {strides = array<i32>} : memref<384xi32, #tpu.memory_space<vmem>>, vector<16xi32>,
        %get3A_1327 = arith.constant 128 : index
        %get3A_1328 = tpu.vector_load %arg8[%get3A_1327] {strides = array<i32>} : memref<384xi32, #tpu.memory_space<vmem>>, vector<16xi32>,
        %get3A_1329 = vector.shape_cast %get3A_1328 : vector<16xi32> to vector<16xi32>
        %mul3A_1330 = arith.constant 2 : i32
        %mul3A_1331 = vector.broadcast %mul3A_1330 : i32 to vector<16xi32>
        %mul3A_1332 = arith.muli %get3A_1329, %mul3A_1331 : vector<16xi32>
        %add3A_1333 = arith.constant 1 : i32
        %add3A_1334 = vector.broadcast %add3A_1333 : i32 to vector<16xi32>
        %add3A_1335 = arith.addi %mul3A_1332, %add3A_1334 : vector<16xi32>
        %swap3A_1336 = arith.constant 128 : index
        %swap3A_1337 = tpu.vector_load %arg8[%swap3A_1336] {strides = array<i32>} : memref<384xi32, #tpu.memory_space<vmem>>, vector<16xi32>,
        %swap3A_1338 = vector.shape_cast %swap3A_1337 : vector<16xi32> to vector<16xi32>
        %swap3A_1339 = vector.shape_cast %add3A_1335 : vector<16xi32> to vector<16xi32>
        tpu.vector_store %arg8[%swap3A_1336], %swap3A_1339 {strides = array<i32>} : memref<384xi32, #tpu.memory_space<vmem>>, vector<16xi32>,
        %get3A_1340 = arith.constant 144 : index
        %get3A_1341 = tpu.vector_load %arg8[%get3A_1340] {strides = array<i32>} : memref<384xi32, #tpu.memory_space<vmem>>, vector<16xi32>,
        %get3A_1342 = vector.shape_cast %get3A_1341 : vector<16xi32> to vector<16xi32>
        %mul3A_1343 = arith.constant 2 : i32
        %mul3A_1344 = vector.broadcast %mul3A_1343 : i32 to vector<16xi32>
        %mul3A_1345 = arith.muli %get3A_1342, %mul3A_1344 : vector<16xi32>
        %add3A_1346 = arith.constant 1 : i32
        %add3A_1347 = vector.broadcast %add3A_1346 : i32 to vector<16xi32>
        %add3A_1348 = arith.addi %mul3A_1345, %add3A_1347 : vector<16xi32>
        %swap3A_1349 = arith.constant 144 : index
        %swap3A_1350 = tpu.vector_load %arg8[%swap3A_1349] {strides = array<i32>} : memref<384xi32, #tpu.memory_space<vmem>>, vector<16xi32>,
        %swap3A_1351 = vector.shape_cast %swap3A_1350 : vector<16xi32> to vector<16xi32>
        %swap3A_1352 = vector.shape_cast %add3A_1348 : vector<16xi32> to vector<16xi32>
        tpu.vector_store %arg8[%swap3A_1349], %swap3A_1352 {strides = array<i32>} : memref<384xi32, #tpu.memory_space<vmem>>, vector<16xi32>,
        %get3A_1353 = arith.constant 160 : index
        %get3A_1354 = tpu.vector_load %arg8[%get3A_1353] {strides = array<i32>} : memref<384xi32, #tpu.memory_space<vmem>>, vector<16xi32>,
        %get3A_1355 = vector.shape_cast %get3A_1354 : vector<16xi32> to vector<16xi32>
        %mul3A_1356 = arith.constant 2 : i32
        %mul3A_1357 = vector.broadcast %mul3A_1356 : i32 to vector<16xi32>
        %mul3A_1358 = arith.muli %get3A_1355, %mul3A_1357 : vector<16xi32>
        %add3A_1359 = arith.constant 1 : i32
        %add3A_1360 = vector.broadcast %add3A_1359 : i32 to vector<16xi32>
        %add3A_1361 = arith.addi %mul3A_1358, %add3A_1360 : vector<16xi32>
        %swap3A_1362 = arith.constant 160 : index
        %swap3A_1363 = tpu.vector_load %arg8[%swap3A_1362] {strides = array<i32>} : memref<384xi32, #tpu.memory_space<vmem>>, vector<16xi32>,
        %swap3A_1364 = vector.shape_cast %swap3A_1363 : vector<16xi32> to vector<16xi32>
        %swap3A_1365 = vector.shape_cast %add3A_1361 : vector<16xi32> to vector<16xi32>
        tpu.vector_store %arg8[%swap3A_1362], %swap3A_1365 {strides = array<i32>} : memref<384xi32, #tpu.memory_space<vmem>>, vector<16xi32>,
        %get3A_1366 = arith.constant 176 : index
        %get3A_1367 = tpu.vector_load %arg8[%get3A_1366] {strides = array<i32>} : memref<384xi32, #tpu.memory_space<vmem>>, vector<16xi32>,
        %get3A_1368 = vector.shape_cast %get3A_1367 : vector<16xi32> to vector<16xi32>
        %mul3A_1369 = arith.constant 2 : i32
        %mul3A_1370 = vector.broadcast %mul3A_1369 : i32 to vector<16xi32>
        %mul3A_1371 = arith.muli %get3A_1368, %mul3A_1370 : vector<16xi32>
        %add3A_1372 = arith.constant 1 : i32
        %add3A_1373 = vector.broadcast %add3A_1372 : i32 to vector<16xi32>
        %add3A_1374 = arith.addi %mul3A_1371, %add3A_1373 : vector<16xi32>
        %swap3A_1375 = arith.constant 176 : index
        %swap3A_1376 = tpu.vector_load %arg8[%swap3A_1375] {strides = array<i32>} : memref<384xi32, #tpu.memory_space<vmem>>, vector<16xi32>,
        %swap3A_1377 = vector.shape_cast %swap3A_1376 : vector<16xi32> to vector<16xi32>
        %swap3A_1378 = vector.shape_cast %add3A_1374 : vector<16xi32> to vector<16xi32>
        tpu.vector_store %arg8[%swap3A_1375], %swap3A_1378 {strides = array<i32>} : memref<384xi32, #tpu.memory_space<vmem>>, vector<16xi32>,
        %get3A_1379 = arith.constant 192 : index
        %get3A_1380 = tpu.vector_load %arg8[%get3A_1379] {strides = array<i32>} : memref<384xi32, #tpu.memory_space<vmem>>, vector<16xi32>,
        %get3A_1381 = vector.shape_cast %get3A_1380 : vector<16xi32> to vector<16xi32>
        %mul3A_1382 = arith.constant 2 : i32
        %mul3A_1383 = vector.broadcast %mul3A_1382 : i32 to vector<16xi32>
        %mul3A_1384 = arith.muli %get3A_1381, %mul3A_1383 : vector<16xi32>
        %add3A_1385 = arith.constant 1 : i32
        %add3A_1386 = vector.broadcast %add3A_1385 : i32 to vector<16xi32>
        %add3A_1387 = arith.addi %mul3A_1384, %add3A_1386 : vector<16xi32>
        %swap3A_1388 = arith.constant 192 : index
        %swap3A_1389 = tpu.vector_load %arg8[%swap3A_1388] {strides = array<i32>} : memref<384xi32, #tpu.memory_space<vmem>>, vector<16xi32>,
        %swap3A_1390 = vector.shape_cast %swap3A_1389 : vector<16xi32> to vector<16xi32>
        %swap3A_1391 = vector.shape_cast %add3A_1387 : vector<16xi32> to vector<16xi32>
        tpu.vector_store %arg8[%swap3A_1388], %swap3A_1391 {strides = array<i32>} : memref<384xi32, #tpu.memory_space<vmem>>, vector<16xi32>,
        %get3A_1392 = arith.constant 208 : index
        %get3A_1393 = tpu.vector_load %arg8[%get3A_1392] {strides = array<i32>} : memref<384xi32, #tpu.memory_space<vmem>>, vector<16xi32>,
        %get3A_1394 = vector.shape_cast %get3A_1393 : vector<16xi32> to vector<16xi32>
        %mul3A_1395 = arith.constant 2 : i32
        %mul3A_1396 = vector.broadcast %mul3A_1395 : i32 to vector<16xi32>
        %mul3A_1397 = arith.muli %get3A_1394, %mul3A_1396 : vector<16xi32>
        %add3A_1398 = arith.constant 1 : i32
        %add3A_1399 = vector.broadcast %add3A_1398 : i32 to vector<16xi32>
        %add3A_1400 = arith.addi %mul3A_1397, %add3A_1399 : vector<16xi32>
        %swap3A_1401 = arith.constant 208 : index
        %swap3A_1402 = tpu.vector_load %arg8[%swap3A_1401] {strides = array<i32>} : memref<384xi32, #tpu.memory_space<vmem>>, vector<16xi32>,
        %swap3A_1403 = vector.shape_cast %swap3A_1402 : vector<16xi32> to vector<16xi32>
        %swap3A_1404 = vector.shape_cast %add3A_1400 : vector<16xi32> to vector<16xi32>
        tpu.vector_store %arg8[%swap3A_1401], %swap3A_1404 {strides = array<i32>} : memref<384xi32, #tpu.memory_space<vmem>>, vector<16xi32>,
        %get3A_1405 = arith.constant 224 : index
        %get3A_1406 = tpu.vector_load %arg8[%get3A_1405] {strides = array<i32>} : memref<384xi32, #tpu.memory_space<vmem>>, vector<16xi32>,
        %get3A_1407 = vector.shape_cast %get3A_1406 : vector<16xi32> to vector<16xi32>
        %mul3A_1408 = arith.constant 2 : i32
        %mul3A_1409 = vector.broadcast %mul3A_1408 : i32 to vector<16xi32>
        %mul3A_1410 = arith.muli %get3A_1407, %mul3A_1409 : vector<16xi32>
        %add3A_1411 = arith.constant 1 : i32
        %add3A_1412 = vector.broadcast %add3A_1411 : i32 to vector<16xi32>
        %add3A_1413 = arith.addi %mul3A_1410, %add3A_1412 : vector<16xi32>
        %swap3A_1414 = arith.constant 224 : index
        %swap3A_1415 = tpu.vector_load %arg8[%swap3A_1414] {strides = array<i32>} : memref<384xi32, #tpu.memory_space<vmem>>, vector<16xi32>,
        %swap3A_1416 = vector.shape_cast %swap3A_1415 : vector<16xi32> to vector<16xi32>
        %swap3A_1417 = vector.shape_cast %add3A_1413 : vector<16xi32> to vector<16xi32>
        tpu.vector_store %arg8[%swap3A_1414], %swap3A_1417 {strides = array<i32>} : memref<384xi32, #tpu.memory_space<vmem>>, vector<16xi32>,
        %get3A_1418 = arith.constant 240 : index
        %get3A_1419 = tpu.vector_load %arg8[%get3A_1418] {strides = array<i32>} : memref<384xi32, #tpu.memory_space<vmem>>, vector<16xi32>,
        %get3A_1420 = vector.shape_cast %get3A_1419 : vector<16xi32> to vector<16xi32>
        %mul3A_1421 = arith.constant 2 : i32
        %mul3A_1422 = vector.broadcast %mul3A_1421 : i32 to vector<16xi32>
        %mul3A_1423 = arith.muli %get3A_1420, %mul3A_1422 : vector<16xi32>
        %add3A_1424 = arith.constant 1 : i32
        %add3A_1425 = vector.broadcast %add3A_1424 : i32 to vector<16xi32>
        %add3A_1426 = arith.addi %mul3A_1423, %add3A_1425 : vector<16xi32>
        %swap3A_1427 = arith.constant 240 : index
        %swap3A_1428 = tpu.vector_load %arg8[%swap3A_1427] {strides = array<i32>} : memref<384xi32, #tpu.memory_space<vmem>>, vector<16xi32>,
        %swap3A_1429 = vector.shape_cast %swap3A_1428 : vector<16xi32> to vector<16xi32>
        %swap3A_1430 = vector.shape_cast %add3A_1426 : vector<16xi32> to vector<16xi32>
        tpu.vector_store %arg8[%swap3A_1427], %swap3A_1430 {strides = array<i32>} : memref<384xi32, #tpu.memory_space<vmem>>, vector<16xi32>,
        %get3A_1431 = arith.constant 256 : index
        %get3A_1432 = tpu.vector_load %arg8[%get3A_1431] {strides = array<i32>} : memref<384xi32, #tpu.memory_space<vmem>>, vector<16xi32>,
        %get3A_1433 = vector.shape_cast %get3A_1432 : vector<16xi32> to vector<16xi32>
        %mul3A_1434 = arith.constant 2 : i32
        %mul3A_1435 = vector.broadcast %mul3A_1434 : i32 to vector<16xi32>
        %mul3A_1436 = arith.muli %get3A_1433, %mul3A_1435 : vector<16xi32>
        %add3A_1437 = arith.constant 1 : i32
        %add3A_1438 = vector.broadcast %add3A_1437 : i32 to vector<16xi32>
        %add3A_1439 = arith.addi %mul3A_1436, %add3A_1438 : vector<16xi32>
        %swap3A_1440 = arith.constant 256 : index
        %swap3A_1441 = tpu.vector_load %arg8[%swap3A_1440] {strides = array<i32>} : memref<384xi32, #tpu.memory_space<vmem>>, vector<16xi32>,
        %swap3A_1442 = vector.shape_cast %swap3A_1441 : vector<16xi32> to vector<16xi32>
        %swap3A_1443 = vector.shape_cast %add3A_1439 : vector<16xi32> to vector<16xi32>
        tpu.vector_store %arg8[%swap3A_1440], %swap3A_1443 {strides = array<i32>} : memref<384xi32, #tpu.memory_space<vmem>>, vector<16xi32>,
        %get3A_1444 = arith.constant 272 : index
        %get3A_1445 = tpu.vector_load %arg8[%get3A_1444] {strides = array<i32>} : memref<384xi32, #tpu.memory_space<vmem>>, vector<16xi32>,
        %get3A_1446 = vector.shape_cast %get3A_1445 : vector<16xi32> to vector<16xi32>
        %mul3A_1447 = arith.constant 2 : i32
        %mul3A_1448 = vector.broadcast %mul3A_1447 : i32 to vector<16xi32>
        %mul3A_1449 = arith.muli %get3A_1446, %mul3A_1448 : vector<16xi32>
        %add3A_1450 = arith.constant 1 : i32
        %add3A_1451 = vector.broadcast %add3A_1450 : i32 to vector<16xi32>
        %add3A_1452 = arith.addi %mul3A_1449, %add3A_1451 : vector<16xi32>
        %swap3A_1453 = arith.constant 272 : index
        %swap3A_1454 = tpu.vector_load %arg8[%swap3A_1453] {strides = array<i32>} : memref<384xi32, #tpu.memory_space<vmem>>, vector<16xi32>,
        %swap3A_1455 = vector.shape_cast %swap3A_1454 : vector<16xi32> to vector<16xi32>
        %swap3A_1456 = vector.shape_cast %add3A_1452 : vector<16xi32> to vector<16xi32>
        tpu.vector_store %arg8[%swap3A_1453], %swap3A_1456 {strides = array<i32>} : memref<384xi32, #tpu.memory_space<vmem>>, vector<16xi32>,
        %get3A_1457 = arith.constant 288 : index
        %get3A_1458 = tpu.vector_load %arg8[%get3A_1457] {strides = array<i32>} : memref<384xi32, #tpu.memory_space<vmem>>, vector<16xi32>,
        %get3A_1459 = vector.shape_cast %get3A_1458 : vector<16xi32> to vector<16xi32>
        %mul3A_1460 = arith.constant 2 : i32
        %mul3A_1461 = vector.broadcast %mul3A_1460 : i32 to vector<16xi32>
        %mul3A_1462 = arith.muli %get3A_1459, %mul3A_1461 : vector<16xi32>
        %add3A_1463 = arith.constant 1 : i32
        %add3A_1464 = vector.broadcast %add3A_1463 : i32 to vector<16xi32>
        %add3A_1465 = arith.addi %mul3A_1462, %add3A_1464 : vector<16xi32>
        %swap3A_1466 = arith.constant 288 : index
        %swap3A_1467 = tpu.vector_load %arg8[%swap3A_1466] {strides = array<i32>} : memref<384xi32, #tpu.memory_space<vmem>>, vector<16xi32>,
        %swap3A_1468 = vector.shape_cast %swap3A_1467 : vector<16xi32> to vector<16xi32>
        %swap3A_1469 = vector.shape_cast %add3A_1465 : vector<16xi32> to vector<16xi32>
        tpu.vector_store %arg8[%swap3A_1466], %swap3A_1469 {strides = array<i32>} : memref<384xi32, #tpu.memory_space<vmem>>, vector<16xi32>,
        %get3A_1470 = arith.constant 304 : index
        %get3A_1471 = tpu.vector_load %arg8[%get3A_1470] {strides = array<i32>} : memref<384xi32, #tpu.memory_space<vmem>>, vector<16xi32>,
        %get3A_1472 = vector.shape_cast %get3A_1471 : vector<16xi32> to vector<16xi32>
        %mul3A_1473 = arith.constant 2 : i32
        %mul3A_1474 = vector.broadcast %mul3A_1473 : i32 to vector<16xi32>
        %mul3A_1475 = arith.muli %get3A_1472, %mul3A_1474 : vector<16xi32>
        %add3A_1476 = arith.constant 1 : i32
        %add3A_1477 = vector.broadcast %add3A_1476 : i32 to vector<16xi32>
        %add3A_1478 = arith.addi %mul3A_1475, %add3A_1477 : vector<16xi32>
        %swap3A_1479 = arith.constant 304 : index
        %swap3A_1480 = tpu.vector_load %arg8[%swap3A_1479] {strides = array<i32>} : memref<384xi32, #tpu.memory_space<vmem>>, vector<16xi32>,
        %swap3A_1481 = vector.shape_cast %swap3A_1480 : vector<16xi32> to vector<16xi32>
        %swap3A_1482 = vector.shape_cast %add3A_1478 : vector<16xi32> to vector<16xi32>
        tpu.vector_store %arg8[%swap3A_1479], %swap3A_1482 {strides = array<i32>} : memref<384xi32, #tpu.memory_space<vmem>>, vector<16xi32>,
        %get3A_1483 = arith.constant 320 : index
        %get3A_1484 = tpu.vector_load %arg8[%get3A_1483] {strides = array<i32>} : memref<384xi32, #tpu.memory_space<vmem>>, vector<16xi32>,
        %get3A_1485 = vector.shape_cast %get3A_1484 : vector<16xi32> to vector<16xi32>
        %mul3A_1486 = arith.constant 2 : i32
        %mul3A_1487 = vector.broadcast %mul3A_1486 : i32 to vector<16xi32>
        %mul3A_1488 = arith.muli %get3A_1485, %mul3A_1487 : vector<16xi32>
        %add3A_1489 = arith.constant 1 : i32
        %add3A_1490 = vector.broadcast %add3A_1489 : i32 to vector<16xi32>
        %add3A_1491 = arith.addi %mul3A_1488, %add3A_1490 : vector<16xi32>
        %swap3A_1492 = arith.constant 320 : index
        %swap3A_1493 = tpu.vector_load %arg8[%swap3A_1492] {strides = array<i32>} : memref<384xi32, #tpu.memory_space<vmem>>, vector<16xi32>,
        %swap3A_1494 = vector.shape_cast %swap3A_1493 : vector<16xi32> to vector<16xi32>
        %swap3A_1495 = vector.shape_cast %add3A_1491 : vector<16xi32> to vector<16xi32>
        tpu.vector_store %arg8[%swap3A_1492], %swap3A_1495 {strides = array<i32>} : memref<384xi32, #tpu.memory_space<vmem>>, vector<16xi32>,
        %get3A_1496 = arith.constant 336 : index
        %get3A_1497 = tpu.vector_load %arg8[%get3A_1496] {strides = array<i32>} : memref<384xi32, #tpu.memory_space<vmem>>, vector<16xi32>,
        %get3A_1498 = vector.shape_cast %get3A_1497 : vector<16xi32> to vector<16xi32>
        %mul3A_1499 = arith.constant 2 : i32
        %mul3A_1500 = vector.broadcast %mul3A_1499 : i32 to vector<16xi32>
        %mul3A_1501 = arith.muli %get3A_1498, %mul3A_1500 : vector<16xi32>
        %add3A_1502 = arith.constant 1 : i32
        %add3A_1503 = vector.broadcast %add3A_1502 : i32 to vector<16xi32>
        %add3A_1504 = arith.addi %mul3A_1501, %add3A_1503 : vector<16xi32>
        %swap3A_1505 = arith.constant 336 : index
        %swap3A_1506 = tpu.vector_load %arg8[%swap3A_1505] {strides = array<i32>} : memref<384xi32, #tpu.memory_space<vmem>>, vector<16xi32>,
        %swap3A_1507 = vector.shape_cast %swap3A_1506 : vector<16xi32> to vector<16xi32>
        %swap3A_1508 = vector.shape_cast %add3A_1504 : vector<16xi32> to vector<16xi32>
        tpu.vector_store %arg8[%swap3A_1505], %swap3A_1508 {strides = array<i32>} : memref<384xi32, #tpu.memory_space<vmem>>, vector<16xi32>,
        %get3A_1509 = arith.constant 352 : index
        %get3A_1510 = tpu.vector_load %arg8[%get3A_1509] {strides = array<i32>} : memref<384xi32, #tpu.memory_space<vmem>>, vector<16xi32>,
        %get3A_1511 = vector.shape_cast %get3A_1510 : vector<16xi32> to vector<16xi32>
        %mul3A_1512 = arith.constant 2 : i32
        %mul3A_1513 = vector.broadcast %mul3A_1512 : i32 to vector<16xi32>
        %mul3A_1514 = arith.muli %get3A_1511, %mul3A_1513 : vector<16xi32>
        %add3A_1515 = arith.constant 1 : i32
        %add3A_1516 = vector.broadcast %add3A_1515 : i32 to vector<16xi32>
        %add3A_1517 = arith.addi %mul3A_1514, %add3A_1516 : vector<16xi32>
        %swap3A_1518 = arith.constant 352 : index
        %swap3A_1519 = tpu.vector_load %arg8[%swap3A_1518] {strides = array<i32>} : memref<384xi32, #tpu.memory_space<vmem>>, vector<16xi32>,
        %swap3A_1520 = vector.shape_cast %swap3A_1519 : vector<16xi32> to vector<16xi32>
        %swap3A_1521 = vector.shape_cast %add3A_1517 : vector<16xi32> to vector<16xi32>
        tpu.vector_store %arg8[%swap3A_1518], %swap3A_1521 {strides = array<i32>} : memref<384xi32, #tpu.memory_space<vmem>>, vector<16xi32>,
        %get3A_1522 = arith.constant 368 : index
        %get3A_1523 = tpu.vector_load %arg8[%get3A_1522] {strides = array<i32>} : memref<384xi32, #tpu.memory_space<vmem>>, vector<16xi32>,
        %get3A_1524 = vector.shape_cast %get3A_1523 : vector<16xi32> to vector<16xi32>
        %mul3A_1525 = arith.constant 2 : i32
        %mul3A_1526 = vector.broadcast %mul3A_1525 : i32 to vector<16xi32>
        %mul3A_1527 = arith.muli %get3A_1524, %mul3A_1526 : vector<16xi32>
        %add3A_1528 = arith.constant 1 : i32
        %add3A_1529 = vector.broadcast %add3A_1528 : i32 to vector<16xi32>
        %add3A_1530 = arith.addi %mul3A_1527, %add3A_1529 : vector<16xi32>
        %swap3A_1531 = arith.constant 368 : index
        %swap3A_1532 = tpu.vector_load %arg8[%swap3A_1531] {strides = array<i32>} : memref<384xi32, #tpu.memory_space<vmem>>, vector<16xi32>,
        %swap3A_1533 = vector.shape_cast %swap3A_1532 : vector<16xi32> to vector<16xi32>
        %swap3A_1534 = vector.shape_cast %add3A_1530 : vector<16xi32> to vector<16xi32>
        tpu.vector_store %arg8[%swap3A_1531], %swap3A_1534 {strides = array<i32>} : memref<384xi32, #tpu.memory_space<vmem>>, vector<16xi32>,
        %dma_start3A_1535 = arith.constant 0 : i32
        %dma_start3A_1536 = arith.constant 0 : i32
        %dma_start3A_1537 = tpu.memref_slice %arg4[%dma_start3A_1535, %dma_start3A_1536] : memref<20000x64xf32, #tpu.memory_space<hbm>> -> memref<20000x64xf32, #tpu.memory_space<hbm>>
        tpu.enqueue_indirect_dma source(%dma_start3A_1537 : memref<20000x64xf32, #tpu.memory_space<hbm>>) target(%arg12 : memref<384x64xf32, #tpu.memory_space<vmem>>) offsets(%arg8 : memref<384xi32, #tpu.memory_space<vmem>>) semaphore(%arg19 : memref<!tpu.dma_semaphore, #tpu.memory_space<semaphore_mem>>)
        %dma_wait3A_1538 = arith.constant 0 : i32
        %dma_wait3A_1539 = arith.constant 0 : i32
        %dma_wait3A_1540 = tpu.memref_slice %arg4[%dma_wait3A_1538, %dma_wait3A_1539] : memref<20000x64xf32, #tpu.memory_space<hbm>> -> memref<20000x64xf32, #tpu.memory_space<hbm>>
        tpu.wait_indirect_dma semaphore(%arg19 : memref<!tpu.dma_semaphore, #tpu.memory_space<semaphore_mem>>) src(%dma_wait3A_1540 : memref<20000x64xf32, #tpu.memory_space<hbm>>) dst(%arg12 : memref<384x64xf32, #tpu.memory_space<vmem>>)
      } else {
      }
      %dma_wait3A_1188 = arith.constant 0 : i32
      %dma_wait3A_1189 = arith.constant 0 : i32
      %dma_wait3A_1190 = arith.constant 0 : i32
      %dma_wait3A_1191 = tpu.memref_slice %arg13[%dma_wait3A_1189, %dma_wait3A_1190] : memref<384x64xf32, #tpu.memory_space<vmem>> -> memref<128x64xf32, #tpu.memory_space<vmem>>
      %dma_wait3A_1192 = arith.constant 0 : i32
      %dma_wait3A_1193 = tpu.memref_slice %arg11[%dma_wait3A_1188, %dma_wait3A_1192] : memref<3x128xi32, #tpu.memory_space<vmem>> -> memref<1x128xi32, #tpu.memory_space<vmem>>
      %dma_wait3A_1194 = tpu.memref_squeeze %dma_wait3A_1193 : memref<1x128xi32, #tpu.memory_space<vmem>> -> memref<128xi32, #tpu.memory_space<vmem>>
      %dma_wait3A_1195 = arith.constant 0 : i32
      %dma_wait3A_1196 = arith.constant 0 : i32
      %dma_wait3A_1197 = tpu.memref_slice %arg17[%dma_wait3A_1195, %dma_wait3A_1196] : memref<10240x64xf32, #tpu.memory_space<vmem_shared>> -> memref<10240x64xf32, #tpu.memory_space<vmem_shared>>
      tpu.wait_indirect_dma semaphore(%arg20 : memref<!tpu.dma_semaphore, #tpu.memory_space<semaphore_mem>>) src(%dma_wait3A_1191 : memref<128x64xf32, #tpu.memory_space<vmem>>) dst(%dma_wait3A_1197 : memref<10240x64xf32, #tpu.memory_space<vmem_shared>>)
      %dma_wait3A_1198 = arith.constant 1 : i32
      %dma_wait3A_1199 = arith.constant 128 : i32
      %dma_wait3A_1200 = arith.constant 0 : i32
      %dma_wait3A_1201 = tpu.memref_slice %arg13[%dma_wait3A_1199, %dma_wait3A_1200] : memref<384x64xf32, #tpu.memory_space<vmem>> -> memref<128x64xf32, #tpu.memory_space<vmem>>
      %dma_wait3A_1202 = arith.constant 0 : i32
      %dma_wait3A_1203 = tpu.memref_slice %arg11[%dma_wait3A_1198, %dma_wait3A_1202] : memref<3x128xi32, #tpu.memory_space<vmem>> -> memref<1x128xi32, #tpu.memory_space<vmem>>
      %dma_wait3A_1204 = tpu.memref_squeeze %dma_wait3A_1203 : memref<1x128xi32, #tpu.memory_space<vmem>> -> memref<128xi32, #tpu.memory_space<vmem>>
      %dma_wait3A_1205 = arith.constant 0 : i32
      %dma_wait3A_1206 = arith.constant 0 : i32
      %dma_wait3A_1207 = tpu.memref_slice %arg17[%dma_wait3A_1205, %dma_wait3A_1206] : memref<10240x64xf32, #tpu.memory_space<vmem_shared>> -> memref<10240x64xf32, #tpu.memory_space<vmem_shared>>
      tpu.wait_indirect_dma semaphore(%arg20 : memref<!tpu.dma_semaphore, #tpu.memory_space<semaphore_mem>>) src(%dma_wait3A_1201 : memref<128x64xf32, #tpu.memory_space<vmem>>) dst(%dma_wait3A_1207 : memref<10240x64xf32, #tpu.memory_space<vmem_shared>>)
      %dma_wait3A_1208 = arith.constant 2 : i32
      %dma_wait3A_1209 = arith.constant 256 : i32
      %dma_wait3A_1210 = arith.constant 0 : i32
      %dma_wait3A_1211 = tpu.memref_slice %arg13[%dma_wait3A_1209, %dma_wait3A_1210] : memref<384x64xf32, #tpu.memory_space<vmem>> -> memref<128x64xf32, #tpu.memory_space<vmem>>
      %dma_wait3A_1212 = arith.constant 0 : i32
      %dma_wait3A_1213 = tpu.memref_slice %arg11[%dma_wait3A_1208, %dma_wait3A_1212] : memref<3x128xi32, #tpu.memory_space<vmem>> -> memref<1x128xi32, #tpu.memory_space<vmem>>
      %dma_wait3A_1214 = tpu.memref_squeeze %dma_wait3A_1213 : memref<1x128xi32, #tpu.memory_space<vmem>> -> memref<128xi32, #tpu.memory_space<vmem>>
      %dma_wait3A_1215 = arith.constant 0 : i32
      %dma_wait3A_1216 = arith.constant 0 : i32
      %dma_wait3A_1217 = tpu.memref_slice %arg17[%dma_wait3A_1215, %dma_wait3A_1216] : memref<10240x64xf32, #tpu.memory_space<vmem_shared>> -> memref<10240x64xf32, #tpu.memory_space<vmem_shared>>
      tpu.wait_indirect_dma semaphore(%arg20 : memref<!tpu.dma_semaphore, #tpu.memory_space<semaphore_mem>>) src(%dma_wait3A_1211 : memref<128x64xf32, #tpu.memory_space<vmem>>) dst(%dma_wait3A_1217 : memref<10240x64xf32, #tpu.memory_space<vmem_shared>>)
      %scan3A_1218 = arith.constant 0 : i32
      scf.yield %scan3A_1218 : i32
    }
    %scan3A_741 = arith.constant 13 : i32
    %lt3A_742 = arith.constant 4 : i32
    %lt3A_743 = arith.cmpi slt, %add3A, %lt3A_742 : i32
    %convert_element_type3A_744 = arith.extui %lt3A_743 : i1 to i32
    %cond3A_745 = arith.constant 0 : i32
    %cond3A_746 = arith.cmpi ne, %convert_element_type3A_744, %cond3A_745 : i32
    scf.if %cond3A_746 {
      %add3A_762 = arith.constant 2496 : i32
      %add3A_763 = arith.addi %add3A_762, %add3A : i32
      %mul3A_764 = arith.constant 128 : i32
      %mul3A_765 = arith.muli %add3A_763, %mul3A_764 : i32
      "tpu.region"() ({
        %run_scoped3A = tpu.sem_alloc : memref<!tpu.dma_semaphore, #tpu.memory_space<semaphore_mem>>
        %dma_start3A_906 = arith.constant 0 : i32
        %dma_start3A_907 = tpu.memref_slice %arg10[%dma_start3A_906] : memref<384xi32, #tpu.memory_space<vmem>> -> memref<128xi32, #tpu.memory_space<vmem>>
        %dma_start3A_908 = tpu.memref_slice %arg2[%mul3A_765] : memref<320000xi32, #tpu.memory_space<hbm>> -> memref<128xi32, #tpu.memory_space<hbm>>
        %dma_start3A_909 = arith.constant 0 : i32
        %dma_start3A_910 = tpu.memref_slice %arg10[%dma_start3A_909] : memref<384xi32, #tpu.memory_space<vmem>> -> memref<128xi32, #tpu.memory_space<vmem>>
        %dma_start3A_911 = tpu.memref_slice %arg2[%mul3A_765] : memref<320000xi32, #tpu.memory_space<hbm>> -> memref<128xi32, #tpu.memory_space<hbm>>
        tpu.enqueue_dma source(%dma_start3A_911 : memref<128xi32, #tpu.memory_space<hbm>>) target(%dma_start3A_910 : memref<128xi32, #tpu.memory_space<vmem>>) target_semaphore(%run_scoped3A : memref<!tpu.dma_semaphore, #tpu.memory_space<semaphore_mem>>)
        %dma_wait3A_912 = arith.constant 0 : i32
        %dma_wait3A_913 = tpu.memref_slice %arg10[%dma_wait3A_912] : memref<384xi32, #tpu.memory_space<vmem>> -> memref<128xi32, #tpu.memory_space<vmem>>
        %dma_wait3A_914 = tpu.memref_slice %arg2[%mul3A_765] : memref<320000xi32, #tpu.memory_space<hbm>> -> memref<128xi32, #tpu.memory_space<hbm>>
        %dma_wait3A_915 = arith.constant 0 : i32
        %dma_wait3A_916 = tpu.memref_slice %arg10[%dma_wait3A_915] : memref<384xi32, #tpu.memory_space<vmem>> -> memref<128xi32, #tpu.memory_space<vmem>>
        %dma_wait3A_917 = tpu.memref_slice %arg2[%mul3A_765] : memref<320000xi32, #tpu.memory_space<hbm>> -> memref<128xi32, #tpu.memory_space<hbm>>
        tpu.wait_dma2 semaphore(%run_scoped3A : memref<!tpu.dma_semaphore, #tpu.memory_space<semaphore_mem>>) src(%dma_wait3A_917 : memref<128xi32, #tpu.memory_space<hbm>>) dst(%dma_wait3A_916 : memref<128xi32, #tpu.memory_space<vmem>>)
        tpu.yield
      }) : () -> ()
      "tpu.region"() ({
        %run_scoped3A = tpu.sem_alloc : memref<!tpu.dma_semaphore, #tpu.memory_space<semaphore_mem>>
        %dma_start3A_906 = arith.constant 0 : i32
        %dma_start3A_907 = arith.constant 0 : i32
        %dma_start3A_908 = tpu.memref_slice %arg11[%dma_start3A_906, %dma_start3A_907] : memref<3x128xi32, #tpu.memory_space<vmem>> -> memref<1x128xi32, #tpu.memory_space<vmem>>
        %dma_start3A_909 = arith.constant 0 : i32
        %dma_start3A_910 = tpu.memref_slice %arg3[%add3A_763, %dma_start3A_909] : memref<2500x128xi32, #tpu.memory_space<hbm>> -> memref<1x128xi32, #tpu.memory_space<hbm>>
        %dma_start3A_911 = arith.constant 0 : i32
        %dma_start3A_912 = arith.constant 0 : i32
        %dma_start3A_913 = tpu.memref_slice %arg11[%dma_start3A_911, %dma_start3A_912] : memref<3x128xi32, #tpu.memory_space<vmem>> -> memref<1x128xi32, #tpu.memory_space<vmem>>
        %dma_start3A_914 = arith.constant 0 : i32
        %dma_start3A_915 = tpu.memref_slice %arg3[%add3A_763, %dma_start3A_914] : memref<2500x128xi32, #tpu.memory_space<hbm>> -> memref<1x128xi32, #tpu.memory_space<hbm>>
        tpu.enqueue_dma source(%dma_start3A_915 : memref<1x128xi32, #tpu.memory_space<hbm>>) target(%dma_start3A_913 : memref<1x128xi32, #tpu.memory_space<vmem>>) target_semaphore(%run_scoped3A : memref<!tpu.dma_semaphore, #tpu.memory_space<semaphore_mem>>)
        %dma_wait3A_916 = arith.constant 0 : i32
        %dma_wait3A_917 = arith.constant 0 : i32
        %dma_wait3A_918 = tpu.memref_slice %arg11[%dma_wait3A_916, %dma_wait3A_917] : memref<3x128xi32, #tpu.memory_space<vmem>> -> memref<1x128xi32, #tpu.memory_space<vmem>>
        %dma_wait3A_919 = arith.constant 0 : i32
        %dma_wait3A_920 = tpu.memref_slice %arg3[%add3A_763, %dma_wait3A_919] : memref<2500x128xi32, #tpu.memory_space<hbm>> -> memref<1x128xi32, #tpu.memory_space<hbm>>
        %dma_wait3A_921 = arith.constant 0 : i32
        %dma_wait3A_922 = arith.constant 0 : i32
        %dma_wait3A_923 = tpu.memref_slice %arg11[%dma_wait3A_921, %dma_wait3A_922] : memref<3x128xi32, #tpu.memory_space<vmem>> -> memref<1x128xi32, #tpu.memory_space<vmem>>
        %dma_wait3A_924 = arith.constant 0 : i32
        %dma_wait3A_925 = tpu.memref_slice %arg3[%add3A_763, %dma_wait3A_924] : memref<2500x128xi32, #tpu.memory_space<hbm>> -> memref<1x128xi32, #tpu.memory_space<hbm>>
        tpu.wait_dma2 semaphore(%run_scoped3A : memref<!tpu.dma_semaphore, #tpu.memory_space<semaphore_mem>>) src(%dma_wait3A_925 : memref<1x128xi32, #tpu.memory_space<hbm>>) dst(%dma_wait3A_923 : memref<1x128xi32, #tpu.memory_space<vmem>>)
        tpu.yield
      }) : () -> ()
      %get3A_766 = arith.constant 0 : index
      %get3A_767 = tpu.vector_load %arg10[%get3A_766] {strides = array<i32>} : memref<384xi32, #tpu.memory_space<vmem>>, vector<16xi32>,
      %get3A_768 = vector.shape_cast %get3A_767 : vector<16xi32> to vector<16xi32>
      %mul3A_769 = arith.constant 2 : i32
      %mul3A_770 = vector.broadcast %mul3A_769 : i32 to vector<16xi32>
      %mul3A_771 = arith.muli %get3A_768, %mul3A_770 : vector<16xi32>
      %add3A_772 = arith.constant 1 : i32
      %add3A_773 = vector.broadcast %add3A_772 : i32 to vector<16xi32>
      %add3A_774 = arith.addi %mul3A_771, %add3A_773 : vector<16xi32>
      %swap3A_775 = arith.constant 0 : index
      %swap3A_776 = tpu.vector_load %arg10[%swap3A_775] {strides = array<i32>} : memref<384xi32, #tpu.memory_space<vmem>>, vector<16xi32>,
      %swap3A_777 = vector.shape_cast %swap3A_776 : vector<16xi32> to vector<16xi32>
      %swap3A_778 = vector.shape_cast %add3A_774 : vector<16xi32> to vector<16xi32>
      tpu.vector_store %arg10[%swap3A_775], %swap3A_778 {strides = array<i32>} : memref<384xi32, #tpu.memory_space<vmem>>, vector<16xi32>,
      %get3A_779 = arith.constant 16 : index
      %get3A_780 = tpu.vector_load %arg10[%get3A_779] {strides = array<i32>} : memref<384xi32, #tpu.memory_space<vmem>>, vector<16xi32>,
      %get3A_781 = vector.shape_cast %get3A_780 : vector<16xi32> to vector<16xi32>
      %mul3A_782 = arith.constant 2 : i32
      %mul3A_783 = vector.broadcast %mul3A_782 : i32 to vector<16xi32>
      %mul3A_784 = arith.muli %get3A_781, %mul3A_783 : vector<16xi32>
      %add3A_785 = arith.constant 1 : i32
      %add3A_786 = vector.broadcast %add3A_785 : i32 to vector<16xi32>
      %add3A_787 = arith.addi %mul3A_784, %add3A_786 : vector<16xi32>
      %swap3A_788 = arith.constant 16 : index
      %swap3A_789 = tpu.vector_load %arg10[%swap3A_788] {strides = array<i32>} : memref<384xi32, #tpu.memory_space<vmem>>, vector<16xi32>,
      %swap3A_790 = vector.shape_cast %swap3A_789 : vector<16xi32> to vector<16xi32>
      %swap3A_791 = vector.shape_cast %add3A_787 : vector<16xi32> to vector<16xi32>
      tpu.vector_store %arg10[%swap3A_788], %swap3A_791 {strides = array<i32>} : memref<384xi32, #tpu.memory_space<vmem>>, vector<16xi32>,
      %get3A_792 = arith.constant 32 : index
      %get3A_793 = tpu.vector_load %arg10[%get3A_792] {strides = array<i32>} : memref<384xi32, #tpu.memory_space<vmem>>, vector<16xi32>,
      %get3A_794 = vector.shape_cast %get3A_793 : vector<16xi32> to vector<16xi32>
      %mul3A_795 = arith.constant 2 : i32
      %mul3A_796 = vector.broadcast %mul3A_795 : i32 to vector<16xi32>
      %mul3A_797 = arith.muli %get3A_794, %mul3A_796 : vector<16xi32>
      %add3A_798 = arith.constant 1 : i32
      %add3A_799 = vector.broadcast %add3A_798 : i32 to vector<16xi32>
      %add3A_800 = arith.addi %mul3A_797, %add3A_799 : vector<16xi32>
      %swap3A_801 = arith.constant 32 : index
      %swap3A_802 = tpu.vector_load %arg10[%swap3A_801] {strides = array<i32>} : memref<384xi32, #tpu.memory_space<vmem>>, vector<16xi32>,
      %swap3A_803 = vector.shape_cast %swap3A_802 : vector<16xi32> to vector<16xi32>
      %swap3A_804 = vector.shape_cast %add3A_800 : vector<16xi32> to vector<16xi32>
      tpu.vector_store %arg10[%swap3A_801], %swap3A_804 {strides = array<i32>} : memref<384xi32, #tpu.memory_space<vmem>>, vector<16xi32>,
      %get3A_805 = arith.constant 48 : index
      %get3A_806 = tpu.vector_load %arg10[%get3A_805] {strides = array<i32>} : memref<384xi32, #tpu.memory_space<vmem>>, vector<16xi32>,
      %get3A_807 = vector.shape_cast %get3A_806 : vector<16xi32> to vector<16xi32>
      %mul3A_808 = arith.constant 2 : i32
      %mul3A_809 = vector.broadcast %mul3A_808 : i32 to vector<16xi32>
      %mul3A_810 = arith.muli %get3A_807, %mul3A_809 : vector<16xi32>
      %add3A_811 = arith.constant 1 : i32
      %add3A_812 = vector.broadcast %add3A_811 : i32 to vector<16xi32>
      %add3A_813 = arith.addi %mul3A_810, %add3A_812 : vector<16xi32>
      %swap3A_814 = arith.constant 48 : index
      %swap3A_815 = tpu.vector_load %arg10[%swap3A_814] {strides = array<i32>} : memref<384xi32, #tpu.memory_space<vmem>>, vector<16xi32>,
      %swap3A_816 = vector.shape_cast %swap3A_815 : vector<16xi32> to vector<16xi32>
      %swap3A_817 = vector.shape_cast %add3A_813 : vector<16xi32> to vector<16xi32>
      tpu.vector_store %arg10[%swap3A_814], %swap3A_817 {strides = array<i32>} : memref<384xi32, #tpu.memory_space<vmem>>, vector<16xi32>,
      %get3A_818 = arith.constant 64 : index
      %get3A_819 = tpu.vector_load %arg10[%get3A_818] {strides = array<i32>} : memref<384xi32, #tpu.memory_space<vmem>>, vector<16xi32>,
      %get3A_820 = vector.shape_cast %get3A_819 : vector<16xi32> to vector<16xi32>
      %mul3A_821 = arith.constant 2 : i32
      %mul3A_822 = vector.broadcast %mul3A_821 : i32 to vector<16xi32>
      %mul3A_823 = arith.muli %get3A_820, %mul3A_822 : vector<16xi32>
      %add3A_824 = arith.constant 1 : i32
      %add3A_825 = vector.broadcast %add3A_824 : i32 to vector<16xi32>
      %add3A_826 = arith.addi %mul3A_823, %add3A_825 : vector<16xi32>
      %swap3A_827 = arith.constant 64 : index
      %swap3A_828 = tpu.vector_load %arg10[%swap3A_827] {strides = array<i32>} : memref<384xi32, #tpu.memory_space<vmem>>, vector<16xi32>,
      %swap3A_829 = vector.shape_cast %swap3A_828 : vector<16xi32> to vector<16xi32>
      %swap3A_830 = vector.shape_cast %add3A_826 : vector<16xi32> to vector<16xi32>
      tpu.vector_store %arg10[%swap3A_827], %swap3A_830 {strides = array<i32>} : memref<384xi32, #tpu.memory_space<vmem>>, vector<16xi32>,
      %get3A_831 = arith.constant 80 : index
      %get3A_832 = tpu.vector_load %arg10[%get3A_831] {strides = array<i32>} : memref<384xi32, #tpu.memory_space<vmem>>, vector<16xi32>,
      %get3A_833 = vector.shape_cast %get3A_832 : vector<16xi32> to vector<16xi32>
      %mul3A_834 = arith.constant 2 : i32
      %mul3A_835 = vector.broadcast %mul3A_834 : i32 to vector<16xi32>
      %mul3A_836 = arith.muli %get3A_833, %mul3A_835 : vector<16xi32>
      %add3A_837 = arith.constant 1 : i32
      %add3A_838 = vector.broadcast %add3A_837 : i32 to vector<16xi32>
      %add3A_839 = arith.addi %mul3A_836, %add3A_838 : vector<16xi32>
      %swap3A_840 = arith.constant 80 : index
      %swap3A_841 = tpu.vector_load %arg10[%swap3A_840] {strides = array<i32>} : memref<384xi32, #tpu.memory_space<vmem>>, vector<16xi32>,
      %swap3A_842 = vector.shape_cast %swap3A_841 : vector<16xi32> to vector<16xi32>
      %swap3A_843 = vector.shape_cast %add3A_839 : vector<16xi32> to vector<16xi32>
      tpu.vector_store %arg10[%swap3A_840], %swap3A_843 {strides = array<i32>} : memref<384xi32, #tpu.memory_space<vmem>>, vector<16xi32>,
      %get3A_844 = arith.constant 96 : index
      %get3A_845 = tpu.vector_load %arg10[%get3A_844] {strides = array<i32>} : memref<384xi32, #tpu.memory_space<vmem>>, vector<16xi32>,
      %get3A_846 = vector.shape_cast %get3A_845 : vector<16xi32> to vector<16xi32>
      %mul3A_847 = arith.constant 2 : i32
      %mul3A_848 = vector.broadcast %mul3A_847 : i32 to vector<16xi32>
      %mul3A_849 = arith.muli %get3A_846, %mul3A_848 : vector<16xi32>
      %add3A_850 = arith.constant 1 : i32
      %add3A_851 = vector.broadcast %add3A_850 : i32 to vector<16xi32>
      %add3A_852 = arith.addi %mul3A_849, %add3A_851 : vector<16xi32>
      %swap3A_853 = arith.constant 96 : index
      %swap3A_854 = tpu.vector_load %arg10[%swap3A_853] {strides = array<i32>} : memref<384xi32, #tpu.memory_space<vmem>>, vector<16xi32>,
      %swap3A_855 = vector.shape_cast %swap3A_854 : vector<16xi32> to vector<16xi32>
      %swap3A_856 = vector.shape_cast %add3A_852 : vector<16xi32> to vector<16xi32>
      tpu.vector_store %arg10[%swap3A_853], %swap3A_856 {strides = array<i32>} : memref<384xi32, #tpu.memory_space<vmem>>, vector<16xi32>,
      %get3A_857 = arith.constant 112 : index
      %get3A_858 = tpu.vector_load %arg10[%get3A_857] {strides = array<i32>} : memref<384xi32, #tpu.memory_space<vmem>>, vector<16xi32>,
      %get3A_859 = vector.shape_cast %get3A_858 : vector<16xi32> to vector<16xi32>
      %mul3A_860 = arith.constant 2 : i32
      %mul3A_861 = vector.broadcast %mul3A_860 : i32 to vector<16xi32>
      %mul3A_862 = arith.muli %get3A_859, %mul3A_861 : vector<16xi32>
      %add3A_863 = arith.constant 1 : i32
      %add3A_864 = vector.broadcast %add3A_863 : i32 to vector<16xi32>
      %add3A_865 = arith.addi %mul3A_862, %add3A_864 : vector<16xi32>
      %swap3A_866 = arith.constant 112 : index
      %swap3A_867 = tpu.vector_load %arg10[%swap3A_866] {strides = array<i32>} : memref<384xi32, #tpu.memory_space<vmem>>, vector<16xi32>,
      %swap3A_868 = vector.shape_cast %swap3A_867 : vector<16xi32> to vector<16xi32>
      %swap3A_869 = vector.shape_cast %add3A_865 : vector<16xi32> to vector<16xi32>
      tpu.vector_store %arg10[%swap3A_866], %swap3A_869 {strides = array<i32>} : memref<384xi32, #tpu.memory_space<vmem>>, vector<16xi32>,
      %dma_start3A_870 = arith.constant 0 : i32
      %dma_start3A_871 = arith.constant 0 : i32
      %dma_start3A_872 = tpu.memref_slice %arg13[%dma_start3A_870, %dma_start3A_871] : memref<384x64xf32, #tpu.memory_space<vmem>> -> memref<128x64xf32, #tpu.memory_space<vmem>>
      %dma_start3A_873 = arith.constant 0 : i32
      %dma_start3A_874 = tpu.memref_slice %arg10[%dma_start3A_873] : memref<384xi32, #tpu.memory_space<vmem>> -> memref<128xi32, #tpu.memory_space<vmem>>
      %dma_start3A_875 = arith.constant 0 : i32
      %dma_start3A_876 = arith.constant 0 : i32
      %dma_start3A_877 = tpu.memref_slice %arg4[%dma_start3A_875, %dma_start3A_876] : memref<20000x64xf32, #tpu.memory_space<hbm>> -> memref<20000x64xf32, #tpu.memory_space<hbm>>
      tpu.enqueue_indirect_dma source(%dma_start3A_877 : memref<20000x64xf32, #tpu.memory_space<hbm>>) target(%dma_start3A_872 : memref<128x64xf32, #tpu.memory_space<vmem>>) offsets(%dma_start3A_874 : memref<128xi32, #tpu.memory_space<vmem>>) semaphore(%arg19 : memref<!tpu.dma_semaphore, #tpu.memory_space<semaphore_mem>>)
      %dma_wait3A_878 = arith.constant 0 : i32
      %dma_wait3A_879 = arith.constant 0 : i32
      %dma_wait3A_880 = tpu.memref_slice %arg13[%dma_wait3A_878, %dma_wait3A_879] : memref<384x64xf32, #tpu.memory_space<vmem>> -> memref<128x64xf32, #tpu.memory_space<vmem>>
      %dma_wait3A_881 = arith.constant 0 : i32
      %dma_wait3A_882 = tpu.memref_slice %arg10[%dma_wait3A_881] : memref<384xi32, #tpu.memory_space<vmem>> -> memref<128xi32, #tpu.memory_space<vmem>>
      %dma_wait3A_883 = arith.constant 0 : i32
      %dma_wait3A_884 = arith.constant 0 : i32
      %dma_wait3A_885 = tpu.memref_slice %arg4[%dma_wait3A_883, %dma_wait3A_884] : memref<20000x64xf32, #tpu.memory_space<hbm>> -> memref<20000x64xf32, #tpu.memory_space<hbm>>
      tpu.wait_indirect_dma semaphore(%arg19 : memref<!tpu.dma_semaphore, #tpu.memory_space<semaphore_mem>>) src(%dma_wait3A_885 : memref<20000x64xf32, #tpu.memory_space<hbm>>) dst(%dma_wait3A_880 : memref<128x64xf32, #tpu.memory_space<vmem>>)
      %dma_start3A_886 = arith.constant 0 : i32
      %dma_start3A_887 = arith.constant 0 : i32
      %dma_start3A_888 = arith.constant 0 : i32
      %dma_start3A_889 = tpu.memref_slice %arg13[%dma_start3A_887, %dma_start3A_888] : memref<384x64xf32, #tpu.memory_space<vmem>> -> memref<128x64xf32, #tpu.memory_space<vmem>>
      %dma_start3A_890 = arith.constant 0 : i32
      %dma_start3A_891 = tpu.memref_slice %arg11[%dma_start3A_886, %dma_start3A_890] : memref<3x128xi32, #tpu.memory_space<vmem>> -> memref<1x128xi32, #tpu.memory_space<vmem>>
      %dma_start3A_892 = tpu.memref_squeeze %dma_start3A_891 : memref<1x128xi32, #tpu.memory_space<vmem>> -> memref<128xi32, #tpu.memory_space<vmem>>
      %dma_start3A_893 = arith.constant 0 : i32
      %dma_start3A_894 = arith.constant 0 : i32
      %dma_start3A_895 = tpu.memref_slice %arg17[%dma_start3A_893, %dma_start3A_894] : memref<10240x64xf32, #tpu.memory_space<vmem_shared>> -> memref<10240x64xf32, #tpu.memory_space<vmem_shared>>
      tpu.enqueue_indirect_dma source(%dma_start3A_889 : memref<128x64xf32, #tpu.memory_space<vmem>>) target(%dma_start3A_895 : memref<10240x64xf32, #tpu.memory_space<vmem_shared>>) offsets(%dma_start3A_892 : memref<128xi32, #tpu.memory_space<vmem>>) semaphore(%arg20 : memref<!tpu.dma_semaphore, #tpu.memory_space<semaphore_mem>>) {add = true}
      %dma_wait3A_896 = arith.constant 0 : i32
      %dma_wait3A_897 = arith.constant 0 : i32
      %dma_wait3A_898 = arith.constant 0 : i32
      %dma_wait3A_899 = tpu.memref_slice %arg13[%dma_wait3A_897, %dma_wait3A_898] : memref<384x64xf32, #tpu.memory_space<vmem>> -> memref<128x64xf32, #tpu.memory_space<vmem>>
      %dma_wait3A_900 = arith.constant 0 : i32
      %dma_wait3A_901 = tpu.memref_slice %arg11[%dma_wait3A_896, %dma_wait3A_900] : memref<3x128xi32, #tpu.memory_space<vmem>> -> memref<1x128xi32, #tpu.memory_space<vmem>>
      %dma_wait3A_902 = tpu.memref_squeeze %dma_wait3A_901 : memref<1x128xi32, #tpu.memory_space<vmem>> -> memref<128xi32, #tpu.memory_space<vmem>>
      %dma_wait3A_903 = arith.constant 0 : i32
      %dma_wait3A_904 = arith.constant 0 : i32
      %dma_wait3A_905 = tpu.memref_slice %arg17[%dma_wait3A_903, %dma_wait3A_904] : memref<10240x64xf32, #tpu.memory_space<vmem_shared>> -> memref<10240x64xf32, #tpu.memory_space<vmem_shared>>
      tpu.wait_indirect_dma semaphore(%arg20 : memref<!tpu.dma_semaphore, #tpu.memory_space<semaphore_mem>>) src(%dma_wait3A_899 : memref<128x64xf32, #tpu.memory_space<vmem>>) dst(%dma_wait3A_905 : memref<10240x64xf32, #tpu.memory_space<vmem_shared>>)
    } else {
    }
    %barrier3A_747 = arith.constant 0 : index
    tpu.barrier barrier_id(%barrier3A_747)
    %mul3A_748 = arith.constant 640 : i32
    %mul3A_749 = arith.muli %arg1, %mul3A_748 : i32
    %mul3A_750 = arith.constant 640 : i32
    %mul3A_751 = arith.muli %arg1, %mul3A_750 : i32
    %dma_start3A_752 = arith.constant 0 : i32
    %dma_start3A_753 = tpu.memref_slice %arg6[%arg0, %mul3A_751, %dma_start3A_752] : memref<2x10240x64xf32, #tpu.memory_space<hbm>> -> memref<1x640x64xf32, #tpu.memory_space<hbm>>
    %dma_start3A_754 = tpu.memref_squeeze %dma_start3A_753 : memref<1x640x64xf32, #tpu.memory_space<hbm>> -> memref<640x64xf32, #tpu.memory_space<hbm>>
    %dma_start3A_755 = arith.constant 0 : i32
    %dma_start3A_756 = tpu.memref_slice %arg17[%mul3A_749, %dma_start3A_755] : memref<10240x64xf32, #tpu.memory_space<vmem_shared>> -> memref<640x64xf32, #tpu.memory_space<vmem_shared>>
    tpu.enqueue_dma source(%dma_start3A_756 : memref<640x64xf32, #tpu.memory_space<vmem_shared>>) target(%dma_start3A_754 : memref<640x64xf32, #tpu.memory_space<hbm>>) target_semaphore(%arg19 : memref<!tpu.dma_semaphore, #tpu.memory_space<semaphore_mem>>)
    %dma_wait3A_757 = arith.constant 0 : i32
    %dma_wait3A_758 = tpu.memref_slice %arg6[%arg0, %mul3A_751, %dma_wait3A_757] : memref<2x10240x64xf32, #tpu.memory_space<hbm>> -> memref<1x640x64xf32, #tpu.memory_space<hbm>>
    %dma_wait3A_759 = tpu.memref_squeeze %dma_wait3A_758 : memref<1x640x64xf32, #tpu.memory_space<hbm>> -> memref<640x64xf32, #tpu.memory_space<hbm>>
    %dma_wait3A_760 = arith.constant 0 : i32
    %dma_wait3A_761 = tpu.memref_slice %arg17[%mul3A_749, %dma_wait3A_760] : memref<10240x64xf32, #tpu.memory_space<vmem_shared>> -> memref<640x64xf32, #tpu.memory_space<vmem_shared>>
    tpu.wait_dma2 semaphore(%arg19 : memref<!tpu.dma_semaphore, #tpu.memory_space<semaphore_mem>>) src(%dma_wait3A_761 : memref<640x64xf32, #tpu.memory_space<vmem_shared>>) dst(%dma_wait3A_759 : memref<640x64xf32, #tpu.memory_space<hbm>>)
    return
  }
}

module attributes {stable_mosaic.version = 14 : i64} {
  func.func @body(%arg0: i32, %arg1: memref<2000x128xf32, #tpu.memory_space<vmem>>, %arg2: memref<2x2000x64xf32, #tpu.memory_space<vmem>>, %arg3: memref<2x2000x64xf32, #tpu.memory_space<vmem>>, %arg4: memref<2x2000x16xf32, #tpu.memory_space<vmem>>, %arg5: memref<128x128xf32, #tpu.memory_space<vmem>>, %arg6: memref<1x128xf32, #tpu.memory_space<vmem>>, %arg7: memref<128x128xf32, #tpu.memory_space<vmem>>, %arg8: memref<1x128xf32, #tpu.memory_space<vmem>>, %arg9: memref<1x128xf32, #tpu.memory_space<vmem>>, %arg10: memref<2000x128xf32, #tpu.memory_space<vmem>>) attributes {dimension_semantics = [#tpu.dimension_semantics<arbitrary>], iteration_bounds = array<i64: 5>, scalar_prefetch = 0 : i64, scratch_operands = 0 : i64, tpu.core_type = #tpu.core_type<tc>, window_params = [{transform_indices = @transform_0, window_bounds = array<i64: 2000, 128>}, {transform_indices = @transform_1, window_bounds = array<i64: 2, 2000, 64>}, {transform_indices = @transform_2, window_bounds = array<i64: 2, 2000, 64>}, {transform_indices = @transform_3, window_bounds = array<i64: 2, 2000, 16>}, {pipeline_mode = #tpu.pipeline_mode<synchronous>, transform_indices = @transform_4, window_bounds = array<i64: 128, 128>}, {pipeline_mode = #tpu.pipeline_mode<synchronous>, transform_indices = @transform_5, window_bounds = array<i64: 1, 128>}, {pipeline_mode = #tpu.pipeline_mode<synchronous>, transform_indices = @transform_6, window_bounds = array<i64: 128, 128>}, {pipeline_mode = #tpu.pipeline_mode<synchronous>, transform_indices = @transform_7, window_bounds = array<i64: 1, 128>}, {pipeline_mode = #tpu.pipeline_mode<synchronous>, transform_indices = @transform_8, window_bounds = array<i64: 1, 128>}, {transform_indices = @transform_9, window_bounds = array<i64: 2000, 128>}]} {
    %get3A = arith.constant 0 : index
    %get3A_0 = arith.constant 0 : index
    %get3A_1 = arith.constant 0 : index
    %get3A_2 = vector.load %arg4[%get3A, %get3A_0, %get3A_1] : memref<2x2000x16xf32, #tpu.memory_space<vmem>>, vector<1x2000x1xf32>
    %get3A_3 = vector.shape_cast %get3A_2 : vector<1x2000x1xf32> to vector<2000x1xf32>
    %get3A_4 = arith.constant 1 : index
    %get3A_5 = arith.constant 0 : index
    %get3A_6 = arith.constant 0 : index
    %get3A_7 = vector.load %arg4[%get3A_4, %get3A_5, %get3A_6] : memref<2x2000x16xf32, #tpu.memory_space<vmem>>, vector<1x2000x1xf32>
    %get3A_8 = vector.shape_cast %get3A_7 : vector<1x2000x1xf32> to vector<2000x1xf32>
    %add3A = arith.addf %get3A_3, %get3A_8 : vector<2000x1xf32>
    %max3A = arith.constant 1.000000e+00 : f32
    %max3A_9 = vector.broadcast %max3A : f32 to vector<2000x1xf32>
    %max3A_10 = arith.maximumf %add3A, %max3A_9 : vector<2000x1xf32>
    %div3A = arith.constant 1.000000e+00 : f32
    %div3A_11 = vector.broadcast %div3A : f32 to vector<2000x1xf32>
    %div3A_12 = arith.divf %div3A_11, %max3A_10 : vector<2000x1xf32>
    %get3A_13 = arith.constant 0 : index
    %get3A_14 = arith.constant 0 : index
    %get3A_15 = arith.constant 0 : index
    %get3A_16 = vector.load %arg2[%get3A_13, %get3A_14, %get3A_15] : memref<2x2000x64xf32, #tpu.memory_space<vmem>>, vector<1x2000x64xf32>
    %get3A_17 = vector.shape_cast %get3A_16 : vector<1x2000x64xf32> to vector<2000x64xf32>
    %get3A_18 = arith.constant 1 : index
    %get3A_19 = arith.constant 0 : index
    %get3A_20 = arith.constant 0 : index
    %get3A_21 = vector.load %arg2[%get3A_18, %get3A_19, %get3A_20] : memref<2x2000x64xf32, #tpu.memory_space<vmem>>, vector<1x2000x64xf32>
    %get3A_22 = vector.shape_cast %get3A_21 : vector<1x2000x64xf32> to vector<2000x64xf32>
    %add3A_23 = arith.addf %get3A_17, %get3A_22 : vector<2000x64xf32>
    %mul3A = vector.broadcast %div3A_12 : vector<2000x1xf32> to vector<2000x64xf32>
    %mul3A_24 = arith.mulf %add3A_23, %mul3A : vector<2000x64xf32>
    %get3A_25 = arith.constant 0 : index
    %get3A_26 = arith.constant 0 : index
    %get3A_27 = arith.constant 0 : index
    %get3A_28 = vector.load %arg3[%get3A_25, %get3A_26, %get3A_27] : memref<2x2000x64xf32, #tpu.memory_space<vmem>>, vector<1x2000x64xf32>
    %get3A_29 = vector.shape_cast %get3A_28 : vector<1x2000x64xf32> to vector<2000x64xf32>
    %get3A_30 = arith.constant 1 : index
    %get3A_31 = arith.constant 0 : index
    %get3A_32 = arith.constant 0 : index
    %get3A_33 = vector.load %arg3[%get3A_30, %get3A_31, %get3A_32] : memref<2x2000x64xf32, #tpu.memory_space<vmem>>, vector<1x2000x64xf32>
    %get3A_34 = vector.shape_cast %get3A_33 : vector<1x2000x64xf32> to vector<2000x64xf32>
    %add3A_35 = arith.addf %get3A_29, %get3A_34 : vector<2000x64xf32>
    %mul3A_36 = vector.broadcast %div3A_12 : vector<2000x1xf32> to vector<2000x64xf32>
    %mul3A_37 = arith.mulf %add3A_35, %mul3A_36 : vector<2000x64xf32>
    %get3A_38 = arith.constant 0 : index
    %get3A_39 = arith.constant 0 : index
    %get3A_40 = vector.load %arg1[%get3A_38, %get3A_39] : memref<2000x128xf32, #tpu.memory_space<vmem>>, vector<2000x128xf32>
    %get3A_41 = arith.constant 0 : index
    %get3A_42 = arith.constant 0 : index
    %get3A_43 = vector.load %arg5[%get3A_41, %get3A_42] : memref<128x128xf32, #tpu.memory_space<vmem>>, vector<64x128xf32>
    %dot_general3A = arith.constant dense<0.000000e+00> : vector<2000x128xf32>
    %dot_general3A_44 = tpu.matmul %mul3A_24, %get3A_43, %dot_general3A {dimension_numbers = #tpu.dot_dimension_numbers<[1], [0], [0], [1], [0, 0, 1, 1], [], []>, transpose_lhs_hint = false} : vector<2000x64xf32>, vector<64x128xf32>, vector<2000x128xf32> -> vector<2000x128xf32>
    %get3A_45 = arith.constant 64 : index
    %get3A_46 = arith.constant 0 : index
    %get3A_47 = vector.load %arg5[%get3A_45, %get3A_46] : memref<128x128xf32, #tpu.memory_space<vmem>>, vector<64x128xf32>
    %dot_general3A_48 = arith.constant dense<0.000000e+00> : vector<2000x128xf32>
    %dot_general3A_49 = tpu.matmul %mul3A_37, %get3A_47, %dot_general3A_48 {dimension_numbers = #tpu.dot_dimension_numbers<[1], [0], [0], [1], [0, 0, 1, 1], [], []>, transpose_lhs_hint = false} : vector<2000x64xf32>, vector<64x128xf32>, vector<2000x128xf32> -> vector<2000x128xf32>
    %add3A_50 = arith.addf %dot_general3A_44, %dot_general3A_49 : vector<2000x128xf32>
    %get3A_51 = arith.constant 0 : index
    %get3A_52 = arith.constant 0 : index
    %get3A_53 = vector.load %arg7[%get3A_51, %get3A_52] : memref<128x128xf32, #tpu.memory_space<vmem>>, vector<128x128xf32>
    %dot_general3A_54 = arith.constant dense<0.000000e+00> : vector<2000x128xf32>
    %dot_general3A_55 = tpu.matmul %get3A_40, %get3A_53, %dot_general3A_54 {dimension_numbers = #tpu.dot_dimension_numbers<[1], [0], [0], [1], [0, 0, 1, 1], [], []>, transpose_lhs_hint = false} : vector<2000x128xf32>, vector<128x128xf32>, vector<2000x128xf32> -> vector<2000x128xf32>
    %add3A_56 = arith.addf %add3A_50, %dot_general3A_55 : vector<2000x128xf32>
    %get3A_57 = arith.constant 0 : index
    %get3A_58 = arith.constant 0 : index
    %get3A_59 = vector.load %arg6[%get3A_57, %get3A_58] : memref<1x128xf32, #tpu.memory_space<vmem>>, vector<1x128xf32>
    %add3A_60 = vector.broadcast %get3A_59 : vector<1x128xf32> to vector<2000x128xf32>
    %add3A_61 = arith.addf %add3A_56, %add3A_60 : vector<2000x128xf32>
    %reduce_sum3A = arith.constant dense<0.000000e+00> : vector<2000xf32>
    %reduce_sum3A_62 = vector.multi_reduction <add>, %add3A_61, %reduce_sum3A [1] : vector<2000x128xf32> to vector<2000xf32>
    %broadcast_in_dim3A = vector.shape_cast %reduce_sum3A_62 : vector<2000xf32> to vector<2000x1xf32>
    %div3A_63 = arith.constant 1.280000e+02 : f32
    %div3A_64 = vector.broadcast %div3A_63 : f32 to vector<2000x1xf32>
    %div3A_65 = arith.divf %broadcast_in_dim3A, %div3A_64 : vector<2000x1xf32>
    %sub3A = vector.broadcast %div3A_65 : vector<2000x1xf32> to vector<2000x128xf32>
    %sub3A_66 = arith.subf %add3A_61, %sub3A : vector<2000x128xf32>
    %mul3A_67 = arith.mulf %sub3A_66, %sub3A_66 : vector<2000x128xf32>
    %reduce_sum3A_68 = arith.constant dense<0.000000e+00> : vector<2000xf32>
    %reduce_sum3A_69 = vector.multi_reduction <add>, %mul3A_67, %reduce_sum3A_68 [1] : vector<2000x128xf32> to vector<2000xf32>
    %broadcast_in_dim3A_70 = vector.shape_cast %reduce_sum3A_69 : vector<2000xf32> to vector<2000x1xf32>
    %div3A_71 = arith.constant 1.280000e+02 : f32
    %div3A_72 = vector.broadcast %div3A_71 : f32 to vector<2000x1xf32>
    %div3A_73 = arith.divf %broadcast_in_dim3A_70, %div3A_72 : vector<2000x1xf32>
    %add3A_74 = arith.constant 9.99999974E-6 : f32
    %add3A_75 = vector.broadcast %add3A_74 : f32 to vector<2000x1xf32>
    %add3A_76 = arith.addf %div3A_73, %add3A_75 : vector<2000x1xf32>
    %rsqrt3A = math.rsqrt %add3A_76 : vector<2000x1xf32>
    %mul3A_77 = vector.broadcast %rsqrt3A : vector<2000x1xf32> to vector<2000x128xf32>
    %mul3A_78 = arith.mulf %sub3A_66, %mul3A_77 : vector<2000x128xf32>
    %get3A_79 = arith.constant 0 : index
    %get3A_80 = arith.constant 0 : index
    %get3A_81 = vector.load %arg8[%get3A_79, %get3A_80] : memref<1x128xf32, #tpu.memory_space<vmem>>, vector<1x128xf32>
    %mul3A_82 = vector.broadcast %get3A_81 : vector<1x128xf32> to vector<2000x128xf32>
    %mul3A_83 = arith.mulf %mul3A_78, %mul3A_82 : vector<2000x128xf32>
    %get3A_84 = arith.constant 0 : index
    %get3A_85 = arith.constant 0 : index
    %get3A_86 = vector.load %arg9[%get3A_84, %get3A_85] : memref<1x128xf32, #tpu.memory_space<vmem>>, vector<1x128xf32>
    %add3A_87 = vector.broadcast %get3A_86 : vector<1x128xf32> to vector<2000x128xf32>
    %add3A_88 = arith.addf %mul3A_83, %add3A_87 : vector<2000x128xf32>
    %mul3A_89 = arith.constant 5.000000e-01 : f32
    %mul3A_90 = vector.broadcast %mul3A_89 : f32 to vector<2000x128xf32>
    %mul3A_91 = arith.mulf %add3A_88, %mul3A_90 : vector<2000x128xf32>
    %mul3A_92 = arith.constant 0.707106769 : f32
    %mul3A_93 = vector.broadcast %mul3A_92 : f32 to vector<2000x128xf32>
    %mul3A_94 = arith.mulf %add3A_88, %mul3A_93 : vector<2000x128xf32>
    %erf3A = math.erf %mul3A_94 : vector<2000x128xf32>
    %add3A_95 = arith.constant 1.000000e+00 : f32
    %add3A_96 = vector.broadcast %add3A_95 : f32 to vector<2000x128xf32>
    %add3A_97 = arith.addf %add3A_96, %erf3A : vector<2000x128xf32>
    %mul3A_98 = arith.mulf %mul3A_91, %add3A_97 : vector<2000x128xf32>
    %add3A_99 = arith.addf %mul3A_98, %get3A_40 : vector<2000x128xf32>
    %swap3A = arith.constant 0 : index
    %swap3A_100 = arith.constant 0 : index
    %swap3A_101 = vector.load %arg10[%swap3A, %swap3A_100] : memref<2000x128xf32, #tpu.memory_space<vmem>>, vector<2000x128xf32>
    tpu.vector_store %arg10[%swap3A, %swap3A_100], %add3A_99 {strides = array<i32>} : memref<2000x128xf32, #tpu.memory_space<vmem>>, vector<2000x128xf32>,
    return
  }
  func.func @transform_0(%arg0: i32) -> (i32, i32) {
    %c0_i32 = arith.constant 0 : i32
    %c0_i32_0 = arith.constant 0 : i32
    return %arg0, %c0_i32 : i32, i32
  }
  func.func @transform_1(%arg0: i32) -> (i32, i32, i32) {
    %c0_i32 = arith.constant 0 : i32
    %c0_i32_0 = arith.constant 0 : i32
    %c0_i32_1 = arith.constant 0 : i32
    return %c0_i32, %arg0, %c0_i32_0 : i32, i32, i32
  }
  func.func @transform_2(%arg0: i32) -> (i32, i32, i32) {
    %c0_i32 = arith.constant 0 : i32
    %c0_i32_0 = arith.constant 0 : i32
    %c0_i32_1 = arith.constant 0 : i32
    return %c0_i32, %arg0, %c0_i32_0 : i32, i32, i32
  }
  func.func @transform_3(%arg0: i32) -> (i32, i32, i32) {
    %c0_i32 = arith.constant 0 : i32
    %c0_i32_0 = arith.constant 0 : i32
    %c0_i32_1 = arith.constant 0 : i32
    return %c0_i32, %arg0, %c0_i32_0 : i32, i32, i32
  }
  func.func @transform_4(%arg0: i32) -> (i32, i32) {
    %c0_i32 = arith.constant 0 : i32
    %c0_i32_0 = arith.constant 0 : i32
    %c0_i32_1 = arith.constant 0 : i32
    return %c0_i32, %c0_i32_0 : i32, i32
  }
  func.func @transform_5(%arg0: i32) -> (i32, i32) {
    %c0_i32 = arith.constant 0 : i32
    %c0_i32_0 = arith.constant 0 : i32
    %c0_i32_1 = arith.constant 0 : i32
    return %c0_i32, %c0_i32_0 : i32, i32
  }
  func.func @transform_6(%arg0: i32) -> (i32, i32) {
    %c0_i32 = arith.constant 0 : i32
    %c0_i32_0 = arith.constant 0 : i32
    %c0_i32_1 = arith.constant 0 : i32
    return %c0_i32, %c0_i32_0 : i32, i32
  }
  func.func @transform_7(%arg0: i32) -> (i32, i32) {
    %c0_i32 = arith.constant 0 : i32
    %c0_i32_0 = arith.constant 0 : i32
    %c0_i32_1 = arith.constant 0 : i32
    return %c0_i32, %c0_i32_0 : i32, i32
  }
  func.func @transform_8(%arg0: i32) -> (i32, i32) {
    %c0_i32 = arith.constant 0 : i32
    %c0_i32_0 = arith.constant 0 : i32
    %c0_i32_1 = arith.constant 0 : i32
    return %c0_i32, %c0_i32_0 : i32, i32
  }
  func.func @transform_9(%arg0: i32) -> (i32, i32) {
    %c0_i32 = arith.constant 0 : i32
    %c0_i32_0 = arith.constant 0 : i32
    return %arg0, %c0_i32 : i32, i32
  }
}

</mosaic_0001>

<sc_bundles>
// kernel: kernel.4.cloned.1.call-start
scs
__scs_entry_jumppad:
0x0: {  	(pc) =	sbr.rel $0x88, $3  }
0x1: {  	(tag) =	ssettag $0x0;
	lr =	simm.s32 $0x1  }
0x2: {  	[smem:$0x3F9A] =	sst lr;
	_ =	strace $0xD0000000  }
0x3: {  	_ = 	snop  }
0x4: {  	_ = 	snop  }
0x5: {  	_ = 	snop  }
0x6: {  	_ = 	snop  }
0x7: {  	_ = 	snop  }
__scs_overlays_trampoline_lowered:
0x8: {  	[smem:$0x3FA9] =	sst s0  }
0x9: {  	[smem:$0x3FAA] =	sst s1  }
0xa: {  	[smem:$0x3FAB] =	sst s2  }
0xb: {  	[smem:$0x3FAC] =	sst s3  }
0xc: {  	[smem:$0x3FAD] =	sst s4  }
0xd: {  	[smem:$0x3FAE] =	sst s5  }
0xe: {  	[smem:$0x3FAF] =	sst s6  }
0xf: {  	[smem:$0x3FB0] =	sst s7  }
0x10: {  	[smem:$0x3FB1] =	sst s8  }
0x11: {  	[smem:$0x3FB2] =	sst s9;
	s0 =	simm.s32 @!p0 $0x0  }
0x12: {  	s1 =	sld [smem:$0x3F98];
	s0 =	simm.s32 @p0 $0x1  }
0x13: {  	[smem:$0x3FB3] =	sst s0;
	s0 =	simm.s32 @!p1 $0x0  }
0x14: {  	s2 =	sld [smem:$0x3F97];
	s0 =	simm.s32 @p1 $0x1  }
0x15: {  	[smem:$0x3FB4] =	sst s0;
	s0 =	simm.s32 @!p2 $0x0  }
0x16: {  	s3 =	sld [smem:$0x3FDB];
	s0 =	simm.s32 @p2 $0x1  }
0x17: {  	s4 =	simm.s32 $0x1BF5;
	[smem:$0x3FB6] =	sst s0  }
0x18: {  	s0 =	sld [smem:$0x3F99];
	_ =	swait.ge [sflag:s4], $0x0  }
0x19: {  	s7 =	sld [smem:$0x3F9A]  }
0x1a: {  	s8 =	sadd.s32 $0xFFFFE003, lr  }
0x1b: {  	s9 =	sadd.s32 $0xFFFFFEF7, lr;
	s5 =	simm.s32 $0xFFFFFFFF;
	p2 =	slt.u32 s8, $0xFFFFF086  }
0x1c: {  	p1 =	slt.u32 s9, $0xF7A;
	s5 =	simm.s32 @!p2 $0x0  }
0x1d: {  	s5 =	simm.s32 @p1 $0x1;
	p0 =	seq.s32 s7, s2  }
0x1e: {  	s7 =	smul.u32 @!p0 $0xF7A, s2;
	p2 =	seq.s32 @!p0 s5, $0x0  }
0x1f: {  	s9 =	smul.u32 $0xF7A, s1;
	s8 =	simm.s32 @!p0 $0x1BF5;
	p2 =	por !p2, p0  }
0x20: {  	[sflag:s8] =	ssyncset.s32 @!p0 $0xFFFFF086;
	s6 =	sadd.s32 @!p0 s3, s7;
	s7 =	simm.s32 @!p0 $0x108  }
0x21: {  	s3 =	sadd.s32 s3, s9;
	s6 =	sadd.s32 @!p0 $0x88, s6;
	s7 =	simm.s32 @p2 $0x1082  }
0x22: {  	[simem:s7], [sflag:s8] =	dma.local @!p0 [hbm:s6], $0xF7A  }
0x23: {  	s9 =	sor.u32 $0xD0000000, s2;
	s6 =	simm.s32 $0x108;
	_ =	swait.ge @!p0 [sflag:s8], $0x0  }
0x24: {  	s3 =	sadd.s32 $0x88, s3;
	s6 =	simm.s32 @!p1 $0x1082;
	[sflag:s4] =	ssyncset.s32 $0xFFFFF086  }
0x25: {  	[simem:s6], [sflag:s4] =	dma.local [hbm:s3], $0xF7A  }
0x26: {  	[smem:$0x3F9A] =	sst s1;
	(tag) =	ssettag s2;
	_ =	strace s9  }
0x27: {  	s1 =	sld [smem:$0x3FAA]  }
0x28: {  	s2 =	sld [smem:$0x3FAB]  }
0x29: {  	s4 =	sld [smem:$0x3FAD]  }
0x2a: {  	p0 =	seq.s32 s5, $0x0;
	s5 =	sld [smem:$0x3FAE]  }
0x2b: {  	s6 =	sld [smem:$0x3FAF]  }
0x2c: {  	s7 =	sld [smem:$0x3FB0]  }
0x2d: {  	s3 =	simm.s32 $0x108;
	s8 =	sld [smem:$0x3FB1]  }
0x2e: {  	s3 =	simm.s32 @!p0 $0x1082;
	s9 =	sld [smem:$0x3FB2]  }
0x2f: {  	lr =	sadd.s32 s0, s3;
	s0 =	sld [smem:$0x3FA9]  }
0x30: {  	s3 =	sld [smem:$0x3FAC]  }
0x31: {  	[smem:$0x3FB5] =	sst s10  }
0x32: {  	s10 =	sld [smem:$0x3FB3];
	_ =	sdelay $0x3  }
0x33: {  	p0 =	seq.s32 s10, $0x1;
	s10 =	sld [smem:$0x3FB5];
	_ =	sdelay $0x3  }
0x34: {  	[smem:$0x3FB5] =	sst s10  }
0x35: {  	s10 =	sld [smem:$0x3FB4];
	_ =	sdelay $0x3  }
0x36: {  	p1 =	seq.s32 s10, $0x1;
	s10 =	sld [smem:$0x3FB5];
	_ =	sdelay $0x3  }
0x37: {  	[smem:$0x3FB5] =	sst s10  }
0x38: {  	s10 =	sld [smem:$0x3FB6]  }
0x39: {  	_ = 	snop;
	(pc) =	sbr.ind lr, $3  }
0x3a: {  	_ = 	snop  }
0x3b: {  	_ = 	snop  }
0x3c: {  	p2 =	seq.s32 s10, $0x1;
	s10 =	sld [smem:$0x3FB5]  }
0x3d: {  	_ =	shalt  }
0x3e: {  	_ =	shalt  }
0x3f: {  	_ =	shalt  }
0x40: {  	_ =	shalt  }
0x41: {  	_ =	shalt  }
0x42: {  	_ =	shalt  }
0x43: {  	_ =	shalt  }
0x44: {  	_ =	shalt  }
0x45: {  	_ =	shalt  }
0x46: {  	_ =	shalt  }
0x47: {  	_ =	shalt  }
0x48: {  	_ =	shalt  }
0x49: {  	_ =	shalt  }
0x4a: {  	_ =	shalt  }
0x4b: {  	_ =	shalt  }
0x4c: {  	_ =	shalt  }
0x4d: {  	_ =	shalt  }
0x4e: {  	_ =	shalt  }
0x4f: {  	_ =	shalt  }
0x50: {  	_ =	shalt  }
0x51: {  	_ =	shalt  }
0x52: {  	_ =	shalt  }
0x53: {  	_ =	shalt  }
0x54: {  	_ =	shalt  }
0x55: {  	_ =	shalt  }
0x56: {  	_ =	shalt  }
0x57: {  	_ =	shalt  }
0x58: {  	_ =	shalt  }
0x59: {  	_ =	shalt  }
0x5a: {  	_ =	shalt  }
0x5b: {  	_ =	shalt  }
0x5c: {  	_ =	shalt  }
0x5d: {  	_ =	shalt  }
0x5e: {  	_ =	shalt  }
0x5f: {  	_ =	shalt  }
0x60: {  	_ =	shalt  }
0x61: {  	_ =	shalt  }
0x62: {  	_ =	shalt  }
0x63: {  	_ =	shalt  }
0x64: {  	_ =	shalt  }
0x65: {  	_ =	shalt  }
0x66: {  	_ =	shalt  }
0x67: {  	_ =	shalt  }
0x68: {  	_ =	shalt  }
0x69: {  	_ =	shalt  }
0x6a: {  	_ =	shalt  }
0x6b: {  	_ =	shalt  }
0x6c: {  	_ =	shalt  }
0x6d: {  	_ =	shalt  }
0x6e: {  	_ =	shalt  }
0x6f: {  	_ =	shalt  }
0x70: {  	_ =	shalt  }
0x71: {  	_ =	shalt  }
0x72: {  	_ =	shalt  }
0x73: {  	_ =	shalt  }
0x74: {  	_ =	shalt  }
0x75: {  	_ =	shalt  }
0x76: {  	_ =	shalt  }
0x77: {  	_ =	shalt  }
0x78: {  	_ =	shalt  }
0x79: {  	_ =	shalt  }
0x7a: {  	_ =	shalt  }
0x7b: {  	_ =	shalt  }
0x7c: {  	_ =	shalt  }
0x7d: {  	_ =	shalt  }
0x7e: {  	_ =	shalt  }
0x7f: {  	_ =	shalt  }
0x80: {  	_ =	shalt  }
0x81: {  	_ =	shalt  }
0x82: {  	_ =	shalt  }
0x83: {  	_ =	shalt  }
0x84: {  	_ =	shalt  }
0x85: {  	_ =	shalt  }
0x86: {  	_ =	shalt  }
0x87: {  	_ =	shalt  }
.Lfunc_end0:
.L_simem_size_0:
called_computation_lowered:
.L_overlay_start_0:
0x88: {  	s2 =	sld [smem:$0x3FD9]  }
0x89: {  	s3 =	sld [smem:$0x3FFE];
	_ =	sdelay $0x1  }
0x8a: {  	s1 =	srdreg.scid  }
0x8b: {  	s0 =	sand.u32 $0x1, s1  }
0x8c: {  	s17 =	sshll.u32 s0, $0xA;
	s2 =	sadd.s32 s3, s2  }
0x8d: {  	s2 =	sadd.s32 s2, s17  }
0x8e: {  	[smem:$0x3FC1] =	sst s2  }
0x8f: {  	_ = 	snop  }
0x90: {  	s2 =	sld [smem:$0x3FC9]  }
0x91: {  	s18 =	sld [smem:$0x3FD0];
	(tm) =	ssettm $0x1  }
0x92: {  	s4 =	sld [smem:$0x3FFB];
	_ =	sdelay $0x3  }
0x93: {  	_ =	strace s4  }
0x94: {  	s4 =	sld [smem:$0x3FFC];
	_ =	sdelay $0x3  }
0x95: {  	_ =	strace s4  }
0x96: {  	s4 =	sld [smem:$0x3FFD];
	_ =	sdelay $0x3  }
0x97: {  	_ =	strace s4  }
0x98: {  	_ =	strace $0x8FFFFFFF  }
0x99: {  	s19 =	sld [smem:$0x3FDB];
	_ =	sdelay $0x1  }
0x9a: {  	s5 =	simm.s32 $_scs_section_size  }
0x9b: {  	s6 =	simm.s32 $_size__tile_overlayer_lowered;
	s7 =	simm.s32 $_tile_overlayer_lowered  }
0x9c: {  	s22 =	simm.s32 $0x1BFF;
	s21 =	sshll.u32 s7, $0x1;
	s4 =	sadd.s32 s5, s19  }
0x9d: {  	s8 =	simm.s32 $0x0;
	s20 =	sshll.u32 s6, $0x1;
	s6 =	sadd.s32 s21, s4  }
0x9e: {  	[timem:s8], [sflag:s22] =	dma.local [hbm:s6], s20  }
0x9f: {  	_ =	swait.ge [sflag:s22], s20  }
0xa0: {  	s5 =	ssub.s32 $0x0, s20;
	[sflag:s22] =	ssyncset.done $0x0  }
0xa1: {  	[sflag:s22] =	ssyncadd.s32 s5;
	_ =	sdelay $0x1  }
0xa2: {  	s23 =	simm.s32 $0x1B8B  }
0xa3: {  	_ =	swait.ge [sflag:s23], $0x1  }
0xa4: {  	[sflag:s23] =	ssyncset.done $0x0  }
0xa5: {  	s25 =	simm.s32 $0x1B8E;
	s24 =	sld [smem:$0x3FFE];
	[sflag:s23] =	ssyncadd.s32 $0xFFFFFFFF  }
0xa6: {  	s26 =	simm.s32 $execute0_lowered;
	[smem:$0x3FD2] =	sst s25  }
0xa7: {  	s6 =	sshll.u32 s26, $0x1;
	_ =	strace $0x80000046;
	[dreg:$0x1] =	wrdreg $0xFFFFFFFF  }
0xa8: {  	s28 =	simm.s32 $_size_execute0_lowered;
	s4 =	sadd.s32 s4, s6;
	[dreg:$0x0] =	wrdreg $0x0  }
0xa9: {  	s6 =	sshll.u32 s28, $0x1;
	[dreg:$0x2] =	wrdreg s4  }
0xaa: {  	[dreg:$0x3] =	wrdreg s6  }
0xab: {  	[dreg:$0x4] =	wrdreg $0xC0  }
0xac: {  	_ =	task [dreg:s8], $0x5FFFF  }
0xad: {  	[dreg:$0x1] =	wrdreg $0xFFFFFFFF  }
0xae: {  	[dreg:$0x0] =	wrdreg $0x60  }
0xaf: {  	[dreg:$0x2] =	wrdreg s24  }
0xb0: {  	[dreg:$0x3] =	wrdreg s2  }
0xb1: {  	[dreg:$0x4] =	wrdreg s18  }
0xb2: {  	[dreg:$0x5] =	wrdreg $0x100000  }
0xb3: {  	[dreg:$0x6] =	wrdreg $0x1A0000  }
0xb4: {  	[dreg:$0x7] =	wrdreg $0x9  }
0xb5: {  	_ =	task.clear_ibuf [dreg:s8], $0x8FFFF;
	_ =	strace $0x90000046  }
0xb6: {  	s29 =	simm.s32 $0x9;
	_ =	strace $0x80000048  }
0xb7: {  	_ =	swait.ge [sflag:s29], $0x1  }
0xb8: {  	[sflag:s29] =	ssyncadd.s32 $0xFFFFFFFF  }
0xb9: {  	_ =	strace $0x90000048  }
0xba: {  	_ =	sfence  }
0xbb: {  	s30 =	sld [smem:$0x0];
	_ =	sdelay $0x2  }
0xbc: {  	s31 =	sshll.u32 s1, $0xD;
	s1 =	sshrl.u32 s1, $0x2  }
0xbd: {  	s3 =	sand.u32 $0x4000, s31;
	s1 =	sadd.s32 s1, s30  }
0xbe: {  	s0 =	sor.u32 s3, s0;
	s1 =	sshll.u32 s1, $0x11  }
0xbf: {  	s0 =	sor.u32 s1, s0  }
0xc0: {  	s0 =	sadd.s32 $0x8F2B, s0  }
0xc1: {  	[sflag:s0] =	ssyncadd.remote.s32 $0x1  }
0xc2: {  	_ =	sfence.sel $0xFFFF  }
0xc3: {  	[dreg:$0x0] =	wrdreg $0xFFFFFFFF;
	(pc) =	sbr.abs _section_cstart, $3  }
0xc4: {  	[dreg:$0x1] =	wrdreg $0xFFFFFFFF  }
0xc5: {  	_ =	task.clear_ibuf [dreg:s8], $0x2FFFF;
	_ =	strace $0x9FFFFFFF  }
0xc6: {  	(tm) =	ssettm $0x7FFFFFFF  }
0xc7: {  	_ =	shalt  }
tec
execute0_lowered:
.L_overlay_start_1:
0x0: {  	(tag) =	ssettag $0x1  }
0x1: {  	s0 =	rddreg [dreg:$0x0]  }
0x2: {  	s1 =	rddreg [dreg:$0x1]  }
0x3: {  	s3 =	rddreg [dreg:$0x2]  }
0x4: {  	s2 =	rddreg [dreg:$0x3]  }
0x5: {  	s4 =	rddreg [dreg:$0x4];
	s5 =	simm.s32 $0x0  }
0x6: {  	s6 =	srdreg.scid;
	s16 =	stileid.u32;
	s28 =	simm.s32 $0x3  }
0x7: {  	s29 =	simm.s32 $0x180;
	s30 =	simm.s32 $0x600;
	s9 =	smul.u32 $0xA000, s16  }
0x8: {  	[smem:$0x7FF] =	sst s5;
	s8 =	sand.u32 $0x1, s6;
	s15 =	smul.u32 $0x280, s16  }
0x9: {  	s11 =	sshll.u32 s16, $0x1;
	s6 =	sadd.s32 $0xB400, s0;
	s10 =	smul.u32 $0xA0000, s8  }
0xa: {  	s7 =	sadd.s32 $0x1600, s0;
	p0 =	sgt.u32 s16, $0x1;
	s19 =	smul.u32 $0x28000, s8  }
0xb: {  	s11 =	sor.u32 s8, s11;
	s12 =	ssub.s32 $0x2, s8;
	s8 =	smul.u32 $0x2700, s8  }
0xc: {  	_ =	strace $0x80000047;
	s13 =	smul.u32 $0x4E0, s11;
	s14 =	sshrl.u32 s12, $0x1  }
0xd: {  	s21 =	sadd.s32 $0xA0, s15;
	s24 =	sadd.s32 $0x140, s15;
	s26 =	sadd.s32 $0x1E0, s15  }
0xe: {  	s11 =	sshll.u32 s11, $0x4;
	s10 =	sadd.s32 s9, s10;
	s9 =	sadd.s32 s9, s2  }
0xf: {  	s22 =	sshll.u32 s21, $0x6;
	s23 =	sshll.u32 s21, $0x4;
	s25 =	sshll.u32 s24, $0x6  }
0x10: {  	s15 =	sshll.u32 s24, $0x4;
	s17 =	sshll.u32 s26, $0x6;
	s21 =	smul.u32 $0x4E00, s16  }
0x11: {  	s11 =	sor.u32 $0x9C00, s11;
	s20 =	sadd.s32 s6, s13;
	[dreg:$0x8] =	wrdreg s9  }
0x12: {  	s10 =	sshrl.u32 s10, $0x3;
	s13 =	sadd.s32 s7, s13;
	[dreg:$0x6] =	wrdreg s20  }
0x13: {  	s9 =	sadd.s32 s22, s2;
	s18 =	sadd.s32 s17, s2;
	[dreg:$0x7] =	wrdreg s13  }
0x14: {  	s22 =	sadd.s32 s6, s11;
	s11 =	sadd.s32 s7, s11;
	[dreg:$0xa] =	wrdreg s9  }
0x15: {  	s17 =	simm.s32 $0x200;
	s0 =	sadd.s32 s10, s0;
	[dreg:$0xe] =	wrdreg s18  }
0x16: {  	s10 =	ssub.s32 s12, s14;
	s12 =	smul.u32 $0x2800, s16;
	[dreg:$0x10] =	wrdreg s22  }
0x17: {  	s9 =	sadd.s32 s23, s4;
	s20 =	sshll.u32 s26, $0x4;
	[dreg:$0x11] =	wrdreg s11  }
0x18: {  	s8 =	sadd.s32 s8, s21;
	s21 =	simm.s32 $0x280;
	s22 =	simm.s32 $0x4600  }
0x19: {  	s11 =	simm.s32 $0x2;
	s14 =	simm.s32 $0x8600;
	s16 =	simm.s32 $0x580  }
0x1a: {  	s18 =	simm.s32 $0xA600;
	[dreg:$0xb] =	wrdreg s9;
	s9 =	sadd.s32 s25, s2  }
0x1b: {  	s13 =	sadd.s32 s20, s4;
	s23 =	sadd.s32 $0x3D200, s0;
	[dreg:$0xc] =	wrdreg s9  }
0x1c: {  	s0 =	sadd.s32 $0x15200, s0;
	s24 =	sadd.s32 $0x180, s8;
	[dreg:$0xf] =	wrdreg s13  }
0x1d: {  	s25 =	smax.u32 s10, $0x1;
	s26 =	sadd.s32 $0x300, s8;
	[dreg:$0x12] =	wrdreg s23  }
0x1e: {  	s20 =	simm.s32 $0x2600;
	s8 =	simm.s32 $0x480;
	[dreg:$0x14] =	wrdreg s0  }
0x1f: {  	s10 =	simm.s32 $0x0;
	s31 =	sadd.s32 s12, s4;
	[dreg:$0x15] =	wrdreg s25  }
0x20: {  	s9 =	sadd.s32 s15, s4;
	[dreg:$0x16] =	wrdreg s26;
	s0 =	sshrl.u32 s24, $0x3  }
.Ltmp0:
0x21: {  	s13 =	simm.s32 $0x80;
	s15 =	simm.s32 $0xC600;
	(pc) =	sbr.rel .LBB2_1-.Ltmp0, $4  }
0x22: {  	s23 =	simm.s32 $0x300;
	[dreg:$0xd] =	wrdreg s9;
	s9 =	sadd.s32 s12, s19  }
0x23: {  	s25 =	sadd.s32 s0, s7;
	s26 =	sadd.s32 s0, s6;
	s9 =	sshrl.u32 s9, $0x3  }
0x24: {  	s12 =	simm.s32 $0x500;
	[dreg:$0x9] =	wrdreg s31;
	s3 =	sadd.s32 s3, s9  }
0x25: {  	v0 =	vimm.f32 $1.000000000e+00;
	v1 =	vimm.f32 $0.0e+00;
	s9 =	simm.s32 $0x6600;
	[dreg:$0x13] =	wrdreg s3;
	s3 =	simm.s32 $0x1  }
.LBB2_15:
0x26: {  	s10 =	simm.s32 @!p0 $0x0;
	s19 =	simm.s32 @!p0 $0x300;
	s24 =	rddreg [dreg:$0x10]  }
0x27: {  	[tilespmem:s19], [sflag:$0x3] =	stream.linear.gather @!p0 [hbm4b:s24+s10], $0x80, $0x38;
	[tilespmem:$0x1C800] =	vst v63  }
0x28: {  	s24 =	simm.s32 @!p0 $0x3  }
0x29: {  	_ =	swait.ge @!p0 [sflag:s24], $0x80  }
0x2a: {  	[sflag:s24] =	ssyncset.done @!p0 $0x0  }
0x2b: {  	s31 =	simm.s32 @!p0 $0x480;
	s0 =	rddreg [dreg:$0x11];
	[sflag:s24] =	ssyncadd.s32 @!p0 $0xFFFFFF80  }
0x2c: {  	[tilespmem:s31], [sflag:$0x3] =	stream.linear.gather @!p0 [hbm4b:s0+s10], $0x80, $0x38;
	[tilespmem:$0x1C800] =	vst v63  }
0x2d: {  	_ =	swait.ge @!p0 [sflag:s24], $0x80  }
0x2e: {  	[sflag:s24] =	ssyncset.done @!p0 $0x0  }
0x2f: {  	[sflag:s24] =	ssyncadd.s32 @!p0 $0xFFFFFF80  }
0x30: {  	v2 =	vld @!p0 [tilespmem:$0x300]  }
0x31: {  	v3 =	vld @!p0 [tilespmem:$0x310]  }
0x32: {  	v4 =	vld @!p0 [tilespmem:$0x320]  }
0x33: {  	v5 =	vld @!p0 [tilespmem:$0x330]  }
0x34: {  	v6 =	vld @!p0 [tilespmem:$0x340]  }
0x35: {  	v7 =	vld @!p0 [tilespmem:$0x350];
	v2 =	vshll.u32 @!p0 v2, $0x1  }
0x36: {  	v8 =	vld @!p0 [tilespmem:$0x360];
	v3 =	vshll.u32 @!p0 v3, $0x1;
	v2 =	vor.u32 @!p0 $0x1, v2  }
0x37: {  	[tilespmem:$0x300] =	vst @!p0 v2;
	v2 =	vor.u32 @!p0 $0x1, v3;
	v3 =	vshll.u32 @!p0 v4, $0x1;
	v4 =	vld @!p0 [tilespmem:$0x370]  }
0x38: {  	[tilespmem:$0x310] =	vst @!p0 v2;
	v2 =	vor.u32 @!p0 $0x1, v3;
	v3 =	vshll.u32 @!p0 v5, $0x1  }
0x39: {  	[tilespmem:$0x320] =	vst @!p0 v2;
	v2 =	vor.u32 @!p0 $0x1, v3;
	v3 =	vshll.u32 @!p0 v6, $0x1  }
0x3a: {  	[tilespmem:$0x330] =	vst @!p0 v2;
	v2 =	vor.u32 @!p0 $0x1, v3;
	v3 =	vshll.u32 @!p0 v7, $0x1  }
0x3b: {  	[tilespmem:$0x340] =	vst @!p0 v2;
	v2 =	vor.u32 @!p0 $0x1, v3;
	v3 =	vshll.u32 @!p0 v8, $0x1  }
0x3c: {  	[tilespmem:$0x350] =	vst @!p0 v2;
	v2 =	vor.u32 @!p0 $0x1, v3;
	v3 =	vshll.u32 @!p0 v4, $0x1  }
0x3d: {  	[tilespmem:$0x360] =	vst @!p0 v2;
	v2 =	vor.u32 @!p0 $0x1, v3  }
0x3e: {  	s10 =	simm.s32 @!p0 $0x80;
	s24 =	simm.s32 @!p0 $0x6600;
	[tilespmem:$0x370] =	vst @!p0 v2  }
0x3f: {  	[tilespmem:s24], [sflag:$0x1] =	stream.indirect.gather @!p0 [hbm4b:s1+s10], $0x40, s19, s10, $0xb8;
	[tilespmem:$0x1C800] =	vst v63  }
0x40: {  	s19 =	simm.s32 @!p0 $0x1  }
0x41: {  	_ =	swait.ge @!p0 [sflag:s19], $0x2000  }
0x42: {  	[sflag:s19] =	ssyncset.done @!p0 $0x0  }
0x43: {  	[sflag:s19] =	ssyncadd.s32 @!p0 $0xFFFFE000  }
0x44: {  	[spmem:s2] =	stream.indirect.scatter.add.f32 @!p0 [tilespmem:s24], [sflag:$0x2], $0x40, s31, s10, $0xb8;
	[tilespmem:$0x1C800] =	vst v63  }
0x45: {  	s10 =	simm.s32 @!p0 $0x2  }
0x46: {  	_ =	swait.ge @!p0 [sflag:s10], $0x2000  }
0x47: {  	[sflag:s10] =	ssyncset.done @!p0 $0x0  }
0x48: {  	[sflag:s10] =	ssyncadd.s32 @!p0 $0xFFFFE000  }
0x49: {  	[bflag:$0x0] =	sbarrier.arrive $0xFFFF  }
0x4a: {  	s10 =	rddreg [dreg:$0x14]  }
0x4b: {  	s19 =	rddreg [dreg:$0x18]  }
0x4c: {  	s24 =	rddreg [dreg:$0x19]  }
0x4d: {  	[hbm:s10], [sflag:s19] =	dma.local [spmem:s24], $0x1400  }
0x4e: {  	_ =	swait.ge [sflag:s3], $0x1400  }
0x4f: {  	s19 =	rddreg [dreg:$0x17]  }
0x50: {  	s24 =	rddreg [dreg:$0x15];
	s10 =	sadd.s32 $0x1, s19  }
0x51: {  	p1 =	sne.s32 s10, s24  }
.Ltmp1:
0x52: {  	_ = 	snop;
	(pc) =	sbr.rel @!p1 .LBB2_16-.Ltmp1, $3  }
0x53: {  	_ =	sdelay $0x1  }
0x54: {  	[sflag:s3] =	ssyncset.done $0x0  }
0x55: {  	s31 =	rddreg [dreg:$0x9];
	[sflag:s3] =	ssyncadd.s32 $0xFFFFEC00  }
.LBB2_1:
0x56: {  	[dreg:$0x17] =	wrdreg s10;
	s0 =	simm.s32 $0x40;
	s10 =	simm.s32 $0x0  }
.LBB2_2:
0x57: {  	p1 =	sne.s32 s0, $0x1FC0;
	[tilespmem:s10+$0xC600] =	vst v0;
	s10 =	smov.u32 s0;
	s0 =	sadd.s32 $0x40, s0  }
.Ltmp2:
0x58: {  	(pc) =	sbr.rel @p1 .LBB2_2-.Ltmp2, $2  }
0x59: {  	_ =	sdelay $0x2  }
0x5a: {  	s10 =	sshra.s32 s10, $0x2  }
0x5b: {  	[tilespmem:s10+$0xC600] =	vst v0;
	s0 =	simm.s32 $0x0;
	s24 =	rddreg [dreg:$0x6]  }
0x5c: {  	[tilespmem:s0], [sflag:$0x3] =	stream.linear.gather [hbm4b:s24+s0], $0x180, $0x38;
	[tilespmem:$0x1C800] =	vst v63  }
0x5d: {  	_ =	swait.ge [sflag:s28], $0x180  }
0x5e: {  	[sflag:s28] =	ssyncset.done $0x0  }
0x5f: {  	s19 =	rddreg [dreg:$0x7];
	[sflag:s28] =	ssyncadd.s32 $0xFFFFFE80  }
0x60: {  	[tilespmem:s29], [sflag:$0x3] =	stream.linear.gather [hbm4b:s19+s0], $0x180, $0x38;
	[tilespmem:$0x1C800] =	vst v63  }
0x61: {  	_ =	swait.ge [sflag:s28], $0x180  }
0x62: {  	[sflag:s28] =	ssyncset.done $0x0  }
0x63: {  	[sflag:s28] =	ssyncadd.s32 $0xFFFFFE80  }
0x64: {  	v2 =	vld [tilespmem:$0x0]  }
0x65: {  	v3 =	vld [tilespmem:$0x10]  }
0x66: {  	v4 =	vld [tilespmem:$0x20]  }
0x67: {  	v5 =	vld [tilespmem:$0x30]  }
0x68: {  	v6 =	vld [tilespmem:$0x40]  }
0x69: {  	v7 =	vld [tilespmem:$0x50];
	v2 =	vshll.u32 v2, $0x1  }
0x6a: {  	[tilespmem:$0x0] =	vst v2;
	v2 =	vshll.u32 v3, $0x1;
	v3 =	vld [tilespmem:$0x60]  }
0x6b: {  	v50 =	vld [tilespmem:$0x70];
	[tilespmem:$0x10] =	vst v2;
	v2 =	vshll.u32 v4, $0x1  }
0x6c: {  	v51 =	vld [tilespmem:$0x80];
	[tilespmem:$0x20] =	vst v2;
	v2 =	vshll.u32 v5, $0x1  }
0x6d: {  	v52 =	vld [tilespmem:$0x90];
	[tilespmem:$0x30] =	vst v2;
	v2 =	vshll.u32 v6, $0x1  }
0x6e: {  	v53 =	vld [tilespmem:$0xA0];
	[tilespmem:$0x40] =	vst v2;
	v2 =	vshll.u32 v7, $0x1  }
0x6f: {  	[tilespmem:$0x50] =	vst v2;
	v2 =	vshll.u32 v3, $0x1;
	v3 =	vld [tilespmem:$0xB0]  }
0x70: {  	v54 =	vld [tilespmem:$0xC0];
	[tilespmem:$0x60] =	vst v2;
	v2 =	vshll.u32 v50, $0x1  }
0x71: {  	v55 =	vld [tilespmem:$0xD0];
	[tilespmem:$0x70] =	vst v2;
	v2 =	vshll.u32 v51, $0x1  }
0x72: {  	v56 =	vld [tilespmem:$0xE0];
	[tilespmem:$0x80] =	vst v2;
	v2 =	vshll.u32 v52, $0x1  }
0x73: {  	v57 =	vld [tilespmem:$0xF0];
	[tilespmem:$0x90] =	vst v2;
	v2 =	vshll.u32 v53, $0x1  }
0x74: {  	[tilespmem:$0xA0] =	vst v2;
	v2 =	vshll.u32 v3, $0x1;
	v3 =	vld [tilespmem:$0x100]  }
0x75: {  	v58 =	vld [tilespmem:$0x110];
	[tilespmem:$0xB0] =	vst v2;
	v2 =	vshll.u32 v54, $0x1  }
0x76: {  	v59 =	vld [tilespmem:$0x120];
	[tilespmem:$0xC0] =	vst v2;
	v2 =	vshll.u32 v55, $0x1  }
0x77: {  	v60 =	vld [tilespmem:$0x130];
	[tilespmem:$0xD0] =	vst v2;
	v2 =	vshll.u32 v56, $0x1  }
0x78: {  	v61 =	vld [tilespmem:$0x140];
	[tilespmem:$0xE0] =	vst v2;
	v2 =	vshll.u32 v57, $0x1  }
0x79: {  	[tilespmem:$0xF0] =	vst v2;
	v2 =	vshll.u32 v3, $0x1;
	v3 =	vld [tilespmem:$0x150]  }
0x7a: {  	v62 =	vld [tilespmem:$0x160];
	[tilespmem:$0x100] =	vst v2;
	v2 =	vshll.u32 v58, $0x1  }
0x7b: {  	v63 =	vld [tilespmem:$0x170];
	[tilespmem:$0x110] =	vst v2;
	v2 =	vshll.u32 v59, $0x1  }
0x7c: {  	[tilespmem:$0x120] =	vst v2;
	v2 =	vshll.u32 v60, $0x1  }
0x7d: {  	[tilespmem:$0x130] =	vst v2;
	v2 =	vshll.u32 v61, $0x1  }
0x7e: {  	[tilespmem:$0x140] =	vst v2;
	v2 =	vshll.u32 v3, $0x1  }
0x7f: {  	[tilespmem:$0x150] =	vst v2;
	v2 =	vshll.u32 v62, $0x1  }
0x80: {  	[tilespmem:$0x160] =	vst v2;
	v2 =	vshll.u32 v63, $0x1  }
0x81: {  	s24 =	simm.s32 $0x0;
	[tilespmem:$0x170] =	vst v2  }
0x82: {  	[tilespmem:s30], [sflag:$0x1] =	stream.indirect.gather [hbm4b:s1+s29], $0x40, s0, s29, $0xb8;
	[tilespmem:$0x1C800] =	vst v63  }
0x83: {  	s0 =	simm.s32 $0xD820;
	[tilespmem:s24+$0xCE00] =	vst v1  }
0x84: {  	[tilespmem:s0+$0xFFFFFFE0] =	vst v1  }
0x85: {  	[tilespmem:s0+$0xFFFFFFF0] =	vst v1  }
0x86: {  	[tilespmem:s0+$0x0] =	vst v1  }
0x87: {  	s10 =	simm.s32 $0x40;
	[tilespmem:s0+$0x10] =	vst v1  }
.LBB2_4:
0x88: {  	s24 =	sshra.s32 s10, $0x2;
	p1 =	sne.s32 s10, $0x27C0  }
.Ltmp3:
0x89: {  	s10 =	sadd.s32 $0x40, s10;
	s0 =	sadd.s32 $0x40, s0;
	[tilespmem:s24+$0xCE00] =	vst v1;
	(pc) =	sbr.rel @p1 .LBB2_4-.Ltmp3, $4  }
0x8a: {  	[tilespmem:s0+$0xFFFFFFE0] =	vst v1  }
0x8b: {  	[tilespmem:s0+$0xFFFFFFF0] =	vst v1  }
0x8c: {  	[tilespmem:s0+$0x0] =	vst v1  }
0x8d: {  	[tilespmem:s0+$0x10] =	vst v1  }
0x8e: {  	s0 =	simm.s32 $0x40;
	s10 =	simm.s32 $0x0  }
.LBB2_6:
0x8f: {  	p1 =	sne.s32 s0, $0x1FC0;
	[tilespmem:s10+$0xC600] =	vst v0;
	s10 =	smov.u32 s0;
	s0 =	sadd.s32 $0x40, s0  }
.Ltmp4:
0x90: {  	(pc) =	sbr.rel @p1 .LBB2_6-.Ltmp4, $2  }
0x91: {  	_ =	sdelay $0x2  }
0x92: {  	s10 =	sshra.s32 s10, $0x2  }
0x93: {  	[tilespmem:s10+$0xC600] =	vst v0;
	s0 =	rddreg [dreg:$0x8];
	s10 =	simm.s32 $0xD800  }
0x94: {  	[spmem:s0] =	stream.linear.scatter [tilespmem:s10], [sflag:$0x3], $0x2800, $0x38;
	[tilespmem:$0x1C800] =	vst v63  }
0x95: {  	_ =	swait.ge [sflag:s28], $0x2800  }
0x96: {  	[sflag:s28] =	ssyncset.done $0x0  }
0x97: {  	s19 =	simm.s32 $0xCE00;
	[sflag:s28] =	ssyncadd.s32 $0xFFFFD800  }
0x98: {  	[spmem:s31] =	stream.linear.scatter [tilespmem:s19], [sflag:$0x3], $0xA00, $0x38;
	[tilespmem:$0x1C800] =	vst v63  }
0x99: {  	_ =	swait.ge [sflag:s28], $0xA00  }
0x9a: {  	[sflag:s28] =	ssyncset.done $0x0  }
0x9b: {  	s24 =	rddreg [dreg:$0xa];
	[sflag:s28] =	ssyncadd.s32 $0xFFFFF600  }
0x9c: {  	[spmem:s24] =	stream.linear.scatter [tilespmem:s10], [sflag:$0x3], $0x2800, $0x38;
	[tilespmem:$0x1C800] =	vst v63  }
0x9d: {  	_ =	swait.ge [sflag:s28], $0x2800  }
0x9e: {  	[sflag:s28] =	ssyncset.done $0x0  }
0x9f: {  	s31 =	rddreg [dreg:$0xb];
	[sflag:s28] =	ssyncadd.s32 $0xFFFFD800  }
0xa0: {  	[spmem:s31] =	stream.linear.scatter [tilespmem:s19], [sflag:$0x3], $0xA00, $0x38;
	[tilespmem:$0x1C800] =	vst v63  }
0xa1: {  	_ =	swait.ge [sflag:s28], $0xA00  }
0xa2: {  	[sflag:s28] =	ssyncset.done $0x0  }
0xa3: {  	s24 =	rddreg [dreg:$0xc];
	[sflag:s28] =	ssyncadd.s32 $0xFFFFF600  }
0xa4: {  	[spmem:s24] =	stream.linear.scatter [tilespmem:s10], [sflag:$0x3], $0x2800, $0x38;
	[tilespmem:$0x1C800] =	vst v63  }
0xa5: {  	_ =	swait.ge [sflag:s28], $0x2800  }
0xa6: {  	[sflag:s28] =	ssyncset.done $0x0  }
0xa7: {  	s31 =	rddreg [dreg:$0xd];
	[sflag:s28] =	ssyncadd.s32 $0xFFFFD800  }
0xa8: {  	[spmem:s31] =	stream.linear.scatter [tilespmem:s19], [sflag:$0x3], $0xA00, $0x38;
	[tilespmem:$0x1C800] =	vst v63  }
0xa9: {  	_ =	swait.ge [sflag:s28], $0xA00  }
0xaa: {  	[sflag:s28] =	ssyncset.done $0x0  }
0xab: {  	s24 =	rddreg [dreg:$0xe];
	[sflag:s28] =	ssyncadd.s32 $0xFFFFF600  }
0xac: {  	[spmem:s24] =	stream.linear.scatter [tilespmem:s10], [sflag:$0x3], $0x2800, $0x38;
	[tilespmem:$0x1C800] =	vst v63  }
0xad: {  	_ =	swait.ge [sflag:s28], $0x2800  }
0xae: {  	[sflag:s28] =	ssyncset.done $0x0  }
0xaf: {  	s31 =	rddreg [dreg:$0xf];
	[sflag:s28] =	ssyncadd.s32 $0xFFFFD800  }
0xb0: {  	[spmem:s31] =	stream.linear.scatter [tilespmem:s19], [sflag:$0x3], $0xA00, $0x38;
	[tilespmem:$0x1C800] =	vst v63  }
0xb1: {  	_ =	swait.ge [sflag:s28], $0xA00  }
0xb2: {  	[sflag:s28] =	ssyncset.done $0x0  }
.Ltmp5:
0xb3: {  	[sflag:s28] =	ssyncadd.s32 $0xFFFFF600;
	(pc) =	sbr.rel .LBB2_8-.Ltmp5, $4  }
0xb4: {  	[bflag:$0x0] =	sbarrier.arrive $0xFFFF  }
0xb5: {  	_ =	swait.ge [sflag:s3], $0x6000  }
0xb6: {  	[sflag:s3] =	ssyncset.done $0x0  }
0xb7: {  	s0 =	simm.s32 $0x0;
	s10 =	rddreg [dreg:$0x16];
	[sflag:s3] =	ssyncadd.s32 $0xFFFFA000  }
.LBB2_10:
0xb8: {  	_ =	swait.ge [sflag:s11], $0x2000  }
0xb9: {  	[sflag:s11] =	ssyncset.done $0x0  }
0xba: {  	[sflag:s11] =	ssyncadd.s32 $0xFFFFE000  }
0xbb: {  	_ =	swait.ge [sflag:s11], $0x800  }
0xbc: {  	[sflag:s11] =	ssyncset.done $0x0  }
0xbd: {  	[sflag:s11] =	ssyncadd.s32 $0xFFFFF800  }
0xbe: {  	_ =	swait.ge [sflag:s11], $0x2000  }
0xbf: {  	[sflag:s11] =	ssyncset.done $0x0  }
0xc0: {  	[sflag:s11] =	ssyncadd.s32 $0xFFFFE000  }
0xc1: {  	_ =	swait.ge [sflag:s11], $0x800  }
0xc2: {  	[sflag:s11] =	ssyncset.done $0x0  }
0xc3: {  	s0 =	sadd.s32 $0x60, s0;
	[sflag:s11] =	ssyncadd.s32 $0xFFFFF800  }
0xc4: {  	p1 =	sne.s32 s0, $0x4E0;
	_ =	swait.ge [sflag:s11], $0x2000  }
.Ltmp6:
0xc5: {  	[sflag:s11] =	ssyncset.done $0x0;
	(pc) =	sbr.rel @!p1 .LBB2_11-.Ltmp6, $4  }
0xc6: {  	[sflag:s11] =	ssyncadd.s32 $0xFFFFE000  }
0xc7: {  	_ =	swait.ge [sflag:s11], $0x800  }
0xc8: {  	[sflag:s11] =	ssyncset.done $0x0  }
0xc9: {  	s10 =	sadd.s32 $0x300, s10;
	[sflag:s11] =	ssyncadd.s32 $0xFFFFF800  }
.LBB2_8:
0xca: {  	[spmem:s2] =	stream.indirect.scatter.add.f32 [tilespmem:s30], [sflag:$0x2], $0x40, s29, s13, $0xb8;
	[tilespmem:$0x1C800] =	vst v63  }
0xcb: {  	_ = 	snop  }
0xcc: {  	[spmem:s4] =	stream.indirect.scatter.add.f32 [tilespmem:s15], [sflag:$0x2], $0x10, s29, s13, $0xb8;
	[tilespmem:$0x1C800] =	vst v63  }
0xcd: {  	_ = 	snop  }
0xce: {  	[spmem:s2] =	stream.indirect.scatter.add.f32 [tilespmem:s20], [sflag:$0x2], $0x40, s17, s13, $0xb8;
	[tilespmem:$0x1C800] =	vst v63  }
0xcf: {  	_ = 	snop  }
0xd0: {  	[spmem:s4] =	stream.indirect.scatter.add.f32 [tilespmem:s15], [sflag:$0x2], $0x10, s17, s13, $0xb8;
	[tilespmem:$0x1C800] =	vst v63  }
0xd1: {  	_ = 	snop  }
0xd2: {  	[spmem:s2] =	stream.indirect.scatter.add.f32 [tilespmem:s22], [sflag:$0x2], $0x40, s21, s13, $0xb8;
	[tilespmem:$0x1C800] =	vst v63  }
0xd3: {  	_ = 	snop  }
0xd4: {  	[spmem:s4] =	stream.indirect.scatter.add.f32 [tilespmem:s15], [sflag:$0x2], $0x10, s21, s13, $0xb8;
	[tilespmem:$0x1C800] =	vst v63  }
0xd5: {  	s24 =	sadd.s32 s0, s26  }
0xd6: {  	[tilespmem:s23], [sflag:$0x3] =	stream.linear.gather [hbm4b:s24+s5], $0x180, $0x38;
	[tilespmem:$0x1C800] =	vst v63  }
0xd7: {  	_ =	swait.ge [sflag:s28], $0x180  }
0xd8: {  	[sflag:s28] =	ssyncset.done $0x0  }
0xd9: {  	s31 =	sadd.s32 s0, s25;
	[sflag:s28] =	ssyncadd.s32 $0xFFFFFE80  }
0xda: {  	[tilespmem:s8], [sflag:$0x3] =	stream.linear.gather [hbm4b:s31+s5], $0x180, $0x38;
	[tilespmem:$0x1C800] =	vst v63  }
0xdb: {  	_ =	swait.ge [sflag:s28], $0x180  }
0xdc: {  	[sflag:s28] =	ssyncset.done $0x0  }
0xdd: {  	[sflag:s28] =	ssyncadd.s32 $0xFFFFFE80  }
0xde: {  	v2 =	vld [tilespmem:$0x300]  }
0xdf: {  	v3 =	vld [tilespmem:$0x310]  }
0xe0: {  	v4 =	vld [tilespmem:$0x320]  }
0xe1: {  	v5 =	vld [tilespmem:$0x330]  }
0xe2: {  	v6 =	vld [tilespmem:$0x340]  }
0xe3: {  	v7 =	vld [tilespmem:$0x350];
	v2 =	vshll.u32 v2, $0x1  }
0xe4: {  	[tilespmem:$0x300] =	vst v2;
	v2 =	vshll.u32 v3, $0x1;
	v3 =	vld [tilespmem:$0x360]  }
0xe5: {  	v50 =	vld [tilespmem:$0x370];
	[tilespmem:$0x310] =	vst v2;
	v2 =	vshll.u32 v4, $0x1  }
0xe6: {  	v51 =	vld [tilespmem:$0x380];
	[tilespmem:$0x320] =	vst v2;
	v2 =	vshll.u32 v5, $0x1  }
0xe7: {  	v52 =	vld [tilespmem:$0x390];
	[tilespmem:$0x330] =	vst v2;
	v2 =	vshll.u32 v6, $0x1  }
0xe8: {  	v53 =	vld [tilespmem:$0x3A0];
	[tilespmem:$0x340] =	vst v2;
	v2 =	vshll.u32 v7, $0x1  }
0xe9: {  	[tilespmem:$0x350] =	vst v2;
	v2 =	vshll.u32 v3, $0x1;
	v3 =	vld [tilespmem:$0x3B0]  }
0xea: {  	v54 =	vld [tilespmem:$0x3C0];
	[tilespmem:$0x360] =	vst v2;
	v2 =	vshll.u32 v50, $0x1  }
0xeb: {  	v55 =	vld [tilespmem:$0x3D0];
	[tilespmem:$0x370] =	vst v2;
	v2 =	vshll.u32 v51, $0x1  }
0xec: {  	v56 =	vld [tilespmem:$0x3E0];
	[tilespmem:$0x380] =	vst v2;
	v2 =	vshll.u32 v52, $0x1  }
0xed: {  	v57 =	vld [tilespmem:$0x3F0];
	[tilespmem:$0x390] =	vst v2;
	v2 =	vshll.u32 v53, $0x1  }
0xee: {  	[tilespmem:$0x3A0] =	vst v2;
	v2 =	vshll.u32 v3, $0x1;
	v3 =	vld [tilespmem:$0x400]  }
0xef: {  	v58 =	vld [tilespmem:$0x410];
	[tilespmem:$0x3B0] =	vst v2;
	v2 =	vshll.u32 v54, $0x1  }
0xf0: {  	v59 =	vld [tilespmem:$0x420];
	[tilespmem:$0x3C0] =	vst v2;
	v2 =	vshll.u32 v55, $0x1  }
0xf1: {  	v60 =	vld [tilespmem:$0x430];
	[tilespmem:$0x3D0] =	vst v2;
	v2 =	vshll.u32 v56, $0x1  }
0xf2: {  	v61 =	vld [tilespmem:$0x440];
	[tilespmem:$0x3E0] =	vst v2;
	v2 =	vshll.u32 v57, $0x1  }
0xf3: {  	[tilespmem:$0x3F0] =	vst v2;
	v2 =	vshll.u32 v3, $0x1;
	v3 =	vld [tilespmem:$0x450]  }
0xf4: {  	v62 =	vld [tilespmem:$0x460];
	[tilespmem:$0x400] =	vst v2;
	v2 =	vshll.u32 v58, $0x1  }
0xf5: {  	v63 =	vld [tilespmem:$0x470];
	[tilespmem:$0x410] =	vst v2;
	v2 =	vshll.u32 v59, $0x1  }
0xf6: {  	[tilespmem:$0x420] =	vst v2;
	v2 =	vshll.u32 v60, $0x1  }
0xf7: {  	[tilespmem:$0x430] =	vst v2;
	v2 =	vshll.u32 v61, $0x1  }
0xf8: {  	[tilespmem:$0x440] =	vst v2;
	v2 =	vshll.u32 v3, $0x1  }
0xf9: {  	[tilespmem:$0x450] =	vst v2;
	v2 =	vshll.u32 v62, $0x1  }
0xfa: {  	[tilespmem:$0x460] =	vst v2;
	v2 =	vshll.u32 v63, $0x1  }
0xfb: {  	[tilespmem:$0x470] =	vst v2  }
0xfc: {  	[tilespmem:s9], [sflag:$0x1] =	stream.indirect.gather [hbm4b:s1+s29], $0x40, s23, s29, $0xb8;
	[tilespmem:$0x1C800] =	vst v63  }
0xfd: {  	_ =	swait.ge [sflag:s11], $0x2000  }
0xfe: {  	[sflag:s11] =	ssyncset.done $0x0  }
0xff: {  	[sflag:s11] =	ssyncadd.s32 $0xFFFFE000  }
0x100: {  	_ =	swait.ge [sflag:s11], $0x800  }
0x101: {  	[sflag:s11] =	ssyncset.done $0x0  }
0x102: {  	[sflag:s11] =	ssyncadd.s32 $0xFFFFF800  }
0x103: {  	_ =	swait.ge [sflag:s11], $0x2000  }
0x104: {  	[sflag:s11] =	ssyncset.done $0x0  }
0x105: {  	[sflag:s11] =	ssyncadd.s32 $0xFFFFE000  }
0x106: {  	_ =	swait.ge [sflag:s11], $0x800  }
0x107: {  	[sflag:s11] =	ssyncset.done $0x0  }
0x108: {  	[sflag:s11] =	ssyncadd.s32 $0xFFFFF800  }
0x109: {  	_ =	swait.ge [sflag:s11], $0x2000  }
0x10a: {  	[sflag:s11] =	ssyncset.done $0x0  }
0x10b: {  	[sflag:s11] =	ssyncadd.s32 $0xFFFFE000  }
0x10c: {  	_ =	swait.ge [sflag:s11], $0x800  }
0x10d: {  	[sflag:s11] =	ssyncset.done $0x0  }
0x10e: {  	[sflag:s11] =	ssyncadd.s32 $0xFFFFF800  }
0x10f: {  	_ =	swait.ge [sflag:s3], $0x6000  }
0x110: {  	[sflag:s3] =	ssyncset.done $0x0  }
0x111: {  	[sflag:s3] =	ssyncadd.s32 $0xFFFFA000  }
0x112: {  	[spmem:s2] =	stream.indirect.scatter.add.f32 [tilespmem:s9], [sflag:$0x2], $0x40, s8, s13, $0xb8;
	[tilespmem:$0x1C800] =	vst v63  }
0x113: {  	_ = 	snop  }
0x114: {  	[spmem:s4] =	stream.indirect.scatter.add.f32 [tilespmem:s15], [sflag:$0x2], $0x10, s8, s13, $0xb8;
	[tilespmem:$0x1C800] =	vst v63  }
0x115: {  	_ = 	snop  }
0x116: {  	[spmem:s2] =	stream.indirect.scatter.add.f32 [tilespmem:s14], [sflag:$0x2], $0x40, s12, s13, $0xb8;
	[tilespmem:$0x1C800] =	vst v63  }
0x117: {  	p1 =	seq.s32 s0, $0x480  }
0x118: {  	[spmem:s4] =	stream.indirect.scatter.add.f32 [tilespmem:s15], [sflag:$0x2], $0x10, s12, s13, $0xb8;
	[tilespmem:$0x1C800] =	vst v63  }
.Ltmp7:
0x119: {  	_ = 	snop;
	(pc) =	sbr.rel @p1 .LBB2_10-.Ltmp7, $4  }
0x11a: {  	_ = 	snop  }
0x11b: {  	[spmem:s2] =	stream.indirect.scatter.add.f32 [tilespmem:s18], [sflag:$0x2], $0x40, s16, s13, $0xb8;
	[tilespmem:$0x1C800] =	vst v63  }
0x11c: {  	_ = 	snop  }
0x11d: {  	[spmem:s4] =	stream.indirect.scatter.add.f32 [tilespmem:s15], [sflag:$0x2], $0x10, s16, s13, $0xb8;
	[tilespmem:$0x1C800] =	vst v63  }
0x11e: {  	s24 =	sshrl.u32 s10, $0x3  }
0x11f: {  	s31 =	sadd.s32 s6, s24  }
0x120: {  	[tilespmem:s5], [sflag:$0x3] =	stream.linear.gather [hbm4b:s31+s5], $0x180, $0x38;
	[tilespmem:$0x1C800] =	vst v63  }
0x121: {  	_ =	swait.ge [sflag:s28], $0x180  }
0x122: {  	[sflag:s28] =	ssyncset.done $0x0  }
0x123: {  	s24 =	sadd.s32 s7, s24;
	[sflag:s28] =	ssyncadd.s32 $0xFFFFFE80  }
0x124: {  	[tilespmem:s29], [sflag:$0x3] =	stream.linear.gather [hbm4b:s24+s5], $0x180, $0x38;
	[tilespmem:$0x1C800] =	vst v63  }
0x125: {  	_ =	swait.ge [sflag:s28], $0x180  }
0x126: {  	[sflag:s28] =	ssyncset.done $0x0  }
0x127: {  	[sflag:s28] =	ssyncadd.s32 $0xFFFFFE80  }
0x128: {  	v2 =	vld [tilespmem:$0x0]  }
0x129: {  	v3 =	vld [tilespmem:$0x10]  }
0x12a: {  	v4 =	vld [tilespmem:$0x20]  }
0x12b: {  	v5 =	vld [tilespmem:$0x30]  }
0x12c: {  	v6 =	vld [tilespmem:$0x40]  }
0x12d: {  	v7 =	vld [tilespmem:$0x50];
	v2 =	vshll.u32 v2, $0x1  }
0x12e: {  	[tilespmem:$0x0] =	vst v2;
	v2 =	vshll.u32 v3, $0x1;
	v3 =	vld [tilespmem:$0x60]  }
0x12f: {  	v50 =	vld [tilespmem:$0x70];
	[tilespmem:$0x10] =	vst v2;
	v2 =	vshll.u32 v4, $0x1  }
0x130: {  	v51 =	vld [tilespmem:$0x80];
	[tilespmem:$0x20] =	vst v2;
	v2 =	vshll.u32 v5, $0x1  }
0x131: {  	v52 =	vld [tilespmem:$0x90];
	[tilespmem:$0x30] =	vst v2;
	v2 =	vshll.u32 v6, $0x1  }
0x132: {  	v53 =	vld [tilespmem:$0xA0];
	[tilespmem:$0x40] =	vst v2;
	v2 =	vshll.u32 v7, $0x1  }
0x133: {  	[tilespmem:$0x50] =	vst v2;
	v2 =	vshll.u32 v3, $0x1;
	v3 =	vld [tilespmem:$0xB0]  }
0x134: {  	v54 =	vld [tilespmem:$0xC0];
	[tilespmem:$0x60] =	vst v2;
	v2 =	vshll.u32 v50, $0x1  }
0x135: {  	v55 =	vld [tilespmem:$0xD0];
	[tilespmem:$0x70] =	vst v2;
	v2 =	vshll.u32 v51, $0x1  }
0x136: {  	v56 =	vld [tilespmem:$0xE0];
	[tilespmem:$0x80] =	vst v2;
	v2 =	vshll.u32 v52, $0x1  }
0x137: {  	v57 =	vld [tilespmem:$0xF0];
	[tilespmem:$0x90] =	vst v2;
	v2 =	vshll.u32 v53, $0x1  }
0x138: {  	[tilespmem:$0xA0] =	vst v2;
	v2 =	vshll.u32 v3, $0x1;
	v3 =	vld [tilespmem:$0x100]  }
0x139: {  	v58 =	vld [tilespmem:$0x110];
	[tilespmem:$0xB0] =	vst v2;
	v2 =	vshll.u32 v54, $0x1  }
0x13a: {  	v59 =	vld [tilespmem:$0x120];
	[tilespmem:$0xC0] =	vst v2;
	v2 =	vshll.u32 v55, $0x1  }
0x13b: {  	v60 =	vld [tilespmem:$0x130];
	[tilespmem:$0xD0] =	vst v2;
	v2 =	vshll.u32 v56, $0x1  }
0x13c: {  	v61 =	vld [tilespmem:$0x140];
	[tilespmem:$0xE0] =	vst v2;
	v2 =	vshll.u32 v57, $0x1  }
0x13d: {  	[tilespmem:$0xF0] =	vst v2;
	v2 =	vshll.u32 v3, $0x1;
	v3 =	vld [tilespmem:$0x150]  }
0x13e: {  	v62 =	vld [tilespmem:$0x160];
	[tilespmem:$0x100] =	vst v2;
	v2 =	vshll.u32 v58, $0x1  }
0x13f: {  	v63 =	vld [tilespmem:$0x170];
	[tilespmem:$0x110] =	vst v2;
	v2 =	vshll.u32 v59, $0x1  }
0x140: {  	[tilespmem:$0x120] =	vst v2;
	v2 =	vshll.u32 v60, $0x1  }
0x141: {  	[tilespmem:$0x130] =	vst v2;
	v2 =	vshll.u32 v61, $0x1  }
0x142: {  	[tilespmem:$0x140] =	vst v2;
	v2 =	vshll.u32 v3, $0x1  }
0x143: {  	[tilespmem:$0x150] =	vst v2;
	v2 =	vshll.u32 v62, $0x1  }
0x144: {  	[tilespmem:$0x160] =	vst v2;
	v2 =	vshll.u32 v63, $0x1  }
.Ltmp8:
0x145: {  	[tilespmem:$0x170] =	vst v2;
	(pc) =	sbr.rel .LBB2_10-.Ltmp8, $4  }
0x146: {  	[tilespmem:s30], [sflag:$0x1] =	stream.indirect.gather [hbm4b:s1+s29], $0x40, s5, s29, $0xb8;
	[tilespmem:$0x1C800] =	vst v63  }
0x147: {  	_ =	swait.ge [sflag:s3], $0x6000  }
0x148: {  	[sflag:s3] =	ssyncset.done $0x0  }
0x149: {  	[sflag:s3] =	ssyncadd.s32 $0xFFFFA000  }
.LBB2_11:
0x14a: {  	s0 =	simm.s32 @!p0 $0x0;
	s10 =	simm.s32 @!p0 $0x300;
	s24 =	rddreg [dreg:$0x10]  }
0x14b: {  	[tilespmem:s10], [sflag:$0x3] =	stream.linear.gather @!p0 [hbm4b:s24+s0], $0x80, $0x38;
	[tilespmem:$0x1C800] =	vst v63  }
0x14c: {  	s24 =	simm.s32 @!p0 $0x3  }
0x14d: {  	_ =	swait.ge @!p0 [sflag:s24], $0x80  }
0x14e: {  	[sflag:s24] =	ssyncset.done @!p0 $0x0  }
0x14f: {  	s31 =	simm.s32 @!p0 $0x480;
	s19 =	rddreg [dreg:$0x11];
	[sflag:s24] =	ssyncadd.s32 @!p0 $0xFFFFFF80  }
0x150: {  	[tilespmem:s31], [sflag:$0x3] =	stream.linear.gather @!p0 [hbm4b:s19+s0], $0x80, $0x38;
	[tilespmem:$0x1C800] =	vst v63  }
0x151: {  	_ =	swait.ge @!p0 [sflag:s24], $0x80  }
0x152: {  	[sflag:s24] =	ssyncset.done @!p0 $0x0  }
0x153: {  	[sflag:s24] =	ssyncadd.s32 @!p0 $0xFFFFFF80  }
0x154: {  	v2 =	vld @!p0 [tilespmem:$0x300]  }
0x155: {  	v3 =	vld @!p0 [tilespmem:$0x310]  }
0x156: {  	v4 =	vld @!p0 [tilespmem:$0x320]  }
0x157: {  	v5 =	vld @!p0 [tilespmem:$0x330]  }
0x158: {  	v6 =	vld @!p0 [tilespmem:$0x340]  }
0x159: {  	v7 =	vld @!p0 [tilespmem:$0x350];
	v2 =	vshll.u32 @!p0 v2, $0x1  }
0x15a: {  	[tilespmem:$0x300] =	vst @!p0 v2;
	v2 =	vshll.u32 @!p0 v3, $0x1;
	v3 =	vld @!p0 [tilespmem:$0x360]  }
0x15b: {  	[tilespmem:$0x310] =	vst @!p0 v2;
	v2 =	vshll.u32 @!p0 v4, $0x1;
	v4 =	vld @!p0 [tilespmem:$0x370]  }
0x15c: {  	[tilespmem:$0x320] =	vst @!p0 v2;
	v2 =	vshll.u32 @!p0 v5, $0x1  }
0x15d: {  	[tilespmem:$0x330] =	vst @!p0 v2;
	v2 =	vshll.u32 @!p0 v6, $0x1  }
0x15e: {  	[tilespmem:$0x340] =	vst @!p0 v2;
	v2 =	vshll.u32 @!p0 v7, $0x1  }
0x15f: {  	[tilespmem:$0x350] =	vst @!p0 v2;
	v2 =	vshll.u32 @!p0 v3, $0x1  }
0x160: {  	[tilespmem:$0x360] =	vst @!p0 v2;
	v2 =	vshll.u32 @!p0 v4, $0x1  }
0x161: {  	s0 =	simm.s32 @!p0 $0x80;
	s24 =	simm.s32 @!p0 $0x6600;
	[tilespmem:$0x370] =	vst @!p0 v2  }
0x162: {  	[tilespmem:s24], [sflag:$0x1] =	stream.indirect.gather @!p0 [hbm4b:s1+s0], $0x40, s10, s0, $0xb8;
	[tilespmem:$0x1C800] =	vst v63  }
0x163: {  	s10 =	simm.s32 @!p0 $0x1  }
0x164: {  	_ =	swait.ge @!p0 [sflag:s10], $0x2000  }
0x165: {  	[sflag:s10] =	ssyncset.done @!p0 $0x0  }
0x166: {  	[sflag:s10] =	ssyncadd.s32 @!p0 $0xFFFFE000  }
0x167: {  	[spmem:s2] =	stream.indirect.scatter.add.f32 @!p0 [tilespmem:s24], [sflag:$0x2], $0x40, s31, s0, $0xb8;
	[tilespmem:$0x1C800] =	vst v63  }
0x168: {  	s10 =	simm.s32 @!p0 $0xC600  }
0x169: {  	[spmem:s4] =	stream.indirect.scatter.add.f32 @!p0 [tilespmem:s10], [sflag:$0x2], $0x10, s31, s0, $0xb8;
	[tilespmem:$0x1C800] =	vst v63  }
0x16a: {  	s0 =	simm.s32 @!p0 $0x2  }
0x16b: {  	_ =	swait.ge @!p0 [sflag:s0], $0x2000  }
0x16c: {  	[sflag:s0] =	ssyncset.done @!p0 $0x0  }
0x16d: {  	[sflag:s0] =	ssyncadd.s32 @!p0 $0xFFFFE000  }
0x16e: {  	_ =	swait.ge @!p0 [sflag:s0], $0x800  }
0x16f: {  	[sflag:s0] =	ssyncset.done @!p0 $0x0  }
0x170: {  	[sflag:s0] =	ssyncadd.s32 @!p0 $0xFFFFF800  }
0x171: {  	s24 =	stileid.u32;
	[bflag:$0x0] =	sbarrier.arrive $0xFFFF  }
0x172: {  	s0 =	sshll.u32 s24, $0x6;
	s24 =	rddreg [dreg:$0x8]  }
0x173: {  	s19 =	sor.u32 $0x1C01, s0;
	s0 =	rddreg [dreg:$0x12];
	s10 =	sshrl.u32 s24, $0x3  }
0x174: {  	[dreg:$0x19] =	wrdreg s10  }
0x175: {  	[hbm:s0], [sflag:s19] =	dma.local [spmem:s10], $0x1400  }
0x176: {  	[dreg:$0x18] =	wrdreg s19  }
0x177: {  	s0 =	rddreg [dreg:$0x9]  }
0x178: {  	s10 =	sshrl.u32 s0, $0x3;
	s0 =	rddreg [dreg:$0x13]  }
0x179: {  	[hbm:s0], [sflag:s19] =	dma.local [spmem:s10], $0x500  }
0x17a: {  	_ =	swait.ge [sflag:s3], $0x1400  }
0x17b: {  	[sflag:s3] =	ssyncset.done $0x0  }
0x17c: {  	[sflag:s3] =	ssyncadd.s32 $0xFFFFEC00  }
0x17d: {  	_ =	swait.ge [sflag:s3], $0x500  }
0x17e: {  	[sflag:s3] =	ssyncset.done $0x0  }
0x17f: {  	s10 =	simm.s32 $0x0;
	s0 =	rddreg [dreg:$0x6];
	[sflag:s3] =	ssyncadd.s32 $0xFFFFFB00  }
0x180: {  	[tilespmem:s10], [sflag:$0x3] =	stream.linear.gather [hbm4b:s0+s10], $0x180, $0x38;
	[tilespmem:$0x1C800] =	vst v63  }
0x181: {  	_ =	swait.ge [sflag:s28], $0x180  }
0x182: {  	[sflag:s28] =	ssyncset.done $0x0  }
0x183: {  	s0 =	rddreg [dreg:$0x7];
	[sflag:s28] =	ssyncadd.s32 $0xFFFFFE80  }
0x184: {  	[tilespmem:s29], [sflag:$0x3] =	stream.linear.gather [hbm4b:s0+s10], $0x180, $0x38;
	[tilespmem:$0x1C800] =	vst v63  }
0x185: {  	_ =	swait.ge [sflag:s28], $0x180  }
0x186: {  	[sflag:s28] =	ssyncset.done $0x0  }
0x187: {  	[sflag:s28] =	ssyncadd.s32 $0xFFFFFE80  }
0x188: {  	v2 =	vld [tilespmem:$0x0]  }
0x189: {  	v3 =	vld [tilespmem:$0x10]  }
0x18a: {  	v43 =	vld [tilespmem:$0x20]  }
0x18b: {  	v44 =	vld [tilespmem:$0x30]  }
0x18c: {  	v45 =	vld [tilespmem:$0x40]  }
0x18d: {  	v46 =	vld [tilespmem:$0x50];
	v2 =	vshll.u32 v2, $0x1  }
0x18e: {  	v8 =	vld [tilespmem:$0x60];
	v3 =	vshll.u32 v3, $0x1;
	v2 =	vor.u32 $0x1, v2  }
0x18f: {  	v47 =	vld [tilespmem:$0x70];
	[tilespmem:$0x0] =	vst v2;
	v2 =	vor.u32 $0x1, v3;
	v3 =	vshll.u32 v43, $0x1  }
0x190: {  	v48 =	vld [tilespmem:$0x80];
	[tilespmem:$0x10] =	vst v2;
	v2 =	vor.u32 $0x1, v3;
	v3 =	vshll.u32 v44, $0x1  }
0x191: {  	v49 =	vld [tilespmem:$0x90];
	[tilespmem:$0x20] =	vst v2;
	v2 =	vor.u32 $0x1, v3;
	v3 =	vshll.u32 v45, $0x1  }
0x192: {  	v50 =	vld [tilespmem:$0xA0];
	[tilespmem:$0x30] =	vst v2;
	v2 =	vor.u32 $0x1, v3;
	v3 =	vshll.u32 v46, $0x1  }
0x193: {  	v51 =	vld [tilespmem:$0xB0];
	[tilespmem:$0x40] =	vst v2;
	v2 =	vor.u32 $0x1, v3;
	v3 =	vshll.u32 v8, $0x1  }
0x194: {  	v52 =	vld [tilespmem:$0xC0];
	[tilespmem:$0x50] =	vst v2;
	v2 =	vor.u32 $0x1, v3;
	v3 =	vshll.u32 v47, $0x1  }
0x195: {  	v53 =	vld [tilespmem:$0xD0];
	[tilespmem:$0x60] =	vst v2;
	v2 =	vor.u32 $0x1, v3;
	v3 =	vshll.u32 v48, $0x1  }
0x196: {  	v54 =	vld [tilespmem:$0xE0];
	[tilespmem:$0x70] =	vst v2;
	v2 =	vor.u32 $0x1, v3;
	v3 =	vshll.u32 v49, $0x1  }
0x197: {  	v55 =	vld [tilespmem:$0xF0];
	[tilespmem:$0x80] =	vst v2;
	v2 =	vor.u32 $0x1, v3;
	v3 =	vshll.u32 v50, $0x1  }
0x198: {  	v56 =	vld [tilespmem:$0x100];
	[tilespmem:$0x90] =	vst v2;
	v2 =	vor.u32 $0x1, v3;
	v3 =	vshll.u32 v51, $0x1  }
0x199: {  	v57 =	vld [tilespmem:$0x110];
	[tilespmem:$0xA0] =	vst v2;
	v2 =	vor.u32 $0x1, v3;
	v3 =	vshll.u32 v52, $0x1  }
0x19a: {  	v58 =	vld [tilespmem:$0x120];
	[tilespmem:$0xB0] =	vst v2;
	v2 =	vor.u32 $0x1, v3;
	v3 =	vshll.u32 v53, $0x1  }
0x19b: {  	v59 =	vld [tilespmem:$0x130];
	[tilespmem:$0xC0] =	vst v2;
	v2 =	vor.u32 $0x1, v3;
	v3 =	vshll.u32 v54, $0x1  }
0x19c: {  	v60 =	vld [tilespmem:$0x140];
	[tilespmem:$0xD0] =	vst v2;
	v2 =	vor.u32 $0x1, v3;
	v3 =	vshll.u32 v55, $0x1  }
0x19d: {  	v61 =	vld [tilespmem:$0x150];
	[tilespmem:$0xE0] =	vst v2;
	v2 =	vor.u32 $0x1, v3;
	v3 =	vshll.u32 v56, $0x1  }
0x19e: {  	v62 =	vld [tilespmem:$0x160];
	[tilespmem:$0xF0] =	vst v2;
	v2 =	vor.u32 $0x1, v3;
	v3 =	vshll.u32 v57, $0x1  }
0x19f: {  	v63 =	vld [tilespmem:$0x170];
	[tilespmem:$0x100] =	vst v2;
	v2 =	vor.u32 $0x1, v3;
	v3 =	vshll.u32 v58, $0x1  }
0x1a0: {  	[tilespmem:$0x110] =	vst v2;
	v2 =	vor.u32 $0x1, v3;
	v3 =	vshll.u32 v59, $0x1  }
0x1a1: {  	[tilespmem:$0x120] =	vst v2;
	v2 =	vor.u32 $0x1, v3;
	v3 =	vshll.u32 v60, $0x1  }
0x1a2: {  	[tilespmem:$0x130] =	vst v2;
	v2 =	vor.u32 $0x1, v3;
	v3 =	vshll.u32 v61, $0x1  }
0x1a3: {  	[tilespmem:$0x140] =	vst v2;
	v2 =	vor.u32 $0x1, v3;
	v3 =	vshll.u32 v62, $0x1  }
0x1a4: {  	[tilespmem:$0x150] =	vst v2;
	v2 =	vor.u32 $0x1, v3;
	v3 =	vshll.u32 v63, $0x1  }
0x1a5: {  	[tilespmem:$0x160] =	vst v2;
	v2 =	vor.u32 $0x1, v3  }
0x1a6: {  	[tilespmem:$0x170] =	vst v2  }
0x1a7: {  	[tilespmem:s30], [sflag:$0x1] =	stream.indirect.gather [hbm4b:s1+s29], $0x40, s10, s29, $0xb8;
	[tilespmem:$0x1C800] =	vst v63  }
0x1a8: {  	s0 =	simm.s32 $0xD800  }
0x1a9: {  	[spmem:s24] =	stream.linear.scatter [tilespmem:s0], [sflag:$0x3], $0x2800, $0x38;
	[tilespmem:$0x1C800] =	vst v63  }
0x1aa: {  	_ =	swait.ge [sflag:s28], $0x2800  }
0x1ab: {  	[sflag:s28] =	ssyncset.done $0x0  }
0x1ac: {  	s24 =	rddreg [dreg:$0xa];
	[sflag:s28] =	ssyncadd.s32 $0xFFFFD800  }
0x1ad: {  	[spmem:s24] =	stream.linear.scatter [tilespmem:s0], [sflag:$0x3], $0x2800, $0x38;
	[tilespmem:$0x1C800] =	vst v63  }
0x1ae: {  	_ =	swait.ge [sflag:s28], $0x2800  }
0x1af: {  	[sflag:s28] =	ssyncset.done $0x0  }
0x1b0: {  	s24 =	rddreg [dreg:$0xc];
	[sflag:s28] =	ssyncadd.s32 $0xFFFFD800  }
0x1b1: {  	[spmem:s24] =	stream.linear.scatter [tilespmem:s0], [sflag:$0x3], $0x2800, $0x38;
	[tilespmem:$0x1C800] =	vst v63  }
0x1b2: {  	_ =	swait.ge [sflag:s28], $0x2800  }
0x1b3: {  	[sflag:s28] =	ssyncset.done $0x0  }
0x1b4: {  	s24 =	rddreg [dreg:$0xe];
	[sflag:s28] =	ssyncadd.s32 $0xFFFFD800  }
0x1b5: {  	[spmem:s24] =	stream.linear.scatter [tilespmem:s0], [sflag:$0x3], $0x2800, $0x38;
	[tilespmem:$0x1C800] =	vst v63  }
0x1b6: {  	_ =	swait.ge [sflag:s28], $0x2800  }
0x1b7: {  	[sflag:s28] =	ssyncset.done $0x0  }
.Ltmp9:
0x1b8: {  	[sflag:s28] =	ssyncadd.s32 $0xFFFFD800;
	(pc) =	sbr.rel .LBB2_12-.Ltmp9, $4  }
0x1b9: {  	[bflag:$0x0] =	sbarrier.arrive $0xFFFF  }
0x1ba: {  	_ =	swait.ge [sflag:s3], $0x6000  }
0x1bb: {  	[sflag:s3] =	ssyncset.done $0x0  }
0x1bc: {  	s31 =	rddreg [dreg:$0x16];
	[sflag:s3] =	ssyncadd.s32 $0xFFFFA000  }
.LBB2_14:
0x1bd: {  	_ =	swait.ge [sflag:s11], $0x2000  }
0x1be: {  	[sflag:s11] =	ssyncset.done $0x0  }
0x1bf: {  	s10 =	sadd.s32 $0x60, s10;
	[sflag:s11] =	ssyncadd.s32 $0xFFFFE000  }
0x1c0: {  	p1 =	sne.s32 s10, $0x4E0;
	_ =	swait.ge [sflag:s11], $0x2000  }
.Ltmp10:
0x1c1: {  	[sflag:s11] =	ssyncset.done $0x0;
	(pc) =	sbr.rel @!p1 .LBB2_15-.Ltmp10, $4  }
0x1c2: {  	[sflag:s11] =	ssyncadd.s32 $0xFFFFE000  }
0x1c3: {  	_ =	swait.ge [sflag:s11], $0x2000  }
0x1c4: {  	[sflag:s11] =	ssyncset.done $0x0  }
0x1c5: {  	s31 =	sadd.s32 $0x300, s31;
	[sflag:s11] =	ssyncadd.s32 $0xFFFFE000  }
.LBB2_12:
0x1c6: {  	[spmem:s2] =	stream.indirect.scatter.add.f32 [tilespmem:s30], [sflag:$0x2], $0x40, s29, s13, $0xb8;
	[tilespmem:$0x1C800] =	vst v63  }
0x1c7: {  	_ = 	snop  }
0x1c8: {  	[spmem:s2] =	stream.indirect.scatter.add.f32 [tilespmem:s20], [sflag:$0x2], $0x40, s17, s13, $0xb8;
	[tilespmem:$0x1C800] =	vst v63  }
0x1c9: {  	_ = 	snop  }
0x1ca: {  	[spmem:s2] =	stream.indirect.scatter.add.f32 [tilespmem:s22], [sflag:$0x2], $0x40, s21, s13, $0xb8;
	[tilespmem:$0x1C800] =	vst v63  }
0x1cb: {  	s24 =	sadd.s32 s10, s26  }
0x1cc: {  	[tilespmem:s23], [sflag:$0x3] =	stream.linear.gather [hbm4b:s24+s5], $0x180, $0x38;
	[tilespmem:$0x1C800] =	vst v63  }
0x1cd: {  	_ =	swait.ge [sflag:s28], $0x180  }
0x1ce: {  	[sflag:s28] =	ssyncset.done $0x0  }
0x1cf: {  	s19 =	sadd.s32 s10, s25;
	[sflag:s28] =	ssyncadd.s32 $0xFFFFFE80  }
0x1d0: {  	[tilespmem:s8], [sflag:$0x3] =	stream.linear.gather [hbm4b:s19+s5], $0x180, $0x38;
	[tilespmem:$0x1C800] =	vst v63  }
0x1d1: {  	_ =	swait.ge [sflag:s28], $0x180  }
0x1d2: {  	[sflag:s28] =	ssyncset.done $0x0  }
0x1d3: {  	[sflag:s28] =	ssyncadd.s32 $0xFFFFFE80  }
0x1d4: {  	v2 =	vld [tilespmem:$0x300]  }
0x1d5: {  	v3 =	vld [tilespmem:$0x310]  }
0x1d6: {  	v4 =	vld [tilespmem:$0x320]  }
0x1d7: {  	v5 =	vld [tilespmem:$0x330]  }
0x1d8: {  	v6 =	vld [tilespmem:$0x340]  }
0x1d9: {  	v7 =	vld [tilespmem:$0x350];
	v2 =	vshll.u32 v2, $0x1  }
0x1da: {  	v8 =	vld [tilespmem:$0x360];
	v3 =	vshll.u32 v3, $0x1;
	v2 =	vor.u32 $0x1, v2  }
0x1db: {  	v47 =	vld [tilespmem:$0x370];
	[tilespmem:$0x300] =	vst v2;
	v2 =	vor.u32 $0x1, v3;
	v3 =	vshll.u32 v4, $0x1  }
0x1dc: {  	v48 =	vld [tilespmem:$0x380];
	[tilespmem:$0x310] =	vst v2;
	v2 =	vor.u32 $0x1, v3;
	v3 =	vshll.u32 v5, $0x1  }
0x1dd: {  	v49 =	vld [tilespmem:$0x390];
	[tilespmem:$0x320] =	vst v2;
	v2 =	vor.u32 $0x1, v3;
	v3 =	vshll.u32 v6, $0x1  }
0x1de: {  	v50 =	vld [tilespmem:$0x3A0];
	[tilespmem:$0x330] =	vst v2;
	v2 =	vor.u32 $0x1, v3;
	v3 =	vshll.u32 v7, $0x1  }
0x1df: {  	v51 =	vld [tilespmem:$0x3B0];
	[tilespmem:$0x340] =	vst v2;
	v2 =	vor.u32 $0x1, v3;
	v3 =	vshll.u32 v8, $0x1  }
0x1e0: {  	v52 =	vld [tilespmem:$0x3C0];
	[tilespmem:$0x350] =	vst v2;
	v2 =	vor.u32 $0x1, v3;
	v3 =	vshll.u32 v47, $0x1  }
0x1e1: {  	v53 =	vld [tilespmem:$0x3D0];
	[tilespmem:$0x360] =	vst v2;
	v2 =	vor.u32 $0x1, v3;
	v3 =	vshll.u32 v48, $0x1  }
0x1e2: {  	v54 =	vld [tilespmem:$0x3E0];
	[tilespmem:$0x370] =	vst v2;
	v2 =	vor.u32 $0x1, v3;
	v3 =	vshll.u32 v49, $0x1  }
0x1e3: {  	v55 =	vld [tilespmem:$0x3F0];
	[tilespmem:$0x380] =	vst v2;
	v2 =	vor.u32 $0x1, v3;
	v3 =	vshll.u32 v50, $0x1  }
0x1e4: {  	v56 =	vld [tilespmem:$0x400];
	[tilespmem:$0x390] =	vst v2;
	v2 =	vor.u32 $0x1, v3;
	v3 =	vshll.u32 v51, $0x1  }
0x1e5: {  	v57 =	vld [tilespmem:$0x410];
	[tilespmem:$0x3A0] =	vst v2;
	v2 =	vor.u32 $0x1, v3;
	v3 =	vshll.u32 v52, $0x1  }
0x1e6: {  	v58 =	vld [tilespmem:$0x420];
	[tilespmem:$0x3B0] =	vst v2;
	v2 =	vor.u32 $0x1, v3;
	v3 =	vshll.u32 v53, $0x1  }
0x1e7: {  	v59 =	vld [tilespmem:$0x430];
	[tilespmem:$0x3C0] =	vst v2;
	v2 =	vor.u32 $0x1, v3;
	v3 =	vshll.u32 v54, $0x1  }
0x1e8: {  	v60 =	vld [tilespmem:$0x440];
	[tilespmem:$0x3D0] =	vst v2;
	v2 =	vor.u32 $0x1, v3;
	v3 =	vshll.u32 v55, $0x1  }
0x1e9: {  	v61 =	vld [tilespmem:$0x450];
	[tilespmem:$0x3E0] =	vst v2;
	v2 =	vor.u32 $0x1, v3;
	v3 =	vshll.u32 v56, $0x1  }
0x1ea: {  	v62 =	vld [tilespmem:$0x460];
	[tilespmem:$0x3F0] =	vst v2;
	v2 =	vor.u32 $0x1, v3;
	v3 =	vshll.u32 v57, $0x1  }
0x1eb: {  	v63 =	vld [tilespmem:$0x470];
	[tilespmem:$0x400] =	vst v2;
	v2 =	vor.u32 $0x1, v3;
	v3 =	vshll.u32 v58, $0x1  }
0x1ec: {  	[tilespmem:$0x410] =	vst v2;
	v2 =	vor.u32 $0x1, v3;
	v3 =	vshll.u32 v59, $0x1  }
0x1ed: {  	[tilespmem:$0x420] =	vst v2;
	v2 =	vor.u32 $0x1, v3;
	v3 =	vshll.u32 v60, $0x1  }
0x1ee: {  	[tilespmem:$0x430] =	vst v2;
	v2 =	vor.u32 $0x1, v3;
	v3 =	vshll.u32 v61, $0x1  }
0x1ef: {  	[tilespmem:$0x440] =	vst v2;
	v2 =	vor.u32 $0x1, v3;
	v3 =	vshll.u32 v62, $0x1  }
0x1f0: {  	[tilespmem:$0x450] =	vst v2;
	v2 =	vor.u32 $0x1, v3;
	v3 =	vshll.u32 v63, $0x1  }
0x1f1: {  	[tilespmem:$0x460] =	vst v2;
	v2 =	vor.u32 $0x1, v3  }
0x1f2: {  	[tilespmem:$0x470] =	vst v2  }
0x1f3: {  	[tilespmem:s9], [sflag:$0x1] =	stream.indirect.gather [hbm4b:s1+s29], $0x40, s23, s29, $0xb8;
	[tilespmem:$0x1C800] =	vst v63  }
0x1f4: {  	_ =	swait.ge [sflag:s11], $0x2000  }
0x1f5: {  	[sflag:s11] =	ssyncset.done $0x0  }
0x1f6: {  	[sflag:s11] =	ssyncadd.s32 $0xFFFFE000  }
0x1f7: {  	_ =	swait.ge [sflag:s11], $0x2000  }
0x1f8: {  	[sflag:s11] =	ssyncset.done $0x0  }
0x1f9: {  	[sflag:s11] =	ssyncadd.s32 $0xFFFFE000  }
0x1fa: {  	_ =	swait.ge [sflag:s11], $0x2000  }
0x1fb: {  	[sflag:s11] =	ssyncset.done $0x0  }
0x1fc: {  	[sflag:s11] =	ssyncadd.s32 $0xFFFFE000  }
0x1fd: {  	_ =	swait.ge [sflag:s3], $0x6000  }
0x1fe: {  	[sflag:s3] =	ssyncset.done $0x0  }
0x1ff: {  	p1 =	seq.s32 s10, $0x480;
	[sflag:s3] =	ssyncadd.s32 $0xFFFFA000  }
0x200: {  	[spmem:s2] =	stream.indirect.scatter.add.f32 [tilespmem:s9], [sflag:$0x2], $0x40, s8, s13, $0xb8;
	[tilespmem:$0x1C800] =	vst v63  }
.Ltmp11:
0x201: {  	_ = 	snop;
	(pc) =	sbr.rel @p1 .LBB2_14-.Ltmp11, $4  }
0x202: {  	_ = 	snop  }
0x203: {  	[spmem:s2] =	stream.indirect.scatter.add.f32 [tilespmem:s14], [sflag:$0x2], $0x40, s12, s13, $0xb8;
	[tilespmem:$0x1C800] =	vst v63  }
0x204: {  	_ = 	snop  }
0x205: {  	[spmem:s2] =	stream.indirect.scatter.add.f32 [tilespmem:s18], [sflag:$0x2], $0x40, s16, s13, $0xb8;
	[tilespmem:$0x1C800] =	vst v63  }
0x206: {  	s24 =	sshrl.u32 s31, $0x3  }
0x207: {  	s19 =	sadd.s32 s6, s24  }
0x208: {  	[tilespmem:s5], [sflag:$0x3] =	stream.linear.gather [hbm4b:s19+s5], $0x180, $0x38;
	[tilespmem:$0x1C800] =	vst v63  }
0x209: {  	_ =	swait.ge [sflag:s28], $0x180  }
0x20a: {  	[sflag:s28] =	ssyncset.done $0x0  }
0x20b: {  	s24 =	sadd.s32 s7, s24;
	[sflag:s28] =	ssyncadd.s32 $0xFFFFFE80  }
0x20c: {  	[tilespmem:s29], [sflag:$0x3] =	stream.linear.gather [hbm4b:s24+s5], $0x180, $0x38;
	[tilespmem:$0x1C800] =	vst v63  }
0x20d: {  	_ =	swait.ge [sflag:s28], $0x180  }
0x20e: {  	[sflag:s28] =	ssyncset.done $0x0  }
0x20f: {  	[sflag:s28] =	ssyncadd.s32 $0xFFFFFE80  }
0x210: {  	v2 =	vld [tilespmem:$0x0]  }
0x211: {  	v3 =	vld [tilespmem:$0x10]  }
0x212: {  	v4 =	vld [tilespmem:$0x20]  }
0x213: {  	v5 =	vld [tilespmem:$0x30]  }
0x214: {  	v6 =	vld [tilespmem:$0x40]  }
0x215: {  	v7 =	vld [tilespmem:$0x50];
	v2 =	vshll.u32 v2, $0x1  }
0x216: {  	v8 =	vld [tilespmem:$0x60];
	v3 =	vshll.u32 v3, $0x1;
	v2 =	vor.u32 $0x1, v2  }
0x217: {  	v47 =	vld [tilespmem:$0x70];
	[tilespmem:$0x0] =	vst v2;
	v2 =	vor.u32 $0x1, v3;
	v3 =	vshll.u32 v4, $0x1  }
0x218: {  	v48 =	vld [tilespmem:$0x80];
	[tilespmem:$0x10] =	vst v2;
	v2 =	vor.u32 $0x1, v3;
	v3 =	vshll.u32 v5, $0x1  }
0x219: {  	v49 =	vld [tilespmem:$0x90];
	[tilespmem:$0x20] =	vst v2;
	v2 =	vor.u32 $0x1, v3;
	v3 =	vshll.u32 v6, $0x1  }
0x21a: {  	v50 =	vld [tilespmem:$0xA0];
	[tilespmem:$0x30] =	vst v2;
	v2 =	vor.u32 $0x1, v3;
	v3 =	vshll.u32 v7, $0x1  }
0x21b: {  	v51 =	vld [tilespmem:$0xB0];
	[tilespmem:$0x40] =	vst v2;
	v2 =	vor.u32 $0x1, v3;
	v3 =	vshll.u32 v8, $0x1  }
0x21c: {  	v52 =	vld [tilespmem:$0xC0];
	[tilespmem:$0x50] =	vst v2;
	v2 =	vor.u32 $0x1, v3;
	v3 =	vshll.u32 v47, $0x1  }
0x21d: {  	v53 =	vld [tilespmem:$0xD0];
	[tilespmem:$0x60] =	vst v2;
	v2 =	vor.u32 $0x1, v3;
	v3 =	vshll.u32 v48, $0x1  }
0x21e: {  	v54 =	vld [tilespmem:$0xE0];
	[tilespmem:$0x70] =	vst v2;
	v2 =	vor.u32 $0x1, v3;
	v3 =	vshll.u32 v49, $0x1  }
0x21f: {  	v55 =	vld [tilespmem:$0xF0];
	[tilespmem:$0x80] =	vst v2;
	v2 =	vor.u32 $0x1, v3;
	v3 =	vshll.u32 v50, $0x1  }
0x220: {  	v56 =	vld [tilespmem:$0x100];
	[tilespmem:$0x90] =	vst v2;
	v2 =	vor.u32 $0x1, v3;
	v3 =	vshll.u32 v51, $0x1  }
0x221: {  	v57 =	vld [tilespmem:$0x110];
	[tilespmem:$0xA0] =	vst v2;
	v2 =	vor.u32 $0x1, v3;
	v3 =	vshll.u32 v52, $0x1  }
0x222: {  	v58 =	vld [tilespmem:$0x120];
	[tilespmem:$0xB0] =	vst v2;
	v2 =	vor.u32 $0x1, v3;
	v3 =	vshll.u32 v53, $0x1  }
0x223: {  	v59 =	vld [tilespmem:$0x130];
	[tilespmem:$0xC0] =	vst v2;
	v2 =	vor.u32 $0x1, v3;
	v3 =	vshll.u32 v54, $0x1  }
0x224: {  	v60 =	vld [tilespmem:$0x140];
	[tilespmem:$0xD0] =	vst v2;
	v2 =	vor.u32 $0x1, v3;
	v3 =	vshll.u32 v55, $0x1  }
0x225: {  	v61 =	vld [tilespmem:$0x150];
	[tilespmem:$0xE0] =	vst v2;
	v2 =	vor.u32 $0x1, v3;
	v3 =	vshll.u32 v56, $0x1  }
0x226: {  	v62 =	vld [tilespmem:$0x160];
	[tilespmem:$0xF0] =	vst v2;
	v2 =	vor.u32 $0x1, v3;
	v3 =	vshll.u32 v57, $0x1  }
0x227: {  	v63 =	vld [tilespmem:$0x170];
	[tilespmem:$0x100] =	vst v2;
	v2 =	vor.u32 $0x1, v3;
	v3 =	vshll.u32 v58, $0x1  }
0x228: {  	[tilespmem:$0x110] =	vst v2;
	v2 =	vor.u32 $0x1, v3;
	v3 =	vshll.u32 v59, $0x1  }
0x229: {  	[tilespmem:$0x120] =	vst v2;
	v2 =	vor.u32 $0x1, v3;
	v3 =	vshll.u32 v60, $0x1  }
0x22a: {  	[tilespmem:$0x130] =	vst v2;
	v2 =	vor.u32 $0x1, v3;
	v3 =	vshll.u32 v61, $0x1  }
0x22b: {  	[tilespmem:$0x140] =	vst v2;
	v2 =	vor.u32 $0x1, v3;
	v3 =	vshll.u32 v62, $0x1  }
0x22c: {  	[tilespmem:$0x150] =	vst v2;
	v2 =	vor.u32 $0x1, v3;
	v3 =	vshll.u32 v63, $0x1  }
0x22d: {  	[tilespmem:$0x160] =	vst v2;
	v2 =	vor.u32 $0x1, v3  }
.Ltmp12:
0x22e: {  	[tilespmem:$0x170] =	vst v2;
	(pc) =	sbr.rel .LBB2_14-.Ltmp12, $4  }
0x22f: {  	[tilespmem:s30], [sflag:$0x1] =	stream.indirect.gather [hbm4b:s1+s29], $0x40, s5, s29, $0xb8;
	[tilespmem:$0x1C800] =	vst v63  }
0x230: {  	_ =	swait.ge [sflag:s3], $0x6000  }
0x231: {  	[sflag:s3] =	ssyncset.done $0x0  }
0x232: {  	[sflag:s3] =	ssyncadd.s32 $0xFFFFA000  }
.LBB2_16:
0x233: {  	_ =	sfence.sel $0x180000  }
0x234: {  	[bflag:$0x0] =	sbarrier.arrive $0xFFFF  }
0x235: {  	_ =	strace $0x90000047  }
0x236: {  	s0 =	stileid.u32;
	[bflag:$0x2] =	sbarrier.arrive $0xFFFF  }
0x237: {  	p0 =	sne.s32 s0, $0x0;
	s0 =	rddreg [dreg:$0x5]  }
0x238: {  	s0 =	sadd.s32 @!p0 $0x100000, s0  }
0x239: {  	[sflag:s0] =	ssyncadd.tile.s32 @!p0 $0x1;
	_ =	shalt  }
.Lfunc_end2:
_tile_overlayer_lowered:
.L_overlay_start_2:
0x23a: {  	(tag) =	ssettag $0x2  }
0x23b: {  	s0 =	rddreg [dreg:$0x0];
	s2 =	stileid.u32  }
0x23c: {  	s1 =	rddreg [dreg:$0x1];
	p0 =	sne.s32 s2, $0x0  }
0x23d: {  	s3 =	rddreg [dreg:$0x2];
	[bflag:$0x3] =	sbarrier.arrive $0xFFFF;
	s2 =	simm.s32 @!p0 $0x1C03  }
0x23e: {  	[timem:s3], [sflag:s2] =	dma.local @!p0 [hbm:s0], s1  }
0x23f: {  	s0 =	simm.s32 @!p0 $0x3  }
0x240: {  	_ =	swait.ge @!p0 [sflag:s0], s1  }
0x241: {  	s1 =	ssub.s32 @!p0 $0x0, s1;
	[sflag:s0] =	ssyncset.done @!p0 $0x0  }
0x242: {  	[sflag:s0] =	ssyncadd.s32 @!p0 s1  }
0x243: {  	[bflag:$0x3] =	sbarrier.arrive $0xFFFF  }
0x244: {  	_ =	shalt  }

</sc_bundles>
